<compile_context>
chip_gen: v7x
topology: tpu7x:2x2x1
jax: 0.10.2.dev20260603
libtpu: 0.0.44.dev20260713+nightly
codegen_flags: <defaults>
</compile_context>

<pallas_src>
import functools

import jax
import jax.numpy as jnp
from jax import lax
from jax.experimental import pallas as pl
from jax.experimental.pallas import tpu as pltpu
from jax.experimental.pallas import tpu_sc as plsc

NC = 2
NS = 16
NW = NC * NS
CHUNK = 128
DH = 16
NB = 4


def _round_up(a, b):
    return (a + b - 1) // b * b



def _tc_matmul(x, W1, npad):
    n = x.shape[0]

    def body(x_ref, w_ref, o_ref):
        h = jnp.dot(x_ref[...], w_ref[...], preferred_element_type=jnp.float32)
        o_ref[pl.ds(0, n), :] = h
        o_ref[pl.ds(n, npad - n), :] = jnp.zeros((npad - n, DH), jnp.float32)

    return pl.pallas_call(
        body,
        out_shape=jax.ShapeDtypeStruct((npad, DH), jnp.float32),
    )(x, W1)


def _tc_dis(degp):
    npad = degp.shape[1]
    degf = jnp.reshape(degp, (NC * npad // 128, 128))
    half = degf.shape[0] // 2

    def body(deg_ref, dis_ref):
        d = deg_ref[...]
        dis_ref[...] = jnp.reshape(
            lax.rsqrt(d[:half] + d[half:] + 1.0), (npad,))

    return pl.pallas_call(
        body,
        out_shape=jax.ShapeDtypeStruct((npad,), jnp.float32),
    )(degf)


def _tc_final(S2, disp, W2, b2, n):
    npad, dout = disp.shape[0], W2.shape[1]
    s2f = jnp.reshape(S2, (NC * npad * DH // 128, 128))
    dispf = jnp.reshape(disp, (npad * DH // 128, 128))
    half = s2f.shape[0] // 2
    eye = jnp.eye(128 // DH, dtype=W2.dtype)
    W2k = jnp.kron(eye, W2)
    W2ks = jnp.kron(eye, W2[:, ::-1])
    b2k = jnp.tile(b2, 128 // DH)
    b2ks = jnp.tile(b2[::-1], 128 // DH)

    def body(s_ref, dp_ref, wk_ref, wks_ref, bk_ref, bks_ref, o_ref):
        s = s_ref[...]
        agg = dp_ref[...] * (s[:half] + s[half:])
        z = jnp.dot(agg, wk_ref[...], preferred_element_type=jnp.float32)
        zs = jnp.dot(agg, wks_ref[...], preferred_element_type=jnp.float32)
        z = z + bk_ref[...][None, :]
        zs = zs + bks_ref[...][None, :]
        m = jnp.maximum(z, zs)
        o_ref[...] = z - m - jnp.log(jnp.exp(z - m) + jnp.exp(zs - m))

    out_pk = pl.pallas_call(
        body,
        out_shape=jax.ShapeDtypeStruct((npad * DH // 128, DH), jnp.float32),
    )(s2f, dispf, W2k, W2ks, b2k, b2ks)
    return jnp.reshape(out_pk, (npad, dout))[:n, :]



def _sc_mesh():
    return plsc.VectorSubcoreMesh(core_axis_name="c", subcore_axis_name="s",
                                  num_cores=NC, num_subcores=NS)


_SC_PARAMS = pltpu.CompilerParams(use_tc_tiling_on_sc=False,
                                  needs_layout_passes=False)


def _sc_degree(em, npad):
    k_per_w = em.shape[1] // NW
    zr = npad // NS

    @functools.partial(
        pl.kernel,
        out_type=jax.ShapeDtypeStruct((NC, npad), jnp.float32),
        mesh=_sc_mesh(),
        scratch_types=[
            pltpu.VMEM((k_per_w, CHUNK), jnp.int32),
            pltpu.VMEM((CHUNK,), jnp.float32),
            pltpu.VMEM_SHARED((npad,), jnp.float32),
            pltpu.SemaphoreType.DMA,
        ],
        compiler_params=_SC_PARAMS,
    )
    def k(em_hbm, out_hbm, dst_v, ones_v, acc_sh, sem):
        c = lax.axis_index("c")
        s = lax.axis_index("s")
        wid = c * NS + s

        @pl.loop(0, CHUNK, step=16)
        def _(i):
            ones_v[pl.ds(i, 16)] = jnp.zeros((16,), jnp.float32)

        @pl.loop(0, zr, step=CHUNK)
        def _(r):
            pltpu.sync_copy(ones_v, acc_sh.at[pl.ds(s * zr + r, CHUNK)])

        pltpu.sync_copy(em_hbm.at[1, pl.ds(wid * k_per_w, k_per_w)], dst_v)

        @pl.loop(0, CHUNK, step=16)
        def _(i):
            ones_v[pl.ds(i, 16)] = jnp.ones((16,), jnp.float32)

        plsc.subcore_barrier()

        depth = 16

        @pl.loop(0, depth)
        def _(j):
            pltpu.async_copy(ones_v, acc_sh.at[dst_v.at[j]], sem, add=True)

        @pl.loop(depth, k_per_w)
        def _(j):
            pltpu.async_copy(ones_v, acc_sh.at[dst_v.at[j]], sem, add=True)
            pltpu.make_async_copy(ones_v, acc_sh.at[dst_v.at[0]], sem).wait()

        @pl.loop(0, depth)
        def _(j):
            pltpu.make_async_copy(ones_v, acc_sh.at[dst_v.at[0]], sem).wait()

        plsc.subcore_barrier()

        @pl.loop(0, zr, step=CHUNK)
        def _(r):
            pltpu.sync_copy(acc_sh.at[pl.ds(s * zr + r, CHUNK)],
                            out_hbm.at[c, pl.ds(s * zr + r, CHUNK)])

    return k(em)


def _edge_pipeline(g_sh, acc_sh, src_v, dst_v, bufs_a, bufs_b, sem_ga, sem_gb,
                   sem_sa, sem_sb, k_per_w):

    def gather(chunk, buf, sem):
        pltpu.async_copy(g_sh.at[src_v.at[chunk]], buf, sem)

    def gdrain(buf, sem):
        pltpu.make_async_copy(g_sh.at[src_v.at[0]], buf, sem).wait()

    def scatter(chunk, buf, sem):
        pltpu.async_copy(buf, acc_sh.at[dst_v.at[chunk]], sem, add=True)

    def sdrain(buf, sem):
        pltpu.make_async_copy(buf, acc_sh.at[dst_v.at[0]], sem).wait()

    def gathers(jv, bufs, sem):
        for b in range(NB):
            gather(jv + b, bufs[b], sem)

    def gdrains(bufs, sem):
        for b in range(NB):
            gdrain(bufs[b], sem)

    def scatters(jv, bufs, sem):
        for b in range(NB):
            scatter(jv + b, bufs[b], sem)

    def sdrains(bufs, sem):
        for b in range(NB):
            sdrain(bufs[b], sem)

    gathers(0, bufs_a, sem_ga)
    gathers(NB, bufs_b, sem_gb)
    gdrains(bufs_a, sem_ga)
    scatters(0, bufs_a, sem_sa)
    sdrains(bufs_a, sem_sa)
    gathers(2 * NB, bufs_a, sem_ga)
    gdrains(bufs_b, sem_gb)
    scatters(NB, bufs_b, sem_sb)

    @pl.loop(2 * NB, k_per_w - 2 * NB, step=2 * NB)
    def _(jv):
        sdrains(bufs_b, sem_sb)
        gathers(jv + NB, bufs_b, sem_gb)
        gdrains(bufs_a, sem_ga)
        scatters(jv, bufs_a, sem_sa)
        sdrains(bufs_a, sem_sa)
        gathers(jv + 2 * NB, bufs_a, sem_ga)
        gdrains(bufs_b, sem_gb)
        scatters(jv + NB, bufs_b, sem_sb)

    last = k_per_w - 2 * NB
    sdrains(bufs_b, sem_sb)
    gathers(last + NB, bufs_b, sem_gb)
    gdrains(bufs_a, sem_ga)
    scatters(last, bufs_a, sem_sa)
    sdrains(bufs_a, sem_sa)
    gdrains(bufs_b, sem_gb)
    scatters(last + NB, bufs_b, sem_sb)
    sdrains(bufs_b, sem_sb)


def _scatter_scratch(k_per_w, npad, zr, extra_rows):
    return [
        pltpu.VMEM((k_per_w, CHUNK), jnp.int32),
        pltpu.VMEM((k_per_w, CHUNK), jnp.int32),
    ] + [pltpu.VMEM((CHUNK, DH), jnp.float32)] * (2 * NB) + [
        pltpu.VMEM((zr, DH), jnp.float32),
    ] * extra_rows + [
        pltpu.VMEM((zr,), jnp.float32),
        pltpu.VMEM_SHARED((npad, DH), jnp.float32),
        pltpu.VMEM_SHARED((npad, DH), jnp.float32),
    ] + [pltpu.SemaphoreType.DMA] * 4


def _stage_and_run(c, s, wid, k_per_w, zr, grows, em_hbm, out_hbm,
                   src_v, dst_v, bufs_a, bufs_b, acc_sh, g_sh, sems):
    base = s * zr
    pltpu.sync_copy(grows, g_sh.at[pl.ds(base, zr)])

    @pl.when(c == 0)
    def _():
        pltpu.sync_copy(grows, acc_sh.at[pl.ds(base, zr)])

    @pl.when(c != 0)
    def _():
        @pl.loop(0, CHUNK)
        def _(i):
            bufs_a[0][i] = jnp.zeros((DH,), jnp.float32)

        @pl.loop(0, zr, step=CHUNK)
        def _(r):
            pltpu.sync_copy(bufs_a[0], acc_sh.at[pl.ds(base + r, CHUNK)])

    pltpu.sync_copy(em_hbm.at[0, pl.ds(wid * k_per_w, k_per_w)], src_v)
    pltpu.sync_copy(em_hbm.at[1, pl.ds(wid * k_per_w, k_per_w)], dst_v)

    plsc.subcore_barrier()

    _edge_pipeline(g_sh, acc_sh, src_v, dst_v, bufs_a, bufs_b, *sems,
                   k_per_w=k_per_w)

    plsc.subcore_barrier()

    @pl.loop(0, zr, step=CHUNK)
    def _(r):
        pltpu.sync_copy(acc_sh.at[pl.ds(base + r, CHUNK)],
                        out_hbm.at[c, pl.ds(base + r, CHUNK)])


def _sc_pass1(h1, dis, em):
    npad = h1.shape[0]
    k_per_w = em.shape[1] // NW
    zr = npad // NS

    @functools.partial(
        pl.kernel,
        out_type=jax.ShapeDtypeStruct((NC, npad, DH), jnp.float32),
        mesh=_sc_mesh(),
        scratch_types=_scatter_scratch(k_per_w, npad, zr, 1),
        compiler_params=_SC_PARAMS,
    )
    def k(h_hbm, dis_hbm, em_hbm, out_hbm, src_v, dst_v, *rest):
        bufs_a = rest[:NB]
        bufs_b = rest[NB:2 * NB]
        hrows, disv, acc_sh, g_sh = rest[2 * NB:2 * NB + 4]
        sems = rest[2 * NB + 4:]
        c = lax.axis_index("c")
        s = lax.axis_index("s")
        wid = c * NS + s
        base = s * zr

        pltpu.sync_copy(h_hbm.at[pl.ds(base, zr)], hrows)
        pltpu.sync_copy(dis_hbm.at[pl.ds(base, zr)], disv)

        @pl.loop(0, zr)
        def _(i):
            d = plsc.load_gather(disv, [jnp.full((DH,), i, jnp.int32)])
            hrows[i] = hrows[i] * d

        _stage_and_run(c, s, wid, k_per_w, zr, hrows, em_hbm,
                       out_hbm, src_v, dst_v, bufs_a, bufs_b, acc_sh, g_sh,
                       sems)

    return k(h1, dis, em)


def _sc_pass2(S1, dis, b1, em):
    npad = S1.shape[1]
    k_per_w = em.shape[1] // NW
    zr = npad // NS

    @functools.partial(
        pl.kernel,
        out_type=[
            jax.ShapeDtypeStruct((NC, npad, DH), jnp.float32),
            jax.ShapeDtypeStruct((npad, DH), jnp.float32),
        ],
        mesh=_sc_mesh(),
        scratch_types=[pltpu.VMEM((DH,), jnp.float32)]
        + _scatter_scratch(k_per_w, npad, zr, 3),
        compiler_params=_SC_PARAMS,
    )
    def k(s_hbm, dis_hbm, b1_hbm, em_hbm, out_hbm, disp_hbm, b1v, src_v,
          dst_v, *rest):
        bufs_a = rest[:NB]
        bufs_b = rest[NB:2 * NB]
        s0rows, s1rows, dispb, disv, acc_sh, g_sh = rest[2 * NB:2 * NB + 6]
        sems = rest[2 * NB + 6:]
        c = lax.axis_index("c")
        s = lax.axis_index("s")
        wid = c * NS + s
        base = s * zr

        pltpu.sync_copy(s_hbm.at[0, pl.ds(base, zr)], s0rows)
        pltpu.sync_copy(s_hbm.at[1, pl.ds(base, zr)], s1rows)
        pltpu.sync_copy(dis_hbm.at[pl.ds(base, zr)], disv)
        pltpu.sync_copy(b1_hbm, b1v)

        @pl.loop(0, zr)
        def _(i):
            d = plsc.load_gather(disv, [jnp.full((DH,), i, jnp.int32)])
            t = (s0rows[i] + s1rows[i]) * d + b1v[...]
            s0rows[i] = jnp.maximum(t, 0.0) * d
            dispb[i] = d

        @pl.when(c == 0)
        def _():
            pltpu.sync_copy(dispb, disp_hbm.at[pl.ds(base, zr)])

        _stage_and_run(c, s, wid, k_per_w, zr, s0rows, em_hbm,
                       out_hbm, src_v, dst_v, bufs_a, bufs_b, acc_sh, g_sh,
                       sems)

    return k(S1, dis, b1, em)



def kernel(x, edge_index, W1, b1, W2, b2):
    n, _ = x.shape
    e = edge_index.shape[1]
    npad = _round_up(n + 1, NS * CHUNK)
    epad = _round_up(e, NW * CHUNK * 8)

    em = jnp.reshape(edge_index.astype(jnp.int32), (2, e // CHUNK, CHUNK))
    em = jnp.pad(em, ((0, 0), (0, (epad - e) // CHUNK), (0, 0)),
                 constant_values=n)

    h1 = _tc_matmul(x, W1, npad)
    degp = _sc_degree(em, npad)
    dis = _tc_dis(degp)
    S1 = _sc_pass1(h1, dis, em)
    S2, disp = _sc_pass2(S1, dis, b1, em)
    return _tc_final(S2, disp, W2, b2, n)

# --- scband reference (transcript-rebuilt; emitter-appended) ---
"""Pipeline reference for scband-gcn-55095840473679 (READ-ONLY COPY).

The authoritative reference and input builder live on the scoring server;
editing this copy changes nothing except your own understanding.
"""

import jax, jax.numpy as jnp
import numpy as np

N_NODES = 10000
N_EDGES = 320000
D_IN = 128
D_HID = 16
D_OUT = 2


def _glorot(key, shape):
    fan_in, fan_out = shape
    limit = jnp.sqrt(6.0 / (fan_in + fan_out))
    return jax.random.uniform(key, shape, jnp.float32, -limit, limit)


def setup_inputs(seed: int = 0) -> dict:
    key = jax.random.key(seed)
    k_x, k_e, k_w1, k_w2 = jax.random.split(key, 4)
    x = jax.random.normal(k_x, (N_NODES, D_IN), dtype=jnp.float32)
    edge_index = jax.random.randint(k_e, (2, N_EDGES), 0, N_NODES, dtype=jnp.int64)
    W1 = _glorot(k_w1, (D_IN, D_HID))
    b1 = jnp.zeros((D_HID,), dtype=jnp.float32)
    W2 = _glorot(k_w2, (D_HID, D_OUT))
    b2 = jnp.zeros((D_OUT,), dtype=jnp.float32)
    return {"x": x, "edge_index": edge_index, "W1": W1, "b1": b1, "W2": W2, "b2": b2}


def _gcn_conv(x, src, dst, norm, W, b, n):
    h = x @ W
    msgs = norm[:, None] * jnp.take(h, src, axis=0)
    out = jax.ops.segment_sum(msgs, dst, num_segments=n)
    return out + b


def reference(x, edge_index, W1, b1, W2, b2):
    n = x.shape[0]
    loop = jnp.arange(n, dtype=edge_index.dtype)
    src = jnp.concatenate([edge_index[0], loop])
    dst = jnp.concatenate([edge_index[1], loop])
    ew = jnp.ones((src.shape[0],), dtype=x.dtype)
    deg = jax.ops.segment_sum(ew, dst, num_segments=n)
    deg_inv_sqrt = jnp.where(deg > 0, 1.0 / jnp.sqrt(deg), 0.0)
    norm = jnp.take(deg_inv_sqrt, src) * jnp.take(deg_inv_sqrt, dst)
    h = _gcn_conv(x, src, dst, norm, W1, b1, n)
    h = jax.nn.relu(h)
    # dropout is identity in eval mode
    h = _gcn_conv(h, src, dst, norm, W2, b2, n)
    return jax.nn.log_softmax(h, axis=1)

if __name__ == "__main__":
    import jax
    _d = setup_inputs()
    print(jax.jit(kernel)(*tuple(_d.values())))

</pallas_src>

<mosaic_0001>
#map = affine_map<(d0, d1) -> (0, 0, 0)>
#map1 = affine_map<(d0, d1) -> (0, 0)>
module attributes {stable_mosaic.version = 14 : i64} {
  func.func @k(%arg0: i32, %arg1: i32, %arg2: memref<2x2560x128xi32, #tpu.memory_space<hbm>>, %arg3: memref<2x10240xf32, #tpu.memory_space<hbm>>, %arg4: memref<80x128xi32, #tpu.memory_space<vmem>>, %arg5: memref<128xf32, #tpu.memory_space<vmem>>, %arg6: memref<10240xf32, #tpu.memory_space<vmem_shared>>, %arg7: memref<!tpu.dma_semaphore, #tpu.memory_space<semaphore_mem>>) attributes {dimension_semantics = [#tpu.dimension_semantics<core_parallel>, #tpu.dimension_semantics<subcore_parallel>], iteration_bounds = array<i64: 2, 16>, scalar_prefetch = 0 : i64, scratch_operands = 4 : i64, tpu.core_type = #tpu.core_type<sc_vector_subcore>, window_params = [{transform_indices = #map}, {transform_indices = #map1}]} {
    %mul3A = arith.constant 16 : i32
    %mul3A_0 = arith.muli %arg0, %mul3A : i32
    %add3A = arith.addi %mul3A_0, %arg1 : i32
    %scan3A = arith.constant 0 : i32
    %scan3A_1 = arith.constant 8 : i32
    %scan3A_2 = arith.addi %scan3A, %scan3A_1 : i32
    %scan3A_3 = arith.constant 1 : i32
    scf.for %scan3A_38 = %scan3A to %scan3A_2 step %scan3A_3  : i32 {
      %mul3A_39 = arith.constant 16 : i32
      %mul3A_40 = arith.muli %scan3A_38, %mul3A_39 : i32
      %add3A_41 = arith.constant 0 : i32
      %add3A_42 = arith.addi %add3A_41, %mul3A_40 : i32
      %broadcast_in_dim3A = arith.constant 0.000000e+00 : f32
      %broadcast_in_dim3A_43 = vector.broadcast %broadcast_in_dim3A : f32 to vector<16xf32>
      %swap3A = arith.index_cast %add3A_42 : i32 to index
      %swap3A_44 = tpu.vector_load %arg5[%swap3A] {strides = array<i32>} : memref<128xf32, #tpu.memory_space<vmem>>, vector<16xf32>,
      tpu.vector_store %arg5[%swap3A], %broadcast_in_dim3A_43 {strides = array<i32>} : memref<128xf32, #tpu.memory_space<vmem>>, vector<16xf32>,
    }
    %scan3A_4 = arith.constant 8 : i32
    %scan3A_5 = arith.constant 0 : i32
    %scan3A_6 = arith.constant 5 : i32
    %scan3A_7 = arith.addi %scan3A_5, %scan3A_6 : i32
    %scan3A_8 = arith.constant 1 : i32
    scf.for %scan3A_38 = %scan3A_5 to %scan3A_7 step %scan3A_8  : i32 {
      %mul3A_39 = arith.constant 128 : i32
      %mul3A_40 = arith.muli %scan3A_38, %mul3A_39 : i32
      %add3A_41 = arith.constant 0 : i32
      %add3A_42 = arith.addi %add3A_41, %mul3A_40 : i32
      %mul3A_43 = arith.constant 640 : i32
      %mul3A_44 = arith.muli %arg1, %mul3A_43 : i32
      %add3A_45 = arith.addi %mul3A_44, %add3A_42 : i32
      "tpu.region"() ({
        %run_scoped3A_46 = tpu.sem_alloc : memref<!tpu.dma_semaphore, #tpu.memory_space<semaphore_mem>>
        %dma_start3A = tpu.memref_slice %arg6[%add3A_45] : memref<10240xf32, #tpu.memory_space<vmem_shared>> -> memref<128xf32, #tpu.memory_space<vmem_shared>>
        %dma_start3A_47 = tpu.memref_slice %arg6[%add3A_45] : memref<10240xf32, #tpu.memory_space<vmem_shared>> -> memref<128xf32, #tpu.memory_space<vmem_shared>>
        tpu.enqueue_dma source(%arg5 : memref<128xf32, #tpu.memory_space<vmem>>) target(%dma_start3A_47 : memref<128xf32, #tpu.memory_space<vmem_shared>>) target_semaphore(%run_scoped3A_46 : memref<!tpu.dma_semaphore, #tpu.memory_space<semaphore_mem>>)
        %dma_wait3A = tpu.memref_slice %arg6[%add3A_45] : memref<10240xf32, #tpu.memory_space<vmem_shared>> -> memref<128xf32, #tpu.memory_space<vmem_shared>>
        %dma_wait3A_48 = tpu.memref_slice %arg6[%add3A_45] : memref<10240xf32, #tpu.memory_space<vmem_shared>> -> memref<128xf32, #tpu.memory_space<vmem_shared>>
        tpu.wait_dma2 semaphore(%run_scoped3A_46 : memref<!tpu.dma_semaphore, #tpu.memory_space<semaphore_mem>>) src(%arg5 : memref<128xf32, #tpu.memory_space<vmem>>) dst(%dma_wait3A_48 : memref<128xf32, #tpu.memory_space<vmem_shared>>)
        tpu.yield
      }) : () -> ()
    }
    %scan3A_9 = arith.constant 5 : i32
    %mul3A_10 = arith.constant 80 : i32
    %mul3A_11 = arith.muli %add3A, %mul3A_10 : i32
    %run_scoped3A = arith.constant 1 : i32
    "tpu.region"() ({
      %run_scoped3A_38 = tpu.sem_alloc : memref<!tpu.dma_semaphore, #tpu.memory_space<semaphore_mem>>
      %dma_start3A = arith.constant 0 : i32
      %dma_start3A_39 = tpu.memref_slice %arg2[%run_scoped3A, %mul3A_11, %dma_start3A] : memref<2x2560x128xi32, #tpu.memory_space<hbm>> -> memref<1x80x128xi32, #tpu.memory_space<hbm>>
      %dma_start3A_40 = tpu.memref_squeeze %dma_start3A_39 : memref<1x80x128xi32, #tpu.memory_space<hbm>> -> memref<80x128xi32, #tpu.memory_space<hbm>>
      %dma_start3A_41 = arith.constant 0 : i32
      %dma_start3A_42 = tpu.memref_slice %arg2[%run_scoped3A, %mul3A_11, %dma_start3A_41] : memref<2x2560x128xi32, #tpu.memory_space<hbm>> -> memref<1x80x128xi32, #tpu.memory_space<hbm>>
      %dma_start3A_43 = tpu.memref_squeeze %dma_start3A_42 : memref<1x80x128xi32, #tpu.memory_space<hbm>> -> memref<80x128xi32, #tpu.memory_space<hbm>>
      tpu.enqueue_dma source(%dma_start3A_43 : memref<80x128xi32, #tpu.memory_space<hbm>>) target(%arg4 : memref<80x128xi32, #tpu.memory_space<vmem>>) target_semaphore(%run_scoped3A_38 : memref<!tpu.dma_semaphore, #tpu.memory_space<semaphore_mem>>)
      %dma_wait3A = arith.constant 0 : i32
      %dma_wait3A_44 = tpu.memref_slice %arg2[%run_scoped3A, %mul3A_11, %dma_wait3A] : memref<2x2560x128xi32, #tpu.memory_space<hbm>> -> memref<1x80x128xi32, #tpu.memory_space<hbm>>
      %dma_wait3A_45 = tpu.memref_squeeze %dma_wait3A_44 : memref<1x80x128xi32, #tpu.memory_space<hbm>> -> memref<80x128xi32, #tpu.memory_space<hbm>>
      %dma_wait3A_46 = arith.constant 0 : i32
      %dma_wait3A_47 = tpu.memref_slice %arg2[%run_scoped3A, %mul3A_11, %dma_wait3A_46] : memref<2x2560x128xi32, #tpu.memory_space<hbm>> -> memref<1x80x128xi32, #tpu.memory_space<hbm>>
      %dma_wait3A_48 = tpu.memref_squeeze %dma_wait3A_47 : memref<1x80x128xi32, #tpu.memory_space<hbm>> -> memref<80x128xi32, #tpu.memory_space<hbm>>
      tpu.wait_dma2 semaphore(%run_scoped3A_38 : memref<!tpu.dma_semaphore, #tpu.memory_space<semaphore_mem>>) src(%dma_wait3A_48 : memref<80x128xi32, #tpu.memory_space<hbm>>) dst(%arg4 : memref<80x128xi32, #tpu.memory_space<vmem>>)
      tpu.yield
    }) : () -> ()
    %scan3A_12 = arith.constant 0 : i32
    %scan3A_13 = arith.constant 8 : i32
    %scan3A_14 = arith.addi %scan3A_12, %scan3A_13 : i32
    %scan3A_15 = arith.constant 1 : i32
    scf.for %scan3A_38 = %scan3A_12 to %scan3A_14 step %scan3A_15  : i32 {
      %mul3A_39 = arith.constant 16 : i32
      %mul3A_40 = arith.muli %scan3A_38, %mul3A_39 : i32
      %add3A_41 = arith.constant 0 : i32
      %add3A_42 = arith.addi %add3A_41, %mul3A_40 : i32
      %broadcast_in_dim3A = arith.constant 1.000000e+00 : f32
      %broadcast_in_dim3A_43 = vector.broadcast %broadcast_in_dim3A : f32 to vector<16xf32>
      %swap3A = arith.index_cast %add3A_42 : i32 to index
      %swap3A_44 = tpu.vector_load %arg5[%swap3A] {strides = array<i32>} : memref<128xf32, #tpu.memory_space<vmem>>, vector<16xf32>,
      tpu.vector_store %arg5[%swap3A], %broadcast_in_dim3A_43 {strides = array<i32>} : memref<128xf32, #tpu.memory_space<vmem>>, vector<16xf32>,
    }
    %scan3A_16 = arith.constant 8 : i32
    %barrier3A = arith.constant 0 : index
    tpu.barrier barrier_id(%barrier3A)
    %scan3A_17 = arith.constant 0 : i32
    %scan3A_18 = arith.constant 16 : i32
    %scan3A_19 = arith.addi %scan3A_17, %scan3A_18 : i32
    %scan3A_20 = arith.constant 1 : i32
    scf.for %scan3A_38 = %scan3A_17 to %scan3A_19 step %scan3A_20  : i32 {
      %mul3A_39 = arith.constant 1 : i32
      %mul3A_40 = arith.muli %scan3A_38, %mul3A_39 : i32
      %add3A_41 = arith.constant 0 : i32
      %add3A_42 = arith.addi %add3A_41, %mul3A_40 : i32
      %dma_start3A = arith.constant 0 : i32
      %dma_start3A_43 = tpu.memref_slice %arg4[%add3A_42, %dma_start3A] : memref<80x128xi32, #tpu.memory_space<vmem>> -> memref<1x128xi32, #tpu.memory_space<vmem>>
      %dma_start3A_44 = tpu.memref_squeeze %dma_start3A_43 : memref<1x128xi32, #tpu.memory_space<vmem>> -> memref<128xi32, #tpu.memory_space<vmem>>
      %dma_start3A_45 = arith.constant 0 : i32
      %dma_start3A_46 = tpu.memref_slice %arg6[%dma_start3A_45] : memref<10240xf32, #tpu.memory_space<vmem_shared>> -> memref<10240xf32, #tpu.memory_space<vmem_shared>>
      tpu.enqueue_indirect_dma source(%arg5 : memref<128xf32, #tpu.memory_space<vmem>>) target(%dma_start3A_46 : memref<10240xf32, #tpu.memory_space<vmem_shared>>) offsets(%dma_start3A_44 : memref<128xi32, #tpu.memory_space<vmem>>) semaphore(%arg7 : memref<!tpu.dma_semaphore, #tpu.memory_space<semaphore_mem>>) {add = true}
    }
    %scan3A_21 = arith.constant 16 : i32
    %scan3A_22 = arith.constant 0 : i32
    %scan3A_23 = arith.constant 64 : i32
    %scan3A_24 = arith.addi %scan3A_22, %scan3A_23 : i32
    %scan3A_25 = arith.constant 1 : i32
    scf.for %scan3A_38 = %scan3A_22 to %scan3A_24 step %scan3A_25  : i32 {
      %mul3A_39 = arith.constant 1 : i32
      %mul3A_40 = arith.muli %scan3A_38, %mul3A_39 : i32
      %add3A_41 = arith.constant 16 : i32
      %add3A_42 = arith.addi %add3A_41, %mul3A_40 : i32
      %dma_start3A = arith.constant 0 : i32
      %dma_start3A_43 = tpu.memref_slice %arg4[%add3A_42, %dma_start3A] : memref<80x128xi32, #tpu.memory_space<vmem>> -> memref<1x128xi32, #tpu.memory_space<vmem>>
      %dma_start3A_44 = tpu.memref_squeeze %dma_start3A_43 : memref<1x128xi32, #tpu.memory_space<vmem>> -> memref<128xi32, #tpu.memory_space<vmem>>
      %dma_start3A_45 = arith.constant 0 : i32
      %dma_start3A_46 = tpu.memref_slice %arg6[%dma_start3A_45] : memref<10240xf32, #tpu.memory_space<vmem_shared>> -> memref<10240xf32, #tpu.memory_space<vmem_shared>>
      tpu.enqueue_indirect_dma source(%arg5 : memref<128xf32, #tpu.memory_space<vmem>>) target(%dma_start3A_46 : memref<10240xf32, #tpu.memory_space<vmem_shared>>) offsets(%dma_start3A_44 : memref<128xi32, #tpu.memory_space<vmem>>) semaphore(%arg7 : memref<!tpu.dma_semaphore, #tpu.memory_space<semaphore_mem>>) {add = true}
      %dma_wait3A = arith.constant 0 : i32
      %dma_wait3A_47 = arith.constant 0 : i32
      %dma_wait3A_48 = tpu.memref_slice %arg4[%dma_wait3A, %dma_wait3A_47] : memref<80x128xi32, #tpu.memory_space<vmem>> -> memref<1x128xi32, #tpu.memory_space<vmem>>
      %dma_wait3A_49 = tpu.memref_squeeze %dma_wait3A_48 : memref<1x128xi32, #tpu.memory_space<vmem>> -> memref<128xi32, #tpu.memory_space<vmem>>
      %dma_wait3A_50 = arith.constant 0 : i32
      %dma_wait3A_51 = tpu.memref_slice %arg6[%dma_wait3A_50] : memref<10240xf32, #tpu.memory_space<vmem_shared>> -> memref<10240xf32, #tpu.memory_space<vmem_shared>>
      tpu.wait_indirect_dma semaphore(%arg7 : memref<!tpu.dma_semaphore, #tpu.memory_space<semaphore_mem>>) src(%arg5 : memref<128xf32, #tpu.memory_space<vmem>>) dst(%dma_wait3A_51 : memref<10240xf32, #tpu.memory_space<vmem_shared>>)
    }
    %scan3A_26 = arith.constant 64 : i32
    %scan3A_27 = arith.constant 0 : i32
    %scan3A_28 = arith.constant 16 : i32
    %scan3A_29 = arith.addi %scan3A_27, %scan3A_28 : i32
    %scan3A_30 = arith.constant 1 : i32
    scf.for %scan3A_38 = %scan3A_27 to %scan3A_29 step %scan3A_30  : i32 {
      %mul3A_39 = arith.constant 1 : i32
      %mul3A_40 = arith.muli %scan3A_38, %mul3A_39 : i32
      %add3A_41 = arith.constant 0 : i32
      %add3A_42 = arith.addi %add3A_41, %mul3A_40 : i32
      %dma_wait3A = arith.constant 0 : i32
      %dma_wait3A_43 = arith.constant 0 : i32
      %dma_wait3A_44 = tpu.memref_slice %arg4[%dma_wait3A, %dma_wait3A_43] : memref<80x128xi32, #tpu.memory_space<vmem>> -> memref<1x128xi32, #tpu.memory_space<vmem>>
      %dma_wait3A_45 = tpu.memref_squeeze %dma_wait3A_44 : memref<1x128xi32, #tpu.memory_space<vmem>> -> memref<128xi32, #tpu.memory_space<vmem>>
      %dma_wait3A_46 = arith.constant 0 : i32
      %dma_wait3A_47 = tpu.memref_slice %arg6[%dma_wait3A_46] : memref<10240xf32, #tpu.memory_space<vmem_shared>> -> memref<10240xf32, #tpu.memory_space<vmem_shared>>
      tpu.wait_indirect_dma semaphore(%arg7 : memref<!tpu.dma_semaphore, #tpu.memory_space<semaphore_mem>>) src(%arg5 : memref<128xf32, #tpu.memory_space<vmem>>) dst(%dma_wait3A_47 : memref<10240xf32, #tpu.memory_space<vmem_shared>>)
    }
    %scan3A_31 = arith.constant 16 : i32
    %barrier3A_32 = arith.constant 0 : index
    tpu.barrier barrier_id(%barrier3A_32)
    %scan3A_33 = arith.constant 0 : i32
    %scan3A_34 = arith.constant 5 : i32
    %scan3A_35 = arith.addi %scan3A_33, %scan3A_34 : i32
    %scan3A_36 = arith.constant 1 : i32
    scf.for %scan3A_38 = %scan3A_33 to %scan3A_35 step %scan3A_36  : i32 {
      %mul3A_39 = arith.constant 128 : i32
      %mul3A_40 = arith.muli %scan3A_38, %mul3A_39 : i32
      %add3A_41 = arith.constant 0 : i32
      %add3A_42 = arith.addi %add3A_41, %mul3A_40 : i32
      %mul3A_43 = arith.constant 640 : i32
      %mul3A_44 = arith.muli %arg1, %mul3A_43 : i32
      %add3A_45 = arith.addi %mul3A_44, %add3A_42 : i32
      %mul3A_46 = arith.constant 640 : i32
      %mul3A_47 = arith.muli %arg1, %mul3A_46 : i32
      %add3A_48 = arith.addi %mul3A_47, %add3A_42 : i32
      "tpu.region"() ({
        %run_scoped3A_49 = tpu.sem_alloc : memref<!tpu.dma_semaphore, #tpu.memory_space<semaphore_mem>>
        %dma_start3A = tpu.memref_slice %arg3[%arg0, %add3A_48] : memref<2x10240xf32, #tpu.memory_space<hbm>> -> memref<1x128xf32, #tpu.memory_space<hbm>>
        %dma_start3A_50 = tpu.memref_squeeze %dma_start3A : memref<1x128xf32, #tpu.memory_space<hbm>> -> memref<128xf32, #tpu.memory_space<hbm>>
        %dma_start3A_51 = tpu.memref_slice %arg6[%add3A_45] : memref<10240xf32, #tpu.memory_space<vmem_shared>> -> memref<128xf32, #tpu.memory_space<vmem_shared>>
        tpu.enqueue_dma source(%dma_start3A_51 : memref<128xf32, #tpu.memory_space<vmem_shared>>) target(%dma_start3A_50 : memref<128xf32, #tpu.memory_space<hbm>>) target_semaphore(%run_scoped3A_49 : memref<!tpu.dma_semaphore, #tpu.memory_space<semaphore_mem>>)
        %dma_wait3A = tpu.memref_slice %arg3[%arg0, %add3A_48] : memref<2x10240xf32, #tpu.memory_space<hbm>> -> memref<1x128xf32, #tpu.memory_space<hbm>>
        %dma_wait3A_52 = tpu.memref_squeeze %dma_wait3A : memref<1x128xf32, #tpu.memory_space<hbm>> -> memref<128xf32, #tpu.memory_space<hbm>>
        %dma_wait3A_53 = tpu.memref_slice %arg6[%add3A_45] : memref<10240xf32, #tpu.memory_space<vmem_shared>> -> memref<128xf32, #tpu.memory_space<vmem_shared>>
        tpu.wait_dma2 semaphore(%run_scoped3A_49 : memref<!tpu.dma_semaphore, #tpu.memory_space<semaphore_mem>>) src(%dma_wait3A_53 : memref<128xf32, #tpu.memory_space<vmem_shared>>) dst(%dma_wait3A_52 : memref<128xf32, #tpu.memory_space<hbm>>)
        tpu.yield
      }) : () -> ()
    }
    %scan3A_37 = arith.constant 5 : i32
    return
  }
}

#map = affine_map<(d0, d1) -> (0, 0, 0)>
#map1 = affine_map<(d0, d1) -> (0)>
#map2 = affine_map<(d0, d1) -> (0, 0)>
module attributes {stable_mosaic.version = 14 : i64} {
  func.func @k(%arg0: i32, %arg1: i32, %arg2: memref<2x10240x16xf32, #tpu.memory_space<hbm>>, %arg3: memref<10240xf32, #tpu.memory_space<hbm>>, %arg4: memref<16xf32, #tpu.memory_space<hbm>>, %arg5: memref<2x2560x128xi32, #tpu.memory_space<hbm>>, %arg6: memref<2x10240x16xf32, #tpu.memory_space<hbm>>, %arg7: memref<10240x16xf32, #tpu.memory_space<hbm>>, %arg8: memref<16xf32, #tpu.memory_space<vmem>>, %arg9: memref<80x128xi32, #tpu.memory_space<vmem>>, %arg10: memref<80x128xi32, #tpu.memory_space<vmem>>, %arg11: memref<128x16xf32, #tpu.memory_space<vmem>>, %arg12: memref<128x16xf32, #tpu.memory_space<vmem>>, %arg13: memref<128x16xf32, #tpu.memory_space<vmem>>, %arg14: memref<128x16xf32, #tpu.memory_space<vmem>>, %arg15: memref<128x16xf32, #tpu.memory_space<vmem>>, %arg16: memref<128x16xf32, #tpu.memory_space<vmem>>, %arg17: memref<128x16xf32, #tpu.memory_space<vmem>>, %arg18: memref<128x16xf32, #tpu.memory_space<vmem>>, %arg19: memref<640x16xf32, #tpu.memory_space<vmem>>, %arg20: memref<640x16xf32, #tpu.memory_space<vmem>>, %arg21: memref<640x16xf32, #tpu.memory_space<vmem>>, %arg22: memref<640xf32, #tpu.memory_space<vmem>>, %arg23: memref<10240x16xf32, #tpu.memory_space<vmem_shared>>, %arg24: memref<10240x16xf32, #tpu.memory_space<vmem_shared>>, %arg25: memref<!tpu.dma_semaphore, #tpu.memory_space<semaphore_mem>>, %arg26: memref<!tpu.dma_semaphore, #tpu.memory_space<semaphore_mem>>, %arg27: memref<!tpu.dma_semaphore, #tpu.memory_space<semaphore_mem>>, %arg28: memref<!tpu.dma_semaphore, #tpu.memory_space<semaphore_mem>>) attributes {dimension_semantics = [#tpu.dimension_semantics<core_parallel>, #tpu.dimension_semantics<subcore_parallel>], iteration_bounds = array<i64: 2, 16>, scalar_prefetch = 0 : i64, scratch_operands = 21 : i64, tpu.core_type = #tpu.core_type<sc_vector_subcore>, window_params = [{transform_indices = #map}, {transform_indices = #map1}, {transform_indices = #map1}, {transform_indices = #map}, {transform_indices = #map}, {transform_indices = #map2}]} {
    %mul3A = arith.constant 16 : i32
    %mul3A_0 = arith.muli %arg0, %mul3A : i32
    %add3A = arith.addi %mul3A_0, %arg1 : i32
    %mul3A_1 = arith.constant 640 : i32
    %mul3A_2 = arith.muli %arg1, %mul3A_1 : i32
    %run_scoped3A = arith.constant 0 : i32
    "tpu.region"() ({
      %run_scoped3A_484 = tpu.sem_alloc : memref<!tpu.dma_semaphore, #tpu.memory_space<semaphore_mem>>
      %dma_start3A_485 = arith.constant 0 : i32
      %dma_start3A_486 = tpu.memref_slice %arg2[%run_scoped3A, %mul3A_2, %dma_start3A_485] : memref<2x10240x16xf32, #tpu.memory_space<hbm>> -> memref<1x640x16xf32, #tpu.memory_space<hbm>>
      %dma_start3A_487 = tpu.memref_squeeze %dma_start3A_486 : memref<1x640x16xf32, #tpu.memory_space<hbm>> -> memref<640x16xf32, #tpu.memory_space<hbm>>
      %dma_start3A_488 = arith.constant 0 : i32
      %dma_start3A_489 = tpu.memref_slice %arg2[%run_scoped3A, %mul3A_2, %dma_start3A_488] : memref<2x10240x16xf32, #tpu.memory_space<hbm>> -> memref<1x640x16xf32, #tpu.memory_space<hbm>>
      %dma_start3A_490 = tpu.memref_squeeze %dma_start3A_489 : memref<1x640x16xf32, #tpu.memory_space<hbm>> -> memref<640x16xf32, #tpu.memory_space<hbm>>
      tpu.enqueue_dma source(%dma_start3A_490 : memref<640x16xf32, #tpu.memory_space<hbm>>) target(%arg19 : memref<640x16xf32, #tpu.memory_space<vmem>>) target_semaphore(%run_scoped3A_484 : memref<!tpu.dma_semaphore, #tpu.memory_space<semaphore_mem>>)
      %dma_wait3A_491 = arith.constant 0 : i32
      %dma_wait3A_492 = tpu.memref_slice %arg2[%run_scoped3A, %mul3A_2, %dma_wait3A_491] : memref<2x10240x16xf32, #tpu.memory_space<hbm>> -> memref<1x640x16xf32, #tpu.memory_space<hbm>>
      %dma_wait3A_493 = tpu.memref_squeeze %dma_wait3A_492 : memref<1x640x16xf32, #tpu.memory_space<hbm>> -> memref<640x16xf32, #tpu.memory_space<hbm>>
      %dma_wait3A_494 = arith.constant 0 : i32
      %dma_wait3A_495 = tpu.memref_slice %arg2[%run_scoped3A, %mul3A_2, %dma_wait3A_494] : memref<2x10240x16xf32, #tpu.memory_space<hbm>> -> memref<1x640x16xf32, #tpu.memory_space<hbm>>
      %dma_wait3A_496 = tpu.memref_squeeze %dma_wait3A_495 : memref<1x640x16xf32, #tpu.memory_space<hbm>> -> memref<640x16xf32, #tpu.memory_space<hbm>>
      tpu.wait_dma2 semaphore(%run_scoped3A_484 : memref<!tpu.dma_semaphore, #tpu.memory_space<semaphore_mem>>) src(%dma_wait3A_496 : memref<640x16xf32, #tpu.memory_space<hbm>>) dst(%arg19 : memref<640x16xf32, #tpu.memory_space<vmem>>)
      tpu.yield
    }) : () -> ()
    %run_scoped3A_3 = arith.constant 1 : i32
    "tpu.region"() ({
      %run_scoped3A_484 = tpu.sem_alloc : memref<!tpu.dma_semaphore, #tpu.memory_space<semaphore_mem>>
      %dma_start3A_485 = arith.constant 0 : i32
      %dma_start3A_486 = tpu.memref_slice %arg2[%run_scoped3A_3, %mul3A_2, %dma_start3A_485] : memref<2x10240x16xf32, #tpu.memory_space<hbm>> -> memref<1x640x16xf32, #tpu.memory_space<hbm>>
      %dma_start3A_487 = tpu.memref_squeeze %dma_start3A_486 : memref<1x640x16xf32, #tpu.memory_space<hbm>> -> memref<640x16xf32, #tpu.memory_space<hbm>>
      %dma_start3A_488 = arith.constant 0 : i32
      %dma_start3A_489 = tpu.memref_slice %arg2[%run_scoped3A_3, %mul3A_2, %dma_start3A_488] : memref<2x10240x16xf32, #tpu.memory_space<hbm>> -> memref<1x640x16xf32, #tpu.memory_space<hbm>>
      %dma_start3A_490 = tpu.memref_squeeze %dma_start3A_489 : memref<1x640x16xf32, #tpu.memory_space<hbm>> -> memref<640x16xf32, #tpu.memory_space<hbm>>
      tpu.enqueue_dma source(%dma_start3A_490 : memref<640x16xf32, #tpu.memory_space<hbm>>) target(%arg20 : memref<640x16xf32, #tpu.memory_space<vmem>>) target_semaphore(%run_scoped3A_484 : memref<!tpu.dma_semaphore, #tpu.memory_space<semaphore_mem>>)
      %dma_wait3A_491 = arith.constant 0 : i32
      %dma_wait3A_492 = tpu.memref_slice %arg2[%run_scoped3A_3, %mul3A_2, %dma_wait3A_491] : memref<2x10240x16xf32, #tpu.memory_space<hbm>> -> memref<1x640x16xf32, #tpu.memory_space<hbm>>
      %dma_wait3A_493 = tpu.memref_squeeze %dma_wait3A_492 : memref<1x640x16xf32, #tpu.memory_space<hbm>> -> memref<640x16xf32, #tpu.memory_space<hbm>>
      %dma_wait3A_494 = arith.constant 0 : i32
      %dma_wait3A_495 = tpu.memref_slice %arg2[%run_scoped3A_3, %mul3A_2, %dma_wait3A_494] : memref<2x10240x16xf32, #tpu.memory_space<hbm>> -> memref<1x640x16xf32, #tpu.memory_space<hbm>>
      %dma_wait3A_496 = tpu.memref_squeeze %dma_wait3A_495 : memref<1x640x16xf32, #tpu.memory_space<hbm>> -> memref<640x16xf32, #tpu.memory_space<hbm>>
      tpu.wait_dma2 semaphore(%run_scoped3A_484 : memref<!tpu.dma_semaphore, #tpu.memory_space<semaphore_mem>>) src(%dma_wait3A_496 : memref<640x16xf32, #tpu.memory_space<hbm>>) dst(%arg20 : memref<640x16xf32, #tpu.memory_space<vmem>>)
      tpu.yield
    }) : () -> ()
    "tpu.region"() ({
      %run_scoped3A_484 = tpu.sem_alloc : memref<!tpu.dma_semaphore, #tpu.memory_space<semaphore_mem>>
      %dma_start3A_485 = tpu.memref_slice %arg3[%mul3A_2] : memref<10240xf32, #tpu.memory_space<hbm>> -> memref<640xf32, #tpu.memory_space<hbm>>
      %dma_start3A_486 = tpu.memref_slice %arg3[%mul3A_2] : memref<10240xf32, #tpu.memory_space<hbm>> -> memref<640xf32, #tpu.memory_space<hbm>>
      tpu.enqueue_dma source(%dma_start3A_486 : memref<640xf32, #tpu.memory_space<hbm>>) target(%arg22 : memref<640xf32, #tpu.memory_space<vmem>>) target_semaphore(%run_scoped3A_484 : memref<!tpu.dma_semaphore, #tpu.memory_space<semaphore_mem>>)
      %dma_wait3A_487 = tpu.memref_slice %arg3[%mul3A_2] : memref<10240xf32, #tpu.memory_space<hbm>> -> memref<640xf32, #tpu.memory_space<hbm>>
      %dma_wait3A_488 = tpu.memref_slice %arg3[%mul3A_2] : memref<10240xf32, #tpu.memory_space<hbm>> -> memref<640xf32, #tpu.memory_space<hbm>>
      tpu.wait_dma2 semaphore(%run_scoped3A_484 : memref<!tpu.dma_semaphore, #tpu.memory_space<semaphore_mem>>) src(%dma_wait3A_488 : memref<640xf32, #tpu.memory_space<hbm>>) dst(%arg22 : memref<640xf32, #tpu.memory_space<vmem>>)
      tpu.yield
    }) : () -> ()
    "tpu.region"() ({
      %run_scoped3A_484 = tpu.sem_alloc : memref<!tpu.dma_semaphore, #tpu.memory_space<semaphore_mem>>
      tpu.enqueue_dma source(%arg4 : memref<16xf32, #tpu.memory_space<hbm>>) target(%arg8 : memref<16xf32, #tpu.memory_space<vmem>>) target_semaphore(%run_scoped3A_484 : memref<!tpu.dma_semaphore, #tpu.memory_space<semaphore_mem>>)
      tpu.wait_dma2 semaphore(%run_scoped3A_484 : memref<!tpu.dma_semaphore, #tpu.memory_space<semaphore_mem>>) src(%arg4 : memref<16xf32, #tpu.memory_space<hbm>>) dst(%arg8 : memref<16xf32, #tpu.memory_space<vmem>>)
      tpu.yield
    }) : () -> ()
    %scan3A = arith.constant 0 : i32
    %scan3A_4 = arith.constant 640 : i32
    %scan3A_5 = arith.addi %scan3A, %scan3A_4 : i32
    %scan3A_6 = arith.constant 1 : i32
    scf.for %scan3A_484 = %scan3A to %scan3A_5 step %scan3A_6  : i32 {
      %mul3A_485 = arith.constant 1 : i32
      %mul3A_486 = arith.muli %scan3A_484, %mul3A_485 : i32
      %add3A_487 = arith.constant 0 : i32
      %add3A_488 = arith.addi %add3A_487, %mul3A_486 : i32
      %broadcast_in_dim3A = vector.broadcast %add3A_488 : i32 to vector<16xi32>
      %gather3A = tpu.vector_load_idx %arg22[%broadcast_in_dim3A] : memref<640xf32, #tpu.memory_space<vmem>>[vector<16xi32>], vector<16xf32>,
      %get3A = arith.index_cast %add3A_488 : i32 to index
      %get3A_489 = arith.constant 0 : index
      %get3A_490 = tpu.vector_load %arg19[%get3A, %get3A_489] {strides = array<i32>} : memref<640x16xf32, #tpu.memory_space<vmem>>, vector<16xf32>,
      %get3A_491 = arith.index_cast %add3A_488 : i32 to index
      %get3A_492 = arith.constant 0 : index
      %get3A_493 = tpu.vector_load %arg20[%get3A_491, %get3A_492] {strides = array<i32>} : memref<640x16xf32, #tpu.memory_space<vmem>>, vector<16xf32>,
      %add3A_494 = arith.addf %get3A_490, %get3A_493 : vector<16xf32>
      %mul3A_495 = arith.mulf %add3A_494, %gather3A : vector<16xf32>
      %get3A_496 = arith.constant 0 : index
      %get3A_497 = tpu.vector_load %arg8[%get3A_496] {strides = array<i32>} : memref<16xf32, #tpu.memory_space<vmem>>, vector<16xf32>,
      %add3A_498 = arith.addf %mul3A_495, %get3A_497 : vector<16xf32>
      %max3A = arith.constant 0.000000e+00 : f32
      %max3A_499 = vector.broadcast %max3A : f32 to vector<16xf32>
      %max3A_500 = arith.maximumf %add3A_498, %max3A_499 : vector<16xf32>
      %mul3A_501 = arith.mulf %max3A_500, %gather3A : vector<16xf32>
      %swap3A = arith.index_cast %add3A_488 : i32 to index
      %swap3A_502 = arith.constant 0 : index
      %swap3A_503 = tpu.vector_load %arg19[%swap3A, %swap3A_502] {strides = array<i32>} : memref<640x16xf32, #tpu.memory_space<vmem>>, vector<16xf32>,
      tpu.vector_store %arg19[%swap3A, %swap3A_502], %mul3A_501 {strides = array<i32>} : memref<640x16xf32, #tpu.memory_space<vmem>>, vector<16xf32>,
      %swap3A_504 = arith.index_cast %add3A_488 : i32 to index
      %swap3A_505 = arith.constant 0 : index
      %swap3A_506 = tpu.vector_load %arg21[%swap3A_504, %swap3A_505] {strides = array<i32>} : memref<640x16xf32, #tpu.memory_space<vmem>>, vector<16xf32>,
      tpu.vector_store %arg21[%swap3A_504, %swap3A_505], %gather3A {strides = array<i32>} : memref<640x16xf32, #tpu.memory_space<vmem>>, vector<16xf32>,
    }
    %scan3A_7 = arith.constant 640 : i32
    %eq3A = arith.constant 0 : i32
    %eq3A_8 = arith.cmpi eq, %arg0, %eq3A : i32
    %convert_element_type3A = arith.extui %eq3A_8 : i1 to i32
    %cond3A = arith.constant 0 : i32
    %cond3A_9 = arith.cmpi ne, %convert_element_type3A, %cond3A : i32
    scf.if %cond3A_9 {
      "tpu.region"() ({
        %run_scoped3A_484 = tpu.sem_alloc : memref<!tpu.dma_semaphore, #tpu.memory_space<semaphore_mem>>
        %dma_start3A_485 = arith.constant 0 : i32
        %dma_start3A_486 = tpu.memref_slice %arg7[%mul3A_2, %dma_start3A_485] : memref<10240x16xf32, #tpu.memory_space<hbm>> -> memref<640x16xf32, #tpu.memory_space<hbm>>
        %dma_start3A_487 = arith.constant 0 : i32
        %dma_start3A_488 = tpu.memref_slice %arg7[%mul3A_2, %dma_start3A_487] : memref<10240x16xf32, #tpu.memory_space<hbm>> -> memref<640x16xf32, #tpu.memory_space<hbm>>
        tpu.enqueue_dma source(%arg21 : memref<640x16xf32, #tpu.memory_space<vmem>>) target(%dma_start3A_488 : memref<640x16xf32, #tpu.memory_space<hbm>>) target_semaphore(%run_scoped3A_484 : memref<!tpu.dma_semaphore, #tpu.memory_space<semaphore_mem>>)
        %dma_wait3A_489 = arith.constant 0 : i32
        %dma_wait3A_490 = tpu.memref_slice %arg7[%mul3A_2, %dma_wait3A_489] : memref<10240x16xf32, #tpu.memory_space<hbm>> -> memref<640x16xf32, #tpu.memory_space<hbm>>
        %dma_wait3A_491 = arith.constant 0 : i32
        %dma_wait3A_492 = tpu.memref_slice %arg7[%mul3A_2, %dma_wait3A_491] : memref<10240x16xf32, #tpu.memory_space<hbm>> -> memref<640x16xf32, #tpu.memory_space<hbm>>
        tpu.wait_dma2 semaphore(%run_scoped3A_484 : memref<!tpu.dma_semaphore, #tpu.memory_space<semaphore_mem>>) src(%arg21 : memref<640x16xf32, #tpu.memory_space<vmem>>) dst(%dma_wait3A_492 : memref<640x16xf32, #tpu.memory_space<hbm>>)
        tpu.yield
      }) : () -> ()
    } else {
    }
    %mul3A_10 = arith.constant 640 : i32
    %mul3A_11 = arith.muli %arg1, %mul3A_10 : i32
    "tpu.region"() ({
      %run_scoped3A_484 = tpu.sem_alloc : memref<!tpu.dma_semaphore, #tpu.memory_space<semaphore_mem>>
      %dma_start3A_485 = arith.constant 0 : i32
      %dma_start3A_486 = tpu.memref_slice %arg24[%mul3A_11, %dma_start3A_485] : memref<10240x16xf32, #tpu.memory_space<vmem_shared>> -> memref<640x16xf32, #tpu.memory_space<vmem_shared>>
      %dma_start3A_487 = arith.constant 0 : i32
      %dma_start3A_488 = tpu.memref_slice %arg24[%mul3A_11, %dma_start3A_487] : memref<10240x16xf32, #tpu.memory_space<vmem_shared>> -> memref<640x16xf32, #tpu.memory_space<vmem_shared>>
      tpu.enqueue_dma source(%arg19 : memref<640x16xf32, #tpu.memory_space<vmem>>) target(%dma_start3A_488 : memref<640x16xf32, #tpu.memory_space<vmem_shared>>) target_semaphore(%run_scoped3A_484 : memref<!tpu.dma_semaphore, #tpu.memory_space<semaphore_mem>>)
      %dma_wait3A_489 = arith.constant 0 : i32
      %dma_wait3A_490 = tpu.memref_slice %arg24[%mul3A_11, %dma_wait3A_489] : memref<10240x16xf32, #tpu.memory_space<vmem_shared>> -> memref<640x16xf32, #tpu.memory_space<vmem_shared>>
      %dma_wait3A_491 = arith.constant 0 : i32
      %dma_wait3A_492 = tpu.memref_slice %arg24[%mul3A_11, %dma_wait3A_491] : memref<10240x16xf32, #tpu.memory_space<vmem_shared>> -> memref<640x16xf32, #tpu.memory_space<vmem_shared>>
      tpu.wait_dma2 semaphore(%run_scoped3A_484 : memref<!tpu.dma_semaphore, #tpu.memory_space<semaphore_mem>>) src(%arg19 : memref<640x16xf32, #tpu.memory_space<vmem>>) dst(%dma_wait3A_492 : memref<640x16xf32, #tpu.memory_space<vmem_shared>>)
      tpu.yield
    }) : () -> ()
    %eq3A_12 = arith.constant 0 : i32
    %eq3A_13 = arith.cmpi eq, %arg0, %eq3A_12 : i32
    %convert_element_type3A_14 = arith.extui %eq3A_13 : i1 to i32
    %cond3A_15 = arith.constant 0 : i32
    %cond3A_16 = arith.cmpi ne, %convert_element_type3A_14, %cond3A_15 : i32
    scf.if %cond3A_16 {
      "tpu.region"() ({
        %run_scoped3A_484 = tpu.sem_alloc : memref<!tpu.dma_semaphore, #tpu.memory_space<semaphore_mem>>
        %dma_start3A_485 = arith.constant 0 : i32
        %dma_start3A_486 = tpu.memref_slice %arg23[%mul3A_11, %dma_start3A_485] : memref<10240x16xf32, #tpu.memory_space<vmem_shared>> -> memref<640x16xf32, #tpu.memory_space<vmem_shared>>
        %dma_start3A_487 = arith.constant 0 : i32
        %dma_start3A_488 = tpu.memref_slice %arg23[%mul3A_11, %dma_start3A_487] : memref<10240x16xf32, #tpu.memory_space<vmem_shared>> -> memref<640x16xf32, #tpu.memory_space<vmem_shared>>
        tpu.enqueue_dma source(%arg19 : memref<640x16xf32, #tpu.memory_space<vmem>>) target(%dma_start3A_488 : memref<640x16xf32, #tpu.memory_space<vmem_shared>>) target_semaphore(%run_scoped3A_484 : memref<!tpu.dma_semaphore, #tpu.memory_space<semaphore_mem>>)
        %dma_wait3A_489 = arith.constant 0 : i32
        %dma_wait3A_490 = tpu.memref_slice %arg23[%mul3A_11, %dma_wait3A_489] : memref<10240x16xf32, #tpu.memory_space<vmem_shared>> -> memref<640x16xf32, #tpu.memory_space<vmem_shared>>
        %dma_wait3A_491 = arith.constant 0 : i32
        %dma_wait3A_492 = tpu.memref_slice %arg23[%mul3A_11, %dma_wait3A_491] : memref<10240x16xf32, #tpu.memory_space<vmem_shared>> -> memref<640x16xf32, #tpu.memory_space<vmem_shared>>
        tpu.wait_dma2 semaphore(%run_scoped3A_484 : memref<!tpu.dma_semaphore, #tpu.memory_space<semaphore_mem>>) src(%arg19 : memref<640x16xf32, #tpu.memory_space<vmem>>) dst(%dma_wait3A_492 : memref<640x16xf32, #tpu.memory_space<vmem_shared>>)
        tpu.yield
      }) : () -> ()
    } else {
    }
    %ne3A = arith.constant 0 : i32
    %ne3A_17 = arith.cmpi ne, %arg0, %ne3A : i32
    %convert_element_type3A_18 = arith.extui %ne3A_17 : i1 to i32
    %cond3A_19 = arith.constant 0 : i32
    %cond3A_20 = arith.cmpi ne, %convert_element_type3A_18, %cond3A_19 : i32
    scf.if %cond3A_20 {
      %scan3A_484 = arith.constant 0 : i32
      %scan3A_485 = arith.constant 128 : i32
      %scan3A_486 = arith.addi %scan3A_484, %scan3A_485 : i32
      %scan3A_487 = arith.constant 1 : i32
      scf.for %scan3A_494 = %scan3A_484 to %scan3A_486 step %scan3A_487  : i32 {
        %mul3A_495 = arith.constant 1 : i32
        %mul3A_496 = arith.muli %scan3A_494, %mul3A_495 : i32
        %add3A_497 = arith.constant 0 : i32
        %add3A_498 = arith.addi %add3A_497, %mul3A_496 : i32
        %broadcast_in_dim3A = arith.constant 0.000000e+00 : f32
        %broadcast_in_dim3A_499 = vector.broadcast %broadcast_in_dim3A : f32 to vector<16xf32>
        %swap3A = arith.index_cast %add3A_498 : i32 to index
        %swap3A_500 = arith.constant 0 : index
        %swap3A_501 = tpu.vector_load %arg11[%swap3A, %swap3A_500] {strides = array<i32>} : memref<128x16xf32, #tpu.memory_space<vmem>>, vector<16xf32>,
        tpu.vector_store %arg11[%swap3A, %swap3A_500], %broadcast_in_dim3A_499 {strides = array<i32>} : memref<128x16xf32, #tpu.memory_space<vmem>>, vector<16xf32>,
      }
      %scan3A_488 = arith.constant 128 : i32
      %scan3A_489 = arith.constant 0 : i32
      %scan3A_490 = arith.constant 5 : i32
      %scan3A_491 = arith.addi %scan3A_489, %scan3A_490 : i32
      %scan3A_492 = arith.constant 1 : i32
      scf.for %scan3A_494 = %scan3A_489 to %scan3A_491 step %scan3A_492  : i32 {
        %mul3A_495 = arith.constant 128 : i32
        %mul3A_496 = arith.muli %scan3A_494, %mul3A_495 : i32
        %add3A_497 = arith.constant 0 : i32
        %add3A_498 = arith.addi %add3A_497, %mul3A_496 : i32
        %add3A_499 = arith.addi %mul3A_11, %add3A_498 : i32
        "tpu.region"() ({
          %run_scoped3A_500 = tpu.sem_alloc : memref<!tpu.dma_semaphore, #tpu.memory_space<semaphore_mem>>
          %dma_start3A_501 = arith.constant 0 : i32
          %dma_start3A_502 = tpu.memref_slice %arg23[%add3A_499, %dma_start3A_501] : memref<10240x16xf32, #tpu.memory_space<vmem_shared>> -> memref<128x16xf32, #tpu.memory_space<vmem_shared>>
          %dma_start3A_503 = arith.constant 0 : i32
          %dma_start3A_504 = tpu.memref_slice %arg23[%add3A_499, %dma_start3A_503] : memref<10240x16xf32, #tpu.memory_space<vmem_shared>> -> memref<128x16xf32, #tpu.memory_space<vmem_shared>>
          tpu.enqueue_dma source(%arg11 : memref<128x16xf32, #tpu.memory_space<vmem>>) target(%dma_start3A_504 : memref<128x16xf32, #tpu.memory_space<vmem_shared>>) target_semaphore(%run_scoped3A_500 : memref<!tpu.dma_semaphore, #tpu.memory_space<semaphore_mem>>)
          %dma_wait3A_505 = arith.constant 0 : i32
          %dma_wait3A_506 = tpu.memref_slice %arg23[%add3A_499, %dma_wait3A_505] : memref<10240x16xf32, #tpu.memory_space<vmem_shared>> -> memref<128x16xf32, #tpu.memory_space<vmem_shared>>
          %dma_wait3A_507 = arith.constant 0 : i32
          %dma_wait3A_508 = tpu.memref_slice %arg23[%add3A_499, %dma_wait3A_507] : memref<10240x16xf32, #tpu.memory_space<vmem_shared>> -> memref<128x16xf32, #tpu.memory_space<vmem_shared>>
          tpu.wait_dma2 semaphore(%run_scoped3A_500 : memref<!tpu.dma_semaphore, #tpu.memory_space<semaphore_mem>>) src(%arg11 : memref<128x16xf32, #tpu.memory_space<vmem>>) dst(%dma_wait3A_508 : memref<128x16xf32, #tpu.memory_space<vmem_shared>>)
          tpu.yield
        }) : () -> ()
      }
      %scan3A_493 = arith.constant 5 : i32
    } else {
    }
    %mul3A_21 = arith.constant 80 : i32
    %mul3A_22 = arith.muli %add3A, %mul3A_21 : i32
    %run_scoped3A_23 = arith.constant 0 : i32
    "tpu.region"() ({
      %run_scoped3A_484 = tpu.sem_alloc : memref<!tpu.dma_semaphore, #tpu.memory_space<semaphore_mem>>
      %dma_start3A_485 = arith.constant 0 : i32
      %dma_start3A_486 = tpu.memref_slice %arg5[%run_scoped3A_23, %mul3A_22, %dma_start3A_485] : memref<2x2560x128xi32, #tpu.memory_space<hbm>> -> memref<1x80x128xi32, #tpu.memory_space<hbm>>
      %dma_start3A_487 = tpu.memref_squeeze %dma_start3A_486 : memref<1x80x128xi32, #tpu.memory_space<hbm>> -> memref<80x128xi32, #tpu.memory_space<hbm>>
      %dma_start3A_488 = arith.constant 0 : i32
      %dma_start3A_489 = tpu.memref_slice %arg5[%run_scoped3A_23, %mul3A_22, %dma_start3A_488] : memref<2x2560x128xi32, #tpu.memory_space<hbm>> -> memref<1x80x128xi32, #tpu.memory_space<hbm>>
      %dma_start3A_490 = tpu.memref_squeeze %dma_start3A_489 : memref<1x80x128xi32, #tpu.memory_space<hbm>> -> memref<80x128xi32, #tpu.memory_space<hbm>>
      tpu.enqueue_dma source(%dma_start3A_490 : memref<80x128xi32, #tpu.memory_space<hbm>>) target(%arg9 : memref<80x128xi32, #tpu.memory_space<vmem>>) target_semaphore(%run_scoped3A_484 : memref<!tpu.dma_semaphore, #tpu.memory_space<semaphore_mem>>)
      %dma_wait3A_491 = arith.constant 0 : i32
      %dma_wait3A_492 = tpu.memref_slice %arg5[%run_scoped3A_23, %mul3A_22, %dma_wait3A_491] : memref<2x2560x128xi32, #tpu.memory_space<hbm>> -> memref<1x80x128xi32, #tpu.memory_space<hbm>>
      %dma_wait3A_493 = tpu.memref_squeeze %dma_wait3A_492 : memref<1x80x128xi32, #tpu.memory_space<hbm>> -> memref<80x128xi32, #tpu.memory_space<hbm>>
      %dma_wait3A_494 = arith.constant 0 : i32
      %dma_wait3A_495 = tpu.memref_slice %arg5[%run_scoped3A_23, %mul3A_22, %dma_wait3A_494] : memref<2x2560x128xi32, #tpu.memory_space<hbm>> -> memref<1x80x128xi32, #tpu.memory_space<hbm>>
      %dma_wait3A_496 = tpu.memref_squeeze %dma_wait3A_495 : memref<1x80x128xi32, #tpu.memory_space<hbm>> -> memref<80x128xi32, #tpu.memory_space<hbm>>
      tpu.wait_dma2 semaphore(%run_scoped3A_484 : memref<!tpu.dma_semaphore, #tpu.memory_space<semaphore_mem>>) src(%dma_wait3A_496 : memref<80x128xi32, #tpu.memory_space<hbm>>) dst(%arg9 : memref<80x128xi32, #tpu.memory_space<vmem>>)
      tpu.yield
    }) : () -> ()
    %mul3A_24 = arith.constant 80 : i32
    %mul3A_25 = arith.muli %add3A, %mul3A_24 : i32
    %run_scoped3A_26 = arith.constant 1 : i32
    "tpu.region"() ({
      %run_scoped3A_484 = tpu.sem_alloc : memref<!tpu.dma_semaphore, #tpu.memory_space<semaphore_mem>>
      %dma_start3A_485 = arith.constant 0 : i32
      %dma_start3A_486 = tpu.memref_slice %arg5[%run_scoped3A_26, %mul3A_25, %dma_start3A_485] : memref<2x2560x128xi32, #tpu.memory_space<hbm>> -> memref<1x80x128xi32, #tpu.memory_space<hbm>>
      %dma_start3A_487 = tpu.memref_squeeze %dma_start3A_486 : memref<1x80x128xi32, #tpu.memory_space<hbm>> -> memref<80x128xi32, #tpu.memory_space<hbm>>
      %dma_start3A_488 = arith.constant 0 : i32
      %dma_start3A_489 = tpu.memref_slice %arg5[%run_scoped3A_26, %mul3A_25, %dma_start3A_488] : memref<2x2560x128xi32, #tpu.memory_space<hbm>> -> memref<1x80x128xi32, #tpu.memory_space<hbm>>
      %dma_start3A_490 = tpu.memref_squeeze %dma_start3A_489 : memref<1x80x128xi32, #tpu.memory_space<hbm>> -> memref<80x128xi32, #tpu.memory_space<hbm>>
      tpu.enqueue_dma source(%dma_start3A_490 : memref<80x128xi32, #tpu.memory_space<hbm>>) target(%arg10 : memref<80x128xi32, #tpu.memory_space<vmem>>) target_semaphore(%run_scoped3A_484 : memref<!tpu.dma_semaphore, #tpu.memory_space<semaphore_mem>>)
      %dma_wait3A_491 = arith.constant 0 : i32
      %dma_wait3A_492 = tpu.memref_slice %arg5[%run_scoped3A_26, %mul3A_25, %dma_wait3A_491] : memref<2x2560x128xi32, #tpu.memory_space<hbm>> -> memref<1x80x128xi32, #tpu.memory_space<hbm>>
      %dma_wait3A_493 = tpu.memref_squeeze %dma_wait3A_492 : memref<1x80x128xi32, #tpu.memory_space<hbm>> -> memref<80x128xi32, #tpu.memory_space<hbm>>
      %dma_wait3A_494 = arith.constant 0 : i32
      %dma_wait3A_495 = tpu.memref_slice %arg5[%run_scoped3A_26, %mul3A_25, %dma_wait3A_494] : memref<2x2560x128xi32, #tpu.memory_space<hbm>> -> memref<1x80x128xi32, #tpu.memory_space<hbm>>
      %dma_wait3A_496 = tpu.memref_squeeze %dma_wait3A_495 : memref<1x80x128xi32, #tpu.memory_space<hbm>> -> memref<80x128xi32, #tpu.memory_space<hbm>>
      tpu.wait_dma2 semaphore(%run_scoped3A_484 : memref<!tpu.dma_semaphore, #tpu.memory_space<semaphore_mem>>) src(%dma_wait3A_496 : memref<80x128xi32, #tpu.memory_space<hbm>>) dst(%arg10 : memref<80x128xi32, #tpu.memory_space<vmem>>)
      tpu.yield
    }) : () -> ()
    %barrier3A = arith.constant 0 : index
    tpu.barrier barrier_id(%barrier3A)
    %dma_start3A = arith.constant 0 : i32
    %dma_start3A_27 = arith.constant 0 : i32
    %dma_start3A_28 = tpu.memref_slice %arg9[%dma_start3A, %dma_start3A_27] : memref<80x128xi32, #tpu.memory_space<vmem>> -> memref<1x128xi32, #tpu.memory_space<vmem>>
    %dma_start3A_29 = tpu.memref_squeeze %dma_start3A_28 : memref<1x128xi32, #tpu.memory_space<vmem>> -> memref<128xi32, #tpu.memory_space<vmem>>
    %dma_start3A_30 = arith.constant 0 : i32
    %dma_start3A_31 = arith.constant 0 : i32
    %dma_start3A_32 = tpu.memref_slice %arg24[%dma_start3A_30, %dma_start3A_31] : memref<10240x16xf32, #tpu.memory_space<vmem_shared>> -> memref<10240x16xf32, #tpu.memory_space<vmem_shared>>
    tpu.enqueue_indirect_dma source(%dma_start3A_32 : memref<10240x16xf32, #tpu.memory_space<vmem_shared>>) target(%arg11 : memref<128x16xf32, #tpu.memory_space<vmem>>) offsets(%dma_start3A_29 : memref<128xi32, #tpu.memory_space<vmem>>) semaphore(%arg25 : memref<!tpu.dma_semaphore, #tpu.memory_space<semaphore_mem>>)
    %dma_start3A_33 = arith.constant 1 : i32
    %dma_start3A_34 = arith.constant 0 : i32
    %dma_start3A_35 = tpu.memref_slice %arg9[%dma_start3A_33, %dma_start3A_34] : memref<80x128xi32, #tpu.memory_space<vmem>> -> memref<1x128xi32, #tpu.memory_space<vmem>>
    %dma_start3A_36 = tpu.memref_squeeze %dma_start3A_35 : memref<1x128xi32, #tpu.memory_space<vmem>> -> memref<128xi32, #tpu.memory_space<vmem>>
    %dma_start3A_37 = arith.constant 0 : i32
    %dma_start3A_38 = arith.constant 0 : i32
    %dma_start3A_39 = tpu.memref_slice %arg24[%dma_start3A_37, %dma_start3A_38] : memref<10240x16xf32, #tpu.memory_space<vmem_shared>> -> memref<10240x16xf32, #tpu.memory_space<vmem_shared>>
    tpu.enqueue_indirect_dma source(%dma_start3A_39 : memref<10240x16xf32, #tpu.memory_space<vmem_shared>>) target(%arg12 : memref<128x16xf32, #tpu.memory_space<vmem>>) offsets(%dma_start3A_36 : memref<128xi32, #tpu.memory_space<vmem>>) semaphore(%arg25 : memref<!tpu.dma_semaphore, #tpu.memory_space<semaphore_mem>>)
    %dma_start3A_40 = arith.constant 2 : i32
    %dma_start3A_41 = arith.constant 0 : i32
    %dma_start3A_42 = tpu.memref_slice %arg9[%dma_start3A_40, %dma_start3A_41] : memref<80x128xi32, #tpu.memory_space<vmem>> -> memref<1x128xi32, #tpu.memory_space<vmem>>
    %dma_start3A_43 = tpu.memref_squeeze %dma_start3A_42 : memref<1x128xi32, #tpu.memory_space<vmem>> -> memref<128xi32, #tpu.memory_space<vmem>>
    %dma_start3A_44 = arith.constant 0 : i32
    %dma_start3A_45 = arith.constant 0 : i32
    %dma_start3A_46 = tpu.memref_slice %arg24[%dma_start3A_44, %dma_start3A_45] : memref<10240x16xf32, #tpu.memory_space<vmem_shared>> -> memref<10240x16xf32, #tpu.memory_space<vmem_shared>>
    tpu.enqueue_indirect_dma source(%dma_start3A_46 : memref<10240x16xf32, #tpu.memory_space<vmem_shared>>) target(%arg13 : memref<128x16xf32, #tpu.memory_space<vmem>>) offsets(%dma_start3A_43 : memref<128xi32, #tpu.memory_space<vmem>>) semaphore(%arg25 : memref<!tpu.dma_semaphore, #tpu.memory_space<semaphore_mem>>)
    %dma_start3A_47 = arith.constant 3 : i32
    %dma_start3A_48 = arith.constant 0 : i32
    %dma_start3A_49 = tpu.memref_slice %arg9[%dma_start3A_47, %dma_start3A_48] : memref<80x128xi32, #tpu.memory_space<vmem>> -> memref<1x128xi32, #tpu.memory_space<vmem>>
    %dma_start3A_50 = tpu.memref_squeeze %dma_start3A_49 : memref<1x128xi32, #tpu.memory_space<vmem>> -> memref<128xi32, #tpu.memory_space<vmem>>
    %dma_start3A_51 = arith.constant 0 : i32
    %dma_start3A_52 = arith.constant 0 : i32
    %dma_start3A_53 = tpu.memref_slice %arg24[%dma_start3A_51, %dma_start3A_52] : memref<10240x16xf32, #tpu.memory_space<vmem_shared>> -> memref<10240x16xf32, #tpu.memory_space<vmem_shared>>
    tpu.enqueue_indirect_dma source(%dma_start3A_53 : memref<10240x16xf32, #tpu.memory_space<vmem_shared>>) target(%arg14 : memref<128x16xf32, #tpu.memory_space<vmem>>) offsets(%dma_start3A_50 : memref<128xi32, #tpu.memory_space<vmem>>) semaphore(%arg25 : memref<!tpu.dma_semaphore, #tpu.memory_space<semaphore_mem>>)
    %dma_start3A_54 = arith.constant 4 : i32
    %dma_start3A_55 = arith.constant 0 : i32
    %dma_start3A_56 = tpu.memref_slice %arg9[%dma_start3A_54, %dma_start3A_55] : memref<80x128xi32, #tpu.memory_space<vmem>> -> memref<1x128xi32, #tpu.memory_space<vmem>>
    %dma_start3A_57 = tpu.memref_squeeze %dma_start3A_56 : memref<1x128xi32, #tpu.memory_space<vmem>> -> memref<128xi32, #tpu.memory_space<vmem>>
    %dma_start3A_58 = arith.constant 0 : i32
    %dma_start3A_59 = arith.constant 0 : i32
    %dma_start3A_60 = tpu.memref_slice %arg24[%dma_start3A_58, %dma_start3A_59] : memref<10240x16xf32, #tpu.memory_space<vmem_shared>> -> memref<10240x16xf32, #tpu.memory_space<vmem_shared>>
    tpu.enqueue_indirect_dma source(%dma_start3A_60 : memref<10240x16xf32, #tpu.memory_space<vmem_shared>>) target(%arg15 : memref<128x16xf32, #tpu.memory_space<vmem>>) offsets(%dma_start3A_57 : memref<128xi32, #tpu.memory_space<vmem>>) semaphore(%arg26 : memref<!tpu.dma_semaphore, #tpu.memory_space<semaphore_mem>>)
    %dma_start3A_61 = arith.constant 5 : i32
    %dma_start3A_62 = arith.constant 0 : i32
    %dma_start3A_63 = tpu.memref_slice %arg9[%dma_start3A_61, %dma_start3A_62] : memref<80x128xi32, #tpu.memory_space<vmem>> -> memref<1x128xi32, #tpu.memory_space<vmem>>
    %dma_start3A_64 = tpu.memref_squeeze %dma_start3A_63 : memref<1x128xi32, #tpu.memory_space<vmem>> -> memref<128xi32, #tpu.memory_space<vmem>>
    %dma_start3A_65 = arith.constant 0 : i32
    %dma_start3A_66 = arith.constant 0 : i32
    %dma_start3A_67 = tpu.memref_slice %arg24[%dma_start3A_65, %dma_start3A_66] : memref<10240x16xf32, #tpu.memory_space<vmem_shared>> -> memref<10240x16xf32, #tpu.memory_space<vmem_shared>>
    tpu.enqueue_indirect_dma source(%dma_start3A_67 : memref<10240x16xf32, #tpu.memory_space<vmem_shared>>) target(%arg16 : memref<128x16xf32, #tpu.memory_space<vmem>>) offsets(%dma_start3A_64 : memref<128xi32, #tpu.memory_space<vmem>>) semaphore(%arg26 : memref<!tpu.dma_semaphore, #tpu.memory_space<semaphore_mem>>)
    %dma_start3A_68 = arith.constant 6 : i32
    %dma_start3A_69 = arith.constant 0 : i32
    %dma_start3A_70 = tpu.memref_slice %arg9[%dma_start3A_68, %dma_start3A_69] : memref<80x128xi32, #tpu.memory_space<vmem>> -> memref<1x128xi32, #tpu.memory_space<vmem>>
    %dma_start3A_71 = tpu.memref_squeeze %dma_start3A_70 : memref<1x128xi32, #tpu.memory_space<vmem>> -> memref<128xi32, #tpu.memory_space<vmem>>
    %dma_start3A_72 = arith.constant 0 : i32
    %dma_start3A_73 = arith.constant 0 : i32
    %dma_start3A_74 = tpu.memref_slice %arg24[%dma_start3A_72, %dma_start3A_73] : memref<10240x16xf32, #tpu.memory_space<vmem_shared>> -> memref<10240x16xf32, #tpu.memory_space<vmem_shared>>
    tpu.enqueue_indirect_dma source(%dma_start3A_74 : memref<10240x16xf32, #tpu.memory_space<vmem_shared>>) target(%arg17 : memref<128x16xf32, #tpu.memory_space<vmem>>) offsets(%dma_start3A_71 : memref<128xi32, #tpu.memory_space<vmem>>) semaphore(%arg26 : memref<!tpu.dma_semaphore, #tpu.memory_space<semaphore_mem>>)
    %dma_start3A_75 = arith.constant 7 : i32
    %dma_start3A_76 = arith.constant 0 : i32
    %dma_start3A_77 = tpu.memref_slice %arg9[%dma_start3A_75, %dma_start3A_76] : memref<80x128xi32, #tpu.memory_space<vmem>> -> memref<1x128xi32, #tpu.memory_space<vmem>>
    %dma_start3A_78 = tpu.memref_squeeze %dma_start3A_77 : memref<1x128xi32, #tpu.memory_space<vmem>> -> memref<128xi32, #tpu.memory_space<vmem>>
    %dma_start3A_79 = arith.constant 0 : i32
    %dma_start3A_80 = arith.constant 0 : i32
    %dma_start3A_81 = tpu.memref_slice %arg24[%dma_start3A_79, %dma_start3A_80] : memref<10240x16xf32, #tpu.memory_space<vmem_shared>> -> memref<10240x16xf32, #tpu.memory_space<vmem_shared>>
    tpu.enqueue_indirect_dma source(%dma_start3A_81 : memref<10240x16xf32, #tpu.memory_space<vmem_shared>>) target(%arg18 : memref<128x16xf32, #tpu.memory_space<vmem>>) offsets(%dma_start3A_78 : memref<128xi32, #tpu.memory_space<vmem>>) semaphore(%arg26 : memref<!tpu.dma_semaphore, #tpu.memory_space<semaphore_mem>>)
    %dma_wait3A = arith.constant 0 : i32
    %dma_wait3A_82 = arith.constant 0 : i32
    %dma_wait3A_83 = tpu.memref_slice %arg9[%dma_wait3A, %dma_wait3A_82] : memref<80x128xi32, #tpu.memory_space<vmem>> -> memref<1x128xi32, #tpu.memory_space<vmem>>
    %dma_wait3A_84 = tpu.memref_squeeze %dma_wait3A_83 : memref<1x128xi32, #tpu.memory_space<vmem>> -> memref<128xi32, #tpu.memory_space<vmem>>
    %dma_wait3A_85 = arith.constant 0 : i32
    %dma_wait3A_86 = arith.constant 0 : i32
    %dma_wait3A_87 = tpu.memref_slice %arg24[%dma_wait3A_85, %dma_wait3A_86] : memref<10240x16xf32, #tpu.memory_space<vmem_shared>> -> memref<10240x16xf32, #tpu.memory_space<vmem_shared>>
    tpu.wait_indirect_dma semaphore(%arg25 : memref<!tpu.dma_semaphore, #tpu.memory_space<semaphore_mem>>) src(%dma_wait3A_87 : memref<10240x16xf32, #tpu.memory_space<vmem_shared>>) dst(%arg11 : memref<128x16xf32, #tpu.memory_space<vmem>>)
    %dma_wait3A_88 = arith.constant 0 : i32
    %dma_wait3A_89 = arith.constant 0 : i32
    %dma_wait3A_90 = tpu.memref_slice %arg9[%dma_wait3A_88, %dma_wait3A_89] : memref<80x128xi32, #tpu.memory_space<vmem>> -> memref<1x128xi32, #tpu.memory_space<vmem>>
    %dma_wait3A_91 = tpu.memref_squeeze %dma_wait3A_90 : memref<1x128xi32, #tpu.memory_space<vmem>> -> memref<128xi32, #tpu.memory_space<vmem>>
    %dma_wait3A_92 = arith.constant 0 : i32
    %dma_wait3A_93 = arith.constant 0 : i32
    %dma_wait3A_94 = tpu.memref_slice %arg24[%dma_wait3A_92, %dma_wait3A_93] : memref<10240x16xf32, #tpu.memory_space<vmem_shared>> -> memref<10240x16xf32, #tpu.memory_space<vmem_shared>>
    tpu.wait_indirect_dma semaphore(%arg25 : memref<!tpu.dma_semaphore, #tpu.memory_space<semaphore_mem>>) src(%dma_wait3A_94 : memref<10240x16xf32, #tpu.memory_space<vmem_shared>>) dst(%arg12 : memref<128x16xf32, #tpu.memory_space<vmem>>)
    %dma_wait3A_95 = arith.constant 0 : i32
    %dma_wait3A_96 = arith.constant 0 : i32
    %dma_wait3A_97 = tpu.memref_slice %arg9[%dma_wait3A_95, %dma_wait3A_96] : memref<80x128xi32, #tpu.memory_space<vmem>> -> memref<1x128xi32, #tpu.memory_space<vmem>>
    %dma_wait3A_98 = tpu.memref_squeeze %dma_wait3A_97 : memref<1x128xi32, #tpu.memory_space<vmem>> -> memref<128xi32, #tpu.memory_space<vmem>>
    %dma_wait3A_99 = arith.constant 0 : i32
    %dma_wait3A_100 = arith.constant 0 : i32
    %dma_wait3A_101 = tpu.memref_slice %arg24[%dma_wait3A_99, %dma_wait3A_100] : memref<10240x16xf32, #tpu.memory_space<vmem_shared>> -> memref<10240x16xf32, #tpu.memory_space<vmem_shared>>
    tpu.wait_indirect_dma semaphore(%arg25 : memref<!tpu.dma_semaphore, #tpu.memory_space<semaphore_mem>>) src(%dma_wait3A_101 : memref<10240x16xf32, #tpu.memory_space<vmem_shared>>) dst(%arg13 : memref<128x16xf32, #tpu.memory_space<vmem>>)
    %dma_wait3A_102 = arith.constant 0 : i32
    %dma_wait3A_103 = arith.constant 0 : i32
    %dma_wait3A_104 = tpu.memref_slice %arg9[%dma_wait3A_102, %dma_wait3A_103] : memref<80x128xi32, #tpu.memory_space<vmem>> -> memref<1x128xi32, #tpu.memory_space<vmem>>
    %dma_wait3A_105 = tpu.memref_squeeze %dma_wait3A_104 : memref<1x128xi32, #tpu.memory_space<vmem>> -> memref<128xi32, #tpu.memory_space<vmem>>
    %dma_wait3A_106 = arith.constant 0 : i32
    %dma_wait3A_107 = arith.constant 0 : i32
    %dma_wait3A_108 = tpu.memref_slice %arg24[%dma_wait3A_106, %dma_wait3A_107] : memref<10240x16xf32, #tpu.memory_space<vmem_shared>> -> memref<10240x16xf32, #tpu.memory_space<vmem_shared>>
    tpu.wait_indirect_dma semaphore(%arg25 : memref<!tpu.dma_semaphore, #tpu.memory_space<semaphore_mem>>) src(%dma_wait3A_108 : memref<10240x16xf32, #tpu.memory_space<vmem_shared>>) dst(%arg14 : memref<128x16xf32, #tpu.memory_space<vmem>>)
    %dma_start3A_109 = arith.constant 0 : i32
    %dma_start3A_110 = arith.constant 0 : i32
    %dma_start3A_111 = tpu.memref_slice %arg10[%dma_start3A_109, %dma_start3A_110] : memref<80x128xi32, #tpu.memory_space<vmem>> -> memref<1x128xi32, #tpu.memory_space<vmem>>
    %dma_start3A_112 = tpu.memref_squeeze %dma_start3A_111 : memref<1x128xi32, #tpu.memory_space<vmem>> -> memref<128xi32, #tpu.memory_space<vmem>>
    %dma_start3A_113 = arith.constant 0 : i32
    %dma_start3A_114 = arith.constant 0 : i32
    %dma_start3A_115 = tpu.memref_slice %arg23[%dma_start3A_113, %dma_start3A_114] : memref<10240x16xf32, #tpu.memory_space<vmem_shared>> -> memref<10240x16xf32, #tpu.memory_space<vmem_shared>>
    tpu.enqueue_indirect_dma source(%arg11 : memref<128x16xf32, #tpu.memory_space<vmem>>) target(%dma_start3A_115 : memref<10240x16xf32, #tpu.memory_space<vmem_shared>>) offsets(%dma_start3A_112 : memref<128xi32, #tpu.memory_space<vmem>>) semaphore(%arg27 : memref<!tpu.dma_semaphore, #tpu.memory_space<semaphore_mem>>) {add = true}
    %dma_start3A_116 = arith.constant 1 : i32
    %dma_start3A_117 = arith.constant 0 : i32
    %dma_start3A_118 = tpu.memref_slice %arg10[%dma_start3A_116, %dma_start3A_117] : memref<80x128xi32, #tpu.memory_space<vmem>> -> memref<1x128xi32, #tpu.memory_space<vmem>>
    %dma_start3A_119 = tpu.memref_squeeze %dma_start3A_118 : memref<1x128xi32, #tpu.memory_space<vmem>> -> memref<128xi32, #tpu.memory_space<vmem>>
    %dma_start3A_120 = arith.constant 0 : i32
    %dma_start3A_121 = arith.constant 0 : i32
    %dma_start3A_122 = tpu.memref_slice %arg23[%dma_start3A_120, %dma_start3A_121] : memref<10240x16xf32, #tpu.memory_space<vmem_shared>> -> memref<10240x16xf32, #tpu.memory_space<vmem_shared>>
    tpu.enqueue_indirect_dma source(%arg12 : memref<128x16xf32, #tpu.memory_space<vmem>>) target(%dma_start3A_122 : memref<10240x16xf32, #tpu.memory_space<vmem_shared>>) offsets(%dma_start3A_119 : memref<128xi32, #tpu.memory_space<vmem>>) semaphore(%arg27 : memref<!tpu.dma_semaphore, #tpu.memory_space<semaphore_mem>>) {add = true}
    %dma_start3A_123 = arith.constant 2 : i32
    %dma_start3A_124 = arith.constant 0 : i32
    %dma_start3A_125 = tpu.memref_slice %arg10[%dma_start3A_123, %dma_start3A_124] : memref<80x128xi32, #tpu.memory_space<vmem>> -> memref<1x128xi32, #tpu.memory_space<vmem>>
    %dma_start3A_126 = tpu.memref_squeeze %dma_start3A_125 : memref<1x128xi32, #tpu.memory_space<vmem>> -> memref<128xi32, #tpu.memory_space<vmem>>
    %dma_start3A_127 = arith.constant 0 : i32
    %dma_start3A_128 = arith.constant 0 : i32
    %dma_start3A_129 = tpu.memref_slice %arg23[%dma_start3A_127, %dma_start3A_128] : memref<10240x16xf32, #tpu.memory_space<vmem_shared>> -> memref<10240x16xf32, #tpu.memory_space<vmem_shared>>
    tpu.enqueue_indirect_dma source(%arg13 : memref<128x16xf32, #tpu.memory_space<vmem>>) target(%dma_start3A_129 : memref<10240x16xf32, #tpu.memory_space<vmem_shared>>) offsets(%dma_start3A_126 : memref<128xi32, #tpu.memory_space<vmem>>) semaphore(%arg27 : memref<!tpu.dma_semaphore, #tpu.memory_space<semaphore_mem>>) {add = true}
    %dma_start3A_130 = arith.constant 3 : i32
    %dma_start3A_131 = arith.constant 0 : i32
    %dma_start3A_132 = tpu.memref_slice %arg10[%dma_start3A_130, %dma_start3A_131] : memref<80x128xi32, #tpu.memory_space<vmem>> -> memref<1x128xi32, #tpu.memory_space<vmem>>
    %dma_start3A_133 = tpu.memref_squeeze %dma_start3A_132 : memref<1x128xi32, #tpu.memory_space<vmem>> -> memref<128xi32, #tpu.memory_space<vmem>>
    %dma_start3A_134 = arith.constant 0 : i32
    %dma_start3A_135 = arith.constant 0 : i32
    %dma_start3A_136 = tpu.memref_slice %arg23[%dma_start3A_134, %dma_start3A_135] : memref<10240x16xf32, #tpu.memory_space<vmem_shared>> -> memref<10240x16xf32, #tpu.memory_space<vmem_shared>>
    tpu.enqueue_indirect_dma source(%arg14 : memref<128x16xf32, #tpu.memory_space<vmem>>) target(%dma_start3A_136 : memref<10240x16xf32, #tpu.memory_space<vmem_shared>>) offsets(%dma_start3A_133 : memref<128xi32, #tpu.memory_space<vmem>>) semaphore(%arg27 : memref<!tpu.dma_semaphore, #tpu.memory_space<semaphore_mem>>) {add = true}
    %dma_wait3A_137 = arith.constant 0 : i32
    %dma_wait3A_138 = arith.constant 0 : i32
    %dma_wait3A_139 = tpu.memref_slice %arg10[%dma_wait3A_137, %dma_wait3A_138] : memref<80x128xi32, #tpu.memory_space<vmem>> -> memref<1x128xi32, #tpu.memory_space<vmem>>
    %dma_wait3A_140 = tpu.memref_squeeze %dma_wait3A_139 : memref<1x128xi32, #tpu.memory_space<vmem>> -> memref<128xi32, #tpu.memory_space<vmem>>
    %dma_wait3A_141 = arith.constant 0 : i32
    %dma_wait3A_142 = arith.constant 0 : i32
    %dma_wait3A_143 = tpu.memref_slice %arg23[%dma_wait3A_141, %dma_wait3A_142] : memref<10240x16xf32, #tpu.memory_space<vmem_shared>> -> memref<10240x16xf32, #tpu.memory_space<vmem_shared>>
    tpu.wait_indirect_dma semaphore(%arg27 : memref<!tpu.dma_semaphore, #tpu.memory_space<semaphore_mem>>) src(%arg11 : memref<128x16xf32, #tpu.memory_space<vmem>>) dst(%dma_wait3A_143 : memref<10240x16xf32, #tpu.memory_space<vmem_shared>>)
    %dma_wait3A_144 = arith.constant 0 : i32
    %dma_wait3A_145 = arith.constant 0 : i32
    %dma_wait3A_146 = tpu.memref_slice %arg10[%dma_wait3A_144, %dma_wait3A_145] : memref<80x128xi32, #tpu.memory_space<vmem>> -> memref<1x128xi32, #tpu.memory_space<vmem>>
    %dma_wait3A_147 = tpu.memref_squeeze %dma_wait3A_146 : memref<1x128xi32, #tpu.memory_space<vmem>> -> memref<128xi32, #tpu.memory_space<vmem>>
    %dma_wait3A_148 = arith.constant 0 : i32
    %dma_wait3A_149 = arith.constant 0 : i32
    %dma_wait3A_150 = tpu.memref_slice %arg23[%dma_wait3A_148, %dma_wait3A_149] : memref<10240x16xf32, #tpu.memory_space<vmem_shared>> -> memref<10240x16xf32, #tpu.memory_space<vmem_shared>>
    tpu.wait_indirect_dma semaphore(%arg27 : memref<!tpu.dma_semaphore, #tpu.memory_space<semaphore_mem>>) src(%arg12 : memref<128x16xf32, #tpu.memory_space<vmem>>) dst(%dma_wait3A_150 : memref<10240x16xf32, #tpu.memory_space<vmem_shared>>)
    %dma_wait3A_151 = arith.constant 0 : i32
    %dma_wait3A_152 = arith.constant 0 : i32
    %dma_wait3A_153 = tpu.memref_slice %arg10[%dma_wait3A_151, %dma_wait3A_152] : memref<80x128xi32, #tpu.memory_space<vmem>> -> memref<1x128xi32, #tpu.memory_space<vmem>>
    %dma_wait3A_154 = tpu.memref_squeeze %dma_wait3A_153 : memref<1x128xi32, #tpu.memory_space<vmem>> -> memref<128xi32, #tpu.memory_space<vmem>>
    %dma_wait3A_155 = arith.constant 0 : i32
    %dma_wait3A_156 = arith.constant 0 : i32
    %dma_wait3A_157 = tpu.memref_slice %arg23[%dma_wait3A_155, %dma_wait3A_156] : memref<10240x16xf32, #tpu.memory_space<vmem_shared>> -> memref<10240x16xf32, #tpu.memory_space<vmem_shared>>
    tpu.wait_indirect_dma semaphore(%arg27 : memref<!tpu.dma_semaphore, #tpu.memory_space<semaphore_mem>>) src(%arg13 : memref<128x16xf32, #tpu.memory_space<vmem>>) dst(%dma_wait3A_157 : memref<10240x16xf32, #tpu.memory_space<vmem_shared>>)
    %dma_wait3A_158 = arith.constant 0 : i32
    %dma_wait3A_159 = arith.constant 0 : i32
    %dma_wait3A_160 = tpu.memref_slice %arg10[%dma_wait3A_158, %dma_wait3A_159] : memref<80x128xi32, #tpu.memory_space<vmem>> -> memref<1x128xi32, #tpu.memory_space<vmem>>
    %dma_wait3A_161 = tpu.memref_squeeze %dma_wait3A_160 : memref<1x128xi32, #tpu.memory_space<vmem>> -> memref<128xi32, #tpu.memory_space<vmem>>
    %dma_wait3A_162 = arith.constant 0 : i32
    %dma_wait3A_163 = arith.constant 0 : i32
    %dma_wait3A_164 = tpu.memref_slice %arg23[%dma_wait3A_162, %dma_wait3A_163] : memref<10240x16xf32, #tpu.memory_space<vmem_shared>> -> memref<10240x16xf32, #tpu.memory_space<vmem_shared>>
    tpu.wait_indirect_dma semaphore(%arg27 : memref<!tpu.dma_semaphore, #tpu.memory_space<semaphore_mem>>) src(%arg14 : memref<128x16xf32, #tpu.memory_space<vmem>>) dst(%dma_wait3A_164 : memref<10240x16xf32, #tpu.memory_space<vmem_shared>>)
    %dma_start3A_165 = arith.constant 8 : i32
    %dma_start3A_166 = arith.constant 0 : i32
    %dma_start3A_167 = tpu.memref_slice %arg9[%dma_start3A_165, %dma_start3A_166] : memref<80x128xi32, #tpu.memory_space<vmem>> -> memref<1x128xi32, #tpu.memory_space<vmem>>
    %dma_start3A_168 = tpu.memref_squeeze %dma_start3A_167 : memref<1x128xi32, #tpu.memory_space<vmem>> -> memref<128xi32, #tpu.memory_space<vmem>>
    %dma_start3A_169 = arith.constant 0 : i32
    %dma_start3A_170 = arith.constant 0 : i32
    %dma_start3A_171 = tpu.memref_slice %arg24[%dma_start3A_169, %dma_start3A_170] : memref<10240x16xf32, #tpu.memory_space<vmem_shared>> -> memref<10240x16xf32, #tpu.memory_space<vmem_shared>>
    tpu.enqueue_indirect_dma source(%dma_start3A_171 : memref<10240x16xf32, #tpu.memory_space<vmem_shared>>) target(%arg11 : memref<128x16xf32, #tpu.memory_space<vmem>>) offsets(%dma_start3A_168 : memref<128xi32, #tpu.memory_space<vmem>>) semaphore(%arg25 : memref<!tpu.dma_semaphore, #tpu.memory_space<semaphore_mem>>)
    %dma_start3A_172 = arith.constant 9 : i32
    %dma_start3A_173 = arith.constant 0 : i32
    %dma_start3A_174 = tpu.memref_slice %arg9[%dma_start3A_172, %dma_start3A_173] : memref<80x128xi32, #tpu.memory_space<vmem>> -> memref<1x128xi32, #tpu.memory_space<vmem>>
    %dma_start3A_175 = tpu.memref_squeeze %dma_start3A_174 : memref<1x128xi32, #tpu.memory_space<vmem>> -> memref<128xi32, #tpu.memory_space<vmem>>
    %dma_start3A_176 = arith.constant 0 : i32
    %dma_start3A_177 = arith.constant 0 : i32
    %dma_start3A_178 = tpu.memref_slice %arg24[%dma_start3A_176, %dma_start3A_177] : memref<10240x16xf32, #tpu.memory_space<vmem_shared>> -> memref<10240x16xf32, #tpu.memory_space<vmem_shared>>
    tpu.enqueue_indirect_dma source(%dma_start3A_178 : memref<10240x16xf32, #tpu.memory_space<vmem_shared>>) target(%arg12 : memref<128x16xf32, #tpu.memory_space<vmem>>) offsets(%dma_start3A_175 : memref<128xi32, #tpu.memory_space<vmem>>) semaphore(%arg25 : memref<!tpu.dma_semaphore, #tpu.memory_space<semaphore_mem>>)
    %dma_start3A_179 = arith.constant 10 : i32
    %dma_start3A_180 = arith.constant 0 : i32
    %dma_start3A_181 = tpu.memref_slice %arg9[%dma_start3A_179, %dma_start3A_180] : memref<80x128xi32, #tpu.memory_space<vmem>> -> memref<1x128xi32, #tpu.memory_space<vmem>>
    %dma_start3A_182 = tpu.memref_squeeze %dma_start3A_181 : memref<1x128xi32, #tpu.memory_space<vmem>> -> memref<128xi32, #tpu.memory_space<vmem>>
    %dma_start3A_183 = arith.constant 0 : i32
    %dma_start3A_184 = arith.constant 0 : i32
    %dma_start3A_185 = tpu.memref_slice %arg24[%dma_start3A_183, %dma_start3A_184] : memref<10240x16xf32, #tpu.memory_space<vmem_shared>> -> memref<10240x16xf32, #tpu.memory_space<vmem_shared>>
    tpu.enqueue_indirect_dma source(%dma_start3A_185 : memref<10240x16xf32, #tpu.memory_space<vmem_shared>>) target(%arg13 : memref<128x16xf32, #tpu.memory_space<vmem>>) offsets(%dma_start3A_182 : memref<128xi32, #tpu.memory_space<vmem>>) semaphore(%arg25 : memref<!tpu.dma_semaphore, #tpu.memory_space<semaphore_mem>>)
    %dma_start3A_186 = arith.constant 11 : i32
    %dma_start3A_187 = arith.constant 0 : i32
    %dma_start3A_188 = tpu.memref_slice %arg9[%dma_start3A_186, %dma_start3A_187] : memref<80x128xi32, #tpu.memory_space<vmem>> -> memref<1x128xi32, #tpu.memory_space<vmem>>
    %dma_start3A_189 = tpu.memref_squeeze %dma_start3A_188 : memref<1x128xi32, #tpu.memory_space<vmem>> -> memref<128xi32, #tpu.memory_space<vmem>>
    %dma_start3A_190 = arith.constant 0 : i32
    %dma_start3A_191 = arith.constant 0 : i32
    %dma_start3A_192 = tpu.memref_slice %arg24[%dma_start3A_190, %dma_start3A_191] : memref<10240x16xf32, #tpu.memory_space<vmem_shared>> -> memref<10240x16xf32, #tpu.memory_space<vmem_shared>>
    tpu.enqueue_indirect_dma source(%dma_start3A_192 : memref<10240x16xf32, #tpu.memory_space<vmem_shared>>) target(%arg14 : memref<128x16xf32, #tpu.memory_space<vmem>>) offsets(%dma_start3A_189 : memref<128xi32, #tpu.memory_space<vmem>>) semaphore(%arg25 : memref<!tpu.dma_semaphore, #tpu.memory_space<semaphore_mem>>)
    %dma_wait3A_193 = arith.constant 0 : i32
    %dma_wait3A_194 = arith.constant 0 : i32
    %dma_wait3A_195 = tpu.memref_slice %arg9[%dma_wait3A_193, %dma_wait3A_194] : memref<80x128xi32, #tpu.memory_space<vmem>> -> memref<1x128xi32, #tpu.memory_space<vmem>>
    %dma_wait3A_196 = tpu.memref_squeeze %dma_wait3A_195 : memref<1x128xi32, #tpu.memory_space<vmem>> -> memref<128xi32, #tpu.memory_space<vmem>>
    %dma_wait3A_197 = arith.constant 0 : i32
    %dma_wait3A_198 = arith.constant 0 : i32
    %dma_wait3A_199 = tpu.memref_slice %arg24[%dma_wait3A_197, %dma_wait3A_198] : memref<10240x16xf32, #tpu.memory_space<vmem_shared>> -> memref<10240x16xf32, #tpu.memory_space<vmem_shared>>
    tpu.wait_indirect_dma semaphore(%arg26 : memref<!tpu.dma_semaphore, #tpu.memory_space<semaphore_mem>>) src(%dma_wait3A_199 : memref<10240x16xf32, #tpu.memory_space<vmem_shared>>) dst(%arg15 : memref<128x16xf32, #tpu.memory_space<vmem>>)
    %dma_wait3A_200 = arith.constant 0 : i32
    %dma_wait3A_201 = arith.constant 0 : i32
    %dma_wait3A_202 = tpu.memref_slice %arg9[%dma_wait3A_200, %dma_wait3A_201] : memref<80x128xi32, #tpu.memory_space<vmem>> -> memref<1x128xi32, #tpu.memory_space<vmem>>
    %dma_wait3A_203 = tpu.memref_squeeze %dma_wait3A_202 : memref<1x128xi32, #tpu.memory_space<vmem>> -> memref<128xi32, #tpu.memory_space<vmem>>
    %dma_wait3A_204 = arith.constant 0 : i32
    %dma_wait3A_205 = arith.constant 0 : i32
    %dma_wait3A_206 = tpu.memref_slice %arg24[%dma_wait3A_204, %dma_wait3A_205] : memref<10240x16xf32, #tpu.memory_space<vmem_shared>> -> memref<10240x16xf32, #tpu.memory_space<vmem_shared>>
    tpu.wait_indirect_dma semaphore(%arg26 : memref<!tpu.dma_semaphore, #tpu.memory_space<semaphore_mem>>) src(%dma_wait3A_206 : memref<10240x16xf32, #tpu.memory_space<vmem_shared>>) dst(%arg16 : memref<128x16xf32, #tpu.memory_space<vmem>>)
    %dma_wait3A_207 = arith.constant 0 : i32
    %dma_wait3A_208 = arith.constant 0 : i32
    %dma_wait3A_209 = tpu.memref_slice %arg9[%dma_wait3A_207, %dma_wait3A_208] : memref<80x128xi32, #tpu.memory_space<vmem>> -> memref<1x128xi32, #tpu.memory_space<vmem>>
    %dma_wait3A_210 = tpu.memref_squeeze %dma_wait3A_209 : memref<1x128xi32, #tpu.memory_space<vmem>> -> memref<128xi32, #tpu.memory_space<vmem>>
    %dma_wait3A_211 = arith.constant 0 : i32
    %dma_wait3A_212 = arith.constant 0 : i32
    %dma_wait3A_213 = tpu.memref_slice %arg24[%dma_wait3A_211, %dma_wait3A_212] : memref<10240x16xf32, #tpu.memory_space<vmem_shared>> -> memref<10240x16xf32, #tpu.memory_space<vmem_shared>>
    tpu.wait_indirect_dma semaphore(%arg26 : memref<!tpu.dma_semaphore, #tpu.memory_space<semaphore_mem>>) src(%dma_wait3A_213 : memref<10240x16xf32, #tpu.memory_space<vmem_shared>>) dst(%arg17 : memref<128x16xf32, #tpu.memory_space<vmem>>)
    %dma_wait3A_214 = arith.constant 0 : i32
    %dma_wait3A_215 = arith.constant 0 : i32
    %dma_wait3A_216 = tpu.memref_slice %arg9[%dma_wait3A_214, %dma_wait3A_215] : memref<80x128xi32, #tpu.memory_space<vmem>> -> memref<1x128xi32, #tpu.memory_space<vmem>>
    %dma_wait3A_217 = tpu.memref_squeeze %dma_wait3A_216 : memref<1x128xi32, #tpu.memory_space<vmem>> -> memref<128xi32, #tpu.memory_space<vmem>>
    %dma_wait3A_218 = arith.constant 0 : i32
    %dma_wait3A_219 = arith.constant 0 : i32
    %dma_wait3A_220 = tpu.memref_slice %arg24[%dma_wait3A_218, %dma_wait3A_219] : memref<10240x16xf32, #tpu.memory_space<vmem_shared>> -> memref<10240x16xf32, #tpu.memory_space<vmem_shared>>
    tpu.wait_indirect_dma semaphore(%arg26 : memref<!tpu.dma_semaphore, #tpu.memory_space<semaphore_mem>>) src(%dma_wait3A_220 : memref<10240x16xf32, #tpu.memory_space<vmem_shared>>) dst(%arg18 : memref<128x16xf32, #tpu.memory_space<vmem>>)
    %dma_start3A_221 = arith.constant 4 : i32
    %dma_start3A_222 = arith.constant 0 : i32
    %dma_start3A_223 = tpu.memref_slice %arg10[%dma_start3A_221, %dma_start3A_222] : memref<80x128xi32, #tpu.memory_space<vmem>> -> memref<1x128xi32, #tpu.memory_space<vmem>>
    %dma_start3A_224 = tpu.memref_squeeze %dma_start3A_223 : memref<1x128xi32, #tpu.memory_space<vmem>> -> memref<128xi32, #tpu.memory_space<vmem>>
    %dma_start3A_225 = arith.constant 0 : i32
    %dma_start3A_226 = arith.constant 0 : i32
    %dma_start3A_227 = tpu.memref_slice %arg23[%dma_start3A_225, %dma_start3A_226] : memref<10240x16xf32, #tpu.memory_space<vmem_shared>> -> memref<10240x16xf32, #tpu.memory_space<vmem_shared>>
    tpu.enqueue_indirect_dma source(%arg15 : memref<128x16xf32, #tpu.memory_space<vmem>>) target(%dma_start3A_227 : memref<10240x16xf32, #tpu.memory_space<vmem_shared>>) offsets(%dma_start3A_224 : memref<128xi32, #tpu.memory_space<vmem>>) semaphore(%arg28 : memref<!tpu.dma_semaphore, #tpu.memory_space<semaphore_mem>>) {add = true}
    %dma_start3A_228 = arith.constant 5 : i32
    %dma_start3A_229 = arith.constant 0 : i32
    %dma_start3A_230 = tpu.memref_slice %arg10[%dma_start3A_228, %dma_start3A_229] : memref<80x128xi32, #tpu.memory_space<vmem>> -> memref<1x128xi32, #tpu.memory_space<vmem>>
    %dma_start3A_231 = tpu.memref_squeeze %dma_start3A_230 : memref<1x128xi32, #tpu.memory_space<vmem>> -> memref<128xi32, #tpu.memory_space<vmem>>
    %dma_start3A_232 = arith.constant 0 : i32
    %dma_start3A_233 = arith.constant 0 : i32
    %dma_start3A_234 = tpu.memref_slice %arg23[%dma_start3A_232, %dma_start3A_233] : memref<10240x16xf32, #tpu.memory_space<vmem_shared>> -> memref<10240x16xf32, #tpu.memory_space<vmem_shared>>
    tpu.enqueue_indirect_dma source(%arg16 : memref<128x16xf32, #tpu.memory_space<vmem>>) target(%dma_start3A_234 : memref<10240x16xf32, #tpu.memory_space<vmem_shared>>) offsets(%dma_start3A_231 : memref<128xi32, #tpu.memory_space<vmem>>) semaphore(%arg28 : memref<!tpu.dma_semaphore, #tpu.memory_space<semaphore_mem>>) {add = true}
    %dma_start3A_235 = arith.constant 6 : i32
    %dma_start3A_236 = arith.constant 0 : i32
    %dma_start3A_237 = tpu.memref_slice %arg10[%dma_start3A_235, %dma_start3A_236] : memref<80x128xi32, #tpu.memory_space<vmem>> -> memref<1x128xi32, #tpu.memory_space<vmem>>
    %dma_start3A_238 = tpu.memref_squeeze %dma_start3A_237 : memref<1x128xi32, #tpu.memory_space<vmem>> -> memref<128xi32, #tpu.memory_space<vmem>>
    %dma_start3A_239 = arith.constant 0 : i32
    %dma_start3A_240 = arith.constant 0 : i32
    %dma_start3A_241 = tpu.memref_slice %arg23[%dma_start3A_239, %dma_start3A_240] : memref<10240x16xf32, #tpu.memory_space<vmem_shared>> -> memref<10240x16xf32, #tpu.memory_space<vmem_shared>>
    tpu.enqueue_indirect_dma source(%arg17 : memref<128x16xf32, #tpu.memory_space<vmem>>) target(%dma_start3A_241 : memref<10240x16xf32, #tpu.memory_space<vmem_shared>>) offsets(%dma_start3A_238 : memref<128xi32, #tpu.memory_space<vmem>>) semaphore(%arg28 : memref<!tpu.dma_semaphore, #tpu.memory_space<semaphore_mem>>) {add = true}
    %dma_start3A_242 = arith.constant 7 : i32
    %dma_start3A_243 = arith.constant 0 : i32
    %dma_start3A_244 = tpu.memref_slice %arg10[%dma_start3A_242, %dma_start3A_243] : memref<80x128xi32, #tpu.memory_space<vmem>> -> memref<1x128xi32, #tpu.memory_space<vmem>>
    %dma_start3A_245 = tpu.memref_squeeze %dma_start3A_244 : memref<1x128xi32, #tpu.memory_space<vmem>> -> memref<128xi32, #tpu.memory_space<vmem>>
    %dma_start3A_246 = arith.constant 0 : i32
    %dma_start3A_247 = arith.constant 0 : i32
    %dma_start3A_248 = tpu.memref_slice %arg23[%dma_start3A_246, %dma_start3A_247] : memref<10240x16xf32, #tpu.memory_space<vmem_shared>> -> memref<10240x16xf32, #tpu.memory_space<vmem_shared>>
    tpu.enqueue_indirect_dma source(%arg18 : memref<128x16xf32, #tpu.memory_space<vmem>>) target(%dma_start3A_248 : memref<10240x16xf32, #tpu.memory_space<vmem_shared>>) offsets(%dma_start3A_245 : memref<128xi32, #tpu.memory_space<vmem>>) semaphore(%arg28 : memref<!tpu.dma_semaphore, #tpu.memory_space<semaphore_mem>>) {add = true}
    %scan3A_249 = arith.constant 0 : i32
    %scan3A_250 = arith.constant 8 : i32
    %scan3A_251 = arith.addi %scan3A_249, %scan3A_250 : i32
    %scan3A_252 = arith.constant 1 : i32
    scf.for %scan3A_484 = %scan3A_249 to %scan3A_251 step %scan3A_252  : i32 {
      %mul3A_485 = arith.constant 8 : i32
      %mul3A_486 = arith.muli %scan3A_484, %mul3A_485 : i32
      %add3A_487 = arith.constant 8 : i32
      %add3A_488 = arith.addi %add3A_487, %mul3A_486 : i32
      %dma_wait3A_489 = arith.constant 0 : i32
      %dma_wait3A_490 = arith.constant 0 : i32
      %dma_wait3A_491 = tpu.memref_slice %arg10[%dma_wait3A_489, %dma_wait3A_490] : memref<80x128xi32, #tpu.memory_space<vmem>> -> memref<1x128xi32, #tpu.memory_space<vmem>>
      %dma_wait3A_492 = tpu.memref_squeeze %dma_wait3A_491 : memref<1x128xi32, #tpu.memory_space<vmem>> -> memref<128xi32, #tpu.memory_space<vmem>>
      %dma_wait3A_493 = arith.constant 0 : i32
      %dma_wait3A_494 = arith.constant 0 : i32
      %dma_wait3A_495 = tpu.memref_slice %arg23[%dma_wait3A_493, %dma_wait3A_494] : memref<10240x16xf32, #tpu.memory_space<vmem_shared>> -> memref<10240x16xf32, #tpu.memory_space<vmem_shared>>
      tpu.wait_indirect_dma semaphore(%arg28 : memref<!tpu.dma_semaphore, #tpu.memory_space<semaphore_mem>>) src(%arg15 : memref<128x16xf32, #tpu.memory_space<vmem>>) dst(%dma_wait3A_495 : memref<10240x16xf32, #tpu.memory_space<vmem_shared>>)
      %dma_wait3A_496 = arith.constant 0 : i32
      %dma_wait3A_497 = arith.constant 0 : i32
      %dma_wait3A_498 = tpu.memref_slice %arg10[%dma_wait3A_496, %dma_wait3A_497] : memref<80x128xi32, #tpu.memory_space<vmem>> -> memref<1x128xi32, #tpu.memory_space<vmem>>
      %dma_wait3A_499 = tpu.memref_squeeze %dma_wait3A_498 : memref<1x128xi32, #tpu.memory_space<vmem>> -> memref<128xi32, #tpu.memory_space<vmem>>
      %dma_wait3A_500 = arith.constant 0 : i32
      %dma_wait3A_501 = arith.constant 0 : i32
      %dma_wait3A_502 = tpu.memref_slice %arg23[%dma_wait3A_500, %dma_wait3A_501] : memref<10240x16xf32, #tpu.memory_space<vmem_shared>> -> memref<10240x16xf32, #tpu.memory_space<vmem_shared>>
      tpu.wait_indirect_dma semaphore(%arg28 : memref<!tpu.dma_semaphore, #tpu.memory_space<semaphore_mem>>) src(%arg16 : memref<128x16xf32, #tpu.memory_space<vmem>>) dst(%dma_wait3A_502 : memref<10240x16xf32, #tpu.memory_space<vmem_shared>>)
      %dma_wait3A_503 = arith.constant 0 : i32
      %dma_wait3A_504 = arith.constant 0 : i32
      %dma_wait3A_505 = tpu.memref_slice %arg10[%dma_wait3A_503, %dma_wait3A_504] : memref<80x128xi32, #tpu.memory_space<vmem>> -> memref<1x128xi32, #tpu.memory_space<vmem>>
      %dma_wait3A_506 = tpu.memref_squeeze %dma_wait3A_505 : memref<1x128xi32, #tpu.memory_space<vmem>> -> memref<128xi32, #tpu.memory_space<vmem>>
      %dma_wait3A_507 = arith.constant 0 : i32
      %dma_wait3A_508 = arith.constant 0 : i32
      %dma_wait3A_509 = tpu.memref_slice %arg23[%dma_wait3A_507, %dma_wait3A_508] : memref<10240x16xf32, #tpu.memory_space<vmem_shared>> -> memref<10240x16xf32, #tpu.memory_space<vmem_shared>>
      tpu.wait_indirect_dma semaphore(%arg28 : memref<!tpu.dma_semaphore, #tpu.memory_space<semaphore_mem>>) src(%arg17 : memref<128x16xf32, #tpu.memory_space<vmem>>) dst(%dma_wait3A_509 : memref<10240x16xf32, #tpu.memory_space<vmem_shared>>)
      %dma_wait3A_510 = arith.constant 0 : i32
      %dma_wait3A_511 = arith.constant 0 : i32
      %dma_wait3A_512 = tpu.memref_slice %arg10[%dma_wait3A_510, %dma_wait3A_511] : memref<80x128xi32, #tpu.memory_space<vmem>> -> memref<1x128xi32, #tpu.memory_space<vmem>>
      %dma_wait3A_513 = tpu.memref_squeeze %dma_wait3A_512 : memref<1x128xi32, #tpu.memory_space<vmem>> -> memref<128xi32, #tpu.memory_space<vmem>>
      %dma_wait3A_514 = arith.constant 0 : i32
      %dma_wait3A_515 = arith.constant 0 : i32
      %dma_wait3A_516 = tpu.memref_slice %arg23[%dma_wait3A_514, %dma_wait3A_515] : memref<10240x16xf32, #tpu.memory_space<vmem_shared>> -> memref<10240x16xf32, #tpu.memory_space<vmem_shared>>
      tpu.wait_indirect_dma semaphore(%arg28 : memref<!tpu.dma_semaphore, #tpu.memory_space<semaphore_mem>>) src(%arg18 : memref<128x16xf32, #tpu.memory_space<vmem>>) dst(%dma_wait3A_516 : memref<10240x16xf32, #tpu.memory_space<vmem_shared>>)
      %add3A_517 = arith.constant 4 : i32
      %add3A_518 = arith.addi %add3A_488, %add3A_517 : i32
      %add3A_519 = arith.constant 0 : i32
      %add3A_520 = arith.addi %add3A_518, %add3A_519 : i32
      %dma_start3A_521 = arith.constant 0 : i32
      %dma_start3A_522 = tpu.memref_slice %arg9[%add3A_520, %dma_start3A_521] : memref<80x128xi32, #tpu.memory_space<vmem>> -> memref<1x128xi32, #tpu.memory_space<vmem>>
      %dma_start3A_523 = tpu.memref_squeeze %dma_start3A_522 : memref<1x128xi32, #tpu.memory_space<vmem>> -> memref<128xi32, #tpu.memory_space<vmem>>
      %dma_start3A_524 = arith.constant 0 : i32
      %dma_start3A_525 = arith.constant 0 : i32
      %dma_start3A_526 = tpu.memref_slice %arg24[%dma_start3A_524, %dma_start3A_525] : memref<10240x16xf32, #tpu.memory_space<vmem_shared>> -> memref<10240x16xf32, #tpu.memory_space<vmem_shared>>
      tpu.enqueue_indirect_dma source(%dma_start3A_526 : memref<10240x16xf32, #tpu.memory_space<vmem_shared>>) target(%arg15 : memref<128x16xf32, #tpu.memory_space<vmem>>) offsets(%dma_start3A_523 : memref<128xi32, #tpu.memory_space<vmem>>) semaphore(%arg26 : memref<!tpu.dma_semaphore, #tpu.memory_space<semaphore_mem>>)
      %add3A_527 = arith.constant 1 : i32
      %add3A_528 = arith.addi %add3A_518, %add3A_527 : i32
      %dma_start3A_529 = arith.constant 0 : i32
      %dma_start3A_530 = tpu.memref_slice %arg9[%add3A_528, %dma_start3A_529] : memref<80x128xi32, #tpu.memory_space<vmem>> -> memref<1x128xi32, #tpu.memory_space<vmem>>
      %dma_start3A_531 = tpu.memref_squeeze %dma_start3A_530 : memref<1x128xi32, #tpu.memory_space<vmem>> -> memref<128xi32, #tpu.memory_space<vmem>>
      %dma_start3A_532 = arith.constant 0 : i32
      %dma_start3A_533 = arith.constant 0 : i32
      %dma_start3A_534 = tpu.memref_slice %arg24[%dma_start3A_532, %dma_start3A_533] : memref<10240x16xf32, #tpu.memory_space<vmem_shared>> -> memref<10240x16xf32, #tpu.memory_space<vmem_shared>>
      tpu.enqueue_indirect_dma source(%dma_start3A_534 : memref<10240x16xf32, #tpu.memory_space<vmem_shared>>) target(%arg16 : memref<128x16xf32, #tpu.memory_space<vmem>>) offsets(%dma_start3A_531 : memref<128xi32, #tpu.memory_space<vmem>>) semaphore(%arg26 : memref<!tpu.dma_semaphore, #tpu.memory_space<semaphore_mem>>)
      %add3A_535 = arith.constant 2 : i32
      %add3A_536 = arith.addi %add3A_518, %add3A_535 : i32
      %dma_start3A_537 = arith.constant 0 : i32
      %dma_start3A_538 = tpu.memref_slice %arg9[%add3A_536, %dma_start3A_537] : memref<80x128xi32, #tpu.memory_space<vmem>> -> memref<1x128xi32, #tpu.memory_space<vmem>>
      %dma_start3A_539 = tpu.memref_squeeze %dma_start3A_538 : memref<1x128xi32, #tpu.memory_space<vmem>> -> memref<128xi32, #tpu.memory_space<vmem>>
      %dma_start3A_540 = arith.constant 0 : i32
      %dma_start3A_541 = arith.constant 0 : i32
      %dma_start3A_542 = tpu.memref_slice %arg24[%dma_start3A_540, %dma_start3A_541] : memref<10240x16xf32, #tpu.memory_space<vmem_shared>> -> memref<10240x16xf32, #tpu.memory_space<vmem_shared>>
      tpu.enqueue_indirect_dma source(%dma_start3A_542 : memref<10240x16xf32, #tpu.memory_space<vmem_shared>>) target(%arg17 : memref<128x16xf32, #tpu.memory_space<vmem>>) offsets(%dma_start3A_539 : memref<128xi32, #tpu.memory_space<vmem>>) semaphore(%arg26 : memref<!tpu.dma_semaphore, #tpu.memory_space<semaphore_mem>>)
      %add3A_543 = arith.constant 3 : i32
      %add3A_544 = arith.addi %add3A_518, %add3A_543 : i32
      %dma_start3A_545 = arith.constant 0 : i32
      %dma_start3A_546 = tpu.memref_slice %arg9[%add3A_544, %dma_start3A_545] : memref<80x128xi32, #tpu.memory_space<vmem>> -> memref<1x128xi32, #tpu.memory_space<vmem>>
      %dma_start3A_547 = tpu.memref_squeeze %dma_start3A_546 : memref<1x128xi32, #tpu.memory_space<vmem>> -> memref<128xi32, #tpu.memory_space<vmem>>
      %dma_start3A_548 = arith.constant 0 : i32
      %dma_start3A_549 = arith.constant 0 : i32
      %dma_start3A_550 = tpu.memref_slice %arg24[%dma_start3A_548, %dma_start3A_549] : memref<10240x16xf32, #tpu.memory_space<vmem_shared>> -> memref<10240x16xf32, #tpu.memory_space<vmem_shared>>
      tpu.enqueue_indirect_dma source(%dma_start3A_550 : memref<10240x16xf32, #tpu.memory_space<vmem_shared>>) target(%arg18 : memref<128x16xf32, #tpu.memory_space<vmem>>) offsets(%dma_start3A_547 : memref<128xi32, #tpu.memory_space<vmem>>) semaphore(%arg26 : memref<!tpu.dma_semaphore, #tpu.memory_space<semaphore_mem>>)
      %dma_wait3A_551 = arith.constant 0 : i32
      %dma_wait3A_552 = arith.constant 0 : i32
      %dma_wait3A_553 = tpu.memref_slice %arg9[%dma_wait3A_551, %dma_wait3A_552] : memref<80x128xi32, #tpu.memory_space<vmem>> -> memref<1x128xi32, #tpu.memory_space<vmem>>
      %dma_wait3A_554 = tpu.memref_squeeze %dma_wait3A_553 : memref<1x128xi32, #tpu.memory_space<vmem>> -> memref<128xi32, #tpu.memory_space<vmem>>
      %dma_wait3A_555 = arith.constant 0 : i32
      %dma_wait3A_556 = arith.constant 0 : i32
      %dma_wait3A_557 = tpu.memref_slice %arg24[%dma_wait3A_555, %dma_wait3A_556] : memref<10240x16xf32, #tpu.memory_space<vmem_shared>> -> memref<10240x16xf32, #tpu.memory_space<vmem_shared>>
      tpu.wait_indirect_dma semaphore(%arg25 : memref<!tpu.dma_semaphore, #tpu.memory_space<semaphore_mem>>) src(%dma_wait3A_557 : memref<10240x16xf32, #tpu.memory_space<vmem_shared>>) dst(%arg11 : memref<128x16xf32, #tpu.memory_space<vmem>>)
      %dma_wait3A_558 = arith.constant 0 : i32
      %dma_wait3A_559 = arith.constant 0 : i32
      %dma_wait3A_560 = tpu.memref_slice %arg9[%dma_wait3A_558, %dma_wait3A_559] : memref<80x128xi32, #tpu.memory_space<vmem>> -> memref<1x128xi32, #tpu.memory_space<vmem>>
      %dma_wait3A_561 = tpu.memref_squeeze %dma_wait3A_560 : memref<1x128xi32, #tpu.memory_space<vmem>> -> memref<128xi32, #tpu.memory_space<vmem>>
      %dma_wait3A_562 = arith.constant 0 : i32
      %dma_wait3A_563 = arith.constant 0 : i32
      %dma_wait3A_564 = tpu.memref_slice %arg24[%dma_wait3A_562, %dma_wait3A_563] : memref<10240x16xf32, #tpu.memory_space<vmem_shared>> -> memref<10240x16xf32, #tpu.memory_space<vmem_shared>>
      tpu.wait_indirect_dma semaphore(%arg25 : memref<!tpu.dma_semaphore, #tpu.memory_space<semaphore_mem>>) src(%dma_wait3A_564 : memref<10240x16xf32, #tpu.memory_space<vmem_shared>>) dst(%arg12 : memref<128x16xf32, #tpu.memory_space<vmem>>)
      %dma_wait3A_565 = arith.constant 0 : i32
      %dma_wait3A_566 = arith.constant 0 : i32
      %dma_wait3A_567 = tpu.memref_slice %arg9[%dma_wait3A_565, %dma_wait3A_566] : memref<80x128xi32, #tpu.memory_space<vmem>> -> memref<1x128xi32, #tpu.memory_space<vmem>>
      %dma_wait3A_568 = tpu.memref_squeeze %dma_wait3A_567 : memref<1x128xi32, #tpu.memory_space<vmem>> -> memref<128xi32, #tpu.memory_space<vmem>>
      %dma_wait3A_569 = arith.constant 0 : i32
      %dma_wait3A_570 = arith.constant 0 : i32
      %dma_wait3A_571 = tpu.memref_slice %arg24[%dma_wait3A_569, %dma_wait3A_570] : memref<10240x16xf32, #tpu.memory_space<vmem_shared>> -> memref<10240x16xf32, #tpu.memory_space<vmem_shared>>
      tpu.wait_indirect_dma semaphore(%arg25 : memref<!tpu.dma_semaphore, #tpu.memory_space<semaphore_mem>>) src(%dma_wait3A_571 : memref<10240x16xf32, #tpu.memory_space<vmem_shared>>) dst(%arg13 : memref<128x16xf32, #tpu.memory_space<vmem>>)
      %dma_wait3A_572 = arith.constant 0 : i32
      %dma_wait3A_573 = arith.constant 0 : i32
      %dma_wait3A_574 = tpu.memref_slice %arg9[%dma_wait3A_572, %dma_wait3A_573] : memref<80x128xi32, #tpu.memory_space<vmem>> -> memref<1x128xi32, #tpu.memory_space<vmem>>
      %dma_wait3A_575 = tpu.memref_squeeze %dma_wait3A_574 : memref<1x128xi32, #tpu.memory_space<vmem>> -> memref<128xi32, #tpu.memory_space<vmem>>
      %dma_wait3A_576 = arith.constant 0 : i32
      %dma_wait3A_577 = arith.constant 0 : i32
      %dma_wait3A_578 = tpu.memref_slice %arg24[%dma_wait3A_576, %dma_wait3A_577] : memref<10240x16xf32, #tpu.memory_space<vmem_shared>> -> memref<10240x16xf32, #tpu.memory_space<vmem_shared>>
      tpu.wait_indirect_dma semaphore(%arg25 : memref<!tpu.dma_semaphore, #tpu.memory_space<semaphore_mem>>) src(%dma_wait3A_578 : memref<10240x16xf32, #tpu.memory_space<vmem_shared>>) dst(%arg14 : memref<128x16xf32, #tpu.memory_space<vmem>>)
      %add3A_579 = arith.constant 0 : i32
      %add3A_580 = arith.addi %add3A_488, %add3A_579 : i32
      %dma_start3A_581 = arith.constant 0 : i32
      %dma_start3A_582 = tpu.memref_slice %arg10[%add3A_580, %dma_start3A_581] : memref<80x128xi32, #tpu.memory_space<vmem>> -> memref<1x128xi32, #tpu.memory_space<vmem>>
      %dma_start3A_583 = tpu.memref_squeeze %dma_start3A_582 : memref<1x128xi32, #tpu.memory_space<vmem>> -> memref<128xi32, #tpu.memory_space<vmem>>
      %dma_start3A_584 = arith.constant 0 : i32
      %dma_start3A_585 = arith.constant 0 : i32
      %dma_start3A_586 = tpu.memref_slice %arg23[%dma_start3A_584, %dma_start3A_585] : memref<10240x16xf32, #tpu.memory_space<vmem_shared>> -> memref<10240x16xf32, #tpu.memory_space<vmem_shared>>
      tpu.enqueue_indirect_dma source(%arg11 : memref<128x16xf32, #tpu.memory_space<vmem>>) target(%dma_start3A_586 : memref<10240x16xf32, #tpu.memory_space<vmem_shared>>) offsets(%dma_start3A_583 : memref<128xi32, #tpu.memory_space<vmem>>) semaphore(%arg27 : memref<!tpu.dma_semaphore, #tpu.memory_space<semaphore_mem>>) {add = true}
      %add3A_587 = arith.constant 1 : i32
      %add3A_588 = arith.addi %add3A_488, %add3A_587 : i32
      %dma_start3A_589 = arith.constant 0 : i32
      %dma_start3A_590 = tpu.memref_slice %arg10[%add3A_588, %dma_start3A_589] : memref<80x128xi32, #tpu.memory_space<vmem>> -> memref<1x128xi32, #tpu.memory_space<vmem>>
      %dma_start3A_591 = tpu.memref_squeeze %dma_start3A_590 : memref<1x128xi32, #tpu.memory_space<vmem>> -> memref<128xi32, #tpu.memory_space<vmem>>
      %dma_start3A_592 = arith.constant 0 : i32
      %dma_start3A_593 = arith.constant 0 : i32
      %dma_start3A_594 = tpu.memref_slice %arg23[%dma_start3A_592, %dma_start3A_593] : memref<10240x16xf32, #tpu.memory_space<vmem_shared>> -> memref<10240x16xf32, #tpu.memory_space<vmem_shared>>
      tpu.enqueue_indirect_dma source(%arg12 : memref<128x16xf32, #tpu.memory_space<vmem>>) target(%dma_start3A_594 : memref<10240x16xf32, #tpu.memory_space<vmem_shared>>) offsets(%dma_start3A_591 : memref<128xi32, #tpu.memory_space<vmem>>) semaphore(%arg27 : memref<!tpu.dma_semaphore, #tpu.memory_space<semaphore_mem>>) {add = true}
      %add3A_595 = arith.constant 2 : i32
      %add3A_596 = arith.addi %add3A_488, %add3A_595 : i32
      %dma_start3A_597 = arith.constant 0 : i32
      %dma_start3A_598 = tpu.memref_slice %arg10[%add3A_596, %dma_start3A_597] : memref<80x128xi32, #tpu.memory_space<vmem>> -> memref<1x128xi32, #tpu.memory_space<vmem>>
      %dma_start3A_599 = tpu.memref_squeeze %dma_start3A_598 : memref<1x128xi32, #tpu.memory_space<vmem>> -> memref<128xi32, #tpu.memory_space<vmem>>
      %dma_start3A_600 = arith.constant 0 : i32
      %dma_start3A_601 = arith.constant 0 : i32
      %dma_start3A_602 = tpu.memref_slice %arg23[%dma_start3A_600, %dma_start3A_601] : memref<10240x16xf32, #tpu.memory_space<vmem_shared>> -> memref<10240x16xf32, #tpu.memory_space<vmem_shared>>
      tpu.enqueue_indirect_dma source(%arg13 : memref<128x16xf32, #tpu.memory_space<vmem>>) target(%dma_start3A_602 : memref<10240x16xf32, #tpu.memory_space<vmem_shared>>) offsets(%dma_start3A_599 : memref<128xi32, #tpu.memory_space<vmem>>) semaphore(%arg27 : memref<!tpu.dma_semaphore, #tpu.memory_space<semaphore_mem>>) {add = true}
      %add3A_603 = arith.constant 3 : i32
      %add3A_604 = arith.addi %add3A_488, %add3A_603 : i32
      %dma_start3A_605 = arith.constant 0 : i32
      %dma_start3A_606 = tpu.memref_slice %arg10[%add3A_604, %dma_start3A_605] : memref<80x128xi32, #tpu.memory_space<vmem>> -> memref<1x128xi32, #tpu.memory_space<vmem>>
      %dma_start3A_607 = tpu.memref_squeeze %dma_start3A_606 : memref<1x128xi32, #tpu.memory_space<vmem>> -> memref<128xi32, #tpu.memory_space<vmem>>
      %dma_start3A_608 = arith.constant 0 : i32
      %dma_start3A_609 = arith.constant 0 : i32
      %dma_start3A_610 = tpu.memref_slice %arg23[%dma_start3A_608, %dma_start3A_609] : memref<10240x16xf32, #tpu.memory_space<vmem_shared>> -> memref<10240x16xf32, #tpu.memory_space<vmem_shared>>
      tpu.enqueue_indirect_dma source(%arg14 : memref<128x16xf32, #tpu.memory_space<vmem>>) target(%dma_start3A_610 : memref<10240x16xf32, #tpu.memory_space<vmem_shared>>) offsets(%dma_start3A_607 : memref<128xi32, #tpu.memory_space<vmem>>) semaphore(%arg27 : memref<!tpu.dma_semaphore, #tpu.memory_space<semaphore_mem>>) {add = true}
      %dma_wait3A_611 = arith.constant 0 : i32
      %dma_wait3A_612 = arith.constant 0 : i32
      %dma_wait3A_613 = tpu.memref_slice %arg10[%dma_wait3A_611, %dma_wait3A_612] : memref<80x128xi32, #tpu.memory_space<vmem>> -> memref<1x128xi32, #tpu.memory_space<vmem>>
      %dma_wait3A_614 = tpu.memref_squeeze %dma_wait3A_613 : memref<1x128xi32, #tpu.memory_space<vmem>> -> memref<128xi32, #tpu.memory_space<vmem>>
      %dma_wait3A_615 = arith.constant 0 : i32
      %dma_wait3A_616 = arith.constant 0 : i32
      %dma_wait3A_617 = tpu.memref_slice %arg23[%dma_wait3A_615, %dma_wait3A_616] : memref<10240x16xf32, #tpu.memory_space<vmem_shared>> -> memref<10240x16xf32, #tpu.memory_space<vmem_shared>>
      tpu.wait_indirect_dma semaphore(%arg27 : memref<!tpu.dma_semaphore, #tpu.memory_space<semaphore_mem>>) src(%arg11 : memref<128x16xf32, #tpu.memory_space<vmem>>) dst(%dma_wait3A_617 : memref<10240x16xf32, #tpu.memory_space<vmem_shared>>)
      %dma_wait3A_618 = arith.constant 0 : i32
      %dma_wait3A_619 = arith.constant 0 : i32
      %dma_wait3A_620 = tpu.memref_slice %arg10[%dma_wait3A_618, %dma_wait3A_619] : memref<80x128xi32, #tpu.memory_space<vmem>> -> memref<1x128xi32, #tpu.memory_space<vmem>>
      %dma_wait3A_621 = tpu.memref_squeeze %dma_wait3A_620 : memref<1x128xi32, #tpu.memory_space<vmem>> -> memref<128xi32, #tpu.memory_space<vmem>>
      %dma_wait3A_622 = arith.constant 0 : i32
      %dma_wait3A_623 = arith.constant 0 : i32
      %dma_wait3A_624 = tpu.memref_slice %arg23[%dma_wait3A_622, %dma_wait3A_623] : memref<10240x16xf32, #tpu.memory_space<vmem_shared>> -> memref<10240x16xf32, #tpu.memory_space<vmem_shared>>
      tpu.wait_indirect_dma semaphore(%arg27 : memref<!tpu.dma_semaphore, #tpu.memory_space<semaphore_mem>>) src(%arg12 : memref<128x16xf32, #tpu.memory_space<vmem>>) dst(%dma_wait3A_624 : memref<10240x16xf32, #tpu.memory_space<vmem_shared>>)
      %dma_wait3A_625 = arith.constant 0 : i32
      %dma_wait3A_626 = arith.constant 0 : i32
      %dma_wait3A_627 = tpu.memref_slice %arg10[%dma_wait3A_625, %dma_wait3A_626] : memref<80x128xi32, #tpu.memory_space<vmem>> -> memref<1x128xi32, #tpu.memory_space<vmem>>
      %dma_wait3A_628 = tpu.memref_squeeze %dma_wait3A_627 : memref<1x128xi32, #tpu.memory_space<vmem>> -> memref<128xi32, #tpu.memory_space<vmem>>
      %dma_wait3A_629 = arith.constant 0 : i32
      %dma_wait3A_630 = arith.constant 0 : i32
      %dma_wait3A_631 = tpu.memref_slice %arg23[%dma_wait3A_629, %dma_wait3A_630] : memref<10240x16xf32, #tpu.memory_space<vmem_shared>> -> memref<10240x16xf32, #tpu.memory_space<vmem_shared>>
      tpu.wait_indirect_dma semaphore(%arg27 : memref<!tpu.dma_semaphore, #tpu.memory_space<semaphore_mem>>) src(%arg13 : memref<128x16xf32, #tpu.memory_space<vmem>>) dst(%dma_wait3A_631 : memref<10240x16xf32, #tpu.memory_space<vmem_shared>>)
      %dma_wait3A_632 = arith.constant 0 : i32
      %dma_wait3A_633 = arith.constant 0 : i32
      %dma_wait3A_634 = tpu.memref_slice %arg10[%dma_wait3A_632, %dma_wait3A_633] : memref<80x128xi32, #tpu.memory_space<vmem>> -> memref<1x128xi32, #tpu.memory_space<vmem>>
      %dma_wait3A_635 = tpu.memref_squeeze %dma_wait3A_634 : memref<1x128xi32, #tpu.memory_space<vmem>> -> memref<128xi32, #tpu.memory_space<vmem>>
      %dma_wait3A_636 = arith.constant 0 : i32
      %dma_wait3A_637 = arith.constant 0 : i32
      %dma_wait3A_638 = tpu.memref_slice %arg23[%dma_wait3A_636, %dma_wait3A_637] : memref<10240x16xf32, #tpu.memory_space<vmem_shared>> -> memref<10240x16xf32, #tpu.memory_space<vmem_shared>>
      tpu.wait_indirect_dma semaphore(%arg27 : memref<!tpu.dma_semaphore, #tpu.memory_space<semaphore_mem>>) src(%arg14 : memref<128x16xf32, #tpu.memory_space<vmem>>) dst(%dma_wait3A_638 : memref<10240x16xf32, #tpu.memory_space<vmem_shared>>)
      %add3A_639 = arith.constant 8 : i32
      %add3A_640 = arith.addi %add3A_488, %add3A_639 : i32
      %add3A_641 = arith.constant 0 : i32
      %add3A_642 = arith.addi %add3A_640, %add3A_641 : i32
      %dma_start3A_643 = arith.constant 0 : i32
      %dma_start3A_644 = tpu.memref_slice %arg9[%add3A_642, %dma_start3A_643] : memref<80x128xi32, #tpu.memory_space<vmem>> -> memref<1x128xi32, #tpu.memory_space<vmem>>
      %dma_start3A_645 = tpu.memref_squeeze %dma_start3A_644 : memref<1x128xi32, #tpu.memory_space<vmem>> -> memref<128xi32, #tpu.memory_space<vmem>>
      %dma_start3A_646 = arith.constant 0 : i32
      %dma_start3A_647 = arith.constant 0 : i32
      %dma_start3A_648 = tpu.memref_slice %arg24[%dma_start3A_646, %dma_start3A_647] : memref<10240x16xf32, #tpu.memory_space<vmem_shared>> -> memref<10240x16xf32, #tpu.memory_space<vmem_shared>>
      tpu.enqueue_indirect_dma source(%dma_start3A_648 : memref<10240x16xf32, #tpu.memory_space<vmem_shared>>) target(%arg11 : memref<128x16xf32, #tpu.memory_space<vmem>>) offsets(%dma_start3A_645 : memref<128xi32, #tpu.memory_space<vmem>>) semaphore(%arg25 : memref<!tpu.dma_semaphore, #tpu.memory_space<semaphore_mem>>)
      %add3A_649 = arith.constant 1 : i32
      %add3A_650 = arith.addi %add3A_640, %add3A_649 : i32
      %dma_start3A_651 = arith.constant 0 : i32
      %dma_start3A_652 = tpu.memref_slice %arg9[%add3A_650, %dma_start3A_651] : memref<80x128xi32, #tpu.memory_space<vmem>> -> memref<1x128xi32, #tpu.memory_space<vmem>>
      %dma_start3A_653 = tpu.memref_squeeze %dma_start3A_652 : memref<1x128xi32, #tpu.memory_space<vmem>> -> memref<128xi32, #tpu.memory_space<vmem>>
      %dma_start3A_654 = arith.constant 0 : i32
      %dma_start3A_655 = arith.constant 0 : i32
      %dma_start3A_656 = tpu.memref_slice %arg24[%dma_start3A_654, %dma_start3A_655] : memref<10240x16xf32, #tpu.memory_space<vmem_shared>> -> memref<10240x16xf32, #tpu.memory_space<vmem_shared>>
      tpu.enqueue_indirect_dma source(%dma_start3A_656 : memref<10240x16xf32, #tpu.memory_space<vmem_shared>>) target(%arg12 : memref<128x16xf32, #tpu.memory_space<vmem>>) offsets(%dma_start3A_653 : memref<128xi32, #tpu.memory_space<vmem>>) semaphore(%arg25 : memref<!tpu.dma_semaphore, #tpu.memory_space<semaphore_mem>>)
      %add3A_657 = arith.constant 2 : i32
      %add3A_658 = arith.addi %add3A_640, %add3A_657 : i32
      %dma_start3A_659 = arith.constant 0 : i32
      %dma_start3A_660 = tpu.memref_slice %arg9[%add3A_658, %dma_start3A_659] : memref<80x128xi32, #tpu.memory_space<vmem>> -> memref<1x128xi32, #tpu.memory_space<vmem>>
      %dma_start3A_661 = tpu.memref_squeeze %dma_start3A_660 : memref<1x128xi32, #tpu.memory_space<vmem>> -> memref<128xi32, #tpu.memory_space<vmem>>
      %dma_start3A_662 = arith.constant 0 : i32
      %dma_start3A_663 = arith.constant 0 : i32
      %dma_start3A_664 = tpu.memref_slice %arg24[%dma_start3A_662, %dma_start3A_663] : memref<10240x16xf32, #tpu.memory_space<vmem_shared>> -> memref<10240x16xf32, #tpu.memory_space<vmem_shared>>
      tpu.enqueue_indirect_dma source(%dma_start3A_664 : memref<10240x16xf32, #tpu.memory_space<vmem_shared>>) target(%arg13 : memref<128x16xf32, #tpu.memory_space<vmem>>) offsets(%dma_start3A_661 : memref<128xi32, #tpu.memory_space<vmem>>) semaphore(%arg25 : memref<!tpu.dma_semaphore, #tpu.memory_space<semaphore_mem>>)
      %add3A_665 = arith.constant 3 : i32
      %add3A_666 = arith.addi %add3A_640, %add3A_665 : i32
      %dma_start3A_667 = arith.constant 0 : i32
      %dma_start3A_668 = tpu.memref_slice %arg9[%add3A_666, %dma_start3A_667] : memref<80x128xi32, #tpu.memory_space<vmem>> -> memref<1x128xi32, #tpu.memory_space<vmem>>
      %dma_start3A_669 = tpu.memref_squeeze %dma_start3A_668 : memref<1x128xi32, #tpu.memory_space<vmem>> -> memref<128xi32, #tpu.memory_space<vmem>>
      %dma_start3A_670 = arith.constant 0 : i32
      %dma_start3A_671 = arith.constant 0 : i32
      %dma_start3A_672 = tpu.memref_slice %arg24[%dma_start3A_670, %dma_start3A_671] : memref<10240x16xf32, #tpu.memory_space<vmem_shared>> -> memref<10240x16xf32, #tpu.memory_space<vmem_shared>>
      tpu.enqueue_indirect_dma source(%dma_start3A_672 : memref<10240x16xf32, #tpu.memory_space<vmem_shared>>) target(%arg14 : memref<128x16xf32, #tpu.memory_space<vmem>>) offsets(%dma_start3A_669 : memref<128xi32, #tpu.memory_space<vmem>>) semaphore(%arg25 : memref<!tpu.dma_semaphore, #tpu.memory_space<semaphore_mem>>)
      %dma_wait3A_673 = arith.constant 0 : i32
      %dma_wait3A_674 = arith.constant 0 : i32
      %dma_wait3A_675 = tpu.memref_slice %arg9[%dma_wait3A_673, %dma_wait3A_674] : memref<80x128xi32, #tpu.memory_space<vmem>> -> memref<1x128xi32, #tpu.memory_space<vmem>>
      %dma_wait3A_676 = tpu.memref_squeeze %dma_wait3A_675 : memref<1x128xi32, #tpu.memory_space<vmem>> -> memref<128xi32, #tpu.memory_space<vmem>>
      %dma_wait3A_677 = arith.constant 0 : i32
      %dma_wait3A_678 = arith.constant 0 : i32
      %dma_wait3A_679 = tpu.memref_slice %arg24[%dma_wait3A_677, %dma_wait3A_678] : memref<10240x16xf32, #tpu.memory_space<vmem_shared>> -> memref<10240x16xf32, #tpu.memory_space<vmem_shared>>
      tpu.wait_indirect_dma semaphore(%arg26 : memref<!tpu.dma_semaphore, #tpu.memory_space<semaphore_mem>>) src(%dma_wait3A_679 : memref<10240x16xf32, #tpu.memory_space<vmem_shared>>) dst(%arg15 : memref<128x16xf32, #tpu.memory_space<vmem>>)
      %dma_wait3A_680 = arith.constant 0 : i32
      %dma_wait3A_681 = arith.constant 0 : i32
      %dma_wait3A_682 = tpu.memref_slice %arg9[%dma_wait3A_680, %dma_wait3A_681] : memref<80x128xi32, #tpu.memory_space<vmem>> -> memref<1x128xi32, #tpu.memory_space<vmem>>
      %dma_wait3A_683 = tpu.memref_squeeze %dma_wait3A_682 : memref<1x128xi32, #tpu.memory_space<vmem>> -> memref<128xi32, #tpu.memory_space<vmem>>
      %dma_wait3A_684 = arith.constant 0 : i32
      %dma_wait3A_685 = arith.constant 0 : i32
      %dma_wait3A_686 = tpu.memref_slice %arg24[%dma_wait3A_684, %dma_wait3A_685] : memref<10240x16xf32, #tpu.memory_space<vmem_shared>> -> memref<10240x16xf32, #tpu.memory_space<vmem_shared>>
      tpu.wait_indirect_dma semaphore(%arg26 : memref<!tpu.dma_semaphore, #tpu.memory_space<semaphore_mem>>) src(%dma_wait3A_686 : memref<10240x16xf32, #tpu.memory_space<vmem_shared>>) dst(%arg16 : memref<128x16xf32, #tpu.memory_space<vmem>>)
      %dma_wait3A_687 = arith.constant 0 : i32
      %dma_wait3A_688 = arith.constant 0 : i32
      %dma_wait3A_689 = tpu.memref_slice %arg9[%dma_wait3A_687, %dma_wait3A_688] : memref<80x128xi32, #tpu.memory_space<vmem>> -> memref<1x128xi32, #tpu.memory_space<vmem>>
      %dma_wait3A_690 = tpu.memref_squeeze %dma_wait3A_689 : memref<1x128xi32, #tpu.memory_space<vmem>> -> memref<128xi32, #tpu.memory_space<vmem>>
      %dma_wait3A_691 = arith.constant 0 : i32
      %dma_wait3A_692 = arith.constant 0 : i32
      %dma_wait3A_693 = tpu.memref_slice %arg24[%dma_wait3A_691, %dma_wait3A_692] : memref<10240x16xf32, #tpu.memory_space<vmem_shared>> -> memref<10240x16xf32, #tpu.memory_space<vmem_shared>>
      tpu.wait_indirect_dma semaphore(%arg26 : memref<!tpu.dma_semaphore, #tpu.memory_space<semaphore_mem>>) src(%dma_wait3A_693 : memref<10240x16xf32, #tpu.memory_space<vmem_shared>>) dst(%arg17 : memref<128x16xf32, #tpu.memory_space<vmem>>)
      %dma_wait3A_694 = arith.constant 0 : i32
      %dma_wait3A_695 = arith.constant 0 : i32
      %dma_wait3A_696 = tpu.memref_slice %arg9[%dma_wait3A_694, %dma_wait3A_695] : memref<80x128xi32, #tpu.memory_space<vmem>> -> memref<1x128xi32, #tpu.memory_space<vmem>>
      %dma_wait3A_697 = tpu.memref_squeeze %dma_wait3A_696 : memref<1x128xi32, #tpu.memory_space<vmem>> -> memref<128xi32, #tpu.memory_space<vmem>>
      %dma_wait3A_698 = arith.constant 0 : i32
      %dma_wait3A_699 = arith.constant 0 : i32
      %dma_wait3A_700 = tpu.memref_slice %arg24[%dma_wait3A_698, %dma_wait3A_699] : memref<10240x16xf32, #tpu.memory_space<vmem_shared>> -> memref<10240x16xf32, #tpu.memory_space<vmem_shared>>
      tpu.wait_indirect_dma semaphore(%arg26 : memref<!tpu.dma_semaphore, #tpu.memory_space<semaphore_mem>>) src(%dma_wait3A_700 : memref<10240x16xf32, #tpu.memory_space<vmem_shared>>) dst(%arg18 : memref<128x16xf32, #tpu.memory_space<vmem>>)
      %add3A_701 = arith.constant 4 : i32
      %add3A_702 = arith.addi %add3A_488, %add3A_701 : i32
      %add3A_703 = arith.constant 0 : i32
      %add3A_704 = arith.addi %add3A_702, %add3A_703 : i32
      %dma_start3A_705 = arith.constant 0 : i32
      %dma_start3A_706 = tpu.memref_slice %arg10[%add3A_704, %dma_start3A_705] : memref<80x128xi32, #tpu.memory_space<vmem>> -> memref<1x128xi32, #tpu.memory_space<vmem>>
      %dma_start3A_707 = tpu.memref_squeeze %dma_start3A_706 : memref<1x128xi32, #tpu.memory_space<vmem>> -> memref<128xi32, #tpu.memory_space<vmem>>
      %dma_start3A_708 = arith.constant 0 : i32
      %dma_start3A_709 = arith.constant 0 : i32
      %dma_start3A_710 = tpu.memref_slice %arg23[%dma_start3A_708, %dma_start3A_709] : memref<10240x16xf32, #tpu.memory_space<vmem_shared>> -> memref<10240x16xf32, #tpu.memory_space<vmem_shared>>
      tpu.enqueue_indirect_dma source(%arg15 : memref<128x16xf32, #tpu.memory_space<vmem>>) target(%dma_start3A_710 : memref<10240x16xf32, #tpu.memory_space<vmem_shared>>) offsets(%dma_start3A_707 : memref<128xi32, #tpu.memory_space<vmem>>) semaphore(%arg28 : memref<!tpu.dma_semaphore, #tpu.memory_space<semaphore_mem>>) {add = true}
      %add3A_711 = arith.constant 1 : i32
      %add3A_712 = arith.addi %add3A_702, %add3A_711 : i32
      %dma_start3A_713 = arith.constant 0 : i32
      %dma_start3A_714 = tpu.memref_slice %arg10[%add3A_712, %dma_start3A_713] : memref<80x128xi32, #tpu.memory_space<vmem>> -> memref<1x128xi32, #tpu.memory_space<vmem>>
      %dma_start3A_715 = tpu.memref_squeeze %dma_start3A_714 : memref<1x128xi32, #tpu.memory_space<vmem>> -> memref<128xi32, #tpu.memory_space<vmem>>
      %dma_start3A_716 = arith.constant 0 : i32
      %dma_start3A_717 = arith.constant 0 : i32
      %dma_start3A_718 = tpu.memref_slice %arg23[%dma_start3A_716, %dma_start3A_717] : memref<10240x16xf32, #tpu.memory_space<vmem_shared>> -> memref<10240x16xf32, #tpu.memory_space<vmem_shared>>
      tpu.enqueue_indirect_dma source(%arg16 : memref<128x16xf32, #tpu.memory_space<vmem>>) target(%dma_start3A_718 : memref<10240x16xf32, #tpu.memory_space<vmem_shared>>) offsets(%dma_start3A_715 : memref<128xi32, #tpu.memory_space<vmem>>) semaphore(%arg28 : memref<!tpu.dma_semaphore, #tpu.memory_space<semaphore_mem>>) {add = true}
      %add3A_719 = arith.constant 2 : i32
      %add3A_720 = arith.addi %add3A_702, %add3A_719 : i32
      %dma_start3A_721 = arith.constant 0 : i32
      %dma_start3A_722 = tpu.memref_slice %arg10[%add3A_720, %dma_start3A_721] : memref<80x128xi32, #tpu.memory_space<vmem>> -> memref<1x128xi32, #tpu.memory_space<vmem>>
      %dma_start3A_723 = tpu.memref_squeeze %dma_start3A_722 : memref<1x128xi32, #tpu.memory_space<vmem>> -> memref<128xi32, #tpu.memory_space<vmem>>
      %dma_start3A_724 = arith.constant 0 : i32
      %dma_start3A_725 = arith.constant 0 : i32
      %dma_start3A_726 = tpu.memref_slice %arg23[%dma_start3A_724, %dma_start3A_725] : memref<10240x16xf32, #tpu.memory_space<vmem_shared>> -> memref<10240x16xf32, #tpu.memory_space<vmem_shared>>
      tpu.enqueue_indirect_dma source(%arg17 : memref<128x16xf32, #tpu.memory_space<vmem>>) target(%dma_start3A_726 : memref<10240x16xf32, #tpu.memory_space<vmem_shared>>) offsets(%dma_start3A_723 : memref<128xi32, #tpu.memory_space<vmem>>) semaphore(%arg28 : memref<!tpu.dma_semaphore, #tpu.memory_space<semaphore_mem>>) {add = true}
      %add3A_727 = arith.constant 3 : i32
      %add3A_728 = arith.addi %add3A_702, %add3A_727 : i32
      %dma_start3A_729 = arith.constant 0 : i32
      %dma_start3A_730 = tpu.memref_slice %arg10[%add3A_728, %dma_start3A_729] : memref<80x128xi32, #tpu.memory_space<vmem>> -> memref<1x128xi32, #tpu.memory_space<vmem>>
      %dma_start3A_731 = tpu.memref_squeeze %dma_start3A_730 : memref<1x128xi32, #tpu.memory_space<vmem>> -> memref<128xi32, #tpu.memory_space<vmem>>
      %dma_start3A_732 = arith.constant 0 : i32
      %dma_start3A_733 = arith.constant 0 : i32
      %dma_start3A_734 = tpu.memref_slice %arg23[%dma_start3A_732, %dma_start3A_733] : memref<10240x16xf32, #tpu.memory_space<vmem_shared>> -> memref<10240x16xf32, #tpu.memory_space<vmem_shared>>
      tpu.enqueue_indirect_dma source(%arg18 : memref<128x16xf32, #tpu.memory_space<vmem>>) target(%dma_start3A_734 : memref<10240x16xf32, #tpu.memory_space<vmem_shared>>) offsets(%dma_start3A_731 : memref<128xi32, #tpu.memory_space<vmem>>) semaphore(%arg28 : memref<!tpu.dma_semaphore, #tpu.memory_space<semaphore_mem>>) {add = true}
    }
    %scan3A_253 = arith.constant 8 : i32
    %dma_wait3A_254 = arith.constant 0 : i32
    %dma_wait3A_255 = arith.constant 0 : i32
    %dma_wait3A_256 = tpu.memref_slice %arg10[%dma_wait3A_254, %dma_wait3A_255] : memref<80x128xi32, #tpu.memory_space<vmem>> -> memref<1x128xi32, #tpu.memory_space<vmem>>
    %dma_wait3A_257 = tpu.memref_squeeze %dma_wait3A_256 : memref<1x128xi32, #tpu.memory_space<vmem>> -> memref<128xi32, #tpu.memory_space<vmem>>
    %dma_wait3A_258 = arith.constant 0 : i32
    %dma_wait3A_259 = arith.constant 0 : i32
    %dma_wait3A_260 = tpu.memref_slice %arg23[%dma_wait3A_258, %dma_wait3A_259] : memref<10240x16xf32, #tpu.memory_space<vmem_shared>> -> memref<10240x16xf32, #tpu.memory_space<vmem_shared>>
    tpu.wait_indirect_dma semaphore(%arg28 : memref<!tpu.dma_semaphore, #tpu.memory_space<semaphore_mem>>) src(%arg15 : memref<128x16xf32, #tpu.memory_space<vmem>>) dst(%dma_wait3A_260 : memref<10240x16xf32, #tpu.memory_space<vmem_shared>>)
    %dma_wait3A_261 = arith.constant 0 : i32
    %dma_wait3A_262 = arith.constant 0 : i32
    %dma_wait3A_263 = tpu.memref_slice %arg10[%dma_wait3A_261, %dma_wait3A_262] : memref<80x128xi32, #tpu.memory_space<vmem>> -> memref<1x128xi32, #tpu.memory_space<vmem>>
    %dma_wait3A_264 = tpu.memref_squeeze %dma_wait3A_263 : memref<1x128xi32, #tpu.memory_space<vmem>> -> memref<128xi32, #tpu.memory_space<vmem>>
    %dma_wait3A_265 = arith.constant 0 : i32
    %dma_wait3A_266 = arith.constant 0 : i32
    %dma_wait3A_267 = tpu.memref_slice %arg23[%dma_wait3A_265, %dma_wait3A_266] : memref<10240x16xf32, #tpu.memory_space<vmem_shared>> -> memref<10240x16xf32, #tpu.memory_space<vmem_shared>>
    tpu.wait_indirect_dma semaphore(%arg28 : memref<!tpu.dma_semaphore, #tpu.memory_space<semaphore_mem>>) src(%arg16 : memref<128x16xf32, #tpu.memory_space<vmem>>) dst(%dma_wait3A_267 : memref<10240x16xf32, #tpu.memory_space<vmem_shared>>)
    %dma_wait3A_268 = arith.constant 0 : i32
    %dma_wait3A_269 = arith.constant 0 : i32
    %dma_wait3A_270 = tpu.memref_slice %arg10[%dma_wait3A_268, %dma_wait3A_269] : memref<80x128xi32, #tpu.memory_space<vmem>> -> memref<1x128xi32, #tpu.memory_space<vmem>>
    %dma_wait3A_271 = tpu.memref_squeeze %dma_wait3A_270 : memref<1x128xi32, #tpu.memory_space<vmem>> -> memref<128xi32, #tpu.memory_space<vmem>>
    %dma_wait3A_272 = arith.constant 0 : i32
    %dma_wait3A_273 = arith.constant 0 : i32
    %dma_wait3A_274 = tpu.memref_slice %arg23[%dma_wait3A_272, %dma_wait3A_273] : memref<10240x16xf32, #tpu.memory_space<vmem_shared>> -> memref<10240x16xf32, #tpu.memory_space<vmem_shared>>
    tpu.wait_indirect_dma semaphore(%arg28 : memref<!tpu.dma_semaphore, #tpu.memory_space<semaphore_mem>>) src(%arg17 : memref<128x16xf32, #tpu.memory_space<vmem>>) dst(%dma_wait3A_274 : memref<10240x16xf32, #tpu.memory_space<vmem_shared>>)
    %dma_wait3A_275 = arith.constant 0 : i32
    %dma_wait3A_276 = arith.constant 0 : i32
    %dma_wait3A_277 = tpu.memref_slice %arg10[%dma_wait3A_275, %dma_wait3A_276] : memref<80x128xi32, #tpu.memory_space<vmem>> -> memref<1x128xi32, #tpu.memory_space<vmem>>
    %dma_wait3A_278 = tpu.memref_squeeze %dma_wait3A_277 : memref<1x128xi32, #tpu.memory_space<vmem>> -> memref<128xi32, #tpu.memory_space<vmem>>
    %dma_wait3A_279 = arith.constant 0 : i32
    %dma_wait3A_280 = arith.constant 0 : i32
    %dma_wait3A_281 = tpu.memref_slice %arg23[%dma_wait3A_279, %dma_wait3A_280] : memref<10240x16xf32, #tpu.memory_space<vmem_shared>> -> memref<10240x16xf32, #tpu.memory_space<vmem_shared>>
    tpu.wait_indirect_dma semaphore(%arg28 : memref<!tpu.dma_semaphore, #tpu.memory_space<semaphore_mem>>) src(%arg18 : memref<128x16xf32, #tpu.memory_space<vmem>>) dst(%dma_wait3A_281 : memref<10240x16xf32, #tpu.memory_space<vmem_shared>>)
    %dma_start3A_282 = arith.constant 76 : i32
    %dma_start3A_283 = arith.constant 0 : i32
    %dma_start3A_284 = tpu.memref_slice %arg9[%dma_start3A_282, %dma_start3A_283] : memref<80x128xi32, #tpu.memory_space<vmem>> -> memref<1x128xi32, #tpu.memory_space<vmem>>
    %dma_start3A_285 = tpu.memref_squeeze %dma_start3A_284 : memref<1x128xi32, #tpu.memory_space<vmem>> -> memref<128xi32, #tpu.memory_space<vmem>>
    %dma_start3A_286 = arith.constant 0 : i32
    %dma_start3A_287 = arith.constant 0 : i32
    %dma_start3A_288 = tpu.memref_slice %arg24[%dma_start3A_286, %dma_start3A_287] : memref<10240x16xf32, #tpu.memory_space<vmem_shared>> -> memref<10240x16xf32, #tpu.memory_space<vmem_shared>>
    tpu.enqueue_indirect_dma source(%dma_start3A_288 : memref<10240x16xf32, #tpu.memory_space<vmem_shared>>) target(%arg15 : memref<128x16xf32, #tpu.memory_space<vmem>>) offsets(%dma_start3A_285 : memref<128xi32, #tpu.memory_space<vmem>>) semaphore(%arg26 : memref<!tpu.dma_semaphore, #tpu.memory_space<semaphore_mem>>)
    %dma_start3A_289 = arith.constant 77 : i32
    %dma_start3A_290 = arith.constant 0 : i32
    %dma_start3A_291 = tpu.memref_slice %arg9[%dma_start3A_289, %dma_start3A_290] : memref<80x128xi32, #tpu.memory_space<vmem>> -> memref<1x128xi32, #tpu.memory_space<vmem>>
    %dma_start3A_292 = tpu.memref_squeeze %dma_start3A_291 : memref<1x128xi32, #tpu.memory_space<vmem>> -> memref<128xi32, #tpu.memory_space<vmem>>
    %dma_start3A_293 = arith.constant 0 : i32
    %dma_start3A_294 = arith.constant 0 : i32
    %dma_start3A_295 = tpu.memref_slice %arg24[%dma_start3A_293, %dma_start3A_294] : memref<10240x16xf32, #tpu.memory_space<vmem_shared>> -> memref<10240x16xf32, #tpu.memory_space<vmem_shared>>
    tpu.enqueue_indirect_dma source(%dma_start3A_295 : memref<10240x16xf32, #tpu.memory_space<vmem_shared>>) target(%arg16 : memref<128x16xf32, #tpu.memory_space<vmem>>) offsets(%dma_start3A_292 : memref<128xi32, #tpu.memory_space<vmem>>) semaphore(%arg26 : memref<!tpu.dma_semaphore, #tpu.memory_space<semaphore_mem>>)
    %dma_start3A_296 = arith.constant 78 : i32
    %dma_start3A_297 = arith.constant 0 : i32
    %dma_start3A_298 = tpu.memref_slice %arg9[%dma_start3A_296, %dma_start3A_297] : memref<80x128xi32, #tpu.memory_space<vmem>> -> memref<1x128xi32, #tpu.memory_space<vmem>>
    %dma_start3A_299 = tpu.memref_squeeze %dma_start3A_298 : memref<1x128xi32, #tpu.memory_space<vmem>> -> memref<128xi32, #tpu.memory_space<vmem>>
    %dma_start3A_300 = arith.constant 0 : i32
    %dma_start3A_301 = arith.constant 0 : i32
    %dma_start3A_302 = tpu.memref_slice %arg24[%dma_start3A_300, %dma_start3A_301] : memref<10240x16xf32, #tpu.memory_space<vmem_shared>> -> memref<10240x16xf32, #tpu.memory_space<vmem_shared>>
    tpu.enqueue_indirect_dma source(%dma_start3A_302 : memref<10240x16xf32, #tpu.memory_space<vmem_shared>>) target(%arg17 : memref<128x16xf32, #tpu.memory_space<vmem>>) offsets(%dma_start3A_299 : memref<128xi32, #tpu.memory_space<vmem>>) semaphore(%arg26 : memref<!tpu.dma_semaphore, #tpu.memory_space<semaphore_mem>>)
    %dma_start3A_303 = arith.constant 79 : i32
    %dma_start3A_304 = arith.constant 0 : i32
    %dma_start3A_305 = tpu.memref_slice %arg9[%dma_start3A_303, %dma_start3A_304] : memref<80x128xi32, #tpu.memory_space<vmem>> -> memref<1x128xi32, #tpu.memory_space<vmem>>
    %dma_start3A_306 = tpu.memref_squeeze %dma_start3A_305 : memref<1x128xi32, #tpu.memory_space<vmem>> -> memref<128xi32, #tpu.memory_space<vmem>>
    %dma_start3A_307 = arith.constant 0 : i32
    %dma_start3A_308 = arith.constant 0 : i32
    %dma_start3A_309 = tpu.memref_slice %arg24[%dma_start3A_307, %dma_start3A_308] : memref<10240x16xf32, #tpu.memory_space<vmem_shared>> -> memref<10240x16xf32, #tpu.memory_space<vmem_shared>>
    tpu.enqueue_indirect_dma source(%dma_start3A_309 : memref<10240x16xf32, #tpu.memory_space<vmem_shared>>) target(%arg18 : memref<128x16xf32, #tpu.memory_space<vmem>>) offsets(%dma_start3A_306 : memref<128xi32, #tpu.memory_space<vmem>>) semaphore(%arg26 : memref<!tpu.dma_semaphore, #tpu.memory_space<semaphore_mem>>)
    %dma_wait3A_310 = arith.constant 0 : i32
    %dma_wait3A_311 = arith.constant 0 : i32
    %dma_wait3A_312 = tpu.memref_slice %arg9[%dma_wait3A_310, %dma_wait3A_311] : memref<80x128xi32, #tpu.memory_space<vmem>> -> memref<1x128xi32, #tpu.memory_space<vmem>>
    %dma_wait3A_313 = tpu.memref_squeeze %dma_wait3A_312 : memref<1x128xi32, #tpu.memory_space<vmem>> -> memref<128xi32, #tpu.memory_space<vmem>>
    %dma_wait3A_314 = arith.constant 0 : i32
    %dma_wait3A_315 = arith.constant 0 : i32
    %dma_wait3A_316 = tpu.memref_slice %arg24[%dma_wait3A_314, %dma_wait3A_315] : memref<10240x16xf32, #tpu.memory_space<vmem_shared>> -> memref<10240x16xf32, #tpu.memory_space<vmem_shared>>
    tpu.wait_indirect_dma semaphore(%arg25 : memref<!tpu.dma_semaphore, #tpu.memory_space<semaphore_mem>>) src(%dma_wait3A_316 : memref<10240x16xf32, #tpu.memory_space<vmem_shared>>) dst(%arg11 : memref<128x16xf32, #tpu.memory_space<vmem>>)
    %dma_wait3A_317 = arith.constant 0 : i32
    %dma_wait3A_318 = arith.constant 0 : i32
    %dma_wait3A_319 = tpu.memref_slice %arg9[%dma_wait3A_317, %dma_wait3A_318] : memref<80x128xi32, #tpu.memory_space<vmem>> -> memref<1x128xi32, #tpu.memory_space<vmem>>
    %dma_wait3A_320 = tpu.memref_squeeze %dma_wait3A_319 : memref<1x128xi32, #tpu.memory_space<vmem>> -> memref<128xi32, #tpu.memory_space<vmem>>
    %dma_wait3A_321 = arith.constant 0 : i32
    %dma_wait3A_322 = arith.constant 0 : i32
    %dma_wait3A_323 = tpu.memref_slice %arg24[%dma_wait3A_321, %dma_wait3A_322] : memref<10240x16xf32, #tpu.memory_space<vmem_shared>> -> memref<10240x16xf32, #tpu.memory_space<vmem_shared>>
    tpu.wait_indirect_dma semaphore(%arg25 : memref<!tpu.dma_semaphore, #tpu.memory_space<semaphore_mem>>) src(%dma_wait3A_323 : memref<10240x16xf32, #tpu.memory_space<vmem_shared>>) dst(%arg12 : memref<128x16xf32, #tpu.memory_space<vmem>>)
    %dma_wait3A_324 = arith.constant 0 : i32
    %dma_wait3A_325 = arith.constant 0 : i32
    %dma_wait3A_326 = tpu.memref_slice %arg9[%dma_wait3A_324, %dma_wait3A_325] : memref<80x128xi32, #tpu.memory_space<vmem>> -> memref<1x128xi32, #tpu.memory_space<vmem>>
    %dma_wait3A_327 = tpu.memref_squeeze %dma_wait3A_326 : memref<1x128xi32, #tpu.memory_space<vmem>> -> memref<128xi32, #tpu.memory_space<vmem>>
    %dma_wait3A_328 = arith.constant 0 : i32
    %dma_wait3A_329 = arith.constant 0 : i32
    %dma_wait3A_330 = tpu.memref_slice %arg24[%dma_wait3A_328, %dma_wait3A_329] : memref<10240x16xf32, #tpu.memory_space<vmem_shared>> -> memref<10240x16xf32, #tpu.memory_space<vmem_shared>>
    tpu.wait_indirect_dma semaphore(%arg25 : memref<!tpu.dma_semaphore, #tpu.memory_space<semaphore_mem>>) src(%dma_wait3A_330 : memref<10240x16xf32, #tpu.memory_space<vmem_shared>>) dst(%arg13 : memref<128x16xf32, #tpu.memory_space<vmem>>)
    %dma_wait3A_331 = arith.constant 0 : i32
    %dma_wait3A_332 = arith.constant 0 : i32
    %dma_wait3A_333 = tpu.memref_slice %arg9[%dma_wait3A_331, %dma_wait3A_332] : memref<80x128xi32, #tpu.memory_space<vmem>> -> memref<1x128xi32, #tpu.memory_space<vmem>>
    %dma_wait3A_334 = tpu.memref_squeeze %dma_wait3A_333 : memref<1x128xi32, #tpu.memory_space<vmem>> -> memref<128xi32, #tpu.memory_space<vmem>>
    %dma_wait3A_335 = arith.constant 0 : i32
    %dma_wait3A_336 = arith.constant 0 : i32
    %dma_wait3A_337 = tpu.memref_slice %arg24[%dma_wait3A_335, %dma_wait3A_336] : memref<10240x16xf32, #tpu.memory_space<vmem_shared>> -> memref<10240x16xf32, #tpu.memory_space<vmem_shared>>
    tpu.wait_indirect_dma semaphore(%arg25 : memref<!tpu.dma_semaphore, #tpu.memory_space<semaphore_mem>>) src(%dma_wait3A_337 : memref<10240x16xf32, #tpu.memory_space<vmem_shared>>) dst(%arg14 : memref<128x16xf32, #tpu.memory_space<vmem>>)
    %dma_start3A_338 = arith.constant 72 : i32
    %dma_start3A_339 = arith.constant 0 : i32
    %dma_start3A_340 = tpu.memref_slice %arg10[%dma_start3A_338, %dma_start3A_339] : memref<80x128xi32, #tpu.memory_space<vmem>> -> memref<1x128xi32, #tpu.memory_space<vmem>>
    %dma_start3A_341 = tpu.memref_squeeze %dma_start3A_340 : memref<1x128xi32, #tpu.memory_space<vmem>> -> memref<128xi32, #tpu.memory_space<vmem>>
    %dma_start3A_342 = arith.constant 0 : i32
    %dma_start3A_343 = arith.constant 0 : i32
    %dma_start3A_344 = tpu.memref_slice %arg23[%dma_start3A_342, %dma_start3A_343] : memref<10240x16xf32, #tpu.memory_space<vmem_shared>> -> memref<10240x16xf32, #tpu.memory_space<vmem_shared>>
    tpu.enqueue_indirect_dma source(%arg11 : memref<128x16xf32, #tpu.memory_space<vmem>>) target(%dma_start3A_344 : memref<10240x16xf32, #tpu.memory_space<vmem_shared>>) offsets(%dma_start3A_341 : memref<128xi32, #tpu.memory_space<vmem>>) semaphore(%arg27 : memref<!tpu.dma_semaphore, #tpu.memory_space<semaphore_mem>>) {add = true}
    %dma_start3A_345 = arith.constant 73 : i32
    %dma_start3A_346 = arith.constant 0 : i32
    %dma_start3A_347 = tpu.memref_slice %arg10[%dma_start3A_345, %dma_start3A_346] : memref<80x128xi32, #tpu.memory_space<vmem>> -> memref<1x128xi32, #tpu.memory_space<vmem>>
    %dma_start3A_348 = tpu.memref_squeeze %dma_start3A_347 : memref<1x128xi32, #tpu.memory_space<vmem>> -> memref<128xi32, #tpu.memory_space<vmem>>
    %dma_start3A_349 = arith.constant 0 : i32
    %dma_start3A_350 = arith.constant 0 : i32
    %dma_start3A_351 = tpu.memref_slice %arg23[%dma_start3A_349, %dma_start3A_350] : memref<10240x16xf32, #tpu.memory_space<vmem_shared>> -> memref<10240x16xf32, #tpu.memory_space<vmem_shared>>
    tpu.enqueue_indirect_dma source(%arg12 : memref<128x16xf32, #tpu.memory_space<vmem>>) target(%dma_start3A_351 : memref<10240x16xf32, #tpu.memory_space<vmem_shared>>) offsets(%dma_start3A_348 : memref<128xi32, #tpu.memory_space<vmem>>) semaphore(%arg27 : memref<!tpu.dma_semaphore, #tpu.memory_space<semaphore_mem>>) {add = true}
    %dma_start3A_352 = arith.constant 74 : i32
    %dma_start3A_353 = arith.constant 0 : i32
    %dma_start3A_354 = tpu.memref_slice %arg10[%dma_start3A_352, %dma_start3A_353] : memref<80x128xi32, #tpu.memory_space<vmem>> -> memref<1x128xi32, #tpu.memory_space<vmem>>
    %dma_start3A_355 = tpu.memref_squeeze %dma_start3A_354 : memref<1x128xi32, #tpu.memory_space<vmem>> -> memref<128xi32, #tpu.memory_space<vmem>>
    %dma_start3A_356 = arith.constant 0 : i32
    %dma_start3A_357 = arith.constant 0 : i32
    %dma_start3A_358 = tpu.memref_slice %arg23[%dma_start3A_356, %dma_start3A_357] : memref<10240x16xf32, #tpu.memory_space<vmem_shared>> -> memref<10240x16xf32, #tpu.memory_space<vmem_shared>>
    tpu.enqueue_indirect_dma source(%arg13 : memref<128x16xf32, #tpu.memory_space<vmem>>) target(%dma_start3A_358 : memref<10240x16xf32, #tpu.memory_space<vmem_shared>>) offsets(%dma_start3A_355 : memref<128xi32, #tpu.memory_space<vmem>>) semaphore(%arg27 : memref<!tpu.dma_semaphore, #tpu.memory_space<semaphore_mem>>) {add = true}
    %dma_start3A_359 = arith.constant 75 : i32
    %dma_start3A_360 = arith.constant 0 : i32
    %dma_start3A_361 = tpu.memref_slice %arg10[%dma_start3A_359, %dma_start3A_360] : memref<80x128xi32, #tpu.memory_space<vmem>> -> memref<1x128xi32, #tpu.memory_space<vmem>>
    %dma_start3A_362 = tpu.memref_squeeze %dma_start3A_361 : memref<1x128xi32, #tpu.memory_space<vmem>> -> memref<128xi32, #tpu.memory_space<vmem>>
    %dma_start3A_363 = arith.constant 0 : i32
    %dma_start3A_364 = arith.constant 0 : i32
    %dma_start3A_365 = tpu.memref_slice %arg23[%dma_start3A_363, %dma_start3A_364] : memref<10240x16xf32, #tpu.memory_space<vmem_shared>> -> memref<10240x16xf32, #tpu.memory_space<vmem_shared>>
    tpu.enqueue_indirect_dma source(%arg14 : memref<128x16xf32, #tpu.memory_space<vmem>>) target(%dma_start3A_365 : memref<10240x16xf32, #tpu.memory_space<vmem_shared>>) offsets(%dma_start3A_362 : memref<128xi32, #tpu.memory_space<vmem>>) semaphore(%arg27 : memref<!tpu.dma_semaphore, #tpu.memory_space<semaphore_mem>>) {add = true}
    %dma_wait3A_366 = arith.constant 0 : i32
    %dma_wait3A_367 = arith.constant 0 : i32
    %dma_wait3A_368 = tpu.memref_slice %arg10[%dma_wait3A_366, %dma_wait3A_367] : memref<80x128xi32, #tpu.memory_space<vmem>> -> memref<1x128xi32, #tpu.memory_space<vmem>>
    %dma_wait3A_369 = tpu.memref_squeeze %dma_wait3A_368 : memref<1x128xi32, #tpu.memory_space<vmem>> -> memref<128xi32, #tpu.memory_space<vmem>>
    %dma_wait3A_370 = arith.constant 0 : i32
    %dma_wait3A_371 = arith.constant 0 : i32
    %dma_wait3A_372 = tpu.memref_slice %arg23[%dma_wait3A_370, %dma_wait3A_371] : memref<10240x16xf32, #tpu.memory_space<vmem_shared>> -> memref<10240x16xf32, #tpu.memory_space<vmem_shared>>
    tpu.wait_indirect_dma semaphore(%arg27 : memref<!tpu.dma_semaphore, #tpu.memory_space<semaphore_mem>>) src(%arg11 : memref<128x16xf32, #tpu.memory_space<vmem>>) dst(%dma_wait3A_372 : memref<10240x16xf32, #tpu.memory_space<vmem_shared>>)
    %dma_wait3A_373 = arith.constant 0 : i32
    %dma_wait3A_374 = arith.constant 0 : i32
    %dma_wait3A_375 = tpu.memref_slice %arg10[%dma_wait3A_373, %dma_wait3A_374] : memref<80x128xi32, #tpu.memory_space<vmem>> -> memref<1x128xi32, #tpu.memory_space<vmem>>
    %dma_wait3A_376 = tpu.memref_squeeze %dma_wait3A_375 : memref<1x128xi32, #tpu.memory_space<vmem>> -> memref<128xi32, #tpu.memory_space<vmem>>
    %dma_wait3A_377 = arith.constant 0 : i32
    %dma_wait3A_378 = arith.constant 0 : i32
    %dma_wait3A_379 = tpu.memref_slice %arg23[%dma_wait3A_377, %dma_wait3A_378] : memref<10240x16xf32, #tpu.memory_space<vmem_shared>> -> memref<10240x16xf32, #tpu.memory_space<vmem_shared>>
    tpu.wait_indirect_dma semaphore(%arg27 : memref<!tpu.dma_semaphore, #tpu.memory_space<semaphore_mem>>) src(%arg12 : memref<128x16xf32, #tpu.memory_space<vmem>>) dst(%dma_wait3A_379 : memref<10240x16xf32, #tpu.memory_space<vmem_shared>>)
    %dma_wait3A_380 = arith.constant 0 : i32
    %dma_wait3A_381 = arith.constant 0 : i32
    %dma_wait3A_382 = tpu.memref_slice %arg10[%dma_wait3A_380, %dma_wait3A_381] : memref<80x128xi32, #tpu.memory_space<vmem>> -> memref<1x128xi32, #tpu.memory_space<vmem>>
    %dma_wait3A_383 = tpu.memref_squeeze %dma_wait3A_382 : memref<1x128xi32, #tpu.memory_space<vmem>> -> memref<128xi32, #tpu.memory_space<vmem>>
    %dma_wait3A_384 = arith.constant 0 : i32
    %dma_wait3A_385 = arith.constant 0 : i32
    %dma_wait3A_386 = tpu.memref_slice %arg23[%dma_wait3A_384, %dma_wait3A_385] : memref<10240x16xf32, #tpu.memory_space<vmem_shared>> -> memref<10240x16xf32, #tpu.memory_space<vmem_shared>>
    tpu.wait_indirect_dma semaphore(%arg27 : memref<!tpu.dma_semaphore, #tpu.memory_space<semaphore_mem>>) src(%arg13 : memref<128x16xf32, #tpu.memory_space<vmem>>) dst(%dma_wait3A_386 : memref<10240x16xf32, #tpu.memory_space<vmem_shared>>)
    %dma_wait3A_387 = arith.constant 0 : i32
    %dma_wait3A_388 = arith.constant 0 : i32
    %dma_wait3A_389 = tpu.memref_slice %arg10[%dma_wait3A_387, %dma_wait3A_388] : memref<80x128xi32, #tpu.memory_space<vmem>> -> memref<1x128xi32, #tpu.memory_space<vmem>>
    %dma_wait3A_390 = tpu.memref_squeeze %dma_wait3A_389 : memref<1x128xi32, #tpu.memory_space<vmem>> -> memref<128xi32, #tpu.memory_space<vmem>>
    %dma_wait3A_391 = arith.constant 0 : i32
    %dma_wait3A_392 = arith.constant 0 : i32
    %dma_wait3A_393 = tpu.memref_slice %arg23[%dma_wait3A_391, %dma_wait3A_392] : memref<10240x16xf32, #tpu.memory_space<vmem_shared>> -> memref<10240x16xf32, #tpu.memory_space<vmem_shared>>
    tpu.wait_indirect_dma semaphore(%arg27 : memref<!tpu.dma_semaphore, #tpu.memory_space<semaphore_mem>>) src(%arg14 : memref<128x16xf32, #tpu.memory_space<vmem>>) dst(%dma_wait3A_393 : memref<10240x16xf32, #tpu.memory_space<vmem_shared>>)
    %dma_wait3A_394 = arith.constant 0 : i32
    %dma_wait3A_395 = arith.constant 0 : i32
    %dma_wait3A_396 = tpu.memref_slice %arg9[%dma_wait3A_394, %dma_wait3A_395] : memref<80x128xi32, #tpu.memory_space<vmem>> -> memref<1x128xi32, #tpu.memory_space<vmem>>
    %dma_wait3A_397 = tpu.memref_squeeze %dma_wait3A_396 : memref<1x128xi32, #tpu.memory_space<vmem>> -> memref<128xi32, #tpu.memory_space<vmem>>
    %dma_wait3A_398 = arith.constant 0 : i32
    %dma_wait3A_399 = arith.constant 0 : i32
    %dma_wait3A_400 = tpu.memref_slice %arg24[%dma_wait3A_398, %dma_wait3A_399] : memref<10240x16xf32, #tpu.memory_space<vmem_shared>> -> memref<10240x16xf32, #tpu.memory_space<vmem_shared>>
    tpu.wait_indirect_dma semaphore(%arg26 : memref<!tpu.dma_semaphore, #tpu.memory_space<semaphore_mem>>) src(%dma_wait3A_400 : memref<10240x16xf32, #tpu.memory_space<vmem_shared>>) dst(%arg15 : memref<128x16xf32, #tpu.memory_space<vmem>>)
    %dma_wait3A_401 = arith.constant 0 : i32
    %dma_wait3A_402 = arith.constant 0 : i32
    %dma_wait3A_403 = tpu.memref_slice %arg9[%dma_wait3A_401, %dma_wait3A_402] : memref<80x128xi32, #tpu.memory_space<vmem>> -> memref<1x128xi32, #tpu.memory_space<vmem>>
    %dma_wait3A_404 = tpu.memref_squeeze %dma_wait3A_403 : memref<1x128xi32, #tpu.memory_space<vmem>> -> memref<128xi32, #tpu.memory_space<vmem>>
    %dma_wait3A_405 = arith.constant 0 : i32
    %dma_wait3A_406 = arith.constant 0 : i32
    %dma_wait3A_407 = tpu.memref_slice %arg24[%dma_wait3A_405, %dma_wait3A_406] : memref<10240x16xf32, #tpu.memory_space<vmem_shared>> -> memref<10240x16xf32, #tpu.memory_space<vmem_shared>>
    tpu.wait_indirect_dma semaphore(%arg26 : memref<!tpu.dma_semaphore, #tpu.memory_space<semaphore_mem>>) src(%dma_wait3A_407 : memref<10240x16xf32, #tpu.memory_space<vmem_shared>>) dst(%arg16 : memref<128x16xf32, #tpu.memory_space<vmem>>)
    %dma_wait3A_408 = arith.constant 0 : i32
    %dma_wait3A_409 = arith.constant 0 : i32
    %dma_wait3A_410 = tpu.memref_slice %arg9[%dma_wait3A_408, %dma_wait3A_409] : memref<80x128xi32, #tpu.memory_space<vmem>> -> memref<1x128xi32, #tpu.memory_space<vmem>>
    %dma_wait3A_411 = tpu.memref_squeeze %dma_wait3A_410 : memref<1x128xi32, #tpu.memory_space<vmem>> -> memref<128xi32, #tpu.memory_space<vmem>>
    %dma_wait3A_412 = arith.constant 0 : i32
    %dma_wait3A_413 = arith.constant 0 : i32
    %dma_wait3A_414 = tpu.memref_slice %arg24[%dma_wait3A_412, %dma_wait3A_413] : memref<10240x16xf32, #tpu.memory_space<vmem_shared>> -> memref<10240x16xf32, #tpu.memory_space<vmem_shared>>
    tpu.wait_indirect_dma semaphore(%arg26 : memref<!tpu.dma_semaphore, #tpu.memory_space<semaphore_mem>>) src(%dma_wait3A_414 : memref<10240x16xf32, #tpu.memory_space<vmem_shared>>) dst(%arg17 : memref<128x16xf32, #tpu.memory_space<vmem>>)
    %dma_wait3A_415 = arith.constant 0 : i32
    %dma_wait3A_416 = arith.constant 0 : i32
    %dma_wait3A_417 = tpu.memref_slice %arg9[%dma_wait3A_415, %dma_wait3A_416] : memref<80x128xi32, #tpu.memory_space<vmem>> -> memref<1x128xi32, #tpu.memory_space<vmem>>
    %dma_wait3A_418 = tpu.memref_squeeze %dma_wait3A_417 : memref<1x128xi32, #tpu.memory_space<vmem>> -> memref<128xi32, #tpu.memory_space<vmem>>
    %dma_wait3A_419 = arith.constant 0 : i32
    %dma_wait3A_420 = arith.constant 0 : i32
    %dma_wait3A_421 = tpu.memref_slice %arg24[%dma_wait3A_419, %dma_wait3A_420] : memref<10240x16xf32, #tpu.memory_space<vmem_shared>> -> memref<10240x16xf32, #tpu.memory_space<vmem_shared>>
    tpu.wait_indirect_dma semaphore(%arg26 : memref<!tpu.dma_semaphore, #tpu.memory_space<semaphore_mem>>) src(%dma_wait3A_421 : memref<10240x16xf32, #tpu.memory_space<vmem_shared>>) dst(%arg18 : memref<128x16xf32, #tpu.memory_space<vmem>>)
    %dma_start3A_422 = arith.constant 76 : i32
    %dma_start3A_423 = arith.constant 0 : i32
    %dma_start3A_424 = tpu.memref_slice %arg10[%dma_start3A_422, %dma_start3A_423] : memref<80x128xi32, #tpu.memory_space<vmem>> -> memref<1x128xi32, #tpu.memory_space<vmem>>
    %dma_start3A_425 = tpu.memref_squeeze %dma_start3A_424 : memref<1x128xi32, #tpu.memory_space<vmem>> -> memref<128xi32, #tpu.memory_space<vmem>>
    %dma_start3A_426 = arith.constant 0 : i32
    %dma_start3A_427 = arith.constant 0 : i32
    %dma_start3A_428 = tpu.memref_slice %arg23[%dma_start3A_426, %dma_start3A_427] : memref<10240x16xf32, #tpu.memory_space<vmem_shared>> -> memref<10240x16xf32, #tpu.memory_space<vmem_shared>>
    tpu.enqueue_indirect_dma source(%arg15 : memref<128x16xf32, #tpu.memory_space<vmem>>) target(%dma_start3A_428 : memref<10240x16xf32, #tpu.memory_space<vmem_shared>>) offsets(%dma_start3A_425 : memref<128xi32, #tpu.memory_space<vmem>>) semaphore(%arg28 : memref<!tpu.dma_semaphore, #tpu.memory_space<semaphore_mem>>) {add = true}
    %dma_start3A_429 = arith.constant 77 : i32
    %dma_start3A_430 = arith.constant 0 : i32
    %dma_start3A_431 = tpu.memref_slice %arg10[%dma_start3A_429, %dma_start3A_430] : memref<80x128xi32, #tpu.memory_space<vmem>> -> memref<1x128xi32, #tpu.memory_space<vmem>>
    %dma_start3A_432 = tpu.memref_squeeze %dma_start3A_431 : memref<1x128xi32, #tpu.memory_space<vmem>> -> memref<128xi32, #tpu.memory_space<vmem>>
    %dma_start3A_433 = arith.constant 0 : i32
    %dma_start3A_434 = arith.constant 0 : i32
    %dma_start3A_435 = tpu.memref_slice %arg23[%dma_start3A_433, %dma_start3A_434] : memref<10240x16xf32, #tpu.memory_space<vmem_shared>> -> memref<10240x16xf32, #tpu.memory_space<vmem_shared>>
    tpu.enqueue_indirect_dma source(%arg16 : memref<128x16xf32, #tpu.memory_space<vmem>>) target(%dma_start3A_435 : memref<10240x16xf32, #tpu.memory_space<vmem_shared>>) offsets(%dma_start3A_432 : memref<128xi32, #tpu.memory_space<vmem>>) semaphore(%arg28 : memref<!tpu.dma_semaphore, #tpu.memory_space<semaphore_mem>>) {add = true}
    %dma_start3A_436 = arith.constant 78 : i32
    %dma_start3A_437 = arith.constant 0 : i32
    %dma_start3A_438 = tpu.memref_slice %arg10[%dma_start3A_436, %dma_start3A_437] : memref<80x128xi32, #tpu.memory_space<vmem>> -> memref<1x128xi32, #tpu.memory_space<vmem>>
    %dma_start3A_439 = tpu.memref_squeeze %dma_start3A_438 : memref<1x128xi32, #tpu.memory_space<vmem>> -> memref<128xi32, #tpu.memory_space<vmem>>
    %dma_start3A_440 = arith.constant 0 : i32
    %dma_start3A_441 = arith.constant 0 : i32
    %dma_start3A_442 = tpu.memref_slice %arg23[%dma_start3A_440, %dma_start3A_441] : memref<10240x16xf32, #tpu.memory_space<vmem_shared>> -> memref<10240x16xf32, #tpu.memory_space<vmem_shared>>
    tpu.enqueue_indirect_dma source(%arg17 : memref<128x16xf32, #tpu.memory_space<vmem>>) target(%dma_start3A_442 : memref<10240x16xf32, #tpu.memory_space<vmem_shared>>) offsets(%dma_start3A_439 : memref<128xi32, #tpu.memory_space<vmem>>) semaphore(%arg28 : memref<!tpu.dma_semaphore, #tpu.memory_space<semaphore_mem>>) {add = true}
    %dma_start3A_443 = arith.constant 79 : i32
    %dma_start3A_444 = arith.constant 0 : i32
    %dma_start3A_445 = tpu.memref_slice %arg10[%dma_start3A_443, %dma_start3A_444] : memref<80x128xi32, #tpu.memory_space<vmem>> -> memref<1x128xi32, #tpu.memory_space<vmem>>
    %dma_start3A_446 = tpu.memref_squeeze %dma_start3A_445 : memref<1x128xi32, #tpu.memory_space<vmem>> -> memref<128xi32, #tpu.memory_space<vmem>>
    %dma_start3A_447 = arith.constant 0 : i32
    %dma_start3A_448 = arith.constant 0 : i32
    %dma_start3A_449 = tpu.memref_slice %arg23[%dma_start3A_447, %dma_start3A_448] : memref<10240x16xf32, #tpu.memory_space<vmem_shared>> -> memref<10240x16xf32, #tpu.memory_space<vmem_shared>>
    tpu.enqueue_indirect_dma source(%arg18 : memref<128x16xf32, #tpu.memory_space<vmem>>) target(%dma_start3A_449 : memref<10240x16xf32, #tpu.memory_space<vmem_shared>>) offsets(%dma_start3A_446 : memref<128xi32, #tpu.memory_space<vmem>>) semaphore(%arg28 : memref<!tpu.dma_semaphore, #tpu.memory_space<semaphore_mem>>) {add = true}
    %dma_wait3A_450 = arith.constant 0 : i32
    %dma_wait3A_451 = arith.constant 0 : i32
    %dma_wait3A_452 = tpu.memref_slice %arg10[%dma_wait3A_450, %dma_wait3A_451] : memref<80x128xi32, #tpu.memory_space<vmem>> -> memref<1x128xi32, #tpu.memory_space<vmem>>
    %dma_wait3A_453 = tpu.memref_squeeze %dma_wait3A_452 : memref<1x128xi32, #tpu.memory_space<vmem>> -> memref<128xi32, #tpu.memory_space<vmem>>
    %dma_wait3A_454 = arith.constant 0 : i32
    %dma_wait3A_455 = arith.constant 0 : i32
    %dma_wait3A_456 = tpu.memref_slice %arg23[%dma_wait3A_454, %dma_wait3A_455] : memref<10240x16xf32, #tpu.memory_space<vmem_shared>> -> memref<10240x16xf32, #tpu.memory_space<vmem_shared>>
    tpu.wait_indirect_dma semaphore(%arg28 : memref<!tpu.dma_semaphore, #tpu.memory_space<semaphore_mem>>) src(%arg15 : memref<128x16xf32, #tpu.memory_space<vmem>>) dst(%dma_wait3A_456 : memref<10240x16xf32, #tpu.memory_space<vmem_shared>>)
    %dma_wait3A_457 = arith.constant 0 : i32
    %dma_wait3A_458 = arith.constant 0 : i32
    %dma_wait3A_459 = tpu.memref_slice %arg10[%dma_wait3A_457, %dma_wait3A_458] : memref<80x128xi32, #tpu.memory_space<vmem>> -> memref<1x128xi32, #tpu.memory_space<vmem>>
    %dma_wait3A_460 = tpu.memref_squeeze %dma_wait3A_459 : memref<1x128xi32, #tpu.memory_space<vmem>> -> memref<128xi32, #tpu.memory_space<vmem>>
    %dma_wait3A_461 = arith.constant 0 : i32
    %dma_wait3A_462 = arith.constant 0 : i32
    %dma_wait3A_463 = tpu.memref_slice %arg23[%dma_wait3A_461, %dma_wait3A_462] : memref<10240x16xf32, #tpu.memory_space<vmem_shared>> -> memref<10240x16xf32, #tpu.memory_space<vmem_shared>>
    tpu.wait_indirect_dma semaphore(%arg28 : memref<!tpu.dma_semaphore, #tpu.memory_space<semaphore_mem>>) src(%arg16 : memref<128x16xf32, #tpu.memory_space<vmem>>) dst(%dma_wait3A_463 : memref<10240x16xf32, #tpu.memory_space<vmem_shared>>)
    %dma_wait3A_464 = arith.constant 0 : i32
    %dma_wait3A_465 = arith.constant 0 : i32
    %dma_wait3A_466 = tpu.memref_slice %arg10[%dma_wait3A_464, %dma_wait3A_465] : memref<80x128xi32, #tpu.memory_space<vmem>> -> memref<1x128xi32, #tpu.memory_space<vmem>>
    %dma_wait3A_467 = tpu.memref_squeeze %dma_wait3A_466 : memref<1x128xi32, #tpu.memory_space<vmem>> -> memref<128xi32, #tpu.memory_space<vmem>>
    %dma_wait3A_468 = arith.constant 0 : i32
    %dma_wait3A_469 = arith.constant 0 : i32
    %dma_wait3A_470 = tpu.memref_slice %arg23[%dma_wait3A_468, %dma_wait3A_469] : memref<10240x16xf32, #tpu.memory_space<vmem_shared>> -> memref<10240x16xf32, #tpu.memory_space<vmem_shared>>
    tpu.wait_indirect_dma semaphore(%arg28 : memref<!tpu.dma_semaphore, #tpu.memory_space<semaphore_mem>>) src(%arg17 : memref<128x16xf32, #tpu.memory_space<vmem>>) dst(%dma_wait3A_470 : memref<10240x16xf32, #tpu.memory_space<vmem_shared>>)
    %dma_wait3A_471 = arith.constant 0 : i32
    %dma_wait3A_472 = arith.constant 0 : i32
    %dma_wait3A_473 = tpu.memref_slice %arg10[%dma_wait3A_471, %dma_wait3A_472] : memref<80x128xi32, #tpu.memory_space<vmem>> -> memref<1x128xi32, #tpu.memory_space<vmem>>
    %dma_wait3A_474 = tpu.memref_squeeze %dma_wait3A_473 : memref<1x128xi32, #tpu.memory_space<vmem>> -> memref<128xi32, #tpu.memory_space<vmem>>
    %dma_wait3A_475 = arith.constant 0 : i32
    %dma_wait3A_476 = arith.constant 0 : i32
    %dma_wait3A_477 = tpu.memref_slice %arg23[%dma_wait3A_475, %dma_wait3A_476] : memref<10240x16xf32, #tpu.memory_space<vmem_shared>> -> memref<10240x16xf32, #tpu.memory_space<vmem_shared>>
    tpu.wait_indirect_dma semaphore(%arg28 : memref<!tpu.dma_semaphore, #tpu.memory_space<semaphore_mem>>) src(%arg18 : memref<128x16xf32, #tpu.memory_space<vmem>>) dst(%dma_wait3A_477 : memref<10240x16xf32, #tpu.memory_space<vmem_shared>>)
    %barrier3A_478 = arith.constant 0 : index
    tpu.barrier barrier_id(%barrier3A_478)
    %scan3A_479 = arith.constant 0 : i32
    %scan3A_480 = arith.constant 5 : i32
    %scan3A_481 = arith.addi %scan3A_479, %scan3A_480 : i32
    %scan3A_482 = arith.constant 1 : i32
    scf.for %scan3A_484 = %scan3A_479 to %scan3A_481 step %scan3A_482  : i32 {
      %mul3A_485 = arith.constant 128 : i32
      %mul3A_486 = arith.muli %scan3A_484, %mul3A_485 : i32
      %add3A_487 = arith.constant 0 : i32
      %add3A_488 = arith.addi %add3A_487, %mul3A_486 : i32
      %add3A_489 = arith.addi %mul3A_11, %add3A_488 : i32
      %add3A_490 = arith.addi %mul3A_11, %add3A_488 : i32
      "tpu.region"() ({
        %run_scoped3A_491 = tpu.sem_alloc : memref<!tpu.dma_semaphore, #tpu.memory_space<semaphore_mem>>
        %dma_start3A_492 = arith.constant 0 : i32
        %dma_start3A_493 = tpu.memref_slice %arg6[%arg0, %add3A_490, %dma_start3A_492] : memref<2x10240x16xf32, #tpu.memory_space<hbm>> -> memref<1x128x16xf32, #tpu.memory_space<hbm>>
        %dma_start3A_494 = tpu.memref_squeeze %dma_start3A_493 : memref<1x128x16xf32, #tpu.memory_space<hbm>> -> memref<128x16xf32, #tpu.memory_space<hbm>>
        %dma_start3A_495 = arith.constant 0 : i32
        %dma_start3A_496 = tpu.memref_slice %arg23[%add3A_489, %dma_start3A_495] : memref<10240x16xf32, #tpu.memory_space<vmem_shared>> -> memref<128x16xf32, #tpu.memory_space<vmem_shared>>
        tpu.enqueue_dma source(%dma_start3A_496 : memref<128x16xf32, #tpu.memory_space<vmem_shared>>) target(%dma_start3A_494 : memref<128x16xf32, #tpu.memory_space<hbm>>) target_semaphore(%run_scoped3A_491 : memref<!tpu.dma_semaphore, #tpu.memory_space<semaphore_mem>>)
        %dma_wait3A_497 = arith.constant 0 : i32
        %dma_wait3A_498 = tpu.memref_slice %arg6[%arg0, %add3A_490, %dma_wait3A_497] : memref<2x10240x16xf32, #tpu.memory_space<hbm>> -> memref<1x128x16xf32, #tpu.memory_space<hbm>>
        %dma_wait3A_499 = tpu.memref_squeeze %dma_wait3A_498 : memref<1x128x16xf32, #tpu.memory_space<hbm>> -> memref<128x16xf32, #tpu.memory_space<hbm>>
        %dma_wait3A_500 = arith.constant 0 : i32
        %dma_wait3A_501 = tpu.memref_slice %arg23[%add3A_489, %dma_wait3A_500] : memref<10240x16xf32, #tpu.memory_space<vmem_shared>> -> memref<128x16xf32, #tpu.memory_space<vmem_shared>>
        tpu.wait_dma2 semaphore(%run_scoped3A_491 : memref<!tpu.dma_semaphore, #tpu.memory_space<semaphore_mem>>) src(%dma_wait3A_501 : memref<128x16xf32, #tpu.memory_space<vmem_shared>>) dst(%dma_wait3A_499 : memref<128x16xf32, #tpu.memory_space<hbm>>)
        tpu.yield
      }) : () -> ()
    }
    %scan3A_483 = arith.constant 5 : i32
    return
  }
}

#map = affine_map<(d0, d1) -> (0, 0)>
#map1 = affine_map<(d0, d1) -> (0)>
#map2 = affine_map<(d0, d1) -> (0, 0, 0)>
module attributes {stable_mosaic.version = 14 : i64} {
  func.func @k(%arg0: i32, %arg1: i32, %arg2: memref<10240x16xf32, #tpu.memory_space<hbm>>, %arg3: memref<10240xf32, #tpu.memory_space<hbm>>, %arg4: memref<2x2560x128xi32, #tpu.memory_space<hbm>>, %arg5: memref<2x10240x16xf32, #tpu.memory_space<hbm>>, %arg6: memref<80x128xi32, #tpu.memory_space<vmem>>, %arg7: memref<80x128xi32, #tpu.memory_space<vmem>>, %arg8: memref<128x16xf32, #tpu.memory_space<vmem>>, %arg9: memref<128x16xf32, #tpu.memory_space<vmem>>, %arg10: memref<128x16xf32, #tpu.memory_space<vmem>>, %arg11: memref<128x16xf32, #tpu.memory_space<vmem>>, %arg12: memref<128x16xf32, #tpu.memory_space<vmem>>, %arg13: memref<128x16xf32, #tpu.memory_space<vmem>>, %arg14: memref<128x16xf32, #tpu.memory_space<vmem>>, %arg15: memref<128x16xf32, #tpu.memory_space<vmem>>, %arg16: memref<640x16xf32, #tpu.memory_space<vmem>>, %arg17: memref<640xf32, #tpu.memory_space<vmem>>, %arg18: memref<10240x16xf32, #tpu.memory_space<vmem_shared>>, %arg19: memref<10240x16xf32, #tpu.memory_space<vmem_shared>>, %arg20: memref<!tpu.dma_semaphore, #tpu.memory_space<semaphore_mem>>, %arg21: memref<!tpu.dma_semaphore, #tpu.memory_space<semaphore_mem>>, %arg22: memref<!tpu.dma_semaphore, #tpu.memory_space<semaphore_mem>>, %arg23: memref<!tpu.dma_semaphore, #tpu.memory_space<semaphore_mem>>) attributes {dimension_semantics = [#tpu.dimension_semantics<core_parallel>, #tpu.dimension_semantics<subcore_parallel>], iteration_bounds = array<i64: 2, 16>, scalar_prefetch = 0 : i64, scratch_operands = 18 : i64, tpu.core_type = #tpu.core_type<sc_vector_subcore>, window_params = [{transform_indices = #map}, {transform_indices = #map1}, {transform_indices = #map2}, {transform_indices = #map2}]} {
    %mul3A = arith.constant 16 : i32
    %mul3A_0 = arith.muli %arg0, %mul3A : i32
    %add3A = arith.addi %mul3A_0, %arg1 : i32
    %mul3A_1 = arith.constant 640 : i32
    %mul3A_2 = arith.muli %arg1, %mul3A_1 : i32
    "tpu.region"() ({
      %run_scoped3A_477 = tpu.sem_alloc : memref<!tpu.dma_semaphore, #tpu.memory_space<semaphore_mem>>
      %dma_start3A_478 = arith.constant 0 : i32
      %dma_start3A_479 = tpu.memref_slice %arg2[%mul3A_2, %dma_start3A_478] : memref<10240x16xf32, #tpu.memory_space<hbm>> -> memref<640x16xf32, #tpu.memory_space<hbm>>
      %dma_start3A_480 = arith.constant 0 : i32
      %dma_start3A_481 = tpu.memref_slice %arg2[%mul3A_2, %dma_start3A_480] : memref<10240x16xf32, #tpu.memory_space<hbm>> -> memref<640x16xf32, #tpu.memory_space<hbm>>
      tpu.enqueue_dma source(%dma_start3A_481 : memref<640x16xf32, #tpu.memory_space<hbm>>) target(%arg16 : memref<640x16xf32, #tpu.memory_space<vmem>>) target_semaphore(%run_scoped3A_477 : memref<!tpu.dma_semaphore, #tpu.memory_space<semaphore_mem>>)
      %dma_wait3A_482 = arith.constant 0 : i32
      %dma_wait3A_483 = tpu.memref_slice %arg2[%mul3A_2, %dma_wait3A_482] : memref<10240x16xf32, #tpu.memory_space<hbm>> -> memref<640x16xf32, #tpu.memory_space<hbm>>
      %dma_wait3A_484 = arith.constant 0 : i32
      %dma_wait3A_485 = tpu.memref_slice %arg2[%mul3A_2, %dma_wait3A_484] : memref<10240x16xf32, #tpu.memory_space<hbm>> -> memref<640x16xf32, #tpu.memory_space<hbm>>
      tpu.wait_dma2 semaphore(%run_scoped3A_477 : memref<!tpu.dma_semaphore, #tpu.memory_space<semaphore_mem>>) src(%dma_wait3A_485 : memref<640x16xf32, #tpu.memory_space<hbm>>) dst(%arg16 : memref<640x16xf32, #tpu.memory_space<vmem>>)
      tpu.yield
    }) : () -> ()
    "tpu.region"() ({
      %run_scoped3A_477 = tpu.sem_alloc : memref<!tpu.dma_semaphore, #tpu.memory_space<semaphore_mem>>
      %dma_start3A_478 = tpu.memref_slice %arg3[%mul3A_2] : memref<10240xf32, #tpu.memory_space<hbm>> -> memref<640xf32, #tpu.memory_space<hbm>>
      %dma_start3A_479 = tpu.memref_slice %arg3[%mul3A_2] : memref<10240xf32, #tpu.memory_space<hbm>> -> memref<640xf32, #tpu.memory_space<hbm>>
      tpu.enqueue_dma source(%dma_start3A_479 : memref<640xf32, #tpu.memory_space<hbm>>) target(%arg17 : memref<640xf32, #tpu.memory_space<vmem>>) target_semaphore(%run_scoped3A_477 : memref<!tpu.dma_semaphore, #tpu.memory_space<semaphore_mem>>)
      %dma_wait3A_480 = tpu.memref_slice %arg3[%mul3A_2] : memref<10240xf32, #tpu.memory_space<hbm>> -> memref<640xf32, #tpu.memory_space<hbm>>
      %dma_wait3A_481 = tpu.memref_slice %arg3[%mul3A_2] : memref<10240xf32, #tpu.memory_space<hbm>> -> memref<640xf32, #tpu.memory_space<hbm>>
      tpu.wait_dma2 semaphore(%run_scoped3A_477 : memref<!tpu.dma_semaphore, #tpu.memory_space<semaphore_mem>>) src(%dma_wait3A_481 : memref<640xf32, #tpu.memory_space<hbm>>) dst(%arg17 : memref<640xf32, #tpu.memory_space<vmem>>)
      tpu.yield
    }) : () -> ()
    %scan3A = arith.constant 0 : i32
    %scan3A_3 = arith.constant 640 : i32
    %scan3A_4 = arith.addi %scan3A, %scan3A_3 : i32
    %scan3A_5 = arith.constant 1 : i32
    scf.for %scan3A_477 = %scan3A to %scan3A_4 step %scan3A_5  : i32 {
      %mul3A_478 = arith.constant 1 : i32
      %mul3A_479 = arith.muli %scan3A_477, %mul3A_478 : i32
      %add3A_480 = arith.constant 0 : i32
      %add3A_481 = arith.addi %add3A_480, %mul3A_479 : i32
      %broadcast_in_dim3A = vector.broadcast %add3A_481 : i32 to vector<16xi32>
      %gather3A = tpu.vector_load_idx %arg17[%broadcast_in_dim3A] : memref<640xf32, #tpu.memory_space<vmem>>[vector<16xi32>], vector<16xf32>,
      %get3A = arith.index_cast %add3A_481 : i32 to index
      %get3A_482 = arith.constant 0 : index
      %get3A_483 = tpu.vector_load %arg16[%get3A, %get3A_482] {strides = array<i32>} : memref<640x16xf32, #tpu.memory_space<vmem>>, vector<16xf32>,
      %mul3A_484 = arith.mulf %get3A_483, %gather3A : vector<16xf32>
      %swap3A = arith.index_cast %add3A_481 : i32 to index
      %swap3A_485 = arith.constant 0 : index
      %swap3A_486 = tpu.vector_load %arg16[%swap3A, %swap3A_485] {strides = array<i32>} : memref<640x16xf32, #tpu.memory_space<vmem>>, vector<16xf32>,
      tpu.vector_store %arg16[%swap3A, %swap3A_485], %mul3A_484 {strides = array<i32>} : memref<640x16xf32, #tpu.memory_space<vmem>>, vector<16xf32>,
    }
    %scan3A_6 = arith.constant 640 : i32
    %mul3A_7 = arith.constant 640 : i32
    %mul3A_8 = arith.muli %arg1, %mul3A_7 : i32
    "tpu.region"() ({
      %run_scoped3A_477 = tpu.sem_alloc : memref<!tpu.dma_semaphore, #tpu.memory_space<semaphore_mem>>
      %dma_start3A_478 = arith.constant 0 : i32
      %dma_start3A_479 = tpu.memref_slice %arg19[%mul3A_8, %dma_start3A_478] : memref<10240x16xf32, #tpu.memory_space<vmem_shared>> -> memref<640x16xf32, #tpu.memory_space<vmem_shared>>
      %dma_start3A_480 = arith.constant 0 : i32
      %dma_start3A_481 = tpu.memref_slice %arg19[%mul3A_8, %dma_start3A_480] : memref<10240x16xf32, #tpu.memory_space<vmem_shared>> -> memref<640x16xf32, #tpu.memory_space<vmem_shared>>
      tpu.enqueue_dma source(%arg16 : memref<640x16xf32, #tpu.memory_space<vmem>>) target(%dma_start3A_481 : memref<640x16xf32, #tpu.memory_space<vmem_shared>>) target_semaphore(%run_scoped3A_477 : memref<!tpu.dma_semaphore, #tpu.memory_space<semaphore_mem>>)
      %dma_wait3A_482 = arith.constant 0 : i32
      %dma_wait3A_483 = tpu.memref_slice %arg19[%mul3A_8, %dma_wait3A_482] : memref<10240x16xf32, #tpu.memory_space<vmem_shared>> -> memref<640x16xf32, #tpu.memory_space<vmem_shared>>
      %dma_wait3A_484 = arith.constant 0 : i32
      %dma_wait3A_485 = tpu.memref_slice %arg19[%mul3A_8, %dma_wait3A_484] : memref<10240x16xf32, #tpu.memory_space<vmem_shared>> -> memref<640x16xf32, #tpu.memory_space<vmem_shared>>
      tpu.wait_dma2 semaphore(%run_scoped3A_477 : memref<!tpu.dma_semaphore, #tpu.memory_space<semaphore_mem>>) src(%arg16 : memref<640x16xf32, #tpu.memory_space<vmem>>) dst(%dma_wait3A_485 : memref<640x16xf32, #tpu.memory_space<vmem_shared>>)
      tpu.yield
    }) : () -> ()
    %eq3A = arith.constant 0 : i32
    %eq3A_9 = arith.cmpi eq, %arg0, %eq3A : i32
    %convert_element_type3A = arith.extui %eq3A_9 : i1 to i32
    %cond3A = arith.constant 0 : i32
    %cond3A_10 = arith.cmpi ne, %convert_element_type3A, %cond3A : i32
    scf.if %cond3A_10 {
      "tpu.region"() ({
        %run_scoped3A_477 = tpu.sem_alloc : memref<!tpu.dma_semaphore, #tpu.memory_space<semaphore_mem>>
        %dma_start3A_478 = arith.constant 0 : i32
        %dma_start3A_479 = tpu.memref_slice %arg18[%mul3A_8, %dma_start3A_478] : memref<10240x16xf32, #tpu.memory_space<vmem_shared>> -> memref<640x16xf32, #tpu.memory_space<vmem_shared>>
        %dma_start3A_480 = arith.constant 0 : i32
        %dma_start3A_481 = tpu.memref_slice %arg18[%mul3A_8, %dma_start3A_480] : memref<10240x16xf32, #tpu.memory_space<vmem_shared>> -> memref<640x16xf32, #tpu.memory_space<vmem_shared>>
        tpu.enqueue_dma source(%arg16 : memref<640x16xf32, #tpu.memory_space<vmem>>) target(%dma_start3A_481 : memref<640x16xf32, #tpu.memory_space<vmem_shared>>) target_semaphore(%run_scoped3A_477 : memref<!tpu.dma_semaphore, #tpu.memory_space<semaphore_mem>>)
        %dma_wait3A_482 = arith.constant 0 : i32
        %dma_wait3A_483 = tpu.memref_slice %arg18[%mul3A_8, %dma_wait3A_482] : memref<10240x16xf32, #tpu.memory_space<vmem_shared>> -> memref<640x16xf32, #tpu.memory_space<vmem_shared>>
        %dma_wait3A_484 = arith.constant 0 : i32
        %dma_wait3A_485 = tpu.memref_slice %arg18[%mul3A_8, %dma_wait3A_484] : memref<10240x16xf32, #tpu.memory_space<vmem_shared>> -> memref<640x16xf32, #tpu.memory_space<vmem_shared>>
        tpu.wait_dma2 semaphore(%run_scoped3A_477 : memref<!tpu.dma_semaphore, #tpu.memory_space<semaphore_mem>>) src(%arg16 : memref<640x16xf32, #tpu.memory_space<vmem>>) dst(%dma_wait3A_485 : memref<640x16xf32, #tpu.memory_space<vmem_shared>>)
        tpu.yield
      }) : () -> ()
    } else {
    }
    %ne3A = arith.constant 0 : i32
    %ne3A_11 = arith.cmpi ne, %arg0, %ne3A : i32
    %convert_element_type3A_12 = arith.extui %ne3A_11 : i1 to i32
    %cond3A_13 = arith.constant 0 : i32
    %cond3A_14 = arith.cmpi ne, %convert_element_type3A_12, %cond3A_13 : i32
    scf.if %cond3A_14 {
      %scan3A_477 = arith.constant 0 : i32
      %scan3A_478 = arith.constant 128 : i32
      %scan3A_479 = arith.addi %scan3A_477, %scan3A_478 : i32
      %scan3A_480 = arith.constant 1 : i32
      scf.for %scan3A_487 = %scan3A_477 to %scan3A_479 step %scan3A_480  : i32 {
        %mul3A_488 = arith.constant 1 : i32
        %mul3A_489 = arith.muli %scan3A_487, %mul3A_488 : i32
        %add3A_490 = arith.constant 0 : i32
        %add3A_491 = arith.addi %add3A_490, %mul3A_489 : i32
        %broadcast_in_dim3A = arith.constant 0.000000e+00 : f32
        %broadcast_in_dim3A_492 = vector.broadcast %broadcast_in_dim3A : f32 to vector<16xf32>
        %swap3A = arith.index_cast %add3A_491 : i32 to index
        %swap3A_493 = arith.constant 0 : index
        %swap3A_494 = tpu.vector_load %arg8[%swap3A, %swap3A_493] {strides = array<i32>} : memref<128x16xf32, #tpu.memory_space<vmem>>, vector<16xf32>,
        tpu.vector_store %arg8[%swap3A, %swap3A_493], %broadcast_in_dim3A_492 {strides = array<i32>} : memref<128x16xf32, #tpu.memory_space<vmem>>, vector<16xf32>,
      }
      %scan3A_481 = arith.constant 128 : i32
      %scan3A_482 = arith.constant 0 : i32
      %scan3A_483 = arith.constant 5 : i32
      %scan3A_484 = arith.addi %scan3A_482, %scan3A_483 : i32
      %scan3A_485 = arith.constant 1 : i32
      scf.for %scan3A_487 = %scan3A_482 to %scan3A_484 step %scan3A_485  : i32 {
        %mul3A_488 = arith.constant 128 : i32
        %mul3A_489 = arith.muli %scan3A_487, %mul3A_488 : i32
        %add3A_490 = arith.constant 0 : i32
        %add3A_491 = arith.addi %add3A_490, %mul3A_489 : i32
        %add3A_492 = arith.addi %mul3A_8, %add3A_491 : i32
        "tpu.region"() ({
          %run_scoped3A_493 = tpu.sem_alloc : memref<!tpu.dma_semaphore, #tpu.memory_space<semaphore_mem>>
          %dma_start3A_494 = arith.constant 0 : i32
          %dma_start3A_495 = tpu.memref_slice %arg18[%add3A_492, %dma_start3A_494] : memref<10240x16xf32, #tpu.memory_space<vmem_shared>> -> memref<128x16xf32, #tpu.memory_space<vmem_shared>>
          %dma_start3A_496 = arith.constant 0 : i32
          %dma_start3A_497 = tpu.memref_slice %arg18[%add3A_492, %dma_start3A_496] : memref<10240x16xf32, #tpu.memory_space<vmem_shared>> -> memref<128x16xf32, #tpu.memory_space<vmem_shared>>
          tpu.enqueue_dma source(%arg8 : memref<128x16xf32, #tpu.memory_space<vmem>>) target(%dma_start3A_497 : memref<128x16xf32, #tpu.memory_space<vmem_shared>>) target_semaphore(%run_scoped3A_493 : memref<!tpu.dma_semaphore, #tpu.memory_space<semaphore_mem>>)
          %dma_wait3A_498 = arith.constant 0 : i32
          %dma_wait3A_499 = tpu.memref_slice %arg18[%add3A_492, %dma_wait3A_498] : memref<10240x16xf32, #tpu.memory_space<vmem_shared>> -> memref<128x16xf32, #tpu.memory_space<vmem_shared>>
          %dma_wait3A_500 = arith.constant 0 : i32
          %dma_wait3A_501 = tpu.memref_slice %arg18[%add3A_492, %dma_wait3A_500] : memref<10240x16xf32, #tpu.memory_space<vmem_shared>> -> memref<128x16xf32, #tpu.memory_space<vmem_shared>>
          tpu.wait_dma2 semaphore(%run_scoped3A_493 : memref<!tpu.dma_semaphore, #tpu.memory_space<semaphore_mem>>) src(%arg8 : memref<128x16xf32, #tpu.memory_space<vmem>>) dst(%dma_wait3A_501 : memref<128x16xf32, #tpu.memory_space<vmem_shared>>)
          tpu.yield
        }) : () -> ()
      }
      %scan3A_486 = arith.constant 5 : i32
    } else {
    }
    %mul3A_15 = arith.constant 80 : i32
    %mul3A_16 = arith.muli %add3A, %mul3A_15 : i32
    %run_scoped3A = arith.constant 0 : i32
    "tpu.region"() ({
      %run_scoped3A_477 = tpu.sem_alloc : memref<!tpu.dma_semaphore, #tpu.memory_space<semaphore_mem>>
      %dma_start3A_478 = arith.constant 0 : i32
      %dma_start3A_479 = tpu.memref_slice %arg4[%run_scoped3A, %mul3A_16, %dma_start3A_478] : memref<2x2560x128xi32, #tpu.memory_space<hbm>> -> memref<1x80x128xi32, #tpu.memory_space<hbm>>
      %dma_start3A_480 = tpu.memref_squeeze %dma_start3A_479 : memref<1x80x128xi32, #tpu.memory_space<hbm>> -> memref<80x128xi32, #tpu.memory_space<hbm>>
      %dma_start3A_481 = arith.constant 0 : i32
      %dma_start3A_482 = tpu.memref_slice %arg4[%run_scoped3A, %mul3A_16, %dma_start3A_481] : memref<2x2560x128xi32, #tpu.memory_space<hbm>> -> memref<1x80x128xi32, #tpu.memory_space<hbm>>
      %dma_start3A_483 = tpu.memref_squeeze %dma_start3A_482 : memref<1x80x128xi32, #tpu.memory_space<hbm>> -> memref<80x128xi32, #tpu.memory_space<hbm>>
      tpu.enqueue_dma source(%dma_start3A_483 : memref<80x128xi32, #tpu.memory_space<hbm>>) target(%arg6 : memref<80x128xi32, #tpu.memory_space<vmem>>) target_semaphore(%run_scoped3A_477 : memref<!tpu.dma_semaphore, #tpu.memory_space<semaphore_mem>>)
      %dma_wait3A_484 = arith.constant 0 : i32
      %dma_wait3A_485 = tpu.memref_slice %arg4[%run_scoped3A, %mul3A_16, %dma_wait3A_484] : memref<2x2560x128xi32, #tpu.memory_space<hbm>> -> memref<1x80x128xi32, #tpu.memory_space<hbm>>
      %dma_wait3A_486 = tpu.memref_squeeze %dma_wait3A_485 : memref<1x80x128xi32, #tpu.memory_space<hbm>> -> memref<80x128xi32, #tpu.memory_space<hbm>>
      %dma_wait3A_487 = arith.constant 0 : i32
      %dma_wait3A_488 = tpu.memref_slice %arg4[%run_scoped3A, %mul3A_16, %dma_wait3A_487] : memref<2x2560x128xi32, #tpu.memory_space<hbm>> -> memref<1x80x128xi32, #tpu.memory_space<hbm>>
      %dma_wait3A_489 = tpu.memref_squeeze %dma_wait3A_488 : memref<1x80x128xi32, #tpu.memory_space<hbm>> -> memref<80x128xi32, #tpu.memory_space<hbm>>
      tpu.wait_dma2 semaphore(%run_scoped3A_477 : memref<!tpu.dma_semaphore, #tpu.memory_space<semaphore_mem>>) src(%dma_wait3A_489 : memref<80x128xi32, #tpu.memory_space<hbm>>) dst(%arg6 : memref<80x128xi32, #tpu.memory_space<vmem>>)
      tpu.yield
    }) : () -> ()
    %mul3A_17 = arith.constant 80 : i32
    %mul3A_18 = arith.muli %add3A, %mul3A_17 : i32
    %run_scoped3A_19 = arith.constant 1 : i32
    "tpu.region"() ({
      %run_scoped3A_477 = tpu.sem_alloc : memref<!tpu.dma_semaphore, #tpu.memory_space<semaphore_mem>>
      %dma_start3A_478 = arith.constant 0 : i32
      %dma_start3A_479 = tpu.memref_slice %arg4[%run_scoped3A_19, %mul3A_18, %dma_start3A_478] : memref<2x2560x128xi32, #tpu.memory_space<hbm>> -> memref<1x80x128xi32, #tpu.memory_space<hbm>>
      %dma_start3A_480 = tpu.memref_squeeze %dma_start3A_479 : memref<1x80x128xi32, #tpu.memory_space<hbm>> -> memref<80x128xi32, #tpu.memory_space<hbm>>
      %dma_start3A_481 = arith.constant 0 : i32
      %dma_start3A_482 = tpu.memref_slice %arg4[%run_scoped3A_19, %mul3A_18, %dma_start3A_481] : memref<2x2560x128xi32, #tpu.memory_space<hbm>> -> memref<1x80x128xi32, #tpu.memory_space<hbm>>
      %dma_start3A_483 = tpu.memref_squeeze %dma_start3A_482 : memref<1x80x128xi32, #tpu.memory_space<hbm>> -> memref<80x128xi32, #tpu.memory_space<hbm>>
      tpu.enqueue_dma source(%dma_start3A_483 : memref<80x128xi32, #tpu.memory_space<hbm>>) target(%arg7 : memref<80x128xi32, #tpu.memory_space<vmem>>) target_semaphore(%run_scoped3A_477 : memref<!tpu.dma_semaphore, #tpu.memory_space<semaphore_mem>>)
      %dma_wait3A_484 = arith.constant 0 : i32
      %dma_wait3A_485 = tpu.memref_slice %arg4[%run_scoped3A_19, %mul3A_18, %dma_wait3A_484] : memref<2x2560x128xi32, #tpu.memory_space<hbm>> -> memref<1x80x128xi32, #tpu.memory_space<hbm>>
      %dma_wait3A_486 = tpu.memref_squeeze %dma_wait3A_485 : memref<1x80x128xi32, #tpu.memory_space<hbm>> -> memref<80x128xi32, #tpu.memory_space<hbm>>
      %dma_wait3A_487 = arith.constant 0 : i32
      %dma_wait3A_488 = tpu.memref_slice %arg4[%run_scoped3A_19, %mul3A_18, %dma_wait3A_487] : memref<2x2560x128xi32, #tpu.memory_space<hbm>> -> memref<1x80x128xi32, #tpu.memory_space<hbm>>
      %dma_wait3A_489 = tpu.memref_squeeze %dma_wait3A_488 : memref<1x80x128xi32, #tpu.memory_space<hbm>> -> memref<80x128xi32, #tpu.memory_space<hbm>>
      tpu.wait_dma2 semaphore(%run_scoped3A_477 : memref<!tpu.dma_semaphore, #tpu.memory_space<semaphore_mem>>) src(%dma_wait3A_489 : memref<80x128xi32, #tpu.memory_space<hbm>>) dst(%arg7 : memref<80x128xi32, #tpu.memory_space<vmem>>)
      tpu.yield
    }) : () -> ()
    %barrier3A = arith.constant 0 : index
    tpu.barrier barrier_id(%barrier3A)
    %dma_start3A = arith.constant 0 : i32
    %dma_start3A_20 = arith.constant 0 : i32
    %dma_start3A_21 = tpu.memref_slice %arg6[%dma_start3A, %dma_start3A_20] : memref<80x128xi32, #tpu.memory_space<vmem>> -> memref<1x128xi32, #tpu.memory_space<vmem>>
    %dma_start3A_22 = tpu.memref_squeeze %dma_start3A_21 : memref<1x128xi32, #tpu.memory_space<vmem>> -> memref<128xi32, #tpu.memory_space<vmem>>
    %dma_start3A_23 = arith.constant 0 : i32
    %dma_start3A_24 = arith.constant 0 : i32
    %dma_start3A_25 = tpu.memref_slice %arg19[%dma_start3A_23, %dma_start3A_24] : memref<10240x16xf32, #tpu.memory_space<vmem_shared>> -> memref<10240x16xf32, #tpu.memory_space<vmem_shared>>
    tpu.enqueue_indirect_dma source(%dma_start3A_25 : memref<10240x16xf32, #tpu.memory_space<vmem_shared>>) target(%arg8 : memref<128x16xf32, #tpu.memory_space<vmem>>) offsets(%dma_start3A_22 : memref<128xi32, #tpu.memory_space<vmem>>) semaphore(%arg20 : memref<!tpu.dma_semaphore, #tpu.memory_space<semaphore_mem>>)
    %dma_start3A_26 = arith.constant 1 : i32
    %dma_start3A_27 = arith.constant 0 : i32
    %dma_start3A_28 = tpu.memref_slice %arg6[%dma_start3A_26, %dma_start3A_27] : memref<80x128xi32, #tpu.memory_space<vmem>> -> memref<1x128xi32, #tpu.memory_space<vmem>>
    %dma_start3A_29 = tpu.memref_squeeze %dma_start3A_28 : memref<1x128xi32, #tpu.memory_space<vmem>> -> memref<128xi32, #tpu.memory_space<vmem>>
    %dma_start3A_30 = arith.constant 0 : i32
    %dma_start3A_31 = arith.constant 0 : i32
    %dma_start3A_32 = tpu.memref_slice %arg19[%dma_start3A_30, %dma_start3A_31] : memref<10240x16xf32, #tpu.memory_space<vmem_shared>> -> memref<10240x16xf32, #tpu.memory_space<vmem_shared>>
    tpu.enqueue_indirect_dma source(%dma_start3A_32 : memref<10240x16xf32, #tpu.memory_space<vmem_shared>>) target(%arg9 : memref<128x16xf32, #tpu.memory_space<vmem>>) offsets(%dma_start3A_29 : memref<128xi32, #tpu.memory_space<vmem>>) semaphore(%arg20 : memref<!tpu.dma_semaphore, #tpu.memory_space<semaphore_mem>>)
    %dma_start3A_33 = arith.constant 2 : i32
    %dma_start3A_34 = arith.constant 0 : i32
    %dma_start3A_35 = tpu.memref_slice %arg6[%dma_start3A_33, %dma_start3A_34] : memref<80x128xi32, #tpu.memory_space<vmem>> -> memref<1x128xi32, #tpu.memory_space<vmem>>
    %dma_start3A_36 = tpu.memref_squeeze %dma_start3A_35 : memref<1x128xi32, #tpu.memory_space<vmem>> -> memref<128xi32, #tpu.memory_space<vmem>>
    %dma_start3A_37 = arith.constant 0 : i32
    %dma_start3A_38 = arith.constant 0 : i32
    %dma_start3A_39 = tpu.memref_slice %arg19[%dma_start3A_37, %dma_start3A_38] : memref<10240x16xf32, #tpu.memory_space<vmem_shared>> -> memref<10240x16xf32, #tpu.memory_space<vmem_shared>>
    tpu.enqueue_indirect_dma source(%dma_start3A_39 : memref<10240x16xf32, #tpu.memory_space<vmem_shared>>) target(%arg10 : memref<128x16xf32, #tpu.memory_space<vmem>>) offsets(%dma_start3A_36 : memref<128xi32, #tpu.memory_space<vmem>>) semaphore(%arg20 : memref<!tpu.dma_semaphore, #tpu.memory_space<semaphore_mem>>)
    %dma_start3A_40 = arith.constant 3 : i32
    %dma_start3A_41 = arith.constant 0 : i32
    %dma_start3A_42 = tpu.memref_slice %arg6[%dma_start3A_40, %dma_start3A_41] : memref<80x128xi32, #tpu.memory_space<vmem>> -> memref<1x128xi32, #tpu.memory_space<vmem>>
    %dma_start3A_43 = tpu.memref_squeeze %dma_start3A_42 : memref<1x128xi32, #tpu.memory_space<vmem>> -> memref<128xi32, #tpu.memory_space<vmem>>
    %dma_start3A_44 = arith.constant 0 : i32
    %dma_start3A_45 = arith.constant 0 : i32
    %dma_start3A_46 = tpu.memref_slice %arg19[%dma_start3A_44, %dma_start3A_45] : memref<10240x16xf32, #tpu.memory_space<vmem_shared>> -> memref<10240x16xf32, #tpu.memory_space<vmem_shared>>
    tpu.enqueue_indirect_dma source(%dma_start3A_46 : memref<10240x16xf32, #tpu.memory_space<vmem_shared>>) target(%arg11 : memref<128x16xf32, #tpu.memory_space<vmem>>) offsets(%dma_start3A_43 : memref<128xi32, #tpu.memory_space<vmem>>) semaphore(%arg20 : memref<!tpu.dma_semaphore, #tpu.memory_space<semaphore_mem>>)
    %dma_start3A_47 = arith.constant 4 : i32
    %dma_start3A_48 = arith.constant 0 : i32
    %dma_start3A_49 = tpu.memref_slice %arg6[%dma_start3A_47, %dma_start3A_48] : memref<80x128xi32, #tpu.memory_space<vmem>> -> memref<1x128xi32, #tpu.memory_space<vmem>>
    %dma_start3A_50 = tpu.memref_squeeze %dma_start3A_49 : memref<1x128xi32, #tpu.memory_space<vmem>> -> memref<128xi32, #tpu.memory_space<vmem>>
    %dma_start3A_51 = arith.constant 0 : i32
    %dma_start3A_52 = arith.constant 0 : i32
    %dma_start3A_53 = tpu.memref_slice %arg19[%dma_start3A_51, %dma_start3A_52] : memref<10240x16xf32, #tpu.memory_space<vmem_shared>> -> memref<10240x16xf32, #tpu.memory_space<vmem_shared>>
    tpu.enqueue_indirect_dma source(%dma_start3A_53 : memref<10240x16xf32, #tpu.memory_space<vmem_shared>>) target(%arg12 : memref<128x16xf32, #tpu.memory_space<vmem>>) offsets(%dma_start3A_50 : memref<128xi32, #tpu.memory_space<vmem>>) semaphore(%arg21 : memref<!tpu.dma_semaphore, #tpu.memory_space<semaphore_mem>>)
    %dma_start3A_54 = arith.constant 5 : i32
    %dma_start3A_55 = arith.constant 0 : i32
    %dma_start3A_56 = tpu.memref_slice %arg6[%dma_start3A_54, %dma_start3A_55] : memref<80x128xi32, #tpu.memory_space<vmem>> -> memref<1x128xi32, #tpu.memory_space<vmem>>
    %dma_start3A_57 = tpu.memref_squeeze %dma_start3A_56 : memref<1x128xi32, #tpu.memory_space<vmem>> -> memref<128xi32, #tpu.memory_space<vmem>>
    %dma_start3A_58 = arith.constant 0 : i32
    %dma_start3A_59 = arith.constant 0 : i32
    %dma_start3A_60 = tpu.memref_slice %arg19[%dma_start3A_58, %dma_start3A_59] : memref<10240x16xf32, #tpu.memory_space<vmem_shared>> -> memref<10240x16xf32, #tpu.memory_space<vmem_shared>>
    tpu.enqueue_indirect_dma source(%dma_start3A_60 : memref<10240x16xf32, #tpu.memory_space<vmem_shared>>) target(%arg13 : memref<128x16xf32, #tpu.memory_space<vmem>>) offsets(%dma_start3A_57 : memref<128xi32, #tpu.memory_space<vmem>>) semaphore(%arg21 : memref<!tpu.dma_semaphore, #tpu.memory_space<semaphore_mem>>)
    %dma_start3A_61 = arith.constant 6 : i32
    %dma_start3A_62 = arith.constant 0 : i32
    %dma_start3A_63 = tpu.memref_slice %arg6[%dma_start3A_61, %dma_start3A_62] : memref<80x128xi32, #tpu.memory_space<vmem>> -> memref<1x128xi32, #tpu.memory_space<vmem>>
    %dma_start3A_64 = tpu.memref_squeeze %dma_start3A_63 : memref<1x128xi32, #tpu.memory_space<vmem>> -> memref<128xi32, #tpu.memory_space<vmem>>
    %dma_start3A_65 = arith.constant 0 : i32
    %dma_start3A_66 = arith.constant 0 : i32
    %dma_start3A_67 = tpu.memref_slice %arg19[%dma_start3A_65, %dma_start3A_66] : memref<10240x16xf32, #tpu.memory_space<vmem_shared>> -> memref<10240x16xf32, #tpu.memory_space<vmem_shared>>
    tpu.enqueue_indirect_dma source(%dma_start3A_67 : memref<10240x16xf32, #tpu.memory_space<vmem_shared>>) target(%arg14 : memref<128x16xf32, #tpu.memory_space<vmem>>) offsets(%dma_start3A_64 : memref<128xi32, #tpu.memory_space<vmem>>) semaphore(%arg21 : memref<!tpu.dma_semaphore, #tpu.memory_space<semaphore_mem>>)
    %dma_start3A_68 = arith.constant 7 : i32
    %dma_start3A_69 = arith.constant 0 : i32
    %dma_start3A_70 = tpu.memref_slice %arg6[%dma_start3A_68, %dma_start3A_69] : memref<80x128xi32, #tpu.memory_space<vmem>> -> memref<1x128xi32, #tpu.memory_space<vmem>>
    %dma_start3A_71 = tpu.memref_squeeze %dma_start3A_70 : memref<1x128xi32, #tpu.memory_space<vmem>> -> memref<128xi32, #tpu.memory_space<vmem>>
    %dma_start3A_72 = arith.constant 0 : i32
    %dma_start3A_73 = arith.constant 0 : i32
    %dma_start3A_74 = tpu.memref_slice %arg19[%dma_start3A_72, %dma_start3A_73] : memref<10240x16xf32, #tpu.memory_space<vmem_shared>> -> memref<10240x16xf32, #tpu.memory_space<vmem_shared>>
    tpu.enqueue_indirect_dma source(%dma_start3A_74 : memref<10240x16xf32, #tpu.memory_space<vmem_shared>>) target(%arg15 : memref<128x16xf32, #tpu.memory_space<vmem>>) offsets(%dma_start3A_71 : memref<128xi32, #tpu.memory_space<vmem>>) semaphore(%arg21 : memref<!tpu.dma_semaphore, #tpu.memory_space<semaphore_mem>>)
    %dma_wait3A = arith.constant 0 : i32
    %dma_wait3A_75 = arith.constant 0 : i32
    %dma_wait3A_76 = tpu.memref_slice %arg6[%dma_wait3A, %dma_wait3A_75] : memref<80x128xi32, #tpu.memory_space<vmem>> -> memref<1x128xi32, #tpu.memory_space<vmem>>
    %dma_wait3A_77 = tpu.memref_squeeze %dma_wait3A_76 : memref<1x128xi32, #tpu.memory_space<vmem>> -> memref<128xi32, #tpu.memory_space<vmem>>
    %dma_wait3A_78 = arith.constant 0 : i32
    %dma_wait3A_79 = arith.constant 0 : i32
    %dma_wait3A_80 = tpu.memref_slice %arg19[%dma_wait3A_78, %dma_wait3A_79] : memref<10240x16xf32, #tpu.memory_space<vmem_shared>> -> memref<10240x16xf32, #tpu.memory_space<vmem_shared>>
    tpu.wait_indirect_dma semaphore(%arg20 : memref<!tpu.dma_semaphore, #tpu.memory_space<semaphore_mem>>) src(%dma_wait3A_80 : memref<10240x16xf32, #tpu.memory_space<vmem_shared>>) dst(%arg8 : memref<128x16xf32, #tpu.memory_space<vmem>>)
    %dma_wait3A_81 = arith.constant 0 : i32
    %dma_wait3A_82 = arith.constant 0 : i32
    %dma_wait3A_83 = tpu.memref_slice %arg6[%dma_wait3A_81, %dma_wait3A_82] : memref<80x128xi32, #tpu.memory_space<vmem>> -> memref<1x128xi32, #tpu.memory_space<vmem>>
    %dma_wait3A_84 = tpu.memref_squeeze %dma_wait3A_83 : memref<1x128xi32, #tpu.memory_space<vmem>> -> memref<128xi32, #tpu.memory_space<vmem>>
    %dma_wait3A_85 = arith.constant 0 : i32
    %dma_wait3A_86 = arith.constant 0 : i32
    %dma_wait3A_87 = tpu.memref_slice %arg19[%dma_wait3A_85, %dma_wait3A_86] : memref<10240x16xf32, #tpu.memory_space<vmem_shared>> -> memref<10240x16xf32, #tpu.memory_space<vmem_shared>>
    tpu.wait_indirect_dma semaphore(%arg20 : memref<!tpu.dma_semaphore, #tpu.memory_space<semaphore_mem>>) src(%dma_wait3A_87 : memref<10240x16xf32, #tpu.memory_space<vmem_shared>>) dst(%arg9 : memref<128x16xf32, #tpu.memory_space<vmem>>)
    %dma_wait3A_88 = arith.constant 0 : i32
    %dma_wait3A_89 = arith.constant 0 : i32
    %dma_wait3A_90 = tpu.memref_slice %arg6[%dma_wait3A_88, %dma_wait3A_89] : memref<80x128xi32, #tpu.memory_space<vmem>> -> memref<1x128xi32, #tpu.memory_space<vmem>>
    %dma_wait3A_91 = tpu.memref_squeeze %dma_wait3A_90 : memref<1x128xi32, #tpu.memory_space<vmem>> -> memref<128xi32, #tpu.memory_space<vmem>>
    %dma_wait3A_92 = arith.constant 0 : i32
    %dma_wait3A_93 = arith.constant 0 : i32
    %dma_wait3A_94 = tpu.memref_slice %arg19[%dma_wait3A_92, %dma_wait3A_93] : memref<10240x16xf32, #tpu.memory_space<vmem_shared>> -> memref<10240x16xf32, #tpu.memory_space<vmem_shared>>
    tpu.wait_indirect_dma semaphore(%arg20 : memref<!tpu.dma_semaphore, #tpu.memory_space<semaphore_mem>>) src(%dma_wait3A_94 : memref<10240x16xf32, #tpu.memory_space<vmem_shared>>) dst(%arg10 : memref<128x16xf32, #tpu.memory_space<vmem>>)
    %dma_wait3A_95 = arith.constant 0 : i32
    %dma_wait3A_96 = arith.constant 0 : i32
    %dma_wait3A_97 = tpu.memref_slice %arg6[%dma_wait3A_95, %dma_wait3A_96] : memref<80x128xi32, #tpu.memory_space<vmem>> -> memref<1x128xi32, #tpu.memory_space<vmem>>
    %dma_wait3A_98 = tpu.memref_squeeze %dma_wait3A_97 : memref<1x128xi32, #tpu.memory_space<vmem>> -> memref<128xi32, #tpu.memory_space<vmem>>
    %dma_wait3A_99 = arith.constant 0 : i32
    %dma_wait3A_100 = arith.constant 0 : i32
    %dma_wait3A_101 = tpu.memref_slice %arg19[%dma_wait3A_99, %dma_wait3A_100] : memref<10240x16xf32, #tpu.memory_space<vmem_shared>> -> memref<10240x16xf32, #tpu.memory_space<vmem_shared>>
    tpu.wait_indirect_dma semaphore(%arg20 : memref<!tpu.dma_semaphore, #tpu.memory_space<semaphore_mem>>) src(%dma_wait3A_101 : memref<10240x16xf32, #tpu.memory_space<vmem_shared>>) dst(%arg11 : memref<128x16xf32, #tpu.memory_space<vmem>>)
    %dma_start3A_102 = arith.constant 0 : i32
    %dma_start3A_103 = arith.constant 0 : i32
    %dma_start3A_104 = tpu.memref_slice %arg7[%dma_start3A_102, %dma_start3A_103] : memref<80x128xi32, #tpu.memory_space<vmem>> -> memref<1x128xi32, #tpu.memory_space<vmem>>
    %dma_start3A_105 = tpu.memref_squeeze %dma_start3A_104 : memref<1x128xi32, #tpu.memory_space<vmem>> -> memref<128xi32, #tpu.memory_space<vmem>>
    %dma_start3A_106 = arith.constant 0 : i32
    %dma_start3A_107 = arith.constant 0 : i32
    %dma_start3A_108 = tpu.memref_slice %arg18[%dma_start3A_106, %dma_start3A_107] : memref<10240x16xf32, #tpu.memory_space<vmem_shared>> -> memref<10240x16xf32, #tpu.memory_space<vmem_shared>>
    tpu.enqueue_indirect_dma source(%arg8 : memref<128x16xf32, #tpu.memory_space<vmem>>) target(%dma_start3A_108 : memref<10240x16xf32, #tpu.memory_space<vmem_shared>>) offsets(%dma_start3A_105 : memref<128xi32, #tpu.memory_space<vmem>>) semaphore(%arg22 : memref<!tpu.dma_semaphore, #tpu.memory_space<semaphore_mem>>) {add = true}
    %dma_start3A_109 = arith.constant 1 : i32
    %dma_start3A_110 = arith.constant 0 : i32
    %dma_start3A_111 = tpu.memref_slice %arg7[%dma_start3A_109, %dma_start3A_110] : memref<80x128xi32, #tpu.memory_space<vmem>> -> memref<1x128xi32, #tpu.memory_space<vmem>>
    %dma_start3A_112 = tpu.memref_squeeze %dma_start3A_111 : memref<1x128xi32, #tpu.memory_space<vmem>> -> memref<128xi32, #tpu.memory_space<vmem>>
    %dma_start3A_113 = arith.constant 0 : i32
    %dma_start3A_114 = arith.constant 0 : i32
    %dma_start3A_115 = tpu.memref_slice %arg18[%dma_start3A_113, %dma_start3A_114] : memref<10240x16xf32, #tpu.memory_space<vmem_shared>> -> memref<10240x16xf32, #tpu.memory_space<vmem_shared>>
    tpu.enqueue_indirect_dma source(%arg9 : memref<128x16xf32, #tpu.memory_space<vmem>>) target(%dma_start3A_115 : memref<10240x16xf32, #tpu.memory_space<vmem_shared>>) offsets(%dma_start3A_112 : memref<128xi32, #tpu.memory_space<vmem>>) semaphore(%arg22 : memref<!tpu.dma_semaphore, #tpu.memory_space<semaphore_mem>>) {add = true}
    %dma_start3A_116 = arith.constant 2 : i32
    %dma_start3A_117 = arith.constant 0 : i32
    %dma_start3A_118 = tpu.memref_slice %arg7[%dma_start3A_116, %dma_start3A_117] : memref<80x128xi32, #tpu.memory_space<vmem>> -> memref<1x128xi32, #tpu.memory_space<vmem>>
    %dma_start3A_119 = tpu.memref_squeeze %dma_start3A_118 : memref<1x128xi32, #tpu.memory_space<vmem>> -> memref<128xi32, #tpu.memory_space<vmem>>
    %dma_start3A_120 = arith.constant 0 : i32
    %dma_start3A_121 = arith.constant 0 : i32
    %dma_start3A_122 = tpu.memref_slice %arg18[%dma_start3A_120, %dma_start3A_121] : memref<10240x16xf32, #tpu.memory_space<vmem_shared>> -> memref<10240x16xf32, #tpu.memory_space<vmem_shared>>
    tpu.enqueue_indirect_dma source(%arg10 : memref<128x16xf32, #tpu.memory_space<vmem>>) target(%dma_start3A_122 : memref<10240x16xf32, #tpu.memory_space<vmem_shared>>) offsets(%dma_start3A_119 : memref<128xi32, #tpu.memory_space<vmem>>) semaphore(%arg22 : memref<!tpu.dma_semaphore, #tpu.memory_space<semaphore_mem>>) {add = true}
    %dma_start3A_123 = arith.constant 3 : i32
    %dma_start3A_124 = arith.constant 0 : i32
    %dma_start3A_125 = tpu.memref_slice %arg7[%dma_start3A_123, %dma_start3A_124] : memref<80x128xi32, #tpu.memory_space<vmem>> -> memref<1x128xi32, #tpu.memory_space<vmem>>
    %dma_start3A_126 = tpu.memref_squeeze %dma_start3A_125 : memref<1x128xi32, #tpu.memory_space<vmem>> -> memref<128xi32, #tpu.memory_space<vmem>>
    %dma_start3A_127 = arith.constant 0 : i32
    %dma_start3A_128 = arith.constant 0 : i32
    %dma_start3A_129 = tpu.memref_slice %arg18[%dma_start3A_127, %dma_start3A_128] : memref<10240x16xf32, #tpu.memory_space<vmem_shared>> -> memref<10240x16xf32, #tpu.memory_space<vmem_shared>>
    tpu.enqueue_indirect_dma source(%arg11 : memref<128x16xf32, #tpu.memory_space<vmem>>) target(%dma_start3A_129 : memref<10240x16xf32, #tpu.memory_space<vmem_shared>>) offsets(%dma_start3A_126 : memref<128xi32, #tpu.memory_space<vmem>>) semaphore(%arg22 : memref<!tpu.dma_semaphore, #tpu.memory_space<semaphore_mem>>) {add = true}
    %dma_wait3A_130 = arith.constant 0 : i32
    %dma_wait3A_131 = arith.constant 0 : i32
    %dma_wait3A_132 = tpu.memref_slice %arg7[%dma_wait3A_130, %dma_wait3A_131] : memref<80x128xi32, #tpu.memory_space<vmem>> -> memref<1x128xi32, #tpu.memory_space<vmem>>
    %dma_wait3A_133 = tpu.memref_squeeze %dma_wait3A_132 : memref<1x128xi32, #tpu.memory_space<vmem>> -> memref<128xi32, #tpu.memory_space<vmem>>
    %dma_wait3A_134 = arith.constant 0 : i32
    %dma_wait3A_135 = arith.constant 0 : i32
    %dma_wait3A_136 = tpu.memref_slice %arg18[%dma_wait3A_134, %dma_wait3A_135] : memref<10240x16xf32, #tpu.memory_space<vmem_shared>> -> memref<10240x16xf32, #tpu.memory_space<vmem_shared>>
    tpu.wait_indirect_dma semaphore(%arg22 : memref<!tpu.dma_semaphore, #tpu.memory_space<semaphore_mem>>) src(%arg8 : memref<128x16xf32, #tpu.memory_space<vmem>>) dst(%dma_wait3A_136 : memref<10240x16xf32, #tpu.memory_space<vmem_shared>>)
    %dma_wait3A_137 = arith.constant 0 : i32
    %dma_wait3A_138 = arith.constant 0 : i32
    %dma_wait3A_139 = tpu.memref_slice %arg7[%dma_wait3A_137, %dma_wait3A_138] : memref<80x128xi32, #tpu.memory_space<vmem>> -> memref<1x128xi32, #tpu.memory_space<vmem>>
    %dma_wait3A_140 = tpu.memref_squeeze %dma_wait3A_139 : memref<1x128xi32, #tpu.memory_space<vmem>> -> memref<128xi32, #tpu.memory_space<vmem>>
    %dma_wait3A_141 = arith.constant 0 : i32
    %dma_wait3A_142 = arith.constant 0 : i32
    %dma_wait3A_143 = tpu.memref_slice %arg18[%dma_wait3A_141, %dma_wait3A_142] : memref<10240x16xf32, #tpu.memory_space<vmem_shared>> -> memref<10240x16xf32, #tpu.memory_space<vmem_shared>>
    tpu.wait_indirect_dma semaphore(%arg22 : memref<!tpu.dma_semaphore, #tpu.memory_space<semaphore_mem>>) src(%arg9 : memref<128x16xf32, #tpu.memory_space<vmem>>) dst(%dma_wait3A_143 : memref<10240x16xf32, #tpu.memory_space<vmem_shared>>)
    %dma_wait3A_144 = arith.constant 0 : i32
    %dma_wait3A_145 = arith.constant 0 : i32
    %dma_wait3A_146 = tpu.memref_slice %arg7[%dma_wait3A_144, %dma_wait3A_145] : memref<80x128xi32, #tpu.memory_space<vmem>> -> memref<1x128xi32, #tpu.memory_space<vmem>>
    %dma_wait3A_147 = tpu.memref_squeeze %dma_wait3A_146 : memref<1x128xi32, #tpu.memory_space<vmem>> -> memref<128xi32, #tpu.memory_space<vmem>>
    %dma_wait3A_148 = arith.constant 0 : i32
    %dma_wait3A_149 = arith.constant 0 : i32
    %dma_wait3A_150 = tpu.memref_slice %arg18[%dma_wait3A_148, %dma_wait3A_149] : memref<10240x16xf32, #tpu.memory_space<vmem_shared>> -> memref<10240x16xf32, #tpu.memory_space<vmem_shared>>
    tpu.wait_indirect_dma semaphore(%arg22 : memref<!tpu.dma_semaphore, #tpu.memory_space<semaphore_mem>>) src(%arg10 : memref<128x16xf32, #tpu.memory_space<vmem>>) dst(%dma_wait3A_150 : memref<10240x16xf32, #tpu.memory_space<vmem_shared>>)
    %dma_wait3A_151 = arith.constant 0 : i32
    %dma_wait3A_152 = arith.constant 0 : i32
    %dma_wait3A_153 = tpu.memref_slice %arg7[%dma_wait3A_151, %dma_wait3A_152] : memref<80x128xi32, #tpu.memory_space<vmem>> -> memref<1x128xi32, #tpu.memory_space<vmem>>
    %dma_wait3A_154 = tpu.memref_squeeze %dma_wait3A_153 : memref<1x128xi32, #tpu.memory_space<vmem>> -> memref<128xi32, #tpu.memory_space<vmem>>
    %dma_wait3A_155 = arith.constant 0 : i32
    %dma_wait3A_156 = arith.constant 0 : i32
    %dma_wait3A_157 = tpu.memref_slice %arg18[%dma_wait3A_155, %dma_wait3A_156] : memref<10240x16xf32, #tpu.memory_space<vmem_shared>> -> memref<10240x16xf32, #tpu.memory_space<vmem_shared>>
    tpu.wait_indirect_dma semaphore(%arg22 : memref<!tpu.dma_semaphore, #tpu.memory_space<semaphore_mem>>) src(%arg11 : memref<128x16xf32, #tpu.memory_space<vmem>>) dst(%dma_wait3A_157 : memref<10240x16xf32, #tpu.memory_space<vmem_shared>>)
    %dma_start3A_158 = arith.constant 8 : i32
    %dma_start3A_159 = arith.constant 0 : i32
    %dma_start3A_160 = tpu.memref_slice %arg6[%dma_start3A_158, %dma_start3A_159] : memref<80x128xi32, #tpu.memory_space<vmem>> -> memref<1x128xi32, #tpu.memory_space<vmem>>
    %dma_start3A_161 = tpu.memref_squeeze %dma_start3A_160 : memref<1x128xi32, #tpu.memory_space<vmem>> -> memref<128xi32, #tpu.memory_space<vmem>>
    %dma_start3A_162 = arith.constant 0 : i32
    %dma_start3A_163 = arith.constant 0 : i32
    %dma_start3A_164 = tpu.memref_slice %arg19[%dma_start3A_162, %dma_start3A_163] : memref<10240x16xf32, #tpu.memory_space<vmem_shared>> -> memref<10240x16xf32, #tpu.memory_space<vmem_shared>>
    tpu.enqueue_indirect_dma source(%dma_start3A_164 : memref<10240x16xf32, #tpu.memory_space<vmem_shared>>) target(%arg8 : memref<128x16xf32, #tpu.memory_space<vmem>>) offsets(%dma_start3A_161 : memref<128xi32, #tpu.memory_space<vmem>>) semaphore(%arg20 : memref<!tpu.dma_semaphore, #tpu.memory_space<semaphore_mem>>)
    %dma_start3A_165 = arith.constant 9 : i32
    %dma_start3A_166 = arith.constant 0 : i32
    %dma_start3A_167 = tpu.memref_slice %arg6[%dma_start3A_165, %dma_start3A_166] : memref<80x128xi32, #tpu.memory_space<vmem>> -> memref<1x128xi32, #tpu.memory_space<vmem>>
    %dma_start3A_168 = tpu.memref_squeeze %dma_start3A_167 : memref<1x128xi32, #tpu.memory_space<vmem>> -> memref<128xi32, #tpu.memory_space<vmem>>
    %dma_start3A_169 = arith.constant 0 : i32
    %dma_start3A_170 = arith.constant 0 : i32
    %dma_start3A_171 = tpu.memref_slice %arg19[%dma_start3A_169, %dma_start3A_170] : memref<10240x16xf32, #tpu.memory_space<vmem_shared>> -> memref<10240x16xf32, #tpu.memory_space<vmem_shared>>
    tpu.enqueue_indirect_dma source(%dma_start3A_171 : memref<10240x16xf32, #tpu.memory_space<vmem_shared>>) target(%arg9 : memref<128x16xf32, #tpu.memory_space<vmem>>) offsets(%dma_start3A_168 : memref<128xi32, #tpu.memory_space<vmem>>) semaphore(%arg20 : memref<!tpu.dma_semaphore, #tpu.memory_space<semaphore_mem>>)
    %dma_start3A_172 = arith.constant 10 : i32
    %dma_start3A_173 = arith.constant 0 : i32
    %dma_start3A_174 = tpu.memref_slice %arg6[%dma_start3A_172, %dma_start3A_173] : memref<80x128xi32, #tpu.memory_space<vmem>> -> memref<1x128xi32, #tpu.memory_space<vmem>>
    %dma_start3A_175 = tpu.memref_squeeze %dma_start3A_174 : memref<1x128xi32, #tpu.memory_space<vmem>> -> memref<128xi32, #tpu.memory_space<vmem>>
    %dma_start3A_176 = arith.constant 0 : i32
    %dma_start3A_177 = arith.constant 0 : i32
    %dma_start3A_178 = tpu.memref_slice %arg19[%dma_start3A_176, %dma_start3A_177] : memref<10240x16xf32, #tpu.memory_space<vmem_shared>> -> memref<10240x16xf32, #tpu.memory_space<vmem_shared>>
    tpu.enqueue_indirect_dma source(%dma_start3A_178 : memref<10240x16xf32, #tpu.memory_space<vmem_shared>>) target(%arg10 : memref<128x16xf32, #tpu.memory_space<vmem>>) offsets(%dma_start3A_175 : memref<128xi32, #tpu.memory_space<vmem>>) semaphore(%arg20 : memref<!tpu.dma_semaphore, #tpu.memory_space<semaphore_mem>>)
    %dma_start3A_179 = arith.constant 11 : i32
    %dma_start3A_180 = arith.constant 0 : i32
    %dma_start3A_181 = tpu.memref_slice %arg6[%dma_start3A_179, %dma_start3A_180] : memref<80x128xi32, #tpu.memory_space<vmem>> -> memref<1x128xi32, #tpu.memory_space<vmem>>
    %dma_start3A_182 = tpu.memref_squeeze %dma_start3A_181 : memref<1x128xi32, #tpu.memory_space<vmem>> -> memref<128xi32, #tpu.memory_space<vmem>>
    %dma_start3A_183 = arith.constant 0 : i32
    %dma_start3A_184 = arith.constant 0 : i32
    %dma_start3A_185 = tpu.memref_slice %arg19[%dma_start3A_183, %dma_start3A_184] : memref<10240x16xf32, #tpu.memory_space<vmem_shared>> -> memref<10240x16xf32, #tpu.memory_space<vmem_shared>>
    tpu.enqueue_indirect_dma source(%dma_start3A_185 : memref<10240x16xf32, #tpu.memory_space<vmem_shared>>) target(%arg11 : memref<128x16xf32, #tpu.memory_space<vmem>>) offsets(%dma_start3A_182 : memref<128xi32, #tpu.memory_space<vmem>>) semaphore(%arg20 : memref<!tpu.dma_semaphore, #tpu.memory_space<semaphore_mem>>)
    %dma_wait3A_186 = arith.constant 0 : i32
    %dma_wait3A_187 = arith.constant 0 : i32
    %dma_wait3A_188 = tpu.memref_slice %arg6[%dma_wait3A_186, %dma_wait3A_187] : memref<80x128xi32, #tpu.memory_space<vmem>> -> memref<1x128xi32, #tpu.memory_space<vmem>>
    %dma_wait3A_189 = tpu.memref_squeeze %dma_wait3A_188 : memref<1x128xi32, #tpu.memory_space<vmem>> -> memref<128xi32, #tpu.memory_space<vmem>>
    %dma_wait3A_190 = arith.constant 0 : i32
    %dma_wait3A_191 = arith.constant 0 : i32
    %dma_wait3A_192 = tpu.memref_slice %arg19[%dma_wait3A_190, %dma_wait3A_191] : memref<10240x16xf32, #tpu.memory_space<vmem_shared>> -> memref<10240x16xf32, #tpu.memory_space<vmem_shared>>
    tpu.wait_indirect_dma semaphore(%arg21 : memref<!tpu.dma_semaphore, #tpu.memory_space<semaphore_mem>>) src(%dma_wait3A_192 : memref<10240x16xf32, #tpu.memory_space<vmem_shared>>) dst(%arg12 : memref<128x16xf32, #tpu.memory_space<vmem>>)
    %dma_wait3A_193 = arith.constant 0 : i32
    %dma_wait3A_194 = arith.constant 0 : i32
    %dma_wait3A_195 = tpu.memref_slice %arg6[%dma_wait3A_193, %dma_wait3A_194] : memref<80x128xi32, #tpu.memory_space<vmem>> -> memref<1x128xi32, #tpu.memory_space<vmem>>
    %dma_wait3A_196 = tpu.memref_squeeze %dma_wait3A_195 : memref<1x128xi32, #tpu.memory_space<vmem>> -> memref<128xi32, #tpu.memory_space<vmem>>
    %dma_wait3A_197 = arith.constant 0 : i32
    %dma_wait3A_198 = arith.constant 0 : i32
    %dma_wait3A_199 = tpu.memref_slice %arg19[%dma_wait3A_197, %dma_wait3A_198] : memref<10240x16xf32, #tpu.memory_space<vmem_shared>> -> memref<10240x16xf32, #tpu.memory_space<vmem_shared>>
    tpu.wait_indirect_dma semaphore(%arg21 : memref<!tpu.dma_semaphore, #tpu.memory_space<semaphore_mem>>) src(%dma_wait3A_199 : memref<10240x16xf32, #tpu.memory_space<vmem_shared>>) dst(%arg13 : memref<128x16xf32, #tpu.memory_space<vmem>>)
    %dma_wait3A_200 = arith.constant 0 : i32
    %dma_wait3A_201 = arith.constant 0 : i32
    %dma_wait3A_202 = tpu.memref_slice %arg6[%dma_wait3A_200, %dma_wait3A_201] : memref<80x128xi32, #tpu.memory_space<vmem>> -> memref<1x128xi32, #tpu.memory_space<vmem>>
    %dma_wait3A_203 = tpu.memref_squeeze %dma_wait3A_202 : memref<1x128xi32, #tpu.memory_space<vmem>> -> memref<128xi32, #tpu.memory_space<vmem>>
    %dma_wait3A_204 = arith.constant 0 : i32
    %dma_wait3A_205 = arith.constant 0 : i32
    %dma_wait3A_206 = tpu.memref_slice %arg19[%dma_wait3A_204, %dma_wait3A_205] : memref<10240x16xf32, #tpu.memory_space<vmem_shared>> -> memref<10240x16xf32, #tpu.memory_space<vmem_shared>>
    tpu.wait_indirect_dma semaphore(%arg21 : memref<!tpu.dma_semaphore, #tpu.memory_space<semaphore_mem>>) src(%dma_wait3A_206 : memref<10240x16xf32, #tpu.memory_space<vmem_shared>>) dst(%arg14 : memref<128x16xf32, #tpu.memory_space<vmem>>)
    %dma_wait3A_207 = arith.constant 0 : i32
    %dma_wait3A_208 = arith.constant 0 : i32
    %dma_wait3A_209 = tpu.memref_slice %arg6[%dma_wait3A_207, %dma_wait3A_208] : memref<80x128xi32, #tpu.memory_space<vmem>> -> memref<1x128xi32, #tpu.memory_space<vmem>>
    %dma_wait3A_210 = tpu.memref_squeeze %dma_wait3A_209 : memref<1x128xi32, #tpu.memory_space<vmem>> -> memref<128xi32, #tpu.memory_space<vmem>>
    %dma_wait3A_211 = arith.constant 0 : i32
    %dma_wait3A_212 = arith.constant 0 : i32
    %dma_wait3A_213 = tpu.memref_slice %arg19[%dma_wait3A_211, %dma_wait3A_212] : memref<10240x16xf32, #tpu.memory_space<vmem_shared>> -> memref<10240x16xf32, #tpu.memory_space<vmem_shared>>
    tpu.wait_indirect_dma semaphore(%arg21 : memref<!tpu.dma_semaphore, #tpu.memory_space<semaphore_mem>>) src(%dma_wait3A_213 : memref<10240x16xf32, #tpu.memory_space<vmem_shared>>) dst(%arg15 : memref<128x16xf32, #tpu.memory_space<vmem>>)
    %dma_start3A_214 = arith.constant 4 : i32
    %dma_start3A_215 = arith.constant 0 : i32
    %dma_start3A_216 = tpu.memref_slice %arg7[%dma_start3A_214, %dma_start3A_215] : memref<80x128xi32, #tpu.memory_space<vmem>> -> memref<1x128xi32, #tpu.memory_space<vmem>>
    %dma_start3A_217 = tpu.memref_squeeze %dma_start3A_216 : memref<1x128xi32, #tpu.memory_space<vmem>> -> memref<128xi32, #tpu.memory_space<vmem>>
    %dma_start3A_218 = arith.constant 0 : i32
    %dma_start3A_219 = arith.constant 0 : i32
    %dma_start3A_220 = tpu.memref_slice %arg18[%dma_start3A_218, %dma_start3A_219] : memref<10240x16xf32, #tpu.memory_space<vmem_shared>> -> memref<10240x16xf32, #tpu.memory_space<vmem_shared>>
    tpu.enqueue_indirect_dma source(%arg12 : memref<128x16xf32, #tpu.memory_space<vmem>>) target(%dma_start3A_220 : memref<10240x16xf32, #tpu.memory_space<vmem_shared>>) offsets(%dma_start3A_217 : memref<128xi32, #tpu.memory_space<vmem>>) semaphore(%arg23 : memref<!tpu.dma_semaphore, #tpu.memory_space<semaphore_mem>>) {add = true}
    %dma_start3A_221 = arith.constant 5 : i32
    %dma_start3A_222 = arith.constant 0 : i32
    %dma_start3A_223 = tpu.memref_slice %arg7[%dma_start3A_221, %dma_start3A_222] : memref<80x128xi32, #tpu.memory_space<vmem>> -> memref<1x128xi32, #tpu.memory_space<vmem>>
    %dma_start3A_224 = tpu.memref_squeeze %dma_start3A_223 : memref<1x128xi32, #tpu.memory_space<vmem>> -> memref<128xi32, #tpu.memory_space<vmem>>
    %dma_start3A_225 = arith.constant 0 : i32
    %dma_start3A_226 = arith.constant 0 : i32
    %dma_start3A_227 = tpu.memref_slice %arg18[%dma_start3A_225, %dma_start3A_226] : memref<10240x16xf32, #tpu.memory_space<vmem_shared>> -> memref<10240x16xf32, #tpu.memory_space<vmem_shared>>
    tpu.enqueue_indirect_dma source(%arg13 : memref<128x16xf32, #tpu.memory_space<vmem>>) target(%dma_start3A_227 : memref<10240x16xf32, #tpu.memory_space<vmem_shared>>) offsets(%dma_start3A_224 : memref<128xi32, #tpu.memory_space<vmem>>) semaphore(%arg23 : memref<!tpu.dma_semaphore, #tpu.memory_space<semaphore_mem>>) {add = true}
    %dma_start3A_228 = arith.constant 6 : i32
    %dma_start3A_229 = arith.constant 0 : i32
    %dma_start3A_230 = tpu.memref_slice %arg7[%dma_start3A_228, %dma_start3A_229] : memref<80x128xi32, #tpu.memory_space<vmem>> -> memref<1x128xi32, #tpu.memory_space<vmem>>
    %dma_start3A_231 = tpu.memref_squeeze %dma_start3A_230 : memref<1x128xi32, #tpu.memory_space<vmem>> -> memref<128xi32, #tpu.memory_space<vmem>>
    %dma_start3A_232 = arith.constant 0 : i32
    %dma_start3A_233 = arith.constant 0 : i32
    %dma_start3A_234 = tpu.memref_slice %arg18[%dma_start3A_232, %dma_start3A_233] : memref<10240x16xf32, #tpu.memory_space<vmem_shared>> -> memref<10240x16xf32, #tpu.memory_space<vmem_shared>>
    tpu.enqueue_indirect_dma source(%arg14 : memref<128x16xf32, #tpu.memory_space<vmem>>) target(%dma_start3A_234 : memref<10240x16xf32, #tpu.memory_space<vmem_shared>>) offsets(%dma_start3A_231 : memref<128xi32, #tpu.memory_space<vmem>>) semaphore(%arg23 : memref<!tpu.dma_semaphore, #tpu.memory_space<semaphore_mem>>) {add = true}
    %dma_start3A_235 = arith.constant 7 : i32
    %dma_start3A_236 = arith.constant 0 : i32
    %dma_start3A_237 = tpu.memref_slice %arg7[%dma_start3A_235, %dma_start3A_236] : memref<80x128xi32, #tpu.memory_space<vmem>> -> memref<1x128xi32, #tpu.memory_space<vmem>>
    %dma_start3A_238 = tpu.memref_squeeze %dma_start3A_237 : memref<1x128xi32, #tpu.memory_space<vmem>> -> memref<128xi32, #tpu.memory_space<vmem>>
    %dma_start3A_239 = arith.constant 0 : i32
    %dma_start3A_240 = arith.constant 0 : i32
    %dma_start3A_241 = tpu.memref_slice %arg18[%dma_start3A_239, %dma_start3A_240] : memref<10240x16xf32, #tpu.memory_space<vmem_shared>> -> memref<10240x16xf32, #tpu.memory_space<vmem_shared>>
    tpu.enqueue_indirect_dma source(%arg15 : memref<128x16xf32, #tpu.memory_space<vmem>>) target(%dma_start3A_241 : memref<10240x16xf32, #tpu.memory_space<vmem_shared>>) offsets(%dma_start3A_238 : memref<128xi32, #tpu.memory_space<vmem>>) semaphore(%arg23 : memref<!tpu.dma_semaphore, #tpu.memory_space<semaphore_mem>>) {add = true}
    %scan3A_242 = arith.constant 0 : i32
    %scan3A_243 = arith.constant 8 : i32
    %scan3A_244 = arith.addi %scan3A_242, %scan3A_243 : i32
    %scan3A_245 = arith.constant 1 : i32
    scf.for %scan3A_477 = %scan3A_242 to %scan3A_244 step %scan3A_245  : i32 {
      %mul3A_478 = arith.constant 8 : i32
      %mul3A_479 = arith.muli %scan3A_477, %mul3A_478 : i32
      %add3A_480 = arith.constant 8 : i32
      %add3A_481 = arith.addi %add3A_480, %mul3A_479 : i32
      %dma_wait3A_482 = arith.constant 0 : i32
      %dma_wait3A_483 = arith.constant 0 : i32
      %dma_wait3A_484 = tpu.memref_slice %arg7[%dma_wait3A_482, %dma_wait3A_483] : memref<80x128xi32, #tpu.memory_space<vmem>> -> memref<1x128xi32, #tpu.memory_space<vmem>>
      %dma_wait3A_485 = tpu.memref_squeeze %dma_wait3A_484 : memref<1x128xi32, #tpu.memory_space<vmem>> -> memref<128xi32, #tpu.memory_space<vmem>>
      %dma_wait3A_486 = arith.constant 0 : i32
      %dma_wait3A_487 = arith.constant 0 : i32
      %dma_wait3A_488 = tpu.memref_slice %arg18[%dma_wait3A_486, %dma_wait3A_487] : memref<10240x16xf32, #tpu.memory_space<vmem_shared>> -> memref<10240x16xf32, #tpu.memory_space<vmem_shared>>
      tpu.wait_indirect_dma semaphore(%arg23 : memref<!tpu.dma_semaphore, #tpu.memory_space<semaphore_mem>>) src(%arg12 : memref<128x16xf32, #tpu.memory_space<vmem>>) dst(%dma_wait3A_488 : memref<10240x16xf32, #tpu.memory_space<vmem_shared>>)
      %dma_wait3A_489 = arith.constant 0 : i32
      %dma_wait3A_490 = arith.constant 0 : i32
      %dma_wait3A_491 = tpu.memref_slice %arg7[%dma_wait3A_489, %dma_wait3A_490] : memref<80x128xi32, #tpu.memory_space<vmem>> -> memref<1x128xi32, #tpu.memory_space<vmem>>
      %dma_wait3A_492 = tpu.memref_squeeze %dma_wait3A_491 : memref<1x128xi32, #tpu.memory_space<vmem>> -> memref<128xi32, #tpu.memory_space<vmem>>
      %dma_wait3A_493 = arith.constant 0 : i32
      %dma_wait3A_494 = arith.constant 0 : i32
      %dma_wait3A_495 = tpu.memref_slice %arg18[%dma_wait3A_493, %dma_wait3A_494] : memref<10240x16xf32, #tpu.memory_space<vmem_shared>> -> memref<10240x16xf32, #tpu.memory_space<vmem_shared>>
      tpu.wait_indirect_dma semaphore(%arg23 : memref<!tpu.dma_semaphore, #tpu.memory_space<semaphore_mem>>) src(%arg13 : memref<128x16xf32, #tpu.memory_space<vmem>>) dst(%dma_wait3A_495 : memref<10240x16xf32, #tpu.memory_space<vmem_shared>>)
      %dma_wait3A_496 = arith.constant 0 : i32
      %dma_wait3A_497 = arith.constant 0 : i32
      %dma_wait3A_498 = tpu.memref_slice %arg7[%dma_wait3A_496, %dma_wait3A_497] : memref<80x128xi32, #tpu.memory_space<vmem>> -> memref<1x128xi32, #tpu.memory_space<vmem>>
      %dma_wait3A_499 = tpu.memref_squeeze %dma_wait3A_498 : memref<1x128xi32, #tpu.memory_space<vmem>> -> memref<128xi32, #tpu.memory_space<vmem>>
      %dma_wait3A_500 = arith.constant 0 : i32
      %dma_wait3A_501 = arith.constant 0 : i32
      %dma_wait3A_502 = tpu.memref_slice %arg18[%dma_wait3A_500, %dma_wait3A_501] : memref<10240x16xf32, #tpu.memory_space<vmem_shared>> -> memref<10240x16xf32, #tpu.memory_space<vmem_shared>>
      tpu.wait_indirect_dma semaphore(%arg23 : memref<!tpu.dma_semaphore, #tpu.memory_space<semaphore_mem>>) src(%arg14 : memref<128x16xf32, #tpu.memory_space<vmem>>) dst(%dma_wait3A_502 : memref<10240x16xf32, #tpu.memory_space<vmem_shared>>)
      %dma_wait3A_503 = arith.constant 0 : i32
      %dma_wait3A_504 = arith.constant 0 : i32
      %dma_wait3A_505 = tpu.memref_slice %arg7[%dma_wait3A_503, %dma_wait3A_504] : memref<80x128xi32, #tpu.memory_space<vmem>> -> memref<1x128xi32, #tpu.memory_space<vmem>>
      %dma_wait3A_506 = tpu.memref_squeeze %dma_wait3A_505 : memref<1x128xi32, #tpu.memory_space<vmem>> -> memref<128xi32, #tpu.memory_space<vmem>>
      %dma_wait3A_507 = arith.constant 0 : i32
      %dma_wait3A_508 = arith.constant 0 : i32
      %dma_wait3A_509 = tpu.memref_slice %arg18[%dma_wait3A_507, %dma_wait3A_508] : memref<10240x16xf32, #tpu.memory_space<vmem_shared>> -> memref<10240x16xf32, #tpu.memory_space<vmem_shared>>
      tpu.wait_indirect_dma semaphore(%arg23 : memref<!tpu.dma_semaphore, #tpu.memory_space<semaphore_mem>>) src(%arg15 : memref<128x16xf32, #tpu.memory_space<vmem>>) dst(%dma_wait3A_509 : memref<10240x16xf32, #tpu.memory_space<vmem_shared>>)
      %add3A_510 = arith.constant 4 : i32
      %add3A_511 = arith.addi %add3A_481, %add3A_510 : i32
      %add3A_512 = arith.constant 0 : i32
      %add3A_513 = arith.addi %add3A_511, %add3A_512 : i32
      %dma_start3A_514 = arith.constant 0 : i32
      %dma_start3A_515 = tpu.memref_slice %arg6[%add3A_513, %dma_start3A_514] : memref<80x128xi32, #tpu.memory_space<vmem>> -> memref<1x128xi32, #tpu.memory_space<vmem>>
      %dma_start3A_516 = tpu.memref_squeeze %dma_start3A_515 : memref<1x128xi32, #tpu.memory_space<vmem>> -> memref<128xi32, #tpu.memory_space<vmem>>
      %dma_start3A_517 = arith.constant 0 : i32
      %dma_start3A_518 = arith.constant 0 : i32
      %dma_start3A_519 = tpu.memref_slice %arg19[%dma_start3A_517, %dma_start3A_518] : memref<10240x16xf32, #tpu.memory_space<vmem_shared>> -> memref<10240x16xf32, #tpu.memory_space<vmem_shared>>
      tpu.enqueue_indirect_dma source(%dma_start3A_519 : memref<10240x16xf32, #tpu.memory_space<vmem_shared>>) target(%arg12 : memref<128x16xf32, #tpu.memory_space<vmem>>) offsets(%dma_start3A_516 : memref<128xi32, #tpu.memory_space<vmem>>) semaphore(%arg21 : memref<!tpu.dma_semaphore, #tpu.memory_space<semaphore_mem>>)
      %add3A_520 = arith.constant 1 : i32
      %add3A_521 = arith.addi %add3A_511, %add3A_520 : i32
      %dma_start3A_522 = arith.constant 0 : i32
      %dma_start3A_523 = tpu.memref_slice %arg6[%add3A_521, %dma_start3A_522] : memref<80x128xi32, #tpu.memory_space<vmem>> -> memref<1x128xi32, #tpu.memory_space<vmem>>
      %dma_start3A_524 = tpu.memref_squeeze %dma_start3A_523 : memref<1x128xi32, #tpu.memory_space<vmem>> -> memref<128xi32, #tpu.memory_space<vmem>>
      %dma_start3A_525 = arith.constant 0 : i32
      %dma_start3A_526 = arith.constant 0 : i32
      %dma_start3A_527 = tpu.memref_slice %arg19[%dma_start3A_525, %dma_start3A_526] : memref<10240x16xf32, #tpu.memory_space<vmem_shared>> -> memref<10240x16xf32, #tpu.memory_space<vmem_shared>>
      tpu.enqueue_indirect_dma source(%dma_start3A_527 : memref<10240x16xf32, #tpu.memory_space<vmem_shared>>) target(%arg13 : memref<128x16xf32, #tpu.memory_space<vmem>>) offsets(%dma_start3A_524 : memref<128xi32, #tpu.memory_space<vmem>>) semaphore(%arg21 : memref<!tpu.dma_semaphore, #tpu.memory_space<semaphore_mem>>)
      %add3A_528 = arith.constant 2 : i32
      %add3A_529 = arith.addi %add3A_511, %add3A_528 : i32
      %dma_start3A_530 = arith.constant 0 : i32
      %dma_start3A_531 = tpu.memref_slice %arg6[%add3A_529, %dma_start3A_530] : memref<80x128xi32, #tpu.memory_space<vmem>> -> memref<1x128xi32, #tpu.memory_space<vmem>>
      %dma_start3A_532 = tpu.memref_squeeze %dma_start3A_531 : memref<1x128xi32, #tpu.memory_space<vmem>> -> memref<128xi32, #tpu.memory_space<vmem>>
      %dma_start3A_533 = arith.constant 0 : i32
      %dma_start3A_534 = arith.constant 0 : i32
      %dma_start3A_535 = tpu.memref_slice %arg19[%dma_start3A_533, %dma_start3A_534] : memref<10240x16xf32, #tpu.memory_space<vmem_shared>> -> memref<10240x16xf32, #tpu.memory_space<vmem_shared>>
      tpu.enqueue_indirect_dma source(%dma_start3A_535 : memref<10240x16xf32, #tpu.memory_space<vmem_shared>>) target(%arg14 : memref<128x16xf32, #tpu.memory_space<vmem>>) offsets(%dma_start3A_532 : memref<128xi32, #tpu.memory_space<vmem>>) semaphore(%arg21 : memref<!tpu.dma_semaphore, #tpu.memory_space<semaphore_mem>>)
      %add3A_536 = arith.constant 3 : i32
      %add3A_537 = arith.addi %add3A_511, %add3A_536 : i32
      %dma_start3A_538 = arith.constant 0 : i32
      %dma_start3A_539 = tpu.memref_slice %arg6[%add3A_537, %dma_start3A_538] : memref<80x128xi32, #tpu.memory_space<vmem>> -> memref<1x128xi32, #tpu.memory_space<vmem>>
      %dma_start3A_540 = tpu.memref_squeeze %dma_start3A_539 : memref<1x128xi32, #tpu.memory_space<vmem>> -> memref<128xi32, #tpu.memory_space<vmem>>
      %dma_start3A_541 = arith.constant 0 : i32
      %dma_start3A_542 = arith.constant 0 : i32
      %dma_start3A_543 = tpu.memref_slice %arg19[%dma_start3A_541, %dma_start3A_542] : memref<10240x16xf32, #tpu.memory_space<vmem_shared>> -> memref<10240x16xf32, #tpu.memory_space<vmem_shared>>
      tpu.enqueue_indirect_dma source(%dma_start3A_543 : memref<10240x16xf32, #tpu.memory_space<vmem_shared>>) target(%arg15 : memref<128x16xf32, #tpu.memory_space<vmem>>) offsets(%dma_start3A_540 : memref<128xi32, #tpu.memory_space<vmem>>) semaphore(%arg21 : memref<!tpu.dma_semaphore, #tpu.memory_space<semaphore_mem>>)
      %dma_wait3A_544 = arith.constant 0 : i32
      %dma_wait3A_545 = arith.constant 0 : i32
      %dma_wait3A_546 = tpu.memref_slice %arg6[%dma_wait3A_544, %dma_wait3A_545] : memref<80x128xi32, #tpu.memory_space<vmem>> -> memref<1x128xi32, #tpu.memory_space<vmem>>
      %dma_wait3A_547 = tpu.memref_squeeze %dma_wait3A_546 : memref<1x128xi32, #tpu.memory_space<vmem>> -> memref<128xi32, #tpu.memory_space<vmem>>
      %dma_wait3A_548 = arith.constant 0 : i32
      %dma_wait3A_549 = arith.constant 0 : i32
      %dma_wait3A_550 = tpu.memref_slice %arg19[%dma_wait3A_548, %dma_wait3A_549] : memref<10240x16xf32, #tpu.memory_space<vmem_shared>> -> memref<10240x16xf32, #tpu.memory_space<vmem_shared>>
      tpu.wait_indirect_dma semaphore(%arg20 : memref<!tpu.dma_semaphore, #tpu.memory_space<semaphore_mem>>) src(%dma_wait3A_550 : memref<10240x16xf32, #tpu.memory_space<vmem_shared>>) dst(%arg8 : memref<128x16xf32, #tpu.memory_space<vmem>>)
      %dma_wait3A_551 = arith.constant 0 : i32
      %dma_wait3A_552 = arith.constant 0 : i32
      %dma_wait3A_553 = tpu.memref_slice %arg6[%dma_wait3A_551, %dma_wait3A_552] : memref<80x128xi32, #tpu.memory_space<vmem>> -> memref<1x128xi32, #tpu.memory_space<vmem>>
      %dma_wait3A_554 = tpu.memref_squeeze %dma_wait3A_553 : memref<1x128xi32, #tpu.memory_space<vmem>> -> memref<128xi32, #tpu.memory_space<vmem>>
      %dma_wait3A_555 = arith.constant 0 : i32
      %dma_wait3A_556 = arith.constant 0 : i32
      %dma_wait3A_557 = tpu.memref_slice %arg19[%dma_wait3A_555, %dma_wait3A_556] : memref<10240x16xf32, #tpu.memory_space<vmem_shared>> -> memref<10240x16xf32, #tpu.memory_space<vmem_shared>>
      tpu.wait_indirect_dma semaphore(%arg20 : memref<!tpu.dma_semaphore, #tpu.memory_space<semaphore_mem>>) src(%dma_wait3A_557 : memref<10240x16xf32, #tpu.memory_space<vmem_shared>>) dst(%arg9 : memref<128x16xf32, #tpu.memory_space<vmem>>)
      %dma_wait3A_558 = arith.constant 0 : i32
      %dma_wait3A_559 = arith.constant 0 : i32
      %dma_wait3A_560 = tpu.memref_slice %arg6[%dma_wait3A_558, %dma_wait3A_559] : memref<80x128xi32, #tpu.memory_space<vmem>> -> memref<1x128xi32, #tpu.memory_space<vmem>>
      %dma_wait3A_561 = tpu.memref_squeeze %dma_wait3A_560 : memref<1x128xi32, #tpu.memory_space<vmem>> -> memref<128xi32, #tpu.memory_space<vmem>>
      %dma_wait3A_562 = arith.constant 0 : i32
      %dma_wait3A_563 = arith.constant 0 : i32
      %dma_wait3A_564 = tpu.memref_slice %arg19[%dma_wait3A_562, %dma_wait3A_563] : memref<10240x16xf32, #tpu.memory_space<vmem_shared>> -> memref<10240x16xf32, #tpu.memory_space<vmem_shared>>
      tpu.wait_indirect_dma semaphore(%arg20 : memref<!tpu.dma_semaphore, #tpu.memory_space<semaphore_mem>>) src(%dma_wait3A_564 : memref<10240x16xf32, #tpu.memory_space<vmem_shared>>) dst(%arg10 : memref<128x16xf32, #tpu.memory_space<vmem>>)
      %dma_wait3A_565 = arith.constant 0 : i32
      %dma_wait3A_566 = arith.constant 0 : i32
      %dma_wait3A_567 = tpu.memref_slice %arg6[%dma_wait3A_565, %dma_wait3A_566] : memref<80x128xi32, #tpu.memory_space<vmem>> -> memref<1x128xi32, #tpu.memory_space<vmem>>
      %dma_wait3A_568 = tpu.memref_squeeze %dma_wait3A_567 : memref<1x128xi32, #tpu.memory_space<vmem>> -> memref<128xi32, #tpu.memory_space<vmem>>
      %dma_wait3A_569 = arith.constant 0 : i32
      %dma_wait3A_570 = arith.constant 0 : i32
      %dma_wait3A_571 = tpu.memref_slice %arg19[%dma_wait3A_569, %dma_wait3A_570] : memref<10240x16xf32, #tpu.memory_space<vmem_shared>> -> memref<10240x16xf32, #tpu.memory_space<vmem_shared>>
      tpu.wait_indirect_dma semaphore(%arg20 : memref<!tpu.dma_semaphore, #tpu.memory_space<semaphore_mem>>) src(%dma_wait3A_571 : memref<10240x16xf32, #tpu.memory_space<vmem_shared>>) dst(%arg11 : memref<128x16xf32, #tpu.memory_space<vmem>>)
      %add3A_572 = arith.constant 0 : i32
      %add3A_573 = arith.addi %add3A_481, %add3A_572 : i32
      %dma_start3A_574 = arith.constant 0 : i32
      %dma_start3A_575 = tpu.memref_slice %arg7[%add3A_573, %dma_start3A_574] : memref<80x128xi32, #tpu.memory_space<vmem>> -> memref<1x128xi32, #tpu.memory_space<vmem>>
      %dma_start3A_576 = tpu.memref_squeeze %dma_start3A_575 : memref<1x128xi32, #tpu.memory_space<vmem>> -> memref<128xi32, #tpu.memory_space<vmem>>
      %dma_start3A_577 = arith.constant 0 : i32
      %dma_start3A_578 = arith.constant 0 : i32
      %dma_start3A_579 = tpu.memref_slice %arg18[%dma_start3A_577, %dma_start3A_578] : memref<10240x16xf32, #tpu.memory_space<vmem_shared>> -> memref<10240x16xf32, #tpu.memory_space<vmem_shared>>
      tpu.enqueue_indirect_dma source(%arg8 : memref<128x16xf32, #tpu.memory_space<vmem>>) target(%dma_start3A_579 : memref<10240x16xf32, #tpu.memory_space<vmem_shared>>) offsets(%dma_start3A_576 : memref<128xi32, #tpu.memory_space<vmem>>) semaphore(%arg22 : memref<!tpu.dma_semaphore, #tpu.memory_space<semaphore_mem>>) {add = true}
      %add3A_580 = arith.constant 1 : i32
      %add3A_581 = arith.addi %add3A_481, %add3A_580 : i32
      %dma_start3A_582 = arith.constant 0 : i32
      %dma_start3A_583 = tpu.memref_slice %arg7[%add3A_581, %dma_start3A_582] : memref<80x128xi32, #tpu.memory_space<vmem>> -> memref<1x128xi32, #tpu.memory_space<vmem>>
      %dma_start3A_584 = tpu.memref_squeeze %dma_start3A_583 : memref<1x128xi32, #tpu.memory_space<vmem>> -> memref<128xi32, #tpu.memory_space<vmem>>
      %dma_start3A_585 = arith.constant 0 : i32
      %dma_start3A_586 = arith.constant 0 : i32
      %dma_start3A_587 = tpu.memref_slice %arg18[%dma_start3A_585, %dma_start3A_586] : memref<10240x16xf32, #tpu.memory_space<vmem_shared>> -> memref<10240x16xf32, #tpu.memory_space<vmem_shared>>
      tpu.enqueue_indirect_dma source(%arg9 : memref<128x16xf32, #tpu.memory_space<vmem>>) target(%dma_start3A_587 : memref<10240x16xf32, #tpu.memory_space<vmem_shared>>) offsets(%dma_start3A_584 : memref<128xi32, #tpu.memory_space<vmem>>) semaphore(%arg22 : memref<!tpu.dma_semaphore, #tpu.memory_space<semaphore_mem>>) {add = true}
      %add3A_588 = arith.constant 2 : i32
      %add3A_589 = arith.addi %add3A_481, %add3A_588 : i32
      %dma_start3A_590 = arith.constant 0 : i32
      %dma_start3A_591 = tpu.memref_slice %arg7[%add3A_589, %dma_start3A_590] : memref<80x128xi32, #tpu.memory_space<vmem>> -> memref<1x128xi32, #tpu.memory_space<vmem>>
      %dma_start3A_592 = tpu.memref_squeeze %dma_start3A_591 : memref<1x128xi32, #tpu.memory_space<vmem>> -> memref<128xi32, #tpu.memory_space<vmem>>
      %dma_start3A_593 = arith.constant 0 : i32
      %dma_start3A_594 = arith.constant 0 : i32
      %dma_start3A_595 = tpu.memref_slice %arg18[%dma_start3A_593, %dma_start3A_594] : memref<10240x16xf32, #tpu.memory_space<vmem_shared>> -> memref<10240x16xf32, #tpu.memory_space<vmem_shared>>
      tpu.enqueue_indirect_dma source(%arg10 : memref<128x16xf32, #tpu.memory_space<vmem>>) target(%dma_start3A_595 : memref<10240x16xf32, #tpu.memory_space<vmem_shared>>) offsets(%dma_start3A_592 : memref<128xi32, #tpu.memory_space<vmem>>) semaphore(%arg22 : memref<!tpu.dma_semaphore, #tpu.memory_space<semaphore_mem>>) {add = true}
      %add3A_596 = arith.constant 3 : i32
      %add3A_597 = arith.addi %add3A_481, %add3A_596 : i32
      %dma_start3A_598 = arith.constant 0 : i32
      %dma_start3A_599 = tpu.memref_slice %arg7[%add3A_597, %dma_start3A_598] : memref<80x128xi32, #tpu.memory_space<vmem>> -> memref<1x128xi32, #tpu.memory_space<vmem>>
      %dma_start3A_600 = tpu.memref_squeeze %dma_start3A_599 : memref<1x128xi32, #tpu.memory_space<vmem>> -> memref<128xi32, #tpu.memory_space<vmem>>
      %dma_start3A_601 = arith.constant 0 : i32
      %dma_start3A_602 = arith.constant 0 : i32
      %dma_start3A_603 = tpu.memref_slice %arg18[%dma_start3A_601, %dma_start3A_602] : memref<10240x16xf32, #tpu.memory_space<vmem_shared>> -> memref<10240x16xf32, #tpu.memory_space<vmem_shared>>
      tpu.enqueue_indirect_dma source(%arg11 : memref<128x16xf32, #tpu.memory_space<vmem>>) target(%dma_start3A_603 : memref<10240x16xf32, #tpu.memory_space<vmem_shared>>) offsets(%dma_start3A_600 : memref<128xi32, #tpu.memory_space<vmem>>) semaphore(%arg22 : memref<!tpu.dma_semaphore, #tpu.memory_space<semaphore_mem>>) {add = true}
      %dma_wait3A_604 = arith.constant 0 : i32
      %dma_wait3A_605 = arith.constant 0 : i32
      %dma_wait3A_606 = tpu.memref_slice %arg7[%dma_wait3A_604, %dma_wait3A_605] : memref<80x128xi32, #tpu.memory_space<vmem>> -> memref<1x128xi32, #tpu.memory_space<vmem>>
      %dma_wait3A_607 = tpu.memref_squeeze %dma_wait3A_606 : memref<1x128xi32, #tpu.memory_space<vmem>> -> memref<128xi32, #tpu.memory_space<vmem>>
      %dma_wait3A_608 = arith.constant 0 : i32
      %dma_wait3A_609 = arith.constant 0 : i32
      %dma_wait3A_610 = tpu.memref_slice %arg18[%dma_wait3A_608, %dma_wait3A_609] : memref<10240x16xf32, #tpu.memory_space<vmem_shared>> -> memref<10240x16xf32, #tpu.memory_space<vmem_shared>>
      tpu.wait_indirect_dma semaphore(%arg22 : memref<!tpu.dma_semaphore, #tpu.memory_space<semaphore_mem>>) src(%arg8 : memref<128x16xf32, #tpu.memory_space<vmem>>) dst(%dma_wait3A_610 : memref<10240x16xf32, #tpu.memory_space<vmem_shared>>)
      %dma_wait3A_611 = arith.constant 0 : i32
      %dma_wait3A_612 = arith.constant 0 : i32
      %dma_wait3A_613 = tpu.memref_slice %arg7[%dma_wait3A_611, %dma_wait3A_612] : memref<80x128xi32, #tpu.memory_space<vmem>> -> memref<1x128xi32, #tpu.memory_space<vmem>>
      %dma_wait3A_614 = tpu.memref_squeeze %dma_wait3A_613 : memref<1x128xi32, #tpu.memory_space<vmem>> -> memref<128xi32, #tpu.memory_space<vmem>>
      %dma_wait3A_615 = arith.constant 0 : i32
      %dma_wait3A_616 = arith.constant 0 : i32
      %dma_wait3A_617 = tpu.memref_slice %arg18[%dma_wait3A_615, %dma_wait3A_616] : memref<10240x16xf32, #tpu.memory_space<vmem_shared>> -> memref<10240x16xf32, #tpu.memory_space<vmem_shared>>
      tpu.wait_indirect_dma semaphore(%arg22 : memref<!tpu.dma_semaphore, #tpu.memory_space<semaphore_mem>>) src(%arg9 : memref<128x16xf32, #tpu.memory_space<vmem>>) dst(%dma_wait3A_617 : memref<10240x16xf32, #tpu.memory_space<vmem_shared>>)
      %dma_wait3A_618 = arith.constant 0 : i32
      %dma_wait3A_619 = arith.constant 0 : i32
      %dma_wait3A_620 = tpu.memref_slice %arg7[%dma_wait3A_618, %dma_wait3A_619] : memref<80x128xi32, #tpu.memory_space<vmem>> -> memref<1x128xi32, #tpu.memory_space<vmem>>
      %dma_wait3A_621 = tpu.memref_squeeze %dma_wait3A_620 : memref<1x128xi32, #tpu.memory_space<vmem>> -> memref<128xi32, #tpu.memory_space<vmem>>
      %dma_wait3A_622 = arith.constant 0 : i32
      %dma_wait3A_623 = arith.constant 0 : i32
      %dma_wait3A_624 = tpu.memref_slice %arg18[%dma_wait3A_622, %dma_wait3A_623] : memref<10240x16xf32, #tpu.memory_space<vmem_shared>> -> memref<10240x16xf32, #tpu.memory_space<vmem_shared>>
      tpu.wait_indirect_dma semaphore(%arg22 : memref<!tpu.dma_semaphore, #tpu.memory_space<semaphore_mem>>) src(%arg10 : memref<128x16xf32, #tpu.memory_space<vmem>>) dst(%dma_wait3A_624 : memref<10240x16xf32, #tpu.memory_space<vmem_shared>>)
      %dma_wait3A_625 = arith.constant 0 : i32
      %dma_wait3A_626 = arith.constant 0 : i32
      %dma_wait3A_627 = tpu.memref_slice %arg7[%dma_wait3A_625, %dma_wait3A_626] : memref<80x128xi32, #tpu.memory_space<vmem>> -> memref<1x128xi32, #tpu.memory_space<vmem>>
      %dma_wait3A_628 = tpu.memref_squeeze %dma_wait3A_627 : memref<1x128xi32, #tpu.memory_space<vmem>> -> memref<128xi32, #tpu.memory_space<vmem>>
      %dma_wait3A_629 = arith.constant 0 : i32
      %dma_wait3A_630 = arith.constant 0 : i32
      %dma_wait3A_631 = tpu.memref_slice %arg18[%dma_wait3A_629, %dma_wait3A_630] : memref<10240x16xf32, #tpu.memory_space<vmem_shared>> -> memref<10240x16xf32, #tpu.memory_space<vmem_shared>>
      tpu.wait_indirect_dma semaphore(%arg22 : memref<!tpu.dma_semaphore, #tpu.memory_space<semaphore_mem>>) src(%arg11 : memref<128x16xf32, #tpu.memory_space<vmem>>) dst(%dma_wait3A_631 : memref<10240x16xf32, #tpu.memory_space<vmem_shared>>)
      %add3A_632 = arith.constant 8 : i32
      %add3A_633 = arith.addi %add3A_481, %add3A_632 : i32
      %add3A_634 = arith.constant 0 : i32
      %add3A_635 = arith.addi %add3A_633, %add3A_634 : i32
      %dma_start3A_636 = arith.constant 0 : i32
      %dma_start3A_637 = tpu.memref_slice %arg6[%add3A_635, %dma_start3A_636] : memref<80x128xi32, #tpu.memory_space<vmem>> -> memref<1x128xi32, #tpu.memory_space<vmem>>
      %dma_start3A_638 = tpu.memref_squeeze %dma_start3A_637 : memref<1x128xi32, #tpu.memory_space<vmem>> -> memref<128xi32, #tpu.memory_space<vmem>>
      %dma_start3A_639 = arith.constant 0 : i32
      %dma_start3A_640 = arith.constant 0 : i32
      %dma_start3A_641 = tpu.memref_slice %arg19[%dma_start3A_639, %dma_start3A_640] : memref<10240x16xf32, #tpu.memory_space<vmem_shared>> -> memref<10240x16xf32, #tpu.memory_space<vmem_shared>>
      tpu.enqueue_indirect_dma source(%dma_start3A_641 : memref<10240x16xf32, #tpu.memory_space<vmem_shared>>) target(%arg8 : memref<128x16xf32, #tpu.memory_space<vmem>>) offsets(%dma_start3A_638 : memref<128xi32, #tpu.memory_space<vmem>>) semaphore(%arg20 : memref<!tpu.dma_semaphore, #tpu.memory_space<semaphore_mem>>)
      %add3A_642 = arith.constant 1 : i32
      %add3A_643 = arith.addi %add3A_633, %add3A_642 : i32
      %dma_start3A_644 = arith.constant 0 : i32
      %dma_start3A_645 = tpu.memref_slice %arg6[%add3A_643, %dma_start3A_644] : memref<80x128xi32, #tpu.memory_space<vmem>> -> memref<1x128xi32, #tpu.memory_space<vmem>>
      %dma_start3A_646 = tpu.memref_squeeze %dma_start3A_645 : memref<1x128xi32, #tpu.memory_space<vmem>> -> memref<128xi32, #tpu.memory_space<vmem>>
      %dma_start3A_647 = arith.constant 0 : i32
      %dma_start3A_648 = arith.constant 0 : i32
      %dma_start3A_649 = tpu.memref_slice %arg19[%dma_start3A_647, %dma_start3A_648] : memref<10240x16xf32, #tpu.memory_space<vmem_shared>> -> memref<10240x16xf32, #tpu.memory_space<vmem_shared>>
      tpu.enqueue_indirect_dma source(%dma_start3A_649 : memref<10240x16xf32, #tpu.memory_space<vmem_shared>>) target(%arg9 : memref<128x16xf32, #tpu.memory_space<vmem>>) offsets(%dma_start3A_646 : memref<128xi32, #tpu.memory_space<vmem>>) semaphore(%arg20 : memref<!tpu.dma_semaphore, #tpu.memory_space<semaphore_mem>>)
      %add3A_650 = arith.constant 2 : i32
      %add3A_651 = arith.addi %add3A_633, %add3A_650 : i32
      %dma_start3A_652 = arith.constant 0 : i32
      %dma_start3A_653 = tpu.memref_slice %arg6[%add3A_651, %dma_start3A_652] : memref<80x128xi32, #tpu.memory_space<vmem>> -> memref<1x128xi32, #tpu.memory_space<vmem>>
      %dma_start3A_654 = tpu.memref_squeeze %dma_start3A_653 : memref<1x128xi32, #tpu.memory_space<vmem>> -> memref<128xi32, #tpu.memory_space<vmem>>
      %dma_start3A_655 = arith.constant 0 : i32
      %dma_start3A_656 = arith.constant 0 : i32
      %dma_start3A_657 = tpu.memref_slice %arg19[%dma_start3A_655, %dma_start3A_656] : memref<10240x16xf32, #tpu.memory_space<vmem_shared>> -> memref<10240x16xf32, #tpu.memory_space<vmem_shared>>
      tpu.enqueue_indirect_dma source(%dma_start3A_657 : memref<10240x16xf32, #tpu.memory_space<vmem_shared>>) target(%arg10 : memref<128x16xf32, #tpu.memory_space<vmem>>) offsets(%dma_start3A_654 : memref<128xi32, #tpu.memory_space<vmem>>) semaphore(%arg20 : memref<!tpu.dma_semaphore, #tpu.memory_space<semaphore_mem>>)
      %add3A_658 = arith.constant 3 : i32
      %add3A_659 = arith.addi %add3A_633, %add3A_658 : i32
      %dma_start3A_660 = arith.constant 0 : i32
      %dma_start3A_661 = tpu.memref_slice %arg6[%add3A_659, %dma_start3A_660] : memref<80x128xi32, #tpu.memory_space<vmem>> -> memref<1x128xi32, #tpu.memory_space<vmem>>
      %dma_start3A_662 = tpu.memref_squeeze %dma_start3A_661 : memref<1x128xi32, #tpu.memory_space<vmem>> -> memref<128xi32, #tpu.memory_space<vmem>>
      %dma_start3A_663 = arith.constant 0 : i32
      %dma_start3A_664 = arith.constant 0 : i32
      %dma_start3A_665 = tpu.memref_slice %arg19[%dma_start3A_663, %dma_start3A_664] : memref<10240x16xf32, #tpu.memory_space<vmem_shared>> -> memref<10240x16xf32, #tpu.memory_space<vmem_shared>>
      tpu.enqueue_indirect_dma source(%dma_start3A_665 : memref<10240x16xf32, #tpu.memory_space<vmem_shared>>) target(%arg11 : memref<128x16xf32, #tpu.memory_space<vmem>>) offsets(%dma_start3A_662 : memref<128xi32, #tpu.memory_space<vmem>>) semaphore(%arg20 : memref<!tpu.dma_semaphore, #tpu.memory_space<semaphore_mem>>)
      %dma_wait3A_666 = arith.constant 0 : i32
      %dma_wait3A_667 = arith.constant 0 : i32
      %dma_wait3A_668 = tpu.memref_slice %arg6[%dma_wait3A_666, %dma_wait3A_667] : memref<80x128xi32, #tpu.memory_space<vmem>> -> memref<1x128xi32, #tpu.memory_space<vmem>>
      %dma_wait3A_669 = tpu.memref_squeeze %dma_wait3A_668 : memref<1x128xi32, #tpu.memory_space<vmem>> -> memref<128xi32, #tpu.memory_space<vmem>>
      %dma_wait3A_670 = arith.constant 0 : i32
      %dma_wait3A_671 = arith.constant 0 : i32
      %dma_wait3A_672 = tpu.memref_slice %arg19[%dma_wait3A_670, %dma_wait3A_671] : memref<10240x16xf32, #tpu.memory_space<vmem_shared>> -> memref<10240x16xf32, #tpu.memory_space<vmem_shared>>
      tpu.wait_indirect_dma semaphore(%arg21 : memref<!tpu.dma_semaphore, #tpu.memory_space<semaphore_mem>>) src(%dma_wait3A_672 : memref<10240x16xf32, #tpu.memory_space<vmem_shared>>) dst(%arg12 : memref<128x16xf32, #tpu.memory_space<vmem>>)
      %dma_wait3A_673 = arith.constant 0 : i32
      %dma_wait3A_674 = arith.constant 0 : i32
      %dma_wait3A_675 = tpu.memref_slice %arg6[%dma_wait3A_673, %dma_wait3A_674] : memref<80x128xi32, #tpu.memory_space<vmem>> -> memref<1x128xi32, #tpu.memory_space<vmem>>
      %dma_wait3A_676 = tpu.memref_squeeze %dma_wait3A_675 : memref<1x128xi32, #tpu.memory_space<vmem>> -> memref<128xi32, #tpu.memory_space<vmem>>
      %dma_wait3A_677 = arith.constant 0 : i32
      %dma_wait3A_678 = arith.constant 0 : i32
      %dma_wait3A_679 = tpu.memref_slice %arg19[%dma_wait3A_677, %dma_wait3A_678] : memref<10240x16xf32, #tpu.memory_space<vmem_shared>> -> memref<10240x16xf32, #tpu.memory_space<vmem_shared>>
      tpu.wait_indirect_dma semaphore(%arg21 : memref<!tpu.dma_semaphore, #tpu.memory_space<semaphore_mem>>) src(%dma_wait3A_679 : memref<10240x16xf32, #tpu.memory_space<vmem_shared>>) dst(%arg13 : memref<128x16xf32, #tpu.memory_space<vmem>>)
      %dma_wait3A_680 = arith.constant 0 : i32
      %dma_wait3A_681 = arith.constant 0 : i32
      %dma_wait3A_682 = tpu.memref_slice %arg6[%dma_wait3A_680, %dma_wait3A_681] : memref<80x128xi32, #tpu.memory_space<vmem>> -> memref<1x128xi32, #tpu.memory_space<vmem>>
      %dma_wait3A_683 = tpu.memref_squeeze %dma_wait3A_682 : memref<1x128xi32, #tpu.memory_space<vmem>> -> memref<128xi32, #tpu.memory_space<vmem>>
      %dma_wait3A_684 = arith.constant 0 : i32
      %dma_wait3A_685 = arith.constant 0 : i32
      %dma_wait3A_686 = tpu.memref_slice %arg19[%dma_wait3A_684, %dma_wait3A_685] : memref<10240x16xf32, #tpu.memory_space<vmem_shared>> -> memref<10240x16xf32, #tpu.memory_space<vmem_shared>>
      tpu.wait_indirect_dma semaphore(%arg21 : memref<!tpu.dma_semaphore, #tpu.memory_space<semaphore_mem>>) src(%dma_wait3A_686 : memref<10240x16xf32, #tpu.memory_space<vmem_shared>>) dst(%arg14 : memref<128x16xf32, #tpu.memory_space<vmem>>)
      %dma_wait3A_687 = arith.constant 0 : i32
      %dma_wait3A_688 = arith.constant 0 : i32
      %dma_wait3A_689 = tpu.memref_slice %arg6[%dma_wait3A_687, %dma_wait3A_688] : memref<80x128xi32, #tpu.memory_space<vmem>> -> memref<1x128xi32, #tpu.memory_space<vmem>>
      %dma_wait3A_690 = tpu.memref_squeeze %dma_wait3A_689 : memref<1x128xi32, #tpu.memory_space<vmem>> -> memref<128xi32, #tpu.memory_space<vmem>>
      %dma_wait3A_691 = arith.constant 0 : i32
      %dma_wait3A_692 = arith.constant 0 : i32
      %dma_wait3A_693 = tpu.memref_slice %arg19[%dma_wait3A_691, %dma_wait3A_692] : memref<10240x16xf32, #tpu.memory_space<vmem_shared>> -> memref<10240x16xf32, #tpu.memory_space<vmem_shared>>
      tpu.wait_indirect_dma semaphore(%arg21 : memref<!tpu.dma_semaphore, #tpu.memory_space<semaphore_mem>>) src(%dma_wait3A_693 : memref<10240x16xf32, #tpu.memory_space<vmem_shared>>) dst(%arg15 : memref<128x16xf32, #tpu.memory_space<vmem>>)
      %add3A_694 = arith.constant 4 : i32
      %add3A_695 = arith.addi %add3A_481, %add3A_694 : i32
      %add3A_696 = arith.constant 0 : i32
      %add3A_697 = arith.addi %add3A_695, %add3A_696 : i32
      %dma_start3A_698 = arith.constant 0 : i32
      %dma_start3A_699 = tpu.memref_slice %arg7[%add3A_697, %dma_start3A_698] : memref<80x128xi32, #tpu.memory_space<vmem>> -> memref<1x128xi32, #tpu.memory_space<vmem>>
      %dma_start3A_700 = tpu.memref_squeeze %dma_start3A_699 : memref<1x128xi32, #tpu.memory_space<vmem>> -> memref<128xi32, #tpu.memory_space<vmem>>
      %dma_start3A_701 = arith.constant 0 : i32
      %dma_start3A_702 = arith.constant 0 : i32
      %dma_start3A_703 = tpu.memref_slice %arg18[%dma_start3A_701, %dma_start3A_702] : memref<10240x16xf32, #tpu.memory_space<vmem_shared>> -> memref<10240x16xf32, #tpu.memory_space<vmem_shared>>
      tpu.enqueue_indirect_dma source(%arg12 : memref<128x16xf32, #tpu.memory_space<vmem>>) target(%dma_start3A_703 : memref<10240x16xf32, #tpu.memory_space<vmem_shared>>) offsets(%dma_start3A_700 : memref<128xi32, #tpu.memory_space<vmem>>) semaphore(%arg23 : memref<!tpu.dma_semaphore, #tpu.memory_space<semaphore_mem>>) {add = true}
      %add3A_704 = arith.constant 1 : i32
      %add3A_705 = arith.addi %add3A_695, %add3A_704 : i32
      %dma_start3A_706 = arith.constant 0 : i32
      %dma_start3A_707 = tpu.memref_slice %arg7[%add3A_705, %dma_start3A_706] : memref<80x128xi32, #tpu.memory_space<vmem>> -> memref<1x128xi32, #tpu.memory_space<vmem>>
      %dma_start3A_708 = tpu.memref_squeeze %dma_start3A_707 : memref<1x128xi32, #tpu.memory_space<vmem>> -> memref<128xi32, #tpu.memory_space<vmem>>
      %dma_start3A_709 = arith.constant 0 : i32
      %dma_start3A_710 = arith.constant 0 : i32
      %dma_start3A_711 = tpu.memref_slice %arg18[%dma_start3A_709, %dma_start3A_710] : memref<10240x16xf32, #tpu.memory_space<vmem_shared>> -> memref<10240x16xf32, #tpu.memory_space<vmem_shared>>
      tpu.enqueue_indirect_dma source(%arg13 : memref<128x16xf32, #tpu.memory_space<vmem>>) target(%dma_start3A_711 : memref<10240x16xf32, #tpu.memory_space<vmem_shared>>) offsets(%dma_start3A_708 : memref<128xi32, #tpu.memory_space<vmem>>) semaphore(%arg23 : memref<!tpu.dma_semaphore, #tpu.memory_space<semaphore_mem>>) {add = true}
      %add3A_712 = arith.constant 2 : i32
      %add3A_713 = arith.addi %add3A_695, %add3A_712 : i32
      %dma_start3A_714 = arith.constant 0 : i32
      %dma_start3A_715 = tpu.memref_slice %arg7[%add3A_713, %dma_start3A_714] : memref<80x128xi32, #tpu.memory_space<vmem>> -> memref<1x128xi32, #tpu.memory_space<vmem>>
      %dma_start3A_716 = tpu.memref_squeeze %dma_start3A_715 : memref<1x128xi32, #tpu.memory_space<vmem>> -> memref<128xi32, #tpu.memory_space<vmem>>
      %dma_start3A_717 = arith.constant 0 : i32
      %dma_start3A_718 = arith.constant 0 : i32
      %dma_start3A_719 = tpu.memref_slice %arg18[%dma_start3A_717, %dma_start3A_718] : memref<10240x16xf32, #tpu.memory_space<vmem_shared>> -> memref<10240x16xf32, #tpu.memory_space<vmem_shared>>
      tpu.enqueue_indirect_dma source(%arg14 : memref<128x16xf32, #tpu.memory_space<vmem>>) target(%dma_start3A_719 : memref<10240x16xf32, #tpu.memory_space<vmem_shared>>) offsets(%dma_start3A_716 : memref<128xi32, #tpu.memory_space<vmem>>) semaphore(%arg23 : memref<!tpu.dma_semaphore, #tpu.memory_space<semaphore_mem>>) {add = true}
      %add3A_720 = arith.constant 3 : i32
      %add3A_721 = arith.addi %add3A_695, %add3A_720 : i32
      %dma_start3A_722 = arith.constant 0 : i32
      %dma_start3A_723 = tpu.memref_slice %arg7[%add3A_721, %dma_start3A_722] : memref<80x128xi32, #tpu.memory_space<vmem>> -> memref<1x128xi32, #tpu.memory_space<vmem>>
      %dma_start3A_724 = tpu.memref_squeeze %dma_start3A_723 : memref<1x128xi32, #tpu.memory_space<vmem>> -> memref<128xi32, #tpu.memory_space<vmem>>
      %dma_start3A_725 = arith.constant 0 : i32
      %dma_start3A_726 = arith.constant 0 : i32
      %dma_start3A_727 = tpu.memref_slice %arg18[%dma_start3A_725, %dma_start3A_726] : memref<10240x16xf32, #tpu.memory_space<vmem_shared>> -> memref<10240x16xf32, #tpu.memory_space<vmem_shared>>
      tpu.enqueue_indirect_dma source(%arg15 : memref<128x16xf32, #tpu.memory_space<vmem>>) target(%dma_start3A_727 : memref<10240x16xf32, #tpu.memory_space<vmem_shared>>) offsets(%dma_start3A_724 : memref<128xi32, #tpu.memory_space<vmem>>) semaphore(%arg23 : memref<!tpu.dma_semaphore, #tpu.memory_space<semaphore_mem>>) {add = true}
    }
    %scan3A_246 = arith.constant 8 : i32
    %dma_wait3A_247 = arith.constant 0 : i32
    %dma_wait3A_248 = arith.constant 0 : i32
    %dma_wait3A_249 = tpu.memref_slice %arg7[%dma_wait3A_247, %dma_wait3A_248] : memref<80x128xi32, #tpu.memory_space<vmem>> -> memref<1x128xi32, #tpu.memory_space<vmem>>
    %dma_wait3A_250 = tpu.memref_squeeze %dma_wait3A_249 : memref<1x128xi32, #tpu.memory_space<vmem>> -> memref<128xi32, #tpu.memory_space<vmem>>
    %dma_wait3A_251 = arith.constant 0 : i32
    %dma_wait3A_252 = arith.constant 0 : i32
    %dma_wait3A_253 = tpu.memref_slice %arg18[%dma_wait3A_251, %dma_wait3A_252] : memref<10240x16xf32, #tpu.memory_space<vmem_shared>> -> memref<10240x16xf32, #tpu.memory_space<vmem_shared>>
    tpu.wait_indirect_dma semaphore(%arg23 : memref<!tpu.dma_semaphore, #tpu.memory_space<semaphore_mem>>) src(%arg12 : memref<128x16xf32, #tpu.memory_space<vmem>>) dst(%dma_wait3A_253 : memref<10240x16xf32, #tpu.memory_space<vmem_shared>>)
    %dma_wait3A_254 = arith.constant 0 : i32
    %dma_wait3A_255 = arith.constant 0 : i32
    %dma_wait3A_256 = tpu.memref_slice %arg7[%dma_wait3A_254, %dma_wait3A_255] : memref<80x128xi32, #tpu.memory_space<vmem>> -> memref<1x128xi32, #tpu.memory_space<vmem>>
    %dma_wait3A_257 = tpu.memref_squeeze %dma_wait3A_256 : memref<1x128xi32, #tpu.memory_space<vmem>> -> memref<128xi32, #tpu.memory_space<vmem>>
    %dma_wait3A_258 = arith.constant 0 : i32
    %dma_wait3A_259 = arith.constant 0 : i32
    %dma_wait3A_260 = tpu.memref_slice %arg18[%dma_wait3A_258, %dma_wait3A_259] : memref<10240x16xf32, #tpu.memory_space<vmem_shared>> -> memref<10240x16xf32, #tpu.memory_space<vmem_shared>>
    tpu.wait_indirect_dma semaphore(%arg23 : memref<!tpu.dma_semaphore, #tpu.memory_space<semaphore_mem>>) src(%arg13 : memref<128x16xf32, #tpu.memory_space<vmem>>) dst(%dma_wait3A_260 : memref<10240x16xf32, #tpu.memory_space<vmem_shared>>)
    %dma_wait3A_261 = arith.constant 0 : i32
    %dma_wait3A_262 = arith.constant 0 : i32
    %dma_wait3A_263 = tpu.memref_slice %arg7[%dma_wait3A_261, %dma_wait3A_262] : memref<80x128xi32, #tpu.memory_space<vmem>> -> memref<1x128xi32, #tpu.memory_space<vmem>>
    %dma_wait3A_264 = tpu.memref_squeeze %dma_wait3A_263 : memref<1x128xi32, #tpu.memory_space<vmem>> -> memref<128xi32, #tpu.memory_space<vmem>>
    %dma_wait3A_265 = arith.constant 0 : i32
    %dma_wait3A_266 = arith.constant 0 : i32
    %dma_wait3A_267 = tpu.memref_slice %arg18[%dma_wait3A_265, %dma_wait3A_266] : memref<10240x16xf32, #tpu.memory_space<vmem_shared>> -> memref<10240x16xf32, #tpu.memory_space<vmem_shared>>
    tpu.wait_indirect_dma semaphore(%arg23 : memref<!tpu.dma_semaphore, #tpu.memory_space<semaphore_mem>>) src(%arg14 : memref<128x16xf32, #tpu.memory_space<vmem>>) dst(%dma_wait3A_267 : memref<10240x16xf32, #tpu.memory_space<vmem_shared>>)
    %dma_wait3A_268 = arith.constant 0 : i32
    %dma_wait3A_269 = arith.constant 0 : i32
    %dma_wait3A_270 = tpu.memref_slice %arg7[%dma_wait3A_268, %dma_wait3A_269] : memref<80x128xi32, #tpu.memory_space<vmem>> -> memref<1x128xi32, #tpu.memory_space<vmem>>
    %dma_wait3A_271 = tpu.memref_squeeze %dma_wait3A_270 : memref<1x128xi32, #tpu.memory_space<vmem>> -> memref<128xi32, #tpu.memory_space<vmem>>
    %dma_wait3A_272 = arith.constant 0 : i32
    %dma_wait3A_273 = arith.constant 0 : i32
    %dma_wait3A_274 = tpu.memref_slice %arg18[%dma_wait3A_272, %dma_wait3A_273] : memref<10240x16xf32, #tpu.memory_space<vmem_shared>> -> memref<10240x16xf32, #tpu.memory_space<vmem_shared>>
    tpu.wait_indirect_dma semaphore(%arg23 : memref<!tpu.dma_semaphore, #tpu.memory_space<semaphore_mem>>) src(%arg15 : memref<128x16xf32, #tpu.memory_space<vmem>>) dst(%dma_wait3A_274 : memref<10240x16xf32, #tpu.memory_space<vmem_shared>>)
    %dma_start3A_275 = arith.constant 76 : i32
    %dma_start3A_276 = arith.constant 0 : i32
    %dma_start3A_277 = tpu.memref_slice %arg6[%dma_start3A_275, %dma_start3A_276] : memref<80x128xi32, #tpu.memory_space<vmem>> -> memref<1x128xi32, #tpu.memory_space<vmem>>
    %dma_start3A_278 = tpu.memref_squeeze %dma_start3A_277 : memref<1x128xi32, #tpu.memory_space<vmem>> -> memref<128xi32, #tpu.memory_space<vmem>>
    %dma_start3A_279 = arith.constant 0 : i32
    %dma_start3A_280 = arith.constant 0 : i32
    %dma_start3A_281 = tpu.memref_slice %arg19[%dma_start3A_279, %dma_start3A_280] : memref<10240x16xf32, #tpu.memory_space<vmem_shared>> -> memref<10240x16xf32, #tpu.memory_space<vmem_shared>>
    tpu.enqueue_indirect_dma source(%dma_start3A_281 : memref<10240x16xf32, #tpu.memory_space<vmem_shared>>) target(%arg12 : memref<128x16xf32, #tpu.memory_space<vmem>>) offsets(%dma_start3A_278 : memref<128xi32, #tpu.memory_space<vmem>>) semaphore(%arg21 : memref<!tpu.dma_semaphore, #tpu.memory_space<semaphore_mem>>)
    %dma_start3A_282 = arith.constant 77 : i32
    %dma_start3A_283 = arith.constant 0 : i32
    %dma_start3A_284 = tpu.memref_slice %arg6[%dma_start3A_282, %dma_start3A_283] : memref<80x128xi32, #tpu.memory_space<vmem>> -> memref<1x128xi32, #tpu.memory_space<vmem>>
    %dma_start3A_285 = tpu.memref_squeeze %dma_start3A_284 : memref<1x128xi32, #tpu.memory_space<vmem>> -> memref<128xi32, #tpu.memory_space<vmem>>
    %dma_start3A_286 = arith.constant 0 : i32
    %dma_start3A_287 = arith.constant 0 : i32
    %dma_start3A_288 = tpu.memref_slice %arg19[%dma_start3A_286, %dma_start3A_287] : memref<10240x16xf32, #tpu.memory_space<vmem_shared>> -> memref<10240x16xf32, #tpu.memory_space<vmem_shared>>
    tpu.enqueue_indirect_dma source(%dma_start3A_288 : memref<10240x16xf32, #tpu.memory_space<vmem_shared>>) target(%arg13 : memref<128x16xf32, #tpu.memory_space<vmem>>) offsets(%dma_start3A_285 : memref<128xi32, #tpu.memory_space<vmem>>) semaphore(%arg21 : memref<!tpu.dma_semaphore, #tpu.memory_space<semaphore_mem>>)
    %dma_start3A_289 = arith.constant 78 : i32
    %dma_start3A_290 = arith.constant 0 : i32
    %dma_start3A_291 = tpu.memref_slice %arg6[%dma_start3A_289, %dma_start3A_290] : memref<80x128xi32, #tpu.memory_space<vmem>> -> memref<1x128xi32, #tpu.memory_space<vmem>>
    %dma_start3A_292 = tpu.memref_squeeze %dma_start3A_291 : memref<1x128xi32, #tpu.memory_space<vmem>> -> memref<128xi32, #tpu.memory_space<vmem>>
    %dma_start3A_293 = arith.constant 0 : i32
    %dma_start3A_294 = arith.constant 0 : i32
    %dma_start3A_295 = tpu.memref_slice %arg19[%dma_start3A_293, %dma_start3A_294] : memref<10240x16xf32, #tpu.memory_space<vmem_shared>> -> memref<10240x16xf32, #tpu.memory_space<vmem_shared>>
    tpu.enqueue_indirect_dma source(%dma_start3A_295 : memref<10240x16xf32, #tpu.memory_space<vmem_shared>>) target(%arg14 : memref<128x16xf32, #tpu.memory_space<vmem>>) offsets(%dma_start3A_292 : memref<128xi32, #tpu.memory_space<vmem>>) semaphore(%arg21 : memref<!tpu.dma_semaphore, #tpu.memory_space<semaphore_mem>>)
    %dma_start3A_296 = arith.constant 79 : i32
    %dma_start3A_297 = arith.constant 0 : i32
    %dma_start3A_298 = tpu.memref_slice %arg6[%dma_start3A_296, %dma_start3A_297] : memref<80x128xi32, #tpu.memory_space<vmem>> -> memref<1x128xi32, #tpu.memory_space<vmem>>
    %dma_start3A_299 = tpu.memref_squeeze %dma_start3A_298 : memref<1x128xi32, #tpu.memory_space<vmem>> -> memref<128xi32, #tpu.memory_space<vmem>>
    %dma_start3A_300 = arith.constant 0 : i32
    %dma_start3A_301 = arith.constant 0 : i32
    %dma_start3A_302 = tpu.memref_slice %arg19[%dma_start3A_300, %dma_start3A_301] : memref<10240x16xf32, #tpu.memory_space<vmem_shared>> -> memref<10240x16xf32, #tpu.memory_space<vmem_shared>>
    tpu.enqueue_indirect_dma source(%dma_start3A_302 : memref<10240x16xf32, #tpu.memory_space<vmem_shared>>) target(%arg15 : memref<128x16xf32, #tpu.memory_space<vmem>>) offsets(%dma_start3A_299 : memref<128xi32, #tpu.memory_space<vmem>>) semaphore(%arg21 : memref<!tpu.dma_semaphore, #tpu.memory_space<semaphore_mem>>)
    %dma_wait3A_303 = arith.constant 0 : i32
    %dma_wait3A_304 = arith.constant 0 : i32
    %dma_wait3A_305 = tpu.memref_slice %arg6[%dma_wait3A_303, %dma_wait3A_304] : memref<80x128xi32, #tpu.memory_space<vmem>> -> memref<1x128xi32, #tpu.memory_space<vmem>>
    %dma_wait3A_306 = tpu.memref_squeeze %dma_wait3A_305 : memref<1x128xi32, #tpu.memory_space<vmem>> -> memref<128xi32, #tpu.memory_space<vmem>>
    %dma_wait3A_307 = arith.constant 0 : i32
    %dma_wait3A_308 = arith.constant 0 : i32
    %dma_wait3A_309 = tpu.memref_slice %arg19[%dma_wait3A_307, %dma_wait3A_308] : memref<10240x16xf32, #tpu.memory_space<vmem_shared>> -> memref<10240x16xf32, #tpu.memory_space<vmem_shared>>
    tpu.wait_indirect_dma semaphore(%arg20 : memref<!tpu.dma_semaphore, #tpu.memory_space<semaphore_mem>>) src(%dma_wait3A_309 : memref<10240x16xf32, #tpu.memory_space<vmem_shared>>) dst(%arg8 : memref<128x16xf32, #tpu.memory_space<vmem>>)
    %dma_wait3A_310 = arith.constant 0 : i32
    %dma_wait3A_311 = arith.constant 0 : i32
    %dma_wait3A_312 = tpu.memref_slice %arg6[%dma_wait3A_310, %dma_wait3A_311] : memref<80x128xi32, #tpu.memory_space<vmem>> -> memref<1x128xi32, #tpu.memory_space<vmem>>
    %dma_wait3A_313 = tpu.memref_squeeze %dma_wait3A_312 : memref<1x128xi32, #tpu.memory_space<vmem>> -> memref<128xi32, #tpu.memory_space<vmem>>
    %dma_wait3A_314 = arith.constant 0 : i32
    %dma_wait3A_315 = arith.constant 0 : i32
    %dma_wait3A_316 = tpu.memref_slice %arg19[%dma_wait3A_314, %dma_wait3A_315] : memref<10240x16xf32, #tpu.memory_space<vmem_shared>> -> memref<10240x16xf32, #tpu.memory_space<vmem_shared>>
    tpu.wait_indirect_dma semaphore(%arg20 : memref<!tpu.dma_semaphore, #tpu.memory_space<semaphore_mem>>) src(%dma_wait3A_316 : memref<10240x16xf32, #tpu.memory_space<vmem_shared>>) dst(%arg9 : memref<128x16xf32, #tpu.memory_space<vmem>>)
    %dma_wait3A_317 = arith.constant 0 : i32
    %dma_wait3A_318 = arith.constant 0 : i32
    %dma_wait3A_319 = tpu.memref_slice %arg6[%dma_wait3A_317, %dma_wait3A_318] : memref<80x128xi32, #tpu.memory_space<vmem>> -> memref<1x128xi32, #tpu.memory_space<vmem>>
    %dma_wait3A_320 = tpu.memref_squeeze %dma_wait3A_319 : memref<1x128xi32, #tpu.memory_space<vmem>> -> memref<128xi32, #tpu.memory_space<vmem>>
    %dma_wait3A_321 = arith.constant 0 : i32
    %dma_wait3A_322 = arith.constant 0 : i32
    %dma_wait3A_323 = tpu.memref_slice %arg19[%dma_wait3A_321, %dma_wait3A_322] : memref<10240x16xf32, #tpu.memory_space<vmem_shared>> -> memref<10240x16xf32, #tpu.memory_space<vmem_shared>>
    tpu.wait_indirect_dma semaphore(%arg20 : memref<!tpu.dma_semaphore, #tpu.memory_space<semaphore_mem>>) src(%dma_wait3A_323 : memref<10240x16xf32, #tpu.memory_space<vmem_shared>>) dst(%arg10 : memref<128x16xf32, #tpu.memory_space<vmem>>)
    %dma_wait3A_324 = arith.constant 0 : i32
    %dma_wait3A_325 = arith.constant 0 : i32
    %dma_wait3A_326 = tpu.memref_slice %arg6[%dma_wait3A_324, %dma_wait3A_325] : memref<80x128xi32, #tpu.memory_space<vmem>> -> memref<1x128xi32, #tpu.memory_space<vmem>>
    %dma_wait3A_327 = tpu.memref_squeeze %dma_wait3A_326 : memref<1x128xi32, #tpu.memory_space<vmem>> -> memref<128xi32, #tpu.memory_space<vmem>>
    %dma_wait3A_328 = arith.constant 0 : i32
    %dma_wait3A_329 = arith.constant 0 : i32
    %dma_wait3A_330 = tpu.memref_slice %arg19[%dma_wait3A_328, %dma_wait3A_329] : memref<10240x16xf32, #tpu.memory_space<vmem_shared>> -> memref<10240x16xf32, #tpu.memory_space<vmem_shared>>
    tpu.wait_indirect_dma semaphore(%arg20 : memref<!tpu.dma_semaphore, #tpu.memory_space<semaphore_mem>>) src(%dma_wait3A_330 : memref<10240x16xf32, #tpu.memory_space<vmem_shared>>) dst(%arg11 : memref<128x16xf32, #tpu.memory_space<vmem>>)
    %dma_start3A_331 = arith.constant 72 : i32
    %dma_start3A_332 = arith.constant 0 : i32
    %dma_start3A_333 = tpu.memref_slice %arg7[%dma_start3A_331, %dma_start3A_332] : memref<80x128xi32, #tpu.memory_space<vmem>> -> memref<1x128xi32, #tpu.memory_space<vmem>>
    %dma_start3A_334 = tpu.memref_squeeze %dma_start3A_333 : memref<1x128xi32, #tpu.memory_space<vmem>> -> memref<128xi32, #tpu.memory_space<vmem>>
    %dma_start3A_335 = arith.constant 0 : i32
    %dma_start3A_336 = arith.constant 0 : i32
    %dma_start3A_337 = tpu.memref_slice %arg18[%dma_start3A_335, %dma_start3A_336] : memref<10240x16xf32, #tpu.memory_space<vmem_shared>> -> memref<10240x16xf32, #tpu.memory_space<vmem_shared>>
    tpu.enqueue_indirect_dma source(%arg8 : memref<128x16xf32, #tpu.memory_space<vmem>>) target(%dma_start3A_337 : memref<10240x16xf32, #tpu.memory_space<vmem_shared>>) offsets(%dma_start3A_334 : memref<128xi32, #tpu.memory_space<vmem>>) semaphore(%arg22 : memref<!tpu.dma_semaphore, #tpu.memory_space<semaphore_mem>>) {add = true}
    %dma_start3A_338 = arith.constant 73 : i32
    %dma_start3A_339 = arith.constant 0 : i32
    %dma_start3A_340 = tpu.memref_slice %arg7[%dma_start3A_338, %dma_start3A_339] : memref<80x128xi32, #tpu.memory_space<vmem>> -> memref<1x128xi32, #tpu.memory_space<vmem>>
    %dma_start3A_341 = tpu.memref_squeeze %dma_start3A_340 : memref<1x128xi32, #tpu.memory_space<vmem>> -> memref<128xi32, #tpu.memory_space<vmem>>
    %dma_start3A_342 = arith.constant 0 : i32
    %dma_start3A_343 = arith.constant 0 : i32
    %dma_start3A_344 = tpu.memref_slice %arg18[%dma_start3A_342, %dma_start3A_343] : memref<10240x16xf32, #tpu.memory_space<vmem_shared>> -> memref<10240x16xf32, #tpu.memory_space<vmem_shared>>
    tpu.enqueue_indirect_dma source(%arg9 : memref<128x16xf32, #tpu.memory_space<vmem>>) target(%dma_start3A_344 : memref<10240x16xf32, #tpu.memory_space<vmem_shared>>) offsets(%dma_start3A_341 : memref<128xi32, #tpu.memory_space<vmem>>) semaphore(%arg22 : memref<!tpu.dma_semaphore, #tpu.memory_space<semaphore_mem>>) {add = true}
    %dma_start3A_345 = arith.constant 74 : i32
    %dma_start3A_346 = arith.constant 0 : i32
    %dma_start3A_347 = tpu.memref_slice %arg7[%dma_start3A_345, %dma_start3A_346] : memref<80x128xi32, #tpu.memory_space<vmem>> -> memref<1x128xi32, #tpu.memory_space<vmem>>
    %dma_start3A_348 = tpu.memref_squeeze %dma_start3A_347 : memref<1x128xi32, #tpu.memory_space<vmem>> -> memref<128xi32, #tpu.memory_space<vmem>>
    %dma_start3A_349 = arith.constant 0 : i32
    %dma_start3A_350 = arith.constant 0 : i32
    %dma_start3A_351 = tpu.memref_slice %arg18[%dma_start3A_349, %dma_start3A_350] : memref<10240x16xf32, #tpu.memory_space<vmem_shared>> -> memref<10240x16xf32, #tpu.memory_space<vmem_shared>>
    tpu.enqueue_indirect_dma source(%arg10 : memref<128x16xf32, #tpu.memory_space<vmem>>) target(%dma_start3A_351 : memref<10240x16xf32, #tpu.memory_space<vmem_shared>>) offsets(%dma_start3A_348 : memref<128xi32, #tpu.memory_space<vmem>>) semaphore(%arg22 : memref<!tpu.dma_semaphore, #tpu.memory_space<semaphore_mem>>) {add = true}
    %dma_start3A_352 = arith.constant 75 : i32
    %dma_start3A_353 = arith.constant 0 : i32
    %dma_start3A_354 = tpu.memref_slice %arg7[%dma_start3A_352, %dma_start3A_353] : memref<80x128xi32, #tpu.memory_space<vmem>> -> memref<1x128xi32, #tpu.memory_space<vmem>>
    %dma_start3A_355 = tpu.memref_squeeze %dma_start3A_354 : memref<1x128xi32, #tpu.memory_space<vmem>> -> memref<128xi32, #tpu.memory_space<vmem>>
    %dma_start3A_356 = arith.constant 0 : i32
    %dma_start3A_357 = arith.constant 0 : i32
    %dma_start3A_358 = tpu.memref_slice %arg18[%dma_start3A_356, %dma_start3A_357] : memref<10240x16xf32, #tpu.memory_space<vmem_shared>> -> memref<10240x16xf32, #tpu.memory_space<vmem_shared>>
    tpu.enqueue_indirect_dma source(%arg11 : memref<128x16xf32, #tpu.memory_space<vmem>>) target(%dma_start3A_358 : memref<10240x16xf32, #tpu.memory_space<vmem_shared>>) offsets(%dma_start3A_355 : memref<128xi32, #tpu.memory_space<vmem>>) semaphore(%arg22 : memref<!tpu.dma_semaphore, #tpu.memory_space<semaphore_mem>>) {add = true}
    %dma_wait3A_359 = arith.constant 0 : i32
    %dma_wait3A_360 = arith.constant 0 : i32
    %dma_wait3A_361 = tpu.memref_slice %arg7[%dma_wait3A_359, %dma_wait3A_360] : memref<80x128xi32, #tpu.memory_space<vmem>> -> memref<1x128xi32, #tpu.memory_space<vmem>>
    %dma_wait3A_362 = tpu.memref_squeeze %dma_wait3A_361 : memref<1x128xi32, #tpu.memory_space<vmem>> -> memref<128xi32, #tpu.memory_space<vmem>>
    %dma_wait3A_363 = arith.constant 0 : i32
    %dma_wait3A_364 = arith.constant 0 : i32
    %dma_wait3A_365 = tpu.memref_slice %arg18[%dma_wait3A_363, %dma_wait3A_364] : memref<10240x16xf32, #tpu.memory_space<vmem_shared>> -> memref<10240x16xf32, #tpu.memory_space<vmem_shared>>
    tpu.wait_indirect_dma semaphore(%arg22 : memref<!tpu.dma_semaphore, #tpu.memory_space<semaphore_mem>>) src(%arg8 : memref<128x16xf32, #tpu.memory_space<vmem>>) dst(%dma_wait3A_365 : memref<10240x16xf32, #tpu.memory_space<vmem_shared>>)
    %dma_wait3A_366 = arith.constant 0 : i32
    %dma_wait3A_367 = arith.constant 0 : i32
    %dma_wait3A_368 = tpu.memref_slice %arg7[%dma_wait3A_366, %dma_wait3A_367] : memref<80x128xi32, #tpu.memory_space<vmem>> -> memref<1x128xi32, #tpu.memory_space<vmem>>
    %dma_wait3A_369 = tpu.memref_squeeze %dma_wait3A_368 : memref<1x128xi32, #tpu.memory_space<vmem>> -> memref<128xi32, #tpu.memory_space<vmem>>
    %dma_wait3A_370 = arith.constant 0 : i32
    %dma_wait3A_371 = arith.constant 0 : i32
    %dma_wait3A_372 = tpu.memref_slice %arg18[%dma_wait3A_370, %dma_wait3A_371] : memref<10240x16xf32, #tpu.memory_space<vmem_shared>> -> memref<10240x16xf32, #tpu.memory_space<vmem_shared>>
    tpu.wait_indirect_dma semaphore(%arg22 : memref<!tpu.dma_semaphore, #tpu.memory_space<semaphore_mem>>) src(%arg9 : memref<128x16xf32, #tpu.memory_space<vmem>>) dst(%dma_wait3A_372 : memref<10240x16xf32, #tpu.memory_space<vmem_shared>>)
    %dma_wait3A_373 = arith.constant 0 : i32
    %dma_wait3A_374 = arith.constant 0 : i32
    %dma_wait3A_375 = tpu.memref_slice %arg7[%dma_wait3A_373, %dma_wait3A_374] : memref<80x128xi32, #tpu.memory_space<vmem>> -> memref<1x128xi32, #tpu.memory_space<vmem>>
    %dma_wait3A_376 = tpu.memref_squeeze %dma_wait3A_375 : memref<1x128xi32, #tpu.memory_space<vmem>> -> memref<128xi32, #tpu.memory_space<vmem>>
    %dma_wait3A_377 = arith.constant 0 : i32
    %dma_wait3A_378 = arith.constant 0 : i32
    %dma_wait3A_379 = tpu.memref_slice %arg18[%dma_wait3A_377, %dma_wait3A_378] : memref<10240x16xf32, #tpu.memory_space<vmem_shared>> -> memref<10240x16xf32, #tpu.memory_space<vmem_shared>>
    tpu.wait_indirect_dma semaphore(%arg22 : memref<!tpu.dma_semaphore, #tpu.memory_space<semaphore_mem>>) src(%arg10 : memref<128x16xf32, #tpu.memory_space<vmem>>) dst(%dma_wait3A_379 : memref<10240x16xf32, #tpu.memory_space<vmem_shared>>)
    %dma_wait3A_380 = arith.constant 0 : i32
    %dma_wait3A_381 = arith.constant 0 : i32
    %dma_wait3A_382 = tpu.memref_slice %arg7[%dma_wait3A_380, %dma_wait3A_381] : memref<80x128xi32, #tpu.memory_space<vmem>> -> memref<1x128xi32, #tpu.memory_space<vmem>>
    %dma_wait3A_383 = tpu.memref_squeeze %dma_wait3A_382 : memref<1x128xi32, #tpu.memory_space<vmem>> -> memref<128xi32, #tpu.memory_space<vmem>>
    %dma_wait3A_384 = arith.constant 0 : i32
    %dma_wait3A_385 = arith.constant 0 : i32
    %dma_wait3A_386 = tpu.memref_slice %arg18[%dma_wait3A_384, %dma_wait3A_385] : memref<10240x16xf32, #tpu.memory_space<vmem_shared>> -> memref<10240x16xf32, #tpu.memory_space<vmem_shared>>
    tpu.wait_indirect_dma semaphore(%arg22 : memref<!tpu.dma_semaphore, #tpu.memory_space<semaphore_mem>>) src(%arg11 : memref<128x16xf32, #tpu.memory_space<vmem>>) dst(%dma_wait3A_386 : memref<10240x16xf32, #tpu.memory_space<vmem_shared>>)
    %dma_wait3A_387 = arith.constant 0 : i32
    %dma_wait3A_388 = arith.constant 0 : i32
    %dma_wait3A_389 = tpu.memref_slice %arg6[%dma_wait3A_387, %dma_wait3A_388] : memref<80x128xi32, #tpu.memory_space<vmem>> -> memref<1x128xi32, #tpu.memory_space<vmem>>
    %dma_wait3A_390 = tpu.memref_squeeze %dma_wait3A_389 : memref<1x128xi32, #tpu.memory_space<vmem>> -> memref<128xi32, #tpu.memory_space<vmem>>
    %dma_wait3A_391 = arith.constant 0 : i32
    %dma_wait3A_392 = arith.constant 0 : i32
    %dma_wait3A_393 = tpu.memref_slice %arg19[%dma_wait3A_391, %dma_wait3A_392] : memref<10240x16xf32, #tpu.memory_space<vmem_shared>> -> memref<10240x16xf32, #tpu.memory_space<vmem_shared>>
    tpu.wait_indirect_dma semaphore(%arg21 : memref<!tpu.dma_semaphore, #tpu.memory_space<semaphore_mem>>) src(%dma_wait3A_393 : memref<10240x16xf32, #tpu.memory_space<vmem_shared>>) dst(%arg12 : memref<128x16xf32, #tpu.memory_space<vmem>>)
    %dma_wait3A_394 = arith.constant 0 : i32
    %dma_wait3A_395 = arith.constant 0 : i32
    %dma_wait3A_396 = tpu.memref_slice %arg6[%dma_wait3A_394, %dma_wait3A_395] : memref<80x128xi32, #tpu.memory_space<vmem>> -> memref<1x128xi32, #tpu.memory_space<vmem>>
    %dma_wait3A_397 = tpu.memref_squeeze %dma_wait3A_396 : memref<1x128xi32, #tpu.memory_space<vmem>> -> memref<128xi32, #tpu.memory_space<vmem>>
    %dma_wait3A_398 = arith.constant 0 : i32
    %dma_wait3A_399 = arith.constant 0 : i32
    %dma_wait3A_400 = tpu.memref_slice %arg19[%dma_wait3A_398, %dma_wait3A_399] : memref<10240x16xf32, #tpu.memory_space<vmem_shared>> -> memref<10240x16xf32, #tpu.memory_space<vmem_shared>>
    tpu.wait_indirect_dma semaphore(%arg21 : memref<!tpu.dma_semaphore, #tpu.memory_space<semaphore_mem>>) src(%dma_wait3A_400 : memref<10240x16xf32, #tpu.memory_space<vmem_shared>>) dst(%arg13 : memref<128x16xf32, #tpu.memory_space<vmem>>)
    %dma_wait3A_401 = arith.constant 0 : i32
    %dma_wait3A_402 = arith.constant 0 : i32
    %dma_wait3A_403 = tpu.memref_slice %arg6[%dma_wait3A_401, %dma_wait3A_402] : memref<80x128xi32, #tpu.memory_space<vmem>> -> memref<1x128xi32, #tpu.memory_space<vmem>>
    %dma_wait3A_404 = tpu.memref_squeeze %dma_wait3A_403 : memref<1x128xi32, #tpu.memory_space<vmem>> -> memref<128xi32, #tpu.memory_space<vmem>>
    %dma_wait3A_405 = arith.constant 0 : i32
    %dma_wait3A_406 = arith.constant 0 : i32
    %dma_wait3A_407 = tpu.memref_slice %arg19[%dma_wait3A_405, %dma_wait3A_406] : memref<10240x16xf32, #tpu.memory_space<vmem_shared>> -> memref<10240x16xf32, #tpu.memory_space<vmem_shared>>
    tpu.wait_indirect_dma semaphore(%arg21 : memref<!tpu.dma_semaphore, #tpu.memory_space<semaphore_mem>>) src(%dma_wait3A_407 : memref<10240x16xf32, #tpu.memory_space<vmem_shared>>) dst(%arg14 : memref<128x16xf32, #tpu.memory_space<vmem>>)
    %dma_wait3A_408 = arith.constant 0 : i32
    %dma_wait3A_409 = arith.constant 0 : i32
    %dma_wait3A_410 = tpu.memref_slice %arg6[%dma_wait3A_408, %dma_wait3A_409] : memref<80x128xi32, #tpu.memory_space<vmem>> -> memref<1x128xi32, #tpu.memory_space<vmem>>
    %dma_wait3A_411 = tpu.memref_squeeze %dma_wait3A_410 : memref<1x128xi32, #tpu.memory_space<vmem>> -> memref<128xi32, #tpu.memory_space<vmem>>
    %dma_wait3A_412 = arith.constant 0 : i32
    %dma_wait3A_413 = arith.constant 0 : i32
    %dma_wait3A_414 = tpu.memref_slice %arg19[%dma_wait3A_412, %dma_wait3A_413] : memref<10240x16xf32, #tpu.memory_space<vmem_shared>> -> memref<10240x16xf32, #tpu.memory_space<vmem_shared>>
    tpu.wait_indirect_dma semaphore(%arg21 : memref<!tpu.dma_semaphore, #tpu.memory_space<semaphore_mem>>) src(%dma_wait3A_414 : memref<10240x16xf32, #tpu.memory_space<vmem_shared>>) dst(%arg15 : memref<128x16xf32, #tpu.memory_space<vmem>>)
    %dma_start3A_415 = arith.constant 76 : i32
    %dma_start3A_416 = arith.constant 0 : i32
    %dma_start3A_417 = tpu.memref_slice %arg7[%dma_start3A_415, %dma_start3A_416] : memref<80x128xi32, #tpu.memory_space<vmem>> -> memref<1x128xi32, #tpu.memory_space<vmem>>
    %dma_start3A_418 = tpu.memref_squeeze %dma_start3A_417 : memref<1x128xi32, #tpu.memory_space<vmem>> -> memref<128xi32, #tpu.memory_space<vmem>>
    %dma_start3A_419 = arith.constant 0 : i32
    %dma_start3A_420 = arith.constant 0 : i32
    %dma_start3A_421 = tpu.memref_slice %arg18[%dma_start3A_419, %dma_start3A_420] : memref<10240x16xf32, #tpu.memory_space<vmem_shared>> -> memref<10240x16xf32, #tpu.memory_space<vmem_shared>>
    tpu.enqueue_indirect_dma source(%arg12 : memref<128x16xf32, #tpu.memory_space<vmem>>) target(%dma_start3A_421 : memref<10240x16xf32, #tpu.memory_space<vmem_shared>>) offsets(%dma_start3A_418 : memref<128xi32, #tpu.memory_space<vmem>>) semaphore(%arg23 : memref<!tpu.dma_semaphore, #tpu.memory_space<semaphore_mem>>) {add = true}
    %dma_start3A_422 = arith.constant 77 : i32
    %dma_start3A_423 = arith.constant 0 : i32
    %dma_start3A_424 = tpu.memref_slice %arg7[%dma_start3A_422, %dma_start3A_423] : memref<80x128xi32, #tpu.memory_space<vmem>> -> memref<1x128xi32, #tpu.memory_space<vmem>>
    %dma_start3A_425 = tpu.memref_squeeze %dma_start3A_424 : memref<1x128xi32, #tpu.memory_space<vmem>> -> memref<128xi32, #tpu.memory_space<vmem>>
    %dma_start3A_426 = arith.constant 0 : i32
    %dma_start3A_427 = arith.constant 0 : i32
    %dma_start3A_428 = tpu.memref_slice %arg18[%dma_start3A_426, %dma_start3A_427] : memref<10240x16xf32, #tpu.memory_space<vmem_shared>> -> memref<10240x16xf32, #tpu.memory_space<vmem_shared>>
    tpu.enqueue_indirect_dma source(%arg13 : memref<128x16xf32, #tpu.memory_space<vmem>>) target(%dma_start3A_428 : memref<10240x16xf32, #tpu.memory_space<vmem_shared>>) offsets(%dma_start3A_425 : memref<128xi32, #tpu.memory_space<vmem>>) semaphore(%arg23 : memref<!tpu.dma_semaphore, #tpu.memory_space<semaphore_mem>>) {add = true}
    %dma_start3A_429 = arith.constant 78 : i32
    %dma_start3A_430 = arith.constant 0 : i32
    %dma_start3A_431 = tpu.memref_slice %arg7[%dma_start3A_429, %dma_start3A_430] : memref<80x128xi32, #tpu.memory_space<vmem>> -> memref<1x128xi32, #tpu.memory_space<vmem>>
    %dma_start3A_432 = tpu.memref_squeeze %dma_start3A_431 : memref<1x128xi32, #tpu.memory_space<vmem>> -> memref<128xi32, #tpu.memory_space<vmem>>
    %dma_start3A_433 = arith.constant 0 : i32
    %dma_start3A_434 = arith.constant 0 : i32
    %dma_start3A_435 = tpu.memref_slice %arg18[%dma_start3A_433, %dma_start3A_434] : memref<10240x16xf32, #tpu.memory_space<vmem_shared>> -> memref<10240x16xf32, #tpu.memory_space<vmem_shared>>
    tpu.enqueue_indirect_dma source(%arg14 : memref<128x16xf32, #tpu.memory_space<vmem>>) target(%dma_start3A_435 : memref<10240x16xf32, #tpu.memory_space<vmem_shared>>) offsets(%dma_start3A_432 : memref<128xi32, #tpu.memory_space<vmem>>) semaphore(%arg23 : memref<!tpu.dma_semaphore, #tpu.memory_space<semaphore_mem>>) {add = true}
    %dma_start3A_436 = arith.constant 79 : i32
    %dma_start3A_437 = arith.constant 0 : i32
    %dma_start3A_438 = tpu.memref_slice %arg7[%dma_start3A_436, %dma_start3A_437] : memref<80x128xi32, #tpu.memory_space<vmem>> -> memref<1x128xi32, #tpu.memory_space<vmem>>
    %dma_start3A_439 = tpu.memref_squeeze %dma_start3A_438 : memref<1x128xi32, #tpu.memory_space<vmem>> -> memref<128xi32, #tpu.memory_space<vmem>>
    %dma_start3A_440 = arith.constant 0 : i32
    %dma_start3A_441 = arith.constant 0 : i32
    %dma_start3A_442 = tpu.memref_slice %arg18[%dma_start3A_440, %dma_start3A_441] : memref<10240x16xf32, #tpu.memory_space<vmem_shared>> -> memref<10240x16xf32, #tpu.memory_space<vmem_shared>>
    tpu.enqueue_indirect_dma source(%arg15 : memref<128x16xf32, #tpu.memory_space<vmem>>) target(%dma_start3A_442 : memref<10240x16xf32, #tpu.memory_space<vmem_shared>>) offsets(%dma_start3A_439 : memref<128xi32, #tpu.memory_space<vmem>>) semaphore(%arg23 : memref<!tpu.dma_semaphore, #tpu.memory_space<semaphore_mem>>) {add = true}
    %dma_wait3A_443 = arith.constant 0 : i32
    %dma_wait3A_444 = arith.constant 0 : i32
    %dma_wait3A_445 = tpu.memref_slice %arg7[%dma_wait3A_443, %dma_wait3A_444] : memref<80x128xi32, #tpu.memory_space<vmem>> -> memref<1x128xi32, #tpu.memory_space<vmem>>
    %dma_wait3A_446 = tpu.memref_squeeze %dma_wait3A_445 : memref<1x128xi32, #tpu.memory_space<vmem>> -> memref<128xi32, #tpu.memory_space<vmem>>
    %dma_wait3A_447 = arith.constant 0 : i32
    %dma_wait3A_448 = arith.constant 0 : i32
    %dma_wait3A_449 = tpu.memref_slice %arg18[%dma_wait3A_447, %dma_wait3A_448] : memref<10240x16xf32, #tpu.memory_space<vmem_shared>> -> memref<10240x16xf32, #tpu.memory_space<vmem_shared>>
    tpu.wait_indirect_dma semaphore(%arg23 : memref<!tpu.dma_semaphore, #tpu.memory_space<semaphore_mem>>) src(%arg12 : memref<128x16xf32, #tpu.memory_space<vmem>>) dst(%dma_wait3A_449 : memref<10240x16xf32, #tpu.memory_space<vmem_shared>>)
    %dma_wait3A_450 = arith.constant 0 : i32
    %dma_wait3A_451 = arith.constant 0 : i32
    %dma_wait3A_452 = tpu.memref_slice %arg7[%dma_wait3A_450, %dma_wait3A_451] : memref<80x128xi32, #tpu.memory_space<vmem>> -> memref<1x128xi32, #tpu.memory_space<vmem>>
    %dma_wait3A_453 = tpu.memref_squeeze %dma_wait3A_452 : memref<1x128xi32, #tpu.memory_space<vmem>> -> memref<128xi32, #tpu.memory_space<vmem>>
    %dma_wait3A_454 = arith.constant 0 : i32
    %dma_wait3A_455 = arith.constant 0 : i32
    %dma_wait3A_456 = tpu.memref_slice %arg18[%dma_wait3A_454, %dma_wait3A_455] : memref<10240x16xf32, #tpu.memory_space<vmem_shared>> -> memref<10240x16xf32, #tpu.memory_space<vmem_shared>>
    tpu.wait_indirect_dma semaphore(%arg23 : memref<!tpu.dma_semaphore, #tpu.memory_space<semaphore_mem>>) src(%arg13 : memref<128x16xf32, #tpu.memory_space<vmem>>) dst(%dma_wait3A_456 : memref<10240x16xf32, #tpu.memory_space<vmem_shared>>)
    %dma_wait3A_457 = arith.constant 0 : i32
    %dma_wait3A_458 = arith.constant 0 : i32
    %dma_wait3A_459 = tpu.memref_slice %arg7[%dma_wait3A_457, %dma_wait3A_458] : memref<80x128xi32, #tpu.memory_space<vmem>> -> memref<1x128xi32, #tpu.memory_space<vmem>>
    %dma_wait3A_460 = tpu.memref_squeeze %dma_wait3A_459 : memref<1x128xi32, #tpu.memory_space<vmem>> -> memref<128xi32, #tpu.memory_space<vmem>>
    %dma_wait3A_461 = arith.constant 0 : i32
    %dma_wait3A_462 = arith.constant 0 : i32
    %dma_wait3A_463 = tpu.memref_slice %arg18[%dma_wait3A_461, %dma_wait3A_462] : memref<10240x16xf32, #tpu.memory_space<vmem_shared>> -> memref<10240x16xf32, #tpu.memory_space<vmem_shared>>
    tpu.wait_indirect_dma semaphore(%arg23 : memref<!tpu.dma_semaphore, #tpu.memory_space<semaphore_mem>>) src(%arg14 : memref<128x16xf32, #tpu.memory_space<vmem>>) dst(%dma_wait3A_463 : memref<10240x16xf32, #tpu.memory_space<vmem_shared>>)
    %dma_wait3A_464 = arith.constant 0 : i32
    %dma_wait3A_465 = arith.constant 0 : i32
    %dma_wait3A_466 = tpu.memref_slice %arg7[%dma_wait3A_464, %dma_wait3A_465] : memref<80x128xi32, #tpu.memory_space<vmem>> -> memref<1x128xi32, #tpu.memory_space<vmem>>
    %dma_wait3A_467 = tpu.memref_squeeze %dma_wait3A_466 : memref<1x128xi32, #tpu.memory_space<vmem>> -> memref<128xi32, #tpu.memory_space<vmem>>
    %dma_wait3A_468 = arith.constant 0 : i32
    %dma_wait3A_469 = arith.constant 0 : i32
    %dma_wait3A_470 = tpu.memref_slice %arg18[%dma_wait3A_468, %dma_wait3A_469] : memref<10240x16xf32, #tpu.memory_space<vmem_shared>> -> memref<10240x16xf32, #tpu.memory_space<vmem_shared>>
    tpu.wait_indirect_dma semaphore(%arg23 : memref<!tpu.dma_semaphore, #tpu.memory_space<semaphore_mem>>) src(%arg15 : memref<128x16xf32, #tpu.memory_space<vmem>>) dst(%dma_wait3A_470 : memref<10240x16xf32, #tpu.memory_space<vmem_shared>>)
    %barrier3A_471 = arith.constant 0 : index
    tpu.barrier barrier_id(%barrier3A_471)
    %scan3A_472 = arith.constant 0 : i32
    %scan3A_473 = arith.constant 5 : i32
    %scan3A_474 = arith.addi %scan3A_472, %scan3A_473 : i32
    %scan3A_475 = arith.constant 1 : i32
    scf.for %scan3A_477 = %scan3A_472 to %scan3A_474 step %scan3A_475  : i32 {
      %mul3A_478 = arith.constant 128 : i32
      %mul3A_479 = arith.muli %scan3A_477, %mul3A_478 : i32
      %add3A_480 = arith.constant 0 : i32
      %add3A_481 = arith.addi %add3A_480, %mul3A_479 : i32
      %add3A_482 = arith.addi %mul3A_8, %add3A_481 : i32
      %add3A_483 = arith.addi %mul3A_8, %add3A_481 : i32
      "tpu.region"() ({
        %run_scoped3A_484 = tpu.sem_alloc : memref<!tpu.dma_semaphore, #tpu.memory_space<semaphore_mem>>
        %dma_start3A_485 = arith.constant 0 : i32
        %dma_start3A_486 = tpu.memref_slice %arg5[%arg0, %add3A_483, %dma_start3A_485] : memref<2x10240x16xf32, #tpu.memory_space<hbm>> -> memref<1x128x16xf32, #tpu.memory_space<hbm>>
        %dma_start3A_487 = tpu.memref_squeeze %dma_start3A_486 : memref<1x128x16xf32, #tpu.memory_space<hbm>> -> memref<128x16xf32, #tpu.memory_space<hbm>>
        %dma_start3A_488 = arith.constant 0 : i32
        %dma_start3A_489 = tpu.memref_slice %arg18[%add3A_482, %dma_start3A_488] : memref<10240x16xf32, #tpu.memory_space<vmem_shared>> -> memref<128x16xf32, #tpu.memory_space<vmem_shared>>
        tpu.enqueue_dma source(%dma_start3A_489 : memref<128x16xf32, #tpu.memory_space<vmem_shared>>) target(%dma_start3A_487 : memref<128x16xf32, #tpu.memory_space<hbm>>) target_semaphore(%run_scoped3A_484 : memref<!tpu.dma_semaphore, #tpu.memory_space<semaphore_mem>>)
        %dma_wait3A_490 = arith.constant 0 : i32
        %dma_wait3A_491 = tpu.memref_slice %arg5[%arg0, %add3A_483, %dma_wait3A_490] : memref<2x10240x16xf32, #tpu.memory_space<hbm>> -> memref<1x128x16xf32, #tpu.memory_space<hbm>>
        %dma_wait3A_492 = tpu.memref_squeeze %dma_wait3A_491 : memref<1x128x16xf32, #tpu.memory_space<hbm>> -> memref<128x16xf32, #tpu.memory_space<hbm>>
        %dma_wait3A_493 = arith.constant 0 : i32
        %dma_wait3A_494 = tpu.memref_slice %arg18[%add3A_482, %dma_wait3A_493] : memref<10240x16xf32, #tpu.memory_space<vmem_shared>> -> memref<128x16xf32, #tpu.memory_space<vmem_shared>>
        tpu.wait_dma2 semaphore(%run_scoped3A_484 : memref<!tpu.dma_semaphore, #tpu.memory_space<semaphore_mem>>) src(%dma_wait3A_494 : memref<128x16xf32, #tpu.memory_space<vmem_shared>>) dst(%dma_wait3A_492 : memref<128x16xf32, #tpu.memory_space<hbm>>)
        tpu.yield
      }) : () -> ()
    }
    %scan3A_476 = arith.constant 5 : i32
    return
  }
}

module attributes {stable_mosaic.version = 14 : i64} {
  func.func @body(%arg0: memref<10000x128xf32, #tpu.memory_space<vmem>>, %arg1: memref<128x16xf32, #tpu.memory_space<vmem>>, %arg2: memref<10240x16xf32, #tpu.memory_space<vmem>>) attributes {dimension_semantics = [], scalar_prefetch = 0 : i64, scratch_operands = 0 : i64, tpu.core_type = #tpu.core_type<tc>} {
    %get3A = arith.constant 0 : index
    %get3A_0 = arith.constant 0 : index
    %get3A_1 = vector.load %arg0[%get3A, %get3A_0] : memref<10000x128xf32, #tpu.memory_space<vmem>>, vector<10000x128xf32>
    %get3A_2 = arith.constant 0 : index
    %get3A_3 = arith.constant 0 : index
    %get3A_4 = vector.load %arg1[%get3A_2, %get3A_3] : memref<128x16xf32, #tpu.memory_space<vmem>>, vector<128x16xf32>
    %dot_general3A = arith.constant dense<0.000000e+00> : vector<10000x16xf32>
    %dot_general3A_5 = tpu.matmul %get3A_1, %get3A_4, %dot_general3A {dimension_numbers = #tpu.dot_dimension_numbers<[1], [0], [0], [1], [0, 0, 1, 1], [], []>, transpose_lhs_hint = false} : vector<10000x128xf32>, vector<128x16xf32>, vector<10000x16xf32> -> vector<10000x16xf32>
    %swap3A = arith.constant 0 : index
    %swap3A_6 = arith.constant 0 : index
    %swap3A_7 = vector.load %arg2[%swap3A, %swap3A_6] : memref<10240x16xf32, #tpu.memory_space<vmem>>, vector<10000x16xf32>
    tpu.vector_store %arg2[%swap3A, %swap3A_6], %dot_general3A_5 {strides = array<i32>} : memref<10240x16xf32, #tpu.memory_space<vmem>>, vector<10000x16xf32>,
    %broadcast_in_dim3A = arith.constant 0.000000e+00 : f32
    %broadcast_in_dim3A_8 = vector.broadcast %broadcast_in_dim3A : f32 to vector<240x16xf32>
    %swap3A_9 = arith.constant 10000 : index
    %swap3A_10 = arith.constant 0 : index
    %swap3A_11 = vector.load %arg2[%swap3A_9, %swap3A_10] : memref<10240x16xf32, #tpu.memory_space<vmem>>, vector<240x16xf32>
    tpu.vector_store %arg2[%swap3A_9, %swap3A_10], %broadcast_in_dim3A_8 {strides = array<i32>} : memref<10240x16xf32, #tpu.memory_space<vmem>>, vector<240x16xf32>,
    return
  }
}

module attributes {stable_mosaic.version = 14 : i64} {
  func.func @body(%arg0: memref<160x128xf32, #tpu.memory_space<vmem>>, %arg1: memref<10240xf32, #tpu.memory_space<vmem>>) attributes {dimension_semantics = [], scalar_prefetch = 0 : i64, scratch_operands = 0 : i64, tpu.core_type = #tpu.core_type<tc>} {
    %get3A = arith.constant 0 : index
    %get3A_0 = arith.constant 0 : index
    %get3A_1 = vector.load %arg0[%get3A, %get3A_0] : memref<160x128xf32, #tpu.memory_space<vmem>>, vector<160x128xf32>
    %slice3A = vector.extract_strided_slice %get3A_1 {offsets = [0, 0], sizes = [80, 128], strides = [1, 1]} : vector<160x128xf32> to vector<80x128xf32>
    %slice3A_2 = vector.extract_strided_slice %get3A_1 {offsets = [80, 0], sizes = [80, 128], strides = [1, 1]} : vector<160x128xf32> to vector<80x128xf32>
    %add3A = arith.addf %slice3A, %slice3A_2 : vector<80x128xf32>
    %add3A_3 = arith.constant 1.000000e+00 : f32
    %add3A_4 = vector.broadcast %add3A_3 : f32 to vector<80x128xf32>
    %add3A_5 = arith.addf %add3A, %add3A_4 : vector<80x128xf32>
    %rsqrt3A = math.rsqrt %add3A_5 : vector<80x128xf32>
    %reshape3A = vector.shape_cast %rsqrt3A : vector<80x128xf32> to vector<10240xf32>
    %swap3A = arith.constant 0 : index
    %swap3A_6 = vector.load %arg1[%swap3A] : memref<10240xf32, #tpu.memory_space<vmem>>, vector<10240xf32>
    tpu.vector_store %arg1[%swap3A], %reshape3A {strides = array<i32>} : memref<10240xf32, #tpu.memory_space<vmem>>, vector<10240xf32>,
    return
  }
}

module attributes {stable_mosaic.version = 14 : i64} {
  func.func @body(%arg0: memref<2560x128xf32, #tpu.memory_space<vmem>>, %arg1: memref<1280x128xf32, #tpu.memory_space<vmem>>, %arg2: memref<128x16xf32, #tpu.memory_space<vmem>>, %arg3: memref<128x16xf32, #tpu.memory_space<vmem>>, %arg4: memref<16xf32, #tpu.memory_space<vmem>>, %arg5: memref<16xf32, #tpu.memory_space<vmem>>, %arg6: memref<1280x16xf32, #tpu.memory_space<vmem>>) attributes {dimension_semantics = [], scalar_prefetch = 0 : i64, scratch_operands = 0 : i64, tpu.core_type = #tpu.core_type<tc>} {
    %get3A = arith.constant 0 : index
    %get3A_0 = arith.constant 0 : index
    %get3A_1 = vector.load %arg0[%get3A, %get3A_0] : memref<2560x128xf32, #tpu.memory_space<vmem>>, vector<2560x128xf32>
    %get3A_2 = arith.constant 0 : index
    %get3A_3 = arith.constant 0 : index
    %get3A_4 = vector.load %arg1[%get3A_2, %get3A_3] : memref<1280x128xf32, #tpu.memory_space<vmem>>, vector<1280x128xf32>
    %slice3A = vector.extract_strided_slice %get3A_1 {offsets = [0, 0], sizes = [1280, 128], strides = [1, 1]} : vector<2560x128xf32> to vector<1280x128xf32>
    %slice3A_5 = vector.extract_strided_slice %get3A_1 {offsets = [1280, 0], sizes = [1280, 128], strides = [1, 1]} : vector<2560x128xf32> to vector<1280x128xf32>
    %add3A = arith.addf %slice3A, %slice3A_5 : vector<1280x128xf32>
    %mul3A = arith.mulf %get3A_4, %add3A : vector<1280x128xf32>
    %get3A_6 = arith.constant 0 : index
    %get3A_7 = arith.constant 0 : index
    %get3A_8 = vector.load %arg2[%get3A_6, %get3A_7] : memref<128x16xf32, #tpu.memory_space<vmem>>, vector<128x16xf32>
    %dot_general3A = arith.constant dense<0.000000e+00> : vector<1280x16xf32>
    %dot_general3A_9 = tpu.matmul %mul3A, %get3A_8, %dot_general3A {dimension_numbers = #tpu.dot_dimension_numbers<[1], [0], [0], [1], [0, 0, 1, 1], [], []>, transpose_lhs_hint = false} : vector<1280x128xf32>, vector<128x16xf32>, vector<1280x16xf32> -> vector<1280x16xf32>
    %get3A_10 = arith.constant 0 : index
    %get3A_11 = arith.constant 0 : index
    %get3A_12 = vector.load %arg3[%get3A_10, %get3A_11] : memref<128x16xf32, #tpu.memory_space<vmem>>, vector<128x16xf32>
    %dot_general3A_13 = arith.constant dense<0.000000e+00> : vector<1280x16xf32>
    %dot_general3A_14 = tpu.matmul %mul3A, %get3A_12, %dot_general3A_13 {dimension_numbers = #tpu.dot_dimension_numbers<[1], [0], [0], [1], [0, 0, 1, 1], [], []>, transpose_lhs_hint = false} : vector<1280x128xf32>, vector<128x16xf32>, vector<1280x16xf32> -> vector<1280x16xf32>
    %get3A_15 = arith.constant 0 : index
    %get3A_16 = vector.load %arg4[%get3A_15] : memref<16xf32, #tpu.memory_space<vmem>>, vector<16xf32>
    %broadcast_in_dim3A = vector.shape_cast %get3A_16 : vector<16xf32> to vector<1x16xf32>
    %add3A_17 = vector.broadcast %broadcast_in_dim3A : vector<1x16xf32> to vector<1280x16xf32>
    %add3A_18 = arith.addf %dot_general3A_9, %add3A_17 : vector<1280x16xf32>
    %get3A_19 = arith.constant 0 : index
    %get3A_20 = vector.load %arg5[%get3A_19] : memref<16xf32, #tpu.memory_space<vmem>>, vector<16xf32>
    %broadcast_in_dim3A_21 = vector.shape_cast %get3A_20 : vector<16xf32> to vector<1x16xf32>
    %add3A_22 = vector.broadcast %broadcast_in_dim3A_21 : vector<1x16xf32> to vector<1280x16xf32>
    %add3A_23 = arith.addf %dot_general3A_14, %add3A_22 : vector<1280x16xf32>
    %max3A = arith.maximumf %add3A_18, %add3A_23 : vector<1280x16xf32>
    %sub3A = arith.subf %add3A_18, %max3A : vector<1280x16xf32>
    %sub3A_24 = arith.subf %add3A_18, %max3A : vector<1280x16xf32>
    %exp3A = math.exp %sub3A_24 : vector<1280x16xf32>
    %sub3A_25 = arith.subf %add3A_23, %max3A : vector<1280x16xf32>
    %exp3A_26 = math.exp %sub3A_25 : vector<1280x16xf32>
    %add3A_27 = arith.addf %exp3A, %exp3A_26 : vector<1280x16xf32>
    %log3A = math.log %add3A_27 : vector<1280x16xf32>
    %sub3A_28 = arith.subf %sub3A, %log3A : vector<1280x16xf32>
    %swap3A = arith.constant 0 : index
    %swap3A_29 = arith.constant 0 : index
    %swap3A_30 = vector.load %arg6[%swap3A, %swap3A_29] : memref<1280x16xf32, #tpu.memory_space<vmem>>, vector<1280x16xf32>
    tpu.vector_store %arg6[%swap3A, %swap3A_29], %sub3A_28 {strides = array<i32>} : memref<1280x16xf32, #tpu.memory_space<vmem>>, vector<1280x16xf32>,
    return
  }
}

</mosaic_0001>

<sc_bundles>
// kernel: kernel.11.cloned.1.call-start
scs
__scs_entry_jumppad:
0x0: {  	(pc) =	sbr.rel $0x88, $3  }
0x1: {  	(tag) =	ssettag $0x0;
	lr =	simm.s32 $0x1  }
0x2: {  	[smem:$0x3F9B] =	sst lr;
	_ =	strace $0xD0000000  }
0x3: {  	_ = 	snop  }
0x4: {  	_ = 	snop  }
0x5: {  	_ = 	snop  }
0x6: {  	_ = 	snop  }
0x7: {  	_ = 	snop  }
__scs_overlays_trampoline_lowered:
0x8: {  	[smem:$0x3FAA] =	sst s0  }
0x9: {  	[smem:$0x3FAB] =	sst s1  }
0xa: {  	[smem:$0x3FAC] =	sst s2  }
0xb: {  	[smem:$0x3FAD] =	sst s3  }
0xc: {  	[smem:$0x3FAE] =	sst s4  }
0xd: {  	[smem:$0x3FAF] =	sst s5  }
0xe: {  	[smem:$0x3FB0] =	sst s6  }
0xf: {  	[smem:$0x3FB1] =	sst s7  }
0x10: {  	[smem:$0x3FB2] =	sst s8  }
0x11: {  	[smem:$0x3FB3] =	sst s9;
	s0 =	simm.s32 @!p0 $0x0  }
0x12: {  	s1 =	sld [smem:$0x3F99];
	s0 =	simm.s32 @p0 $0x1  }
0x13: {  	[smem:$0x3FB4] =	sst s0;
	s0 =	simm.s32 @!p1 $0x0  }
0x14: {  	s2 =	sld [smem:$0x3F98];
	s0 =	simm.s32 @p1 $0x1  }
0x15: {  	[smem:$0x3FB5] =	sst s0;
	s0 =	simm.s32 @!p2 $0x0  }
0x16: {  	s3 =	sld [smem:$0x3FDB];
	s0 =	simm.s32 @p2 $0x1  }
0x17: {  	s4 =	simm.s32 $0x1BF5;
	[smem:$0x3FB7] =	sst s0  }
0x18: {  	s0 =	sld [smem:$0x3F9A];
	_ =	swait.ge [sflag:s4], $0x0  }
0x19: {  	s7 =	sld [smem:$0x3F9B]  }
0x1a: {  	s8 =	sadd.s32 $0xFFFFE003, lr  }
0x1b: {  	s9 =	sadd.s32 $0xFFFFFEF7, lr;
	s5 =	simm.s32 $0xFFFFFFFF;
	p2 =	slt.u32 s8, $0xFFFFF086  }
0x1c: {  	p1 =	slt.u32 s9, $0xF7A;
	s5 =	simm.s32 @!p2 $0x0  }
0x1d: {  	s5 =	simm.s32 @p1 $0x1;
	p0 =	seq.s32 s7, s2  }
0x1e: {  	s7 =	smul.u32 @!p0 $0xF7A, s2;
	p2 =	seq.s32 @!p0 s5, $0x0  }
0x1f: {  	s9 =	smul.u32 $0xF7A, s1;
	s8 =	simm.s32 @!p0 $0x1BF5;
	p2 =	por !p2, p0  }
0x20: {  	[sflag:s8] =	ssyncset.s32 @!p0 $0xFFFFF086;
	s6 =	sadd.s32 @!p0 s3, s7;
	s7 =	simm.s32 @!p0 $0x108  }
0x21: {  	s3 =	sadd.s32 s3, s9;
	s6 =	sadd.s32 @!p0 $0x88, s6;
	s7 =	simm.s32 @p2 $0x1082  }
0x22: {  	[simem:s7], [sflag:s8] =	dma.local @!p0 [hbm:s6], $0xF7A  }
0x23: {  	s9 =	sor.u32 $0xD0000000, s2;
	s6 =	simm.s32 $0x108;
	_ =	swait.ge @!p0 [sflag:s8], $0x0  }
0x24: {  	s3 =	sadd.s32 $0x88, s3;
	s6 =	simm.s32 @!p1 $0x1082;
	[sflag:s4] =	ssyncset.s32 $0xFFFFF086  }
0x25: {  	[simem:s6], [sflag:s4] =	dma.local [hbm:s3], $0xF7A  }
0x26: {  	[smem:$0x3F9B] =	sst s1;
	(tag) =	ssettag s2;
	_ =	strace s9  }
0x27: {  	s1 =	sld [smem:$0x3FAB]  }
0x28: {  	s2 =	sld [smem:$0x3FAC]  }
0x29: {  	s4 =	sld [smem:$0x3FAE]  }
0x2a: {  	p0 =	seq.s32 s5, $0x0;
	s5 =	sld [smem:$0x3FAF]  }
0x2b: {  	s6 =	sld [smem:$0x3FB0]  }
0x2c: {  	s7 =	sld [smem:$0x3FB1]  }
0x2d: {  	s3 =	simm.s32 $0x108;
	s8 =	sld [smem:$0x3FB2]  }
0x2e: {  	s3 =	simm.s32 @!p0 $0x1082;
	s9 =	sld [smem:$0x3FB3]  }
0x2f: {  	lr =	sadd.s32 s0, s3;
	s0 =	sld [smem:$0x3FAA]  }
0x30: {  	s3 =	sld [smem:$0x3FAD]  }
0x31: {  	[smem:$0x3FB6] =	sst s10  }
0x32: {  	s10 =	sld [smem:$0x3FB4];
	_ =	sdelay $0x3  }
0x33: {  	p0 =	seq.s32 s10, $0x1;
	s10 =	sld [smem:$0x3FB6];
	_ =	sdelay $0x3  }
0x34: {  	[smem:$0x3FB6] =	sst s10  }
0x35: {  	s10 =	sld [smem:$0x3FB5];
	_ =	sdelay $0x3  }
0x36: {  	p1 =	seq.s32 s10, $0x1;
	s10 =	sld [smem:$0x3FB6];
	_ =	sdelay $0x3  }
0x37: {  	[smem:$0x3FB6] =	sst s10  }
0x38: {  	s10 =	sld [smem:$0x3FB7]  }
0x39: {  	_ = 	snop;
	(pc) =	sbr.ind lr, $3  }
0x3a: {  	_ = 	snop  }
0x3b: {  	_ = 	snop  }
0x3c: {  	p2 =	seq.s32 s10, $0x1;
	s10 =	sld [smem:$0x3FB6]  }
0x3d: {  	_ =	shalt  }
0x3e: {  	_ =	shalt  }
0x3f: {  	_ =	shalt  }
0x40: {  	_ =	shalt  }
0x41: {  	_ =	shalt  }
0x42: {  	_ =	shalt  }
0x43: {  	_ =	shalt  }
0x44: {  	_ =	shalt  }
0x45: {  	_ =	shalt  }
0x46: {  	_ =	shalt  }
0x47: {  	_ =	shalt  }
0x48: {  	_ =	shalt  }
0x49: {  	_ =	shalt  }
0x4a: {  	_ =	shalt  }
0x4b: {  	_ =	shalt  }
0x4c: {  	_ =	shalt  }
0x4d: {  	_ =	shalt  }
0x4e: {  	_ =	shalt  }
0x4f: {  	_ =	shalt  }
0x50: {  	_ =	shalt  }
0x51: {  	_ =	shalt  }
0x52: {  	_ =	shalt  }
0x53: {  	_ =	shalt  }
0x54: {  	_ =	shalt  }
0x55: {  	_ =	shalt  }
0x56: {  	_ =	shalt  }
0x57: {  	_ =	shalt  }
0x58: {  	_ =	shalt  }
0x59: {  	_ =	shalt  }
0x5a: {  	_ =	shalt  }
0x5b: {  	_ =	shalt  }
0x5c: {  	_ =	shalt  }
0x5d: {  	_ =	shalt  }
0x5e: {  	_ =	shalt  }
0x5f: {  	_ =	shalt  }
0x60: {  	_ =	shalt  }
0x61: {  	_ =	shalt  }
0x62: {  	_ =	shalt  }
0x63: {  	_ =	shalt  }
0x64: {  	_ =	shalt  }
0x65: {  	_ =	shalt  }
0x66: {  	_ =	shalt  }
0x67: {  	_ =	shalt  }
0x68: {  	_ =	shalt  }
0x69: {  	_ =	shalt  }
0x6a: {  	_ =	shalt  }
0x6b: {  	_ =	shalt  }
0x6c: {  	_ =	shalt  }
0x6d: {  	_ =	shalt  }
0x6e: {  	_ =	shalt  }
0x6f: {  	_ =	shalt  }
0x70: {  	_ =	shalt  }
0x71: {  	_ =	shalt  }
0x72: {  	_ =	shalt  }
0x73: {  	_ =	shalt  }
0x74: {  	_ =	shalt  }
0x75: {  	_ =	shalt  }
0x76: {  	_ =	shalt  }
0x77: {  	_ =	shalt  }
0x78: {  	_ =	shalt  }
0x79: {  	_ =	shalt  }
0x7a: {  	_ =	shalt  }
0x7b: {  	_ =	shalt  }
0x7c: {  	_ =	shalt  }
0x7d: {  	_ =	shalt  }
0x7e: {  	_ =	shalt  }
0x7f: {  	_ =	shalt  }
0x80: {  	_ =	shalt  }
0x81: {  	_ =	shalt  }
0x82: {  	_ =	shalt  }
0x83: {  	_ =	shalt  }
0x84: {  	_ =	shalt  }
0x85: {  	_ =	shalt  }
0x86: {  	_ =	shalt  }
0x87: {  	_ =	shalt  }
.Lfunc_end0:
.L_simem_size_0:
called_computation.1_lowered:
.L_overlay_start_0:
0x88: {  	s2 =	sld [smem:$0x3FD9]  }
0x89: {  	s3 =	sld [smem:$0x3FFE];
	_ =	sdelay $0x1  }
0x8a: {  	s1 =	srdreg.scid  }
0x8b: {  	s0 =	sand.u32 $0x1, s1  }
0x8c: {  	s17 =	sshll.u32 s0, $0xA;
	s2 =	sadd.s32 s3, s2  }
0x8d: {  	s2 =	sadd.s32 s2, s17  }
0x8e: {  	[smem:$0x3FC2] =	sst s2  }
0x8f: {  	_ = 	snop  }
0x90: {  	s2 =	sld [smem:$0x3FD0];
	(tm) =	ssettm $0x1  }
0x91: {  	s18 =	sld [smem:$0x3FFB];
	_ =	sdelay $0x3  }
0x92: {  	_ =	strace s18  }
0x93: {  	s3 =	sld [smem:$0x3FFC];
	_ =	sdelay $0x3  }
0x94: {  	_ =	strace s3  }
0x95: {  	s3 =	sld [smem:$0x3FFD];
	_ =	sdelay $0x3  }
0x96: {  	_ =	strace s3  }
0x97: {  	_ =	strace $0x8FFFFFFF  }
0x98: {  	s19 =	sld [smem:$0x3FDB];
	_ =	sdelay $0x1  }
0x99: {  	s4 =	simm.s32 $_scs_section_size  }
0x9a: {  	s5 =	simm.s32 $_size__tile_overlayer_lowered;
	s6 =	simm.s32 $_tile_overlayer_lowered  }
0x9b: {  	s22 =	simm.s32 $0x1BFF;
	s21 =	sshll.u32 s6, $0x1;
	s3 =	sadd.s32 s4, s19  }
0x9c: {  	s7 =	simm.s32 $0x0;
	s20 =	sshll.u32 s5, $0x1;
	s5 =	sadd.s32 s21, s3  }
0x9d: {  	[timem:s7], [sflag:s22] =	dma.local [hbm:s5], s20  }
0x9e: {  	_ =	swait.ge [sflag:s22], s20  }
0x9f: {  	s4 =	ssub.s32 $0x0, s20;
	[sflag:s22] =	ssyncset.done $0x0  }
0xa0: {  	[sflag:s22] =	ssyncadd.s32 s4;
	_ =	sdelay $0x1  }
0xa1: {  	s23 =	simm.s32 $0x1B8B  }
0xa2: {  	_ =	swait.ge [sflag:s23], $0x1  }
0xa3: {  	[sflag:s23] =	ssyncset.done $0x0  }
0xa4: {  	s25 =	simm.s32 $0x1B8E;
	s24 =	sld [smem:$0x3FFE];
	[sflag:s23] =	ssyncadd.s32 $0xFFFFFFFF  }
0xa5: {  	s26 =	simm.s32 $execute0_lowered;
	[smem:$0x3FD2] =	sst s25  }
0xa6: {  	s5 =	sshll.u32 s26, $0x1;
	_ =	strace $0x80000049;
	[dreg:$0x1] =	wrdreg $0xFFFFFFFF  }
0xa7: {  	s28 =	simm.s32 $_size_execute0_lowered;
	s3 =	sadd.s32 s3, s5;
	[dreg:$0x0] =	wrdreg $0x0  }
0xa8: {  	s5 =	sshll.u32 s28, $0x1;
	[dreg:$0x2] =	wrdreg s3  }
0xa9: {  	[dreg:$0x3] =	wrdreg s5  }
0xaa: {  	[dreg:$0x4] =	wrdreg $0xC0  }
0xab: {  	_ =	task [dreg:s7], $0x5FFFF  }
0xac: {  	[dreg:$0x1] =	wrdreg $0xFFFFFFFF  }
0xad: {  	[dreg:$0x0] =	wrdreg $0x60  }
0xae: {  	[dreg:$0x2] =	wrdreg s24  }
0xaf: {  	[dreg:$0x3] =	wrdreg s2  }
0xb0: {  	[dreg:$0x4] =	wrdreg $0xE2800  }
0xb1: {  	[dreg:$0x5] =	wrdreg $0xBA800  }
0xb2: {  	[dreg:$0x6] =	wrdreg $0x9  }
0xb3: {  	_ =	task.clear_ibuf [dreg:s7], $0x7FFFF;
	_ =	strace $0x90000049  }
0xb4: {  	s29 =	simm.s32 $0x9;
	_ =	strace $0x8000004B  }
0xb5: {  	_ =	swait.ge [sflag:s29], $0x1  }
0xb6: {  	[sflag:s29] =	ssyncadd.s32 $0xFFFFFFFF  }
0xb7: {  	_ =	strace $0x9000004B  }
0xb8: {  	_ =	sfence  }
0xb9: {  	s30 =	sld [smem:$0x0];
	_ =	sdelay $0x2  }
0xba: {  	s31 =	sshll.u32 s1, $0xD;
	s1 =	sshrl.u32 s1, $0x2  }
0xbb: {  	s3 =	sand.u32 $0x4000, s31;
	s1 =	sadd.s32 s1, s30  }
0xbc: {  	s0 =	sor.u32 s3, s0;
	s1 =	sshll.u32 s1, $0x11  }
0xbd: {  	s0 =	sor.u32 s1, s0  }
0xbe: {  	s0 =	sadd.s32 $0x8F2B, s0  }
0xbf: {  	[sflag:s0] =	ssyncadd.remote.s32 $0x1  }
0xc0: {  	_ =	sfence.sel $0xFFFF  }
0xc1: {  	[dreg:$0x0] =	wrdreg $0xFFFFFFFF;
	(pc) =	sbr.abs _section_cstart, $3  }
0xc2: {  	[dreg:$0x1] =	wrdreg $0xFFFFFFFF  }
0xc3: {  	_ =	task.clear_ibuf [dreg:s7], $0x2FFFF;
	_ =	strace $0x9FFFFFFF  }
0xc4: {  	(tm) =	ssettm $0x7FFFFFFF  }
0xc5: {  	_ =	shalt  }
tec
execute0_lowered:
.L_overlay_start_1:
0x0: {  	(tag) =	ssettag $0x1  }
0x1: {  	s0 =	rddreg [dreg:$0x0]  }
0x2: {  	s1 =	srdreg.scid;
	s5 =	rddreg [dreg:$0x1]  }
0x3: {  	s2 =	rddreg [dreg:$0x2];
	s12 =	stileid.u32  }
0x4: {  	s3 =	rddreg [dreg:$0x3];
	s28 =	simm.s32 $0xB800;
	s29 =	simm.s32 $0x9000  }
0x5: {  	s30 =	simm.s32 $0x2800;
	s1 =	sand.u32 $0x1, s1;
	s6 =	smul.u32 $0x2800, s12  }
0x6: {  	s31 =	simm.s32 $0x80;
	s10 =	smul.u32 $0x50, s12;
	s4 =	sshll.u32 s1, $0x4  }
0x7: {  	s9 =	ssub.s32 $0x2, s1;
	s19 =	smul.u32 $0x28000, s1;
	p0 =	sne.s32 s1, $0x0  }
0x8: {  	s1 =	simm.s32 $0x5000;
	s7 =	sor.u32 s12, s4;
	s4 =	simm.s32 $0x0  }
0x9: {  	s8 =	sshrl.u32 s6, $0x3;
	s11 =	sshrl.u32 s9, $0x1;
	s12 =	smul.u32 $0xA000, s12  }
0xa: {  	s5 =	sadd.s32 s5, s10;
	s21 =	sadd.s32 s6, s2;
	s25 =	sadd.s32 $0x800, s6  }
0xb: {  	s15 =	sadd.s32 $0x1000, s6;
	s17 =	sadd.s32 $0x1800, s6;
	s10 =	simm.s32 $0x2  }
0xc: {  	s7 =	smul.u32 $0x2800, s7;
	[smem:$0x7FF] =	sst s4;
	s8 =	sadd.s32 s8, s0  }
0xd: {  	s11 =	ssub.s32 s9, s11;
	s9 =	sadd.s32 s6, s3;
	s23 =	sadd.s32 s19, s6  }
0xe: {  	s26 =	sadd.s32 s19, s25;
	s16 =	sadd.s32 s19, s15;
	s6 =	sadd.s32 $0x2000, s6  }
0xf: {  	s20 =	sadd.s32 s19, s17;
	_ =	strace $0x8000004A;
	[dreg:$0x6] =	wrdreg s5  }
0x10: {  	s8 =	sadd.s32 $0x17200, s8;
	[dreg:$0x7] =	wrdreg s21;
	s22 =	sshrl.u32 s12, $0x2  }
0x11: {  	s5 =	sshrl.u32 s23, $0x3;
	s11 =	smax.u32 s11, $0x1;
	s21 =	sshrl.u32 s20, $0x3  }
0x12: {  	s20 =	simm.s32 $0x6000;
	s7 =	sshrl.u32 s7, $0x3;
	[dreg:$0x5] =	wrdreg s8  }
0x13: {  	s13 =	sadd.s32 s22, s3;
	[dreg:$0xc] =	wrdreg s11;
	s8 =	sadd.s32 s19, s6  }
0x14: {  	s6 =	sadd.s32 s6, s3;
	s11 =	simm.s32 $0x4;
	s7 =	sadd.s32 s7, s0  }
0x15: {  	s0 =	sadd.s32 $0x1C200, s0;
	s12 =	sadd.s32 $0x800, s13;
	[dreg:$0x8] =	wrdreg s13  }
0x16: {  	s14 =	sadd.s32 $0x1000, s13;
	s8 =	sshrl.u32 s8, $0x3;
	[dreg:$0xd] =	wrdreg s12  }
0x17: {  	s22 =	sadd.s32 $0x1800, s13;
	s23 =	sadd.s32 $0x2000, s13;
	[dreg:$0xe] =	wrdreg s14  }
0x18: {  	s24 =	sadd.s32 $0x2800, s7;
	s7 =	sadd.s32 $0xC800, s7;
	[dreg:$0x11] =	wrdreg s22  }
0x19: {  	s5 =	sadd.s32 s0, s5;
	s18 =	sadd.s32 s0, s21;
	[dreg:$0x12] =	wrdreg s23  }
0x1a: {  	s19 =	sadd.s32 s0, s8;
	s14 =	simm.s32 $0x5800;
	[dreg:$0x9] =	wrdreg s24  }
0x1b: {  	s21 =	simm.s32 $0x6800;
	s8 =	simm.s32 $0x8000;
	[dreg:$0xa] =	wrdreg s7  }
0x1c: {  	s12 =	simm.s32 $0x0;
	[dreg:$0xb] =	wrdreg s5;
	s5 =	sshrl.u32 s26, $0x3  }
0x1d: {  	s7 =	sshrl.u32 s16, $0x3;
	s24 =	sadd.s32 s25, s3;
	s25 =	sadd.s32 s15, s3  }
0x1e: {  	s26 =	sadd.s32 s17, s3;
	s15 =	simm.s32 $0x7000;
	s5 =	sadd.s32 s0, s5  }
0x1f: {  	s7 =	sadd.s32 s0, s7;
	s22 =	sshrl.u32 s24, $0x3;
	s23 =	sshrl.u32 s25, $0x3  }
0x20: {  	s24 =	sshrl.u32 s26, $0x3;
	s25 =	sshrl.u32 s6, $0x3;
	s26 =	simm.s32 $0x5  }
0x21: {  	s0 =	simm.s32 $0x7800;
	s6 =	simm.s32 $0x1;
	[dreg:$0xf] =	wrdreg s5  }
0x22: {  	v0 =	vimm.f32 $0.0e+00;
	[dreg:$0x10] =	wrdreg s7;
	s5 =	simm.s32 $0x8800;
	s7 =	simm.s32 $0x3  }
.LBB2_1:
0x23: {  	s13 =	rddreg [dreg:$0x5]  }
0x24: {  	[tilespmem:s29], [sflag:$0x5] =	stream.linear.gather [hbm4b:s13+s4], $0x2800, $0x38;
	[tilespmem:$0x10A80] =	vst v63  }
0x25: {  	_ =	swait.ge [sflag:s26], $0x2800  }
0x26: {  	[sflag:s26] =	ssyncset.done $0x0  }
0x27: {  	v1 =	vmov s4;
	s16 =	rddreg [dreg:$0x6];
	[sflag:s26] =	ssyncadd.s32 $0xFFFFD800  }
0x28: {  	[tilespmem:s28], [sflag:$0x5] =	stream.linear.gather [hbm4b:s16+s4], $0x280, $0x38;
	[tilespmem:$0x10A80] =	vst v63  }
0x29: {  	_ =	swait.ge [sflag:s26], $0x280  }
0x2a: {  	[sflag:s26] =	ssyncset.done $0x0  }
0x2b: {  	[sflag:s26] =	ssyncadd.s32 $0xFFFFFD80  }
0x2c: {  	v1 =	vld.idx.msk [tilespmem:v1+s28+$0x0], $0xffff  }
0x2d: {  	v3 =	vld [tilespmem:s29+$0x0];
	_ =	sdelay $0x1  }
0x2e: {  	s17 =	simm.s32 $0x1  }
0x2f: {  	v2 =	vmov s17;
	s13 =	simm.s32 $0x9000;
	s16 =	simm.s32 $0x2  }
.LBB2_2:
0x30: {  	p1 =	sne.s32 s16, $0x27F  }
0x31: {  	v1 =	vmul.f32 v3, v1;
	_ =	sdelay $0x1  }
0x32: {  	[tilespmem:s13+$0x0] =	vst v1  }
.Ltmp0:
0x33: {  	s13 =	sadd.s32 $0x10, s13;
	v1 =	vld.idx.msk [tilespmem:v2+s28+$0x0], $0xffff;
	(pc) =	sbr.rel @p1 .LBB2_2-.Ltmp0, $2  }
0x34: {  	v3 =	vld [tilespmem:s13+$0x0];
	_ =	sdelay $0x2  }
0x35: {  	v2 =	vmov s16;
	s16 =	sadd.s32 $0x1, s16  }
0x36: {  	_ = 	snop  }
0x37: {  	v1 =	vmul.f32 v3, v1;
	_ =	sdelay $0x1  }
0x38: {  	[tilespmem:s13+$0x0] =	vst v1  }
0x39: {  	s16 =	sadd.s32 $0x10, s13;
	v1 =	vld.idx.msk [tilespmem:v2+s28+$0x0], $0xffff  }
0x3a: {  	v2 =	vld [tilespmem:s16+$0x0];
	_ =	sdelay $0x4  }
0x3b: {  	v1 =	vmul.f32 v2, v1;
	_ =	sdelay $0x1  }
.Ltmp1:
0x3c: {  	s17 =	rddreg [dreg:$0x7];
	[tilespmem:s16+$0x0] =	vst v1;
	(pc) =	sbr.rel @p0 .LBB2_5-.Ltmp1, $4  }
0x3d: {  	[spmem:s17] =	stream.linear.scatter [tilespmem:s29], [sflag:$0x5], $0x2800, $0x38;
	[tilespmem:$0x10A80] =	vst v63  }
0x3e: {  	_ =	swait.ge [sflag:s26], $0x2800  }
0x3f: {  	[sflag:s26] =	ssyncset.done $0x0  }
0x40: {  	[sflag:s26] =	ssyncadd.s32 $0xFFFFD800  }
.Ltmp2:
0x41: {  	(pc) =	sbr.rel .LBB2_8-.Ltmp2, $4  }
0x42: {  	[spmem:s9] =	stream.linear.scatter [tilespmem:s29], [sflag:$0x5], $0x2800, $0x38;
	[tilespmem:$0x10A80] =	vst v63  }
0x43: {  	_ =	swait.ge [sflag:s26], $0x2800  }
0x44: {  	[sflag:s26] =	ssyncset.done $0x0  }
0x45: {  	[sflag:s26] =	ssyncadd.s32 $0xFFFFD800  }
.LBB2_5:
0x46: {  	s13 =	simm.s32 $0x40;
	s16 =	simm.s32 $0x0  }
.LBB2_6:
0x47: {  	p1 =	sne.s32 s13, $0x1FC0;
	[tilespmem:s16+$0x5000] =	vst v0;
	s16 =	smov.u32 s13;
	s13 =	sadd.s32 $0x40, s13  }
.Ltmp3:
0x48: {  	(pc) =	sbr.rel @p1 .LBB2_6-.Ltmp3, $2  }
0x49: {  	_ =	sdelay $0x2  }
0x4a: {  	s16 =	sshra.s32 s16, $0x2  }
0x4b: {  	[tilespmem:s16+$0x5000] =	vst v0;
	s13 =	rddreg [dreg:$0x8]  }
0x4c: {  	[spmem:s13] =	stream.linear.scatter [tilespmem:s1], [sflag:$0x5], $0x800, $0x38;
	[tilespmem:$0x10A80] =	vst v63  }
0x4d: {  	_ =	swait.ge [sflag:s26], $0x800  }
0x4e: {  	[sflag:s26] =	ssyncset.done $0x0  }
0x4f: {  	s16 =	rddreg [dreg:$0xd];
	[sflag:s26] =	ssyncadd.s32 $0xFFFFF800  }
0x50: {  	[spmem:s16] =	stream.linear.scatter [tilespmem:s1], [sflag:$0x5], $0x800, $0x38;
	[tilespmem:$0x10A80] =	vst v63  }
0x51: {  	_ =	swait.ge [sflag:s26], $0x800  }
0x52: {  	[sflag:s26] =	ssyncset.done $0x0  }
0x53: {  	s17 =	rddreg [dreg:$0xe];
	[sflag:s26] =	ssyncadd.s32 $0xFFFFF800  }
0x54: {  	[spmem:s17] =	stream.linear.scatter [tilespmem:s1], [sflag:$0x5], $0x800, $0x38;
	[tilespmem:$0x10A80] =	vst v63  }
0x55: {  	_ =	swait.ge [sflag:s26], $0x800  }
0x56: {  	[sflag:s26] =	ssyncset.done $0x0  }
0x57: {  	s16 =	rddreg [dreg:$0x11];
	[sflag:s26] =	ssyncadd.s32 $0xFFFFF800  }
0x58: {  	[spmem:s16] =	stream.linear.scatter [tilespmem:s1], [sflag:$0x5], $0x800, $0x38;
	[tilespmem:$0x10A80] =	vst v63  }
0x59: {  	_ =	swait.ge [sflag:s26], $0x800  }
0x5a: {  	[sflag:s26] =	ssyncset.done $0x0  }
0x5b: {  	s17 =	rddreg [dreg:$0x12];
	[sflag:s26] =	ssyncadd.s32 $0xFFFFF800  }
0x5c: {  	[spmem:s17] =	stream.linear.scatter [tilespmem:s1], [sflag:$0x5], $0x800, $0x38;
	[tilespmem:$0x10A80] =	vst v63  }
0x5d: {  	_ =	swait.ge [sflag:s26], $0x800  }
0x5e: {  	[sflag:s26] =	ssyncset.done $0x0  }
0x5f: {  	[sflag:s26] =	ssyncadd.s32 $0xFFFFF800  }
.LBB2_8:
0x60: {  	s13 =	simm.s32 $0x0;
	s16 =	rddreg [dreg:$0x9]  }
0x61: {  	[tilespmem:s13], [sflag:$0x5] =	stream.linear.gather [hbm4b:s16+s13], $0x2800, $0x38;
	[tilespmem:$0x10A80] =	vst v63  }
0x62: {  	_ =	swait.ge [sflag:s26], $0x2800  }
0x63: {  	[sflag:s26] =	ssyncset.done $0x0  }
0x64: {  	s17 =	rddreg [dreg:$0xa];
	[sflag:s26] =	ssyncadd.s32 $0xFFFFD800  }
0x65: {  	[tilespmem:s30], [sflag:$0x5] =	stream.linear.gather [hbm4b:s17+s13], $0x2800, $0x38;
	[tilespmem:$0x10A80] =	vst v63  }
0x66: {  	_ =	swait.ge [sflag:s26], $0x2800  }
0x67: {  	[sflag:s26] =	ssyncset.done $0x0  }
0x68: {  	[sflag:s26] =	ssyncadd.s32 $0xFFFFD800  }
0x69: {  	[bflag:$0x0] =	sbarrier.arrive $0xFFFF  }
0x6a: {  	[tilespmem:s1], [sflag:$0x1] =	stream.indirect.gather [spmem:s2], $0x10, s13, s31, $0xb8;
	[tilespmem:$0x10A80] =	vst v63  }
0x6b: {  	_ = 	snop  }
0x6c: {  	[tilespmem:s14], [sflag:$0x1] =	stream.indirect.gather [spmem:s2], $0x10, s31, s31, $0xb8;
	[tilespmem:$0x10A80] =	vst v63  }
0x6d: {  	s16 =	simm.s32 $0x100  }
0x6e: {  	[tilespmem:s20], [sflag:$0x1] =	stream.indirect.gather [spmem:s2], $0x10, s16, s31, $0xb8;
	[tilespmem:$0x10A80] =	vst v63  }
0x6f: {  	s17 =	simm.s32 $0x180  }
0x70: {  	[tilespmem:s21], [sflag:$0x1] =	stream.indirect.gather [spmem:s2], $0x10, s17, s31, $0xb8;
	[tilespmem:$0x10A80] =	vst v63  }
0x71: {  	s16 =	simm.s32 $0x200  }
0x72: {  	[tilespmem:s15], [sflag:$0x2] =	stream.indirect.gather [spmem:s2], $0x10, s16, s31, $0xb8;
	[tilespmem:$0x10A80] =	vst v63  }
0x73: {  	s17 =	simm.s32 $0x280  }
0x74: {  	[tilespmem:s0], [sflag:$0x2] =	stream.indirect.gather [spmem:s2], $0x10, s17, s31, $0xb8;
	[tilespmem:$0x10A80] =	vst v63  }
0x75: {  	s16 =	simm.s32 $0x300  }
0x76: {  	[tilespmem:s8], [sflag:$0x2] =	stream.indirect.gather [spmem:s2], $0x10, s16, s31, $0xb8;
	[tilespmem:$0x10A80] =	vst v63  }
0x77: {  	s17 =	simm.s32 $0x380  }
0x78: {  	[tilespmem:s5], [sflag:$0x2] =	stream.indirect.gather [spmem:s2], $0x10, s17, s31, $0xb8;
	[tilespmem:$0x10A80] =	vst v63  }
0x79: {  	_ =	swait.ge [sflag:s6], $0x800  }
0x7a: {  	[sflag:s6] =	ssyncset.done $0x0  }
0x7b: {  	[sflag:s6] =	ssyncadd.s32 $0xFFFFF800  }
0x7c: {  	_ =	swait.ge [sflag:s6], $0x800  }
0x7d: {  	[sflag:s6] =	ssyncset.done $0x0  }
0x7e: {  	[sflag:s6] =	ssyncadd.s32 $0xFFFFF800  }
0x7f: {  	_ =	swait.ge [sflag:s6], $0x800  }
0x80: {  	[sflag:s6] =	ssyncset.done $0x0  }
0x81: {  	[sflag:s6] =	ssyncadd.s32 $0xFFFFF800  }
0x82: {  	_ =	swait.ge [sflag:s6], $0x800  }
0x83: {  	[sflag:s6] =	ssyncset.done $0x0  }
0x84: {  	[sflag:s6] =	ssyncadd.s32 $0xFFFFF800  }
0x85: {  	[spmem:s3] =	stream.indirect.scatter.add.f32 [tilespmem:s1], [sflag:$0x3], $0x10, s30, s31, $0xb8;
	[tilespmem:$0x10A80] =	vst v63  }
0x86: {  	s16 =	simm.s32 $0x2880  }
0x87: {  	[spmem:s3] =	stream.indirect.scatter.add.f32 [tilespmem:s14], [sflag:$0x3], $0x10, s16, s31, $0xb8;
	[tilespmem:$0x10A80] =	vst v63  }
0x88: {  	s17 =	simm.s32 $0x2900  }
0x89: {  	[spmem:s3] =	stream.indirect.scatter.add.f32 [tilespmem:s20], [sflag:$0x3], $0x10, s17, s31, $0xb8;
	[tilespmem:$0x10A80] =	vst v63  }
0x8a: {  	s16 =	simm.s32 $0x2980  }
0x8b: {  	[spmem:s3] =	stream.indirect.scatter.add.f32 [tilespmem:s21], [sflag:$0x3], $0x10, s16, s31, $0xb8;
	[tilespmem:$0x10A80] =	vst v63  }
0x8c: {  	_ =	swait.ge [sflag:s7], $0x800  }
0x8d: {  	[sflag:s7] =	ssyncset.done $0x0  }
0x8e: {  	[sflag:s7] =	ssyncadd.s32 $0xFFFFF800  }
0x8f: {  	_ =	swait.ge [sflag:s7], $0x800  }
0x90: {  	[sflag:s7] =	ssyncset.done $0x0  }
0x91: {  	[sflag:s7] =	ssyncadd.s32 $0xFFFFF800  }
0x92: {  	_ =	swait.ge [sflag:s7], $0x800  }
0x93: {  	[sflag:s7] =	ssyncset.done $0x0  }
0x94: {  	[sflag:s7] =	ssyncadd.s32 $0xFFFFF800  }
0x95: {  	_ =	swait.ge [sflag:s7], $0x800  }
0x96: {  	[sflag:s7] =	ssyncset.done $0x0  }
0x97: {  	s17 =	simm.s32 $0x400;
	[sflag:s7] =	ssyncadd.s32 $0xFFFFF800  }
0x98: {  	[tilespmem:s1], [sflag:$0x1] =	stream.indirect.gather [spmem:s2], $0x10, s17, s31, $0xb8;
	[tilespmem:$0x10A80] =	vst v63  }
0x99: {  	s16 =	simm.s32 $0x480  }
0x9a: {  	[tilespmem:s14], [sflag:$0x1] =	stream.indirect.gather [spmem:s2], $0x10, s16, s31, $0xb8;
	[tilespmem:$0x10A80] =	vst v63  }
0x9b: {  	s17 =	simm.s32 $0x500  }
0x9c: {  	[tilespmem:s20], [sflag:$0x1] =	stream.indirect.gather [spmem:s2], $0x10, s17, s31, $0xb8;
	[tilespmem:$0x10A80] =	vst v63  }
0x9d: {  	s16 =	simm.s32 $0x580  }
0x9e: {  	[tilespmem:s21], [sflag:$0x1] =	stream.indirect.gather [spmem:s2], $0x10, s16, s31, $0xb8;
	[tilespmem:$0x10A80] =	vst v63  }
0x9f: {  	_ =	swait.ge [sflag:s10], $0x800  }
0xa0: {  	[sflag:s10] =	ssyncset.done $0x0  }
0xa1: {  	[sflag:s10] =	ssyncadd.s32 $0xFFFFF800  }
0xa2: {  	_ =	swait.ge [sflag:s10], $0x800  }
0xa3: {  	[sflag:s10] =	ssyncset.done $0x0  }
0xa4: {  	[sflag:s10] =	ssyncadd.s32 $0xFFFFF800  }
0xa5: {  	_ =	swait.ge [sflag:s10], $0x800  }
0xa6: {  	[sflag:s10] =	ssyncset.done $0x0  }
0xa7: {  	[sflag:s10] =	ssyncadd.s32 $0xFFFFF800  }
0xa8: {  	_ =	swait.ge [sflag:s10], $0x800  }
0xa9: {  	[sflag:s10] =	ssyncset.done $0x0  }
0xaa: {  	s17 =	simm.s32 $0x2A00;
	[sflag:s10] =	ssyncadd.s32 $0xFFFFF800  }
0xab: {  	[spmem:s3] =	stream.indirect.scatter.add.f32 [tilespmem:s15], [sflag:$0x4], $0x10, s17, s31, $0xb8;
	[tilespmem:$0x10A80] =	vst v63  }
0xac: {  	s16 =	simm.s32 $0x2A80  }
0xad: {  	[spmem:s3] =	stream.indirect.scatter.add.f32 [tilespmem:s0], [sflag:$0x4], $0x10, s16, s31, $0xb8;
	[tilespmem:$0x10A80] =	vst v63  }
0xae: {  	s17 =	simm.s32 $0x2B00  }
0xaf: {  	[spmem:s3] =	stream.indirect.scatter.add.f32 [tilespmem:s8], [sflag:$0x4], $0x10, s17, s31, $0xb8;
	[tilespmem:$0x10A80] =	vst v63  }
0xb0: {  	s16 =	simm.s32 $0x2B80  }
0xb1: {  	[spmem:s3] =	stream.indirect.scatter.add.f32 [tilespmem:s5], [sflag:$0x4], $0x10, s16, s31, $0xb8;
	[tilespmem:$0x10A80] =	vst v63  }
0xb2: {  	_ =	swait.ge [sflag:s11], $0x800  }
0xb3: {  	[sflag:s11] =	ssyncset.done $0x0  }
0xb4: {  	[sflag:s11] =	ssyncadd.s32 $0xFFFFF800  }
0xb5: {  	_ =	swait.ge [sflag:s11], $0x800  }
0xb6: {  	[sflag:s11] =	ssyncset.done $0x0  }
0xb7: {  	[sflag:s11] =	ssyncadd.s32 $0xFFFFF800  }
0xb8: {  	_ =	swait.ge [sflag:s11], $0x800  }
0xb9: {  	[sflag:s11] =	ssyncset.done $0x0  }
0xba: {  	[sflag:s11] =	ssyncadd.s32 $0xFFFFF800  }
0xbb: {  	_ =	swait.ge [sflag:s11], $0x800  }
0xbc: {  	[sflag:s11] =	ssyncset.done $0x0  }
0xbd: {  	s17 =	simm.s32 $0x600;
	[sflag:s11] =	ssyncadd.s32 $0xFFFFF800  }
0xbe: {  	[tilespmem:s15], [sflag:$0x2] =	stream.indirect.gather [spmem:s2], $0x10, s17, s31, $0xb8;
	[tilespmem:$0x10A80] =	vst v63  }
0xbf: {  	s16 =	simm.s32 $0x680  }
0xc0: {  	[tilespmem:s0], [sflag:$0x2] =	stream.indirect.gather [spmem:s2], $0x10, s16, s31, $0xb8;
	[tilespmem:$0x10A80] =	vst v63  }
0xc1: {  	s17 =	simm.s32 $0x700  }
0xc2: {  	[tilespmem:s8], [sflag:$0x2] =	stream.indirect.gather [spmem:s2], $0x10, s17, s31, $0xb8;
	[tilespmem:$0x10A80] =	vst v63  }
0xc3: {  	s16 =	simm.s32 $0x780  }
0xc4: {  	[tilespmem:s5], [sflag:$0x2] =	stream.indirect.gather [spmem:s2], $0x10, s16, s31, $0xb8;
	[tilespmem:$0x10A80] =	vst v63  }
0xc5: {  	_ =	swait.ge [sflag:s6], $0x800  }
0xc6: {  	[sflag:s6] =	ssyncset.done $0x0  }
0xc7: {  	[sflag:s6] =	ssyncadd.s32 $0xFFFFF800  }
0xc8: {  	_ =	swait.ge [sflag:s6], $0x800  }
0xc9: {  	[sflag:s6] =	ssyncset.done $0x0  }
0xca: {  	[sflag:s6] =	ssyncadd.s32 $0xFFFFF800  }
0xcb: {  	_ =	swait.ge [sflag:s6], $0x800  }
0xcc: {  	[sflag:s6] =	ssyncset.done $0x0  }
0xcd: {  	[sflag:s6] =	ssyncadd.s32 $0xFFFFF800  }
0xce: {  	_ =	swait.ge [sflag:s6], $0x800  }
0xcf: {  	[sflag:s6] =	ssyncset.done $0x0  }
0xd0: {  	s17 =	simm.s32 $0x2C00;
	[sflag:s6] =	ssyncadd.s32 $0xFFFFF800  }
0xd1: {  	[spmem:s3] =	stream.indirect.scatter.add.f32 [tilespmem:s1], [sflag:$0x3], $0x10, s17, s31, $0xb8;
	[tilespmem:$0x10A80] =	vst v63  }
0xd2: {  	s16 =	simm.s32 $0x2C80  }
0xd3: {  	[spmem:s3] =	stream.indirect.scatter.add.f32 [tilespmem:s14], [sflag:$0x3], $0x10, s16, s31, $0xb8;
	[tilespmem:$0x10A80] =	vst v63  }
0xd4: {  	s17 =	simm.s32 $0x2D00  }
0xd5: {  	[spmem:s3] =	stream.indirect.scatter.add.f32 [tilespmem:s20], [sflag:$0x3], $0x10, s17, s31, $0xb8;
	[tilespmem:$0x10A80] =	vst v63  }
0xd6: {  	s16 =	simm.s32 $0x2D80  }
0xd7: {  	[spmem:s3] =	stream.indirect.scatter.add.f32 [tilespmem:s21], [sflag:$0x3], $0x10, s16, s31, $0xb8;
	[tilespmem:$0x10A80] =	vst v63  }
0xd8: {  	_ =	swait.ge [sflag:s7], $0x800  }
0xd9: {  	[sflag:s7] =	ssyncset.done $0x0  }
0xda: {  	[sflag:s7] =	ssyncadd.s32 $0xFFFFF800  }
0xdb: {  	_ =	swait.ge [sflag:s7], $0x800  }
0xdc: {  	[sflag:s7] =	ssyncset.done $0x0  }
0xdd: {  	[sflag:s7] =	ssyncadd.s32 $0xFFFFF800  }
0xde: {  	_ =	swait.ge [sflag:s7], $0x800  }
0xdf: {  	[sflag:s7] =	ssyncset.done $0x0  }
0xe0: {  	[sflag:s7] =	ssyncadd.s32 $0xFFFFF800  }
0xe1: {  	_ =	swait.ge [sflag:s7], $0x800  }
0xe2: {  	[sflag:s7] =	ssyncset.done $0x0  }
0xe3: {  	s17 =	simm.s32 $0x800;
	[sflag:s7] =	ssyncadd.s32 $0xFFFFF800  }
0xe4: {  	[tilespmem:s1], [sflag:$0x1] =	stream.indirect.gather [spmem:s2], $0x10, s17, s31, $0xb8;
	[tilespmem:$0x10A80] =	vst v63  }
0xe5: {  	s16 =	simm.s32 $0x880  }
0xe6: {  	[tilespmem:s14], [sflag:$0x1] =	stream.indirect.gather [spmem:s2], $0x10, s16, s31, $0xb8;
	[tilespmem:$0x10A80] =	vst v63  }
0xe7: {  	s17 =	simm.s32 $0x900  }
0xe8: {  	[tilespmem:s20], [sflag:$0x1] =	stream.indirect.gather [spmem:s2], $0x10, s17, s31, $0xb8;
	[tilespmem:$0x10A80] =	vst v63  }
0xe9: {  	s16 =	simm.s32 $0x980  }
0xea: {  	[tilespmem:s21], [sflag:$0x1] =	stream.indirect.gather [spmem:s2], $0x10, s16, s31, $0xb8;
	[tilespmem:$0x10A80] =	vst v63  }
0xeb: {  	_ =	swait.ge [sflag:s10], $0x800  }
0xec: {  	[sflag:s10] =	ssyncset.done $0x0  }
0xed: {  	[sflag:s10] =	ssyncadd.s32 $0xFFFFF800  }
0xee: {  	_ =	swait.ge [sflag:s10], $0x800  }
0xef: {  	[sflag:s10] =	ssyncset.done $0x0  }
0xf0: {  	[sflag:s10] =	ssyncadd.s32 $0xFFFFF800  }
0xf1: {  	_ =	swait.ge [sflag:s10], $0x800  }
0xf2: {  	[sflag:s10] =	ssyncset.done $0x0  }
0xf3: {  	[sflag:s10] =	ssyncadd.s32 $0xFFFFF800  }
0xf4: {  	_ =	swait.ge [sflag:s10], $0x800  }
0xf5: {  	[sflag:s10] =	ssyncset.done $0x0  }
0xf6: {  	s17 =	simm.s32 $0x2E00;
	[sflag:s10] =	ssyncadd.s32 $0xFFFFF800  }
0xf7: {  	[spmem:s3] =	stream.indirect.scatter.add.f32 [tilespmem:s15], [sflag:$0x4], $0x10, s17, s31, $0xb8;
	[tilespmem:$0x10A80] =	vst v63  }
0xf8: {  	s16 =	simm.s32 $0x2E80  }
0xf9: {  	[spmem:s3] =	stream.indirect.scatter.add.f32 [tilespmem:s0], [sflag:$0x4], $0x10, s16, s31, $0xb8;
	[tilespmem:$0x10A80] =	vst v63  }
0xfa: {  	s13 =	simm.s32 $0x1000;
	s17 =	simm.s32 $0x2F00;
	s16 =	simm.s32 $0x2F80  }
0xfb: {  	[spmem:s3] =	stream.indirect.scatter.add.f32 [tilespmem:s8], [sflag:$0x4], $0x10, s17, s31, $0xb8;
	[tilespmem:$0x10A80] =	vst v63  }
.LBB2_9:
0xfc: {  	[spmem:s3] =	stream.indirect.scatter.add.f32 [tilespmem:s5], [sflag:$0x4], $0x10, s16, s31, $0xb8;
	[tilespmem:$0x10A80] =	vst v63  }
0xfd: {  	s16 =	smov.u32 s13  }
0xfe: {  	p1 =	sne.s32 s13, $0x7000;
	s13 =	sadd.s32 $0x1000, s13;
	_ =	swait.ge [sflag:s11], $0x800  }
0xff: {  	[sflag:s11] =	ssyncset.done $0x0  }
0x100: {  	[sflag:s11] =	ssyncadd.s32 $0xFFFFF800  }
0x101: {  	_ =	swait.ge [sflag:s11], $0x800  }
0x102: {  	[sflag:s11] =	ssyncset.done $0x0  }
0x103: {  	[sflag:s11] =	ssyncadd.s32 $0xFFFFF800  }
0x104: {  	_ =	swait.ge [sflag:s11], $0x800  }
0x105: {  	[sflag:s11] =	ssyncset.done $0x0  }
0x106: {  	[sflag:s11] =	ssyncadd.s32 $0xFFFFF800  }
0x107: {  	_ =	swait.ge [sflag:s11], $0x800  }
0x108: {  	s16 =	sshra.s32 s16, $0x2;
	[sflag:s11] =	ssyncset.done $0x0  }
0x109: {  	s17 =	sadd.s32 $0x600, s16;
	[sflag:s11] =	ssyncadd.s32 $0xFFFFF800  }
0x10a: {  	[tilespmem:s15], [sflag:$0x2] =	stream.indirect.gather [spmem:s2], $0x10, s17, s31, $0xb8;
	[tilespmem:$0x10A80] =	vst v63  }
0x10b: {  	s17 =	sadd.s32 $0x680, s16  }
0x10c: {  	[tilespmem:s0], [sflag:$0x2] =	stream.indirect.gather [spmem:s2], $0x10, s17, s31, $0xb8;
	[tilespmem:$0x10A80] =	vst v63  }
0x10d: {  	s17 =	sadd.s32 $0x700, s16  }
0x10e: {  	[tilespmem:s8], [sflag:$0x2] =	stream.indirect.gather [spmem:s2], $0x10, s17, s31, $0xb8;
	[tilespmem:$0x10A80] =	vst v63  }
0x10f: {  	s17 =	sadd.s32 $0x780, s16  }
0x110: {  	[tilespmem:s5], [sflag:$0x2] =	stream.indirect.gather [spmem:s2], $0x10, s17, s31, $0xb8;
	[tilespmem:$0x10A80] =	vst v63  }
0x111: {  	_ =	swait.ge [sflag:s6], $0x800  }
0x112: {  	[sflag:s6] =	ssyncset.done $0x0  }
0x113: {  	[sflag:s6] =	ssyncadd.s32 $0xFFFFF800  }
0x114: {  	_ =	swait.ge [sflag:s6], $0x800  }
0x115: {  	[sflag:s6] =	ssyncset.done $0x0  }
0x116: {  	[sflag:s6] =	ssyncadd.s32 $0xFFFFF800  }
0x117: {  	_ =	swait.ge [sflag:s6], $0x800  }
0x118: {  	[sflag:s6] =	ssyncset.done $0x0  }
0x119: {  	[sflag:s6] =	ssyncadd.s32 $0xFFFFF800  }
0x11a: {  	_ =	swait.ge [sflag:s6], $0x800  }
0x11b: {  	[sflag:s6] =	ssyncset.done $0x0  }
0x11c: {  	s17 =	sadd.s32 $0x2C00, s16;
	[sflag:s6] =	ssyncadd.s32 $0xFFFFF800  }
0x11d: {  	[spmem:s3] =	stream.indirect.scatter.add.f32 [tilespmem:s1], [sflag:$0x3], $0x10, s17, s31, $0xb8;
	[tilespmem:$0x10A80] =	vst v63  }
0x11e: {  	s17 =	sadd.s32 $0x2C80, s16  }
0x11f: {  	[spmem:s3] =	stream.indirect.scatter.add.f32 [tilespmem:s14], [sflag:$0x3], $0x10, s17, s31, $0xb8;
	[tilespmem:$0x10A80] =	vst v63  }
0x120: {  	s17 =	sadd.s32 $0x2D00, s16  }
0x121: {  	[spmem:s3] =	stream.indirect.scatter.add.f32 [tilespmem:s20], [sflag:$0x3], $0x10, s17, s31, $0xb8;
	[tilespmem:$0x10A80] =	vst v63  }
0x122: {  	s17 =	sadd.s32 $0x2D80, s16  }
0x123: {  	[spmem:s3] =	stream.indirect.scatter.add.f32 [tilespmem:s21], [sflag:$0x3], $0x10, s17, s31, $0xb8;
	[tilespmem:$0x10A80] =	vst v63  }
0x124: {  	_ =	swait.ge [sflag:s7], $0x800  }
0x125: {  	[sflag:s7] =	ssyncset.done $0x0  }
0x126: {  	[sflag:s7] =	ssyncadd.s32 $0xFFFFF800  }
0x127: {  	_ =	swait.ge [sflag:s7], $0x800  }
0x128: {  	[sflag:s7] =	ssyncset.done $0x0  }
0x129: {  	[sflag:s7] =	ssyncadd.s32 $0xFFFFF800  }
0x12a: {  	_ =	swait.ge [sflag:s7], $0x800  }
0x12b: {  	[sflag:s7] =	ssyncset.done $0x0  }
0x12c: {  	[sflag:s7] =	ssyncadd.s32 $0xFFFFF800  }
0x12d: {  	_ =	swait.ge [sflag:s7], $0x800  }
0x12e: {  	[sflag:s7] =	ssyncset.done $0x0  }
0x12f: {  	s17 =	sadd.s32 $0x800, s16;
	[sflag:s7] =	ssyncadd.s32 $0xFFFFF800  }
0x130: {  	[tilespmem:s1], [sflag:$0x1] =	stream.indirect.gather [spmem:s2], $0x10, s17, s31, $0xb8;
	[tilespmem:$0x10A80] =	vst v63  }
0x131: {  	s17 =	sadd.s32 $0x880, s16  }
0x132: {  	[tilespmem:s14], [sflag:$0x1] =	stream.indirect.gather [spmem:s2], $0x10, s17, s31, $0xb8;
	[tilespmem:$0x10A80] =	vst v63  }
0x133: {  	s17 =	sadd.s32 $0x900, s16  }
0x134: {  	[tilespmem:s20], [sflag:$0x1] =	stream.indirect.gather [spmem:s2], $0x10, s17, s31, $0xb8;
	[tilespmem:$0x10A80] =	vst v63  }
0x135: {  	s17 =	sadd.s32 $0x980, s16  }
0x136: {  	[tilespmem:s21], [sflag:$0x1] =	stream.indirect.gather [spmem:s2], $0x10, s17, s31, $0xb8;
	[tilespmem:$0x10A80] =	vst v63  }
0x137: {  	_ =	swait.ge [sflag:s10], $0x800  }
0x138: {  	[sflag:s10] =	ssyncset.done $0x0  }
0x139: {  	[sflag:s10] =	ssyncadd.s32 $0xFFFFF800  }
0x13a: {  	_ =	swait.ge [sflag:s10], $0x800  }
0x13b: {  	[sflag:s10] =	ssyncset.done $0x0  }
0x13c: {  	[sflag:s10] =	ssyncadd.s32 $0xFFFFF800  }
0x13d: {  	_ =	swait.ge [sflag:s10], $0x800  }
0x13e: {  	[sflag:s10] =	ssyncset.done $0x0  }
0x13f: {  	[sflag:s10] =	ssyncadd.s32 $0xFFFFF800  }
0x140: {  	_ =	swait.ge [sflag:s10], $0x800  }
0x141: {  	[sflag:s10] =	ssyncset.done $0x0  }
0x142: {  	s17 =	sadd.s32 $0x2E00, s16;
	[sflag:s10] =	ssyncadd.s32 $0xFFFFF800  }
0x143: {  	[spmem:s3] =	stream.indirect.scatter.add.f32 [tilespmem:s15], [sflag:$0x4], $0x10, s17, s31, $0xb8;
	[tilespmem:$0x10A80] =	vst v63  }
.Ltmp4:
0x144: {  	s17 =	sadd.s32 $0x2E80, s16;
	(pc) =	sbr.rel @p1 .LBB2_9-.Ltmp4, $4  }
0x145: {  	[spmem:s3] =	stream.indirect.scatter.add.f32 [tilespmem:s0], [sflag:$0x4], $0x10, s17, s31, $0xb8;
	[tilespmem:$0x10A80] =	vst v63  }
0x146: {  	s17 =	sadd.s32 $0x2F00, s16  }
0x147: {  	[spmem:s3] =	stream.indirect.scatter.add.f32 [tilespmem:s8], [sflag:$0x4], $0x10, s17, s31, $0xb8;
	[tilespmem:$0x10A80] =	vst v63  }
0x148: {  	s16 =	sadd.s32 $0x2F80, s16  }
0x149: {  	[spmem:s3] =	stream.indirect.scatter.add.f32 [tilespmem:s5], [sflag:$0x4], $0x10, s16, s31, $0xb8;
	[tilespmem:$0x10A80] =	vst v63  }
0x14a: {  	_ =	swait.ge [sflag:s11], $0x800  }
0x14b: {  	[sflag:s11] =	ssyncset.done $0x0  }
0x14c: {  	[sflag:s11] =	ssyncadd.s32 $0xFFFFF800  }
0x14d: {  	_ =	swait.ge [sflag:s11], $0x800  }
0x14e: {  	[sflag:s11] =	ssyncset.done $0x0  }
0x14f: {  	[sflag:s11] =	ssyncadd.s32 $0xFFFFF800  }
0x150: {  	_ =	swait.ge [sflag:s11], $0x800  }
0x151: {  	[sflag:s11] =	ssyncset.done $0x0  }
0x152: {  	[sflag:s11] =	ssyncadd.s32 $0xFFFFF800  }
0x153: {  	_ =	swait.ge [sflag:s11], $0x800  }
0x154: {  	[sflag:s11] =	ssyncset.done $0x0  }
0x155: {  	s13 =	simm.s32 $0x2600;
	[sflag:s11] =	ssyncadd.s32 $0xFFFFF800  }
0x156: {  	[tilespmem:s15], [sflag:$0x2] =	stream.indirect.gather [spmem:s2], $0x10, s13, s31, $0xb8;
	[tilespmem:$0x10A80] =	vst v63  }
0x157: {  	s17 =	simm.s32 $0x2680  }
0x158: {  	[tilespmem:s0], [sflag:$0x2] =	stream.indirect.gather [spmem:s2], $0x10, s17, s31, $0xb8;
	[tilespmem:$0x10A80] =	vst v63  }
0x159: {  	s16 =	simm.s32 $0x2700  }
0x15a: {  	[tilespmem:s8], [sflag:$0x2] =	stream.indirect.gather [spmem:s2], $0x10, s16, s31, $0xb8;
	[tilespmem:$0x10A80] =	vst v63  }
0x15b: {  	s17 =	simm.s32 $0x2780  }
0x15c: {  	[tilespmem:s5], [sflag:$0x2] =	stream.indirect.gather [spmem:s2], $0x10, s17, s31, $0xb8;
	[tilespmem:$0x10A80] =	vst v63  }
0x15d: {  	_ =	swait.ge [sflag:s6], $0x800  }
0x15e: {  	[sflag:s6] =	ssyncset.done $0x0  }
0x15f: {  	[sflag:s6] =	ssyncadd.s32 $0xFFFFF800  }
0x160: {  	_ =	swait.ge [sflag:s6], $0x800  }
0x161: {  	[sflag:s6] =	ssyncset.done $0x0  }
0x162: {  	[sflag:s6] =	ssyncadd.s32 $0xFFFFF800  }
0x163: {  	_ =	swait.ge [sflag:s6], $0x800  }
0x164: {  	[sflag:s6] =	ssyncset.done $0x0  }
0x165: {  	[sflag:s6] =	ssyncadd.s32 $0xFFFFF800  }
0x166: {  	_ =	swait.ge [sflag:s6], $0x800  }
0x167: {  	[sflag:s6] =	ssyncset.done $0x0  }
0x168: {  	s16 =	simm.s32 $0x4C00;
	[sflag:s6] =	ssyncadd.s32 $0xFFFFF800  }
0x169: {  	[spmem:s3] =	stream.indirect.scatter.add.f32 [tilespmem:s1], [sflag:$0x3], $0x10, s16, s31, $0xb8;
	[tilespmem:$0x10A80] =	vst v63  }
0x16a: {  	s17 =	simm.s32 $0x4C80  }
0x16b: {  	[spmem:s3] =	stream.indirect.scatter.add.f32 [tilespmem:s14], [sflag:$0x3], $0x10, s17, s31, $0xb8;
	[tilespmem:$0x10A80] =	vst v63  }
0x16c: {  	s16 =	simm.s32 $0x4D00  }
0x16d: {  	[spmem:s3] =	stream.indirect.scatter.add.f32 [tilespmem:s20], [sflag:$0x3], $0x10, s16, s31, $0xb8;
	[tilespmem:$0x10A80] =	vst v63  }
0x16e: {  	s17 =	simm.s32 $0x4D80  }
0x16f: {  	[spmem:s3] =	stream.indirect.scatter.add.f32 [tilespmem:s21], [sflag:$0x3], $0x10, s17, s31, $0xb8;
	[tilespmem:$0x10A80] =	vst v63  }
0x170: {  	_ =	swait.ge [sflag:s7], $0x800  }
0x171: {  	[sflag:s7] =	ssyncset.done $0x0  }
0x172: {  	[sflag:s7] =	ssyncadd.s32 $0xFFFFF800  }
0x173: {  	_ =	swait.ge [sflag:s7], $0x800  }
0x174: {  	[sflag:s7] =	ssyncset.done $0x0  }
0x175: {  	[sflag:s7] =	ssyncadd.s32 $0xFFFFF800  }
0x176: {  	_ =	swait.ge [sflag:s7], $0x800  }
0x177: {  	[sflag:s7] =	ssyncset.done $0x0  }
0x178: {  	[sflag:s7] =	ssyncadd.s32 $0xFFFFF800  }
0x179: {  	_ =	swait.ge [sflag:s7], $0x800  }
0x17a: {  	[sflag:s7] =	ssyncset.done $0x0  }
0x17b: {  	[sflag:s7] =	ssyncadd.s32 $0xFFFFF800  }
0x17c: {  	_ =	swait.ge [sflag:s10], $0x800  }
0x17d: {  	[sflag:s10] =	ssyncset.done $0x0  }
0x17e: {  	[sflag:s10] =	ssyncadd.s32 $0xFFFFF800  }
0x17f: {  	_ =	swait.ge [sflag:s10], $0x800  }
0x180: {  	[sflag:s10] =	ssyncset.done $0x0  }
0x181: {  	[sflag:s10] =	ssyncadd.s32 $0xFFFFF800  }
0x182: {  	_ =	swait.ge [sflag:s10], $0x800  }
0x183: {  	[sflag:s10] =	ssyncset.done $0x0  }
0x184: {  	[sflag:s10] =	ssyncadd.s32 $0xFFFFF800  }
0x185: {  	_ =	swait.ge [sflag:s10], $0x800  }
0x186: {  	[sflag:s10] =	ssyncset.done $0x0  }
0x187: {  	s16 =	simm.s32 $0x4E00;
	[sflag:s10] =	ssyncadd.s32 $0xFFFFF800  }
0x188: {  	[spmem:s3] =	stream.indirect.scatter.add.f32 [tilespmem:s15], [sflag:$0x4], $0x10, s16, s31, $0xb8;
	[tilespmem:$0x10A80] =	vst v63  }
0x189: {  	s17 =	simm.s32 $0x4E80  }
0x18a: {  	[spmem:s3] =	stream.indirect.scatter.add.f32 [tilespmem:s0], [sflag:$0x4], $0x10, s17, s31, $0xb8;
	[tilespmem:$0x10A80] =	vst v63  }
0x18b: {  	s16 =	simm.s32 $0x4F00  }
0x18c: {  	[spmem:s3] =	stream.indirect.scatter.add.f32 [tilespmem:s8], [sflag:$0x4], $0x10, s16, s31, $0xb8;
	[tilespmem:$0x10A80] =	vst v63  }
0x18d: {  	s17 =	simm.s32 $0x4F80  }
0x18e: {  	[spmem:s3] =	stream.indirect.scatter.add.f32 [tilespmem:s5], [sflag:$0x4], $0x10, s17, s31, $0xb8;
	[tilespmem:$0x10A80] =	vst v63  }
0x18f: {  	_ =	swait.ge [sflag:s11], $0x800  }
0x190: {  	[sflag:s11] =	ssyncset.done $0x0  }
0x191: {  	[sflag:s11] =	ssyncadd.s32 $0xFFFFF800  }
0x192: {  	_ =	swait.ge [sflag:s11], $0x800  }
0x193: {  	[sflag:s11] =	ssyncset.done $0x0  }
0x194: {  	[sflag:s11] =	ssyncadd.s32 $0xFFFFF800  }
0x195: {  	_ =	swait.ge [sflag:s11], $0x800  }
0x196: {  	[sflag:s11] =	ssyncset.done $0x0  }
0x197: {  	[sflag:s11] =	ssyncadd.s32 $0xFFFFF800  }
0x198: {  	_ =	swait.ge [sflag:s11], $0x800  }
0x199: {  	[sflag:s11] =	ssyncset.done $0x0  }
0x19a: {  	s16 =	stileid.u32;
	[sflag:s11] =	ssyncadd.s32 $0xFFFFF800  }
0x19b: {  	s13 =	sshll.u32 s16, $0x6;
	[bflag:$0x0] =	sbarrier.arrive $0xFFFF  }
0x19c: {  	s16 =	sshrl.u32 s9, $0x3;
	s13 =	sor.u32 $0x1C05, s13;
	s17 =	rddreg [dreg:$0xb]  }
0x19d: {  	[hbm:s17], [sflag:s13] =	dma.local [spmem:s16], $0x100  }
0x19e: {  	_ =	swait.ge [sflag:s26], $0x100  }
0x19f: {  	[sflag:s26] =	ssyncset.done $0x0  }
0x1a0: {  	s17 =	rddreg [dreg:$0xf];
	[sflag:s26] =	ssyncadd.s32 $0xFFFFFF00  }
0x1a1: {  	[hbm:s17], [sflag:s13] =	dma.local [spmem:s22], $0x100  }
0x1a2: {  	_ =	swait.ge [sflag:s26], $0x100  }
0x1a3: {  	[sflag:s26] =	ssyncset.done $0x0  }
0x1a4: {  	s17 =	rddreg [dreg:$0x10];
	[sflag:s26] =	ssyncadd.s32 $0xFFFFFF00  }
0x1a5: {  	[hbm:s17], [sflag:s13] =	dma.local [spmem:s23], $0x100  }
0x1a6: {  	_ =	swait.ge [sflag:s26], $0x100  }
0x1a7: {  	[sflag:s26] =	ssyncset.done $0x0  }
0x1a8: {  	[sflag:s26] =	ssyncadd.s32 $0xFFFFFF00  }
0x1a9: {  	[hbm:s18], [sflag:s13] =	dma.local [spmem:s24], $0x100  }
0x1aa: {  	_ =	swait.ge [sflag:s26], $0x100  }
0x1ab: {  	[sflag:s26] =	ssyncset.done $0x0  }
0x1ac: {  	[sflag:s26] =	ssyncadd.s32 $0xFFFFFF00  }
0x1ad: {  	[hbm:s19], [sflag:s13] =	dma.local [spmem:s25], $0x100  }
0x1ae: {  	_ =	swait.ge [sflag:s26], $0x100  }
0x1af: {  	s12 =	sadd.s32 $0x1, s12;
	s17 =	rddreg [dreg:$0xc]  }
0x1b0: {  	p1 =	sne.s32 s12, s17  }
.Ltmp5:
0x1b1: {  	_ = 	snop;
	(pc) =	sbr.rel @p1 .LBB2_1-.Ltmp5, $3  }
0x1b2: {  	_ =	sdelay $0x1  }
0x1b3: {  	[sflag:s26] =	ssyncset.done $0x0  }
0x1b4: {  	[sflag:s26] =	ssyncadd.s32 $0xFFFFFF00  }
0x1b5: {  	_ =	sfence.sel $0x180000  }
0x1b6: {  	[bflag:$0x0] =	sbarrier.arrive $0xFFFF  }
0x1b7: {  	_ =	strace $0x9000004A  }
0x1b8: {  	s0 =	stileid.u32;
	[bflag:$0x2] =	sbarrier.arrive $0xFFFF  }
0x1b9: {  	p0 =	sne.s32 s0, $0x0;
	s0 =	rddreg [dreg:$0x4]  }
0x1ba: {  	s0 =	sadd.s32 @!p0 $0x100000, s0  }
0x1bb: {  	[sflag:s0] =	ssyncadd.tile.s32 @!p0 $0x1;
	_ =	shalt  }
.Lfunc_end2:
_tile_overlayer_lowered:
.L_overlay_start_2:
0x1bc: {  	(tag) =	ssettag $0x2  }
0x1bd: {  	s0 =	rddreg [dreg:$0x0];
	s2 =	stileid.u32  }
0x1be: {  	s1 =	rddreg [dreg:$0x1];
	p0 =	sne.s32 s2, $0x0  }
0x1bf: {  	s3 =	rddreg [dreg:$0x2];
	[bflag:$0x3] =	sbarrier.arrive $0xFFFF;
	s2 =	simm.s32 @!p0 $0x1C05  }
0x1c0: {  	[timem:s3], [sflag:s2] =	dma.local @!p0 [hbm:s0], s1  }
0x1c1: {  	s0 =	simm.s32 @!p0 $0x5  }
0x1c2: {  	_ =	swait.ge @!p0 [sflag:s0], s1  }
0x1c3: {  	s1 =	ssub.s32 @!p0 $0x0, s1;
	[sflag:s0] =	ssyncset.done @!p0 $0x0  }
0x1c4: {  	[sflag:s0] =	ssyncadd.s32 @!p0 s1  }
0x1c5: {  	[bflag:$0x3] =	sbarrier.arrive $0xFFFF  }
0x1c6: {  	_ =	shalt  }

// kernel: kernel.14.cloned.1.call-start
scs
__scs_entry_jumppad:
0x0: {  	(pc) =	sbr.rel $0x88, $3  }
0x1: {  	(tag) =	ssettag $0x0;
	lr =	simm.s32 $0x1  }
0x2: {  	[smem:$0x3F9B] =	sst lr;
	_ =	strace $0xD0000000  }
0x3: {  	_ = 	snop  }
0x4: {  	_ = 	snop  }
0x5: {  	_ = 	snop  }
0x6: {  	_ = 	snop  }
0x7: {  	_ = 	snop  }
__scs_overlays_trampoline_lowered:
0x8: {  	[smem:$0x3FAA] =	sst s0  }
0x9: {  	[smem:$0x3FAB] =	sst s1  }
0xa: {  	[smem:$0x3FAC] =	sst s2  }
0xb: {  	[smem:$0x3FAD] =	sst s3  }
0xc: {  	[smem:$0x3FAE] =	sst s4  }
0xd: {  	[smem:$0x3FAF] =	sst s5  }
0xe: {  	[smem:$0x3FB0] =	sst s6  }
0xf: {  	[smem:$0x3FB1] =	sst s7  }
0x10: {  	[smem:$0x3FB2] =	sst s8  }
0x11: {  	[smem:$0x3FB3] =	sst s9;
	s0 =	simm.s32 @!p0 $0x0  }
0x12: {  	s1 =	sld [smem:$0x3F99];
	s0 =	simm.s32 @p0 $0x1  }
0x13: {  	[smem:$0x3FB4] =	sst s0;
	s0 =	simm.s32 @!p1 $0x0  }
0x14: {  	s2 =	sld [smem:$0x3F98];
	s0 =	simm.s32 @p1 $0x1  }
0x15: {  	[smem:$0x3FB5] =	sst s0;
	s0 =	simm.s32 @!p2 $0x0  }
0x16: {  	s3 =	sld [smem:$0x3FDB];
	s0 =	simm.s32 @p2 $0x1  }
0x17: {  	s4 =	simm.s32 $0x1BF5;
	[smem:$0x3FB7] =	sst s0  }
0x18: {  	s0 =	sld [smem:$0x3F9A];
	_ =	swait.ge [sflag:s4], $0x0  }
0x19: {  	s7 =	sld [smem:$0x3F9B]  }
0x1a: {  	s8 =	sadd.s32 $0xFFFFE003, lr  }
0x1b: {  	s9 =	sadd.s32 $0xFFFFFEF7, lr;
	s5 =	simm.s32 $0xFFFFFFFF;
	p2 =	slt.u32 s8, $0xFFFFF086  }
0x1c: {  	p1 =	slt.u32 s9, $0xF7A;
	s5 =	simm.s32 @!p2 $0x0  }
0x1d: {  	s5 =	simm.s32 @p1 $0x1;
	p0 =	seq.s32 s7, s2  }
0x1e: {  	s7 =	smul.u32 @!p0 $0xF7A, s2;
	p2 =	seq.s32 @!p0 s5, $0x0  }
0x1f: {  	s9 =	smul.u32 $0xF7A, s1;
	s8 =	simm.s32 @!p0 $0x1BF5;
	p2 =	por !p2, p0  }
0x20: {  	[sflag:s8] =	ssyncset.s32 @!p0 $0xFFFFF086;
	s6 =	sadd.s32 @!p0 s3, s7;
	s7 =	simm.s32 @!p0 $0x108  }
0x21: {  	s3 =	sadd.s32 s3, s9;
	s6 =	sadd.s32 @!p0 $0x88, s6;
	s7 =	simm.s32 @p2 $0x1082  }
0x22: {  	[simem:s7], [sflag:s8] =	dma.local @!p0 [hbm:s6], $0xF7A  }
0x23: {  	s9 =	sor.u32 $0xD0000000, s2;
	s6 =	simm.s32 $0x108;
	_ =	swait.ge @!p0 [sflag:s8], $0x0  }
0x24: {  	s3 =	sadd.s32 $0x88, s3;
	s6 =	simm.s32 @!p1 $0x1082;
	[sflag:s4] =	ssyncset.s32 $0xFFFFF086  }
0x25: {  	[simem:s6], [sflag:s4] =	dma.local [hbm:s3], $0xF7A  }
0x26: {  	[smem:$0x3F9B] =	sst s1;
	(tag) =	ssettag s2;
	_ =	strace s9  }
0x27: {  	s1 =	sld [smem:$0x3FAB]  }
0x28: {  	s2 =	sld [smem:$0x3FAC]  }
0x29: {  	s4 =	sld [smem:$0x3FAE]  }
0x2a: {  	p0 =	seq.s32 s5, $0x0;
	s5 =	sld [smem:$0x3FAF]  }
0x2b: {  	s6 =	sld [smem:$0x3FB0]  }
0x2c: {  	s7 =	sld [smem:$0x3FB1]  }
0x2d: {  	s3 =	simm.s32 $0x108;
	s8 =	sld [smem:$0x3FB2]  }
0x2e: {  	s3 =	simm.s32 @!p0 $0x1082;
	s9 =	sld [smem:$0x3FB3]  }
0x2f: {  	lr =	sadd.s32 s0, s3;
	s0 =	sld [smem:$0x3FAA]  }
0x30: {  	s3 =	sld [smem:$0x3FAD]  }
0x31: {  	[smem:$0x3FB6] =	sst s10  }
0x32: {  	s10 =	sld [smem:$0x3FB4];
	_ =	sdelay $0x3  }
0x33: {  	p0 =	seq.s32 s10, $0x1;
	s10 =	sld [smem:$0x3FB6];
	_ =	sdelay $0x3  }
0x34: {  	[smem:$0x3FB6] =	sst s10  }
0x35: {  	s10 =	sld [smem:$0x3FB5];
	_ =	sdelay $0x3  }
0x36: {  	p1 =	seq.s32 s10, $0x1;
	s10 =	sld [smem:$0x3FB6];
	_ =	sdelay $0x3  }
0x37: {  	[smem:$0x3FB6] =	sst s10  }
0x38: {  	s10 =	sld [smem:$0x3FB7]  }
0x39: {  	_ = 	snop;
	(pc) =	sbr.ind lr, $3  }
0x3a: {  	_ = 	snop  }
0x3b: {  	_ = 	snop  }
0x3c: {  	p2 =	seq.s32 s10, $0x1;
	s10 =	sld [smem:$0x3FB6]  }
0x3d: {  	_ =	shalt  }
0x3e: {  	_ =	shalt  }
0x3f: {  	_ =	shalt  }
0x40: {  	_ =	shalt  }
0x41: {  	_ =	shalt  }
0x42: {  	_ =	shalt  }
0x43: {  	_ =	shalt  }
0x44: {  	_ =	shalt  }
0x45: {  	_ =	shalt  }
0x46: {  	_ =	shalt  }
0x47: {  	_ =	shalt  }
0x48: {  	_ =	shalt  }
0x49: {  	_ =	shalt  }
0x4a: {  	_ =	shalt  }
0x4b: {  	_ =	shalt  }
0x4c: {  	_ =	shalt  }
0x4d: {  	_ =	shalt  }
0x4e: {  	_ =	shalt  }
0x4f: {  	_ =	shalt  }
0x50: {  	_ =	shalt  }
0x51: {  	_ =	shalt  }
0x52: {  	_ =	shalt  }
0x53: {  	_ =	shalt  }
0x54: {  	_ =	shalt  }
0x55: {  	_ =	shalt  }
0x56: {  	_ =	shalt  }
0x57: {  	_ =	shalt  }
0x58: {  	_ =	shalt  }
0x59: {  	_ =	shalt  }
0x5a: {  	_ =	shalt  }
0x5b: {  	_ =	shalt  }
0x5c: {  	_ =	shalt  }
0x5d: {  	_ =	shalt  }
0x5e: {  	_ =	shalt  }
0x5f: {  	_ =	shalt  }
0x60: {  	_ =	shalt  }
0x61: {  	_ =	shalt  }
0x62: {  	_ =	shalt  }
0x63: {  	_ =	shalt  }
0x64: {  	_ =	shalt  }
0x65: {  	_ =	shalt  }
0x66: {  	_ =	shalt  }
0x67: {  	_ =	shalt  }
0x68: {  	_ =	shalt  }
0x69: {  	_ =	shalt  }
0x6a: {  	_ =	shalt  }
0x6b: {  	_ =	shalt  }
0x6c: {  	_ =	shalt  }
0x6d: {  	_ =	shalt  }
0x6e: {  	_ =	shalt  }
0x6f: {  	_ =	shalt  }
0x70: {  	_ =	shalt  }
0x71: {  	_ =	shalt  }
0x72: {  	_ =	shalt  }
0x73: {  	_ =	shalt  }
0x74: {  	_ =	shalt  }
0x75: {  	_ =	shalt  }
0x76: {  	_ =	shalt  }
0x77: {  	_ =	shalt  }
0x78: {  	_ =	shalt  }
0x79: {  	_ =	shalt  }
0x7a: {  	_ =	shalt  }
0x7b: {  	_ =	shalt  }
0x7c: {  	_ =	shalt  }
0x7d: {  	_ =	shalt  }
0x7e: {  	_ =	shalt  }
0x7f: {  	_ =	shalt  }
0x80: {  	_ =	shalt  }
0x81: {  	_ =	shalt  }
0x82: {  	_ =	shalt  }
0x83: {  	_ =	shalt  }
0x84: {  	_ =	shalt  }
0x85: {  	_ =	shalt  }
0x86: {  	_ =	shalt  }
0x87: {  	_ =	shalt  }
.Lfunc_end0:
.L_simem_size_0:
called_computation.2_lowered:
.L_overlay_start_0:
0x88: {  	s2 =	sld [smem:$0x3FD9]  }
0x89: {  	s3 =	sld [smem:$0x3FFE];
	_ =	sdelay $0x1  }
0x8a: {  	s1 =	srdreg.scid  }
0x8b: {  	s0 =	sand.u32 $0x1, s1  }
0x8c: {  	s17 =	sshll.u32 s0, $0xA;
	s2 =	sadd.s32 s3, s2  }
0x8d: {  	s2 =	sadd.s32 s2, s17  }
0x8e: {  	[smem:$0x3FC2] =	sst s2  }
0x8f: {  	_ = 	snop  }
0x90: {  	s2 =	sld [smem:$0x3FC6]  }
0x91: {  	s18 =	sld [smem:$0x3FD0];
	(tm) =	ssettm $0x1  }
0x92: {  	s4 =	sld [smem:$0x3FFB];
	_ =	sdelay $0x3  }
0x93: {  	_ =	strace s4  }
0x94: {  	s4 =	sld [smem:$0x3FFC];
	_ =	sdelay $0x3  }
0x95: {  	_ =	strace s4  }
0x96: {  	s4 =	sld [smem:$0x3FFD];
	_ =	sdelay $0x3  }
0x97: {  	_ =	strace s4  }
0x98: {  	_ =	strace $0x8FFFFFFF  }
0x99: {  	s19 =	sld [smem:$0x3FDB];
	_ =	sdelay $0x1  }
0x9a: {  	s5 =	simm.s32 $_scs_section_size  }
0x9b: {  	s6 =	simm.s32 $_size__tile_overlayer_lowered;
	s7 =	simm.s32 $_tile_overlayer_lowered  }
0x9c: {  	s22 =	simm.s32 $0x1BFF;
	s21 =	sshll.u32 s7, $0x1;
	s4 =	sadd.s32 s5, s19  }
0x9d: {  	s8 =	simm.s32 $0x0;
	s20 =	sshll.u32 s6, $0x1;
	s6 =	sadd.s32 s21, s4  }
0x9e: {  	[timem:s8], [sflag:s22] =	dma.local [hbm:s6], s20  }
0x9f: {  	_ =	swait.ge [sflag:s22], s20  }
0xa0: {  	s5 =	ssub.s32 $0x0, s20;
	[sflag:s22] =	ssyncset.done $0x0  }
0xa1: {  	[sflag:s22] =	ssyncadd.s32 s5;
	_ =	sdelay $0x1  }
0xa2: {  	s23 =	simm.s32 $0x1B8B  }
0xa3: {  	_ =	swait.ge [sflag:s23], $0x1  }
0xa4: {  	[sflag:s23] =	ssyncset.done $0x0  }
0xa5: {  	s25 =	simm.s32 $0x1B8E;
	s24 =	sld [smem:$0x3FFE];
	[sflag:s23] =	ssyncadd.s32 $0xFFFFFFFF  }
0xa6: {  	s26 =	simm.s32 $execute0_lowered;
	[smem:$0x3FD2] =	sst s25  }
0xa7: {  	s6 =	sshll.u32 s26, $0x1;
	_ =	strace $0x8000004C;
	[dreg:$0x1] =	wrdreg $0xFFFFFFFF  }
0xa8: {  	s28 =	simm.s32 $_size_execute0_lowered;
	s4 =	sadd.s32 s4, s6;
	[dreg:$0x0] =	wrdreg $0x0  }
0xa9: {  	s6 =	sshll.u32 s28, $0x1;
	[dreg:$0x2] =	wrdreg s4  }
0xaa: {  	[dreg:$0x3] =	wrdreg s6  }
0xab: {  	[dreg:$0x4] =	wrdreg $0xC0  }
0xac: {  	_ =	task [dreg:s8], $0x5FFFF  }
0xad: {  	[dreg:$0x1] =	wrdreg $0xFFFFFFFF  }
0xae: {  	[dreg:$0x0] =	wrdreg $0x60  }
0xaf: {  	[dreg:$0x2] =	wrdreg s24  }
0xb0: {  	[dreg:$0x3] =	wrdreg s18  }
0xb1: {  	[dreg:$0x4] =	wrdreg s2  }
0xb2: {  	[dreg:$0x5] =	wrdreg $0x132900  }
0xb3: {  	[dreg:$0x6] =	wrdreg $0x10A900  }
0xb4: {  	[dreg:$0x7] =	wrdreg $0x9  }
0xb5: {  	_ =	task.clear_ibuf [dreg:s8], $0x8FFFF;
	_ =	strace $0x9000004C  }
0xb6: {  	s29 =	simm.s32 $0x9;
	_ =	strace $0x8000004E  }
0xb7: {  	_ =	swait.ge [sflag:s29], $0x1  }
0xb8: {  	[sflag:s29] =	ssyncadd.s32 $0xFFFFFFFF  }
0xb9: {  	_ =	strace $0x9000004E  }
0xba: {  	_ =	sfence  }
0xbb: {  	s30 =	sld [smem:$0x0];
	_ =	sdelay $0x2  }
0xbc: {  	s31 =	sshll.u32 s1, $0xD;
	s1 =	sshrl.u32 s1, $0x2  }
0xbd: {  	s3 =	sand.u32 $0x4000, s31;
	s1 =	sadd.s32 s1, s30  }
0xbe: {  	s0 =	sor.u32 s3, s0;
	s1 =	sshll.u32 s1, $0x11  }
0xbf: {  	s0 =	sor.u32 s1, s0  }
0xc0: {  	s0 =	sadd.s32 $0x8F2B, s0  }
0xc1: {  	[sflag:s0] =	ssyncadd.remote.s32 $0x1  }
0xc2: {  	_ =	sfence.sel $0xFFFF  }
0xc3: {  	[dreg:$0x0] =	wrdreg $0xFFFFFFFF;
	(pc) =	sbr.abs _section_cstart, $3  }
0xc4: {  	[dreg:$0x1] =	wrdreg $0xFFFFFFFF  }
0xc5: {  	_ =	task.clear_ibuf [dreg:s8], $0x2FFFF;
	_ =	strace $0x9FFFFFFF  }
0xc6: {  	(tm) =	ssettm $0x7FFFFFFF  }
0xc7: {  	_ =	shalt  }
tec
execute0_lowered:
.L_overlay_start_1:
0x0: {  	(tag) =	ssettag $0x1  }
0x1: {  	s0 =	rddreg [dreg:$0x0]  }
0x2: {  	s1 =	srdreg.scid;
	s2 =	rddreg [dreg:$0x1]  }
0x3: {  	s12 =	stileid.u32;
	s3 =	rddreg [dreg:$0x3];
	s30 =	simm.s32 $0x5  }
0x4: {  	s31 =	simm.s32 $0x10810;
	s28 =	simm.s32 $0x5810;
	s7 =	smul.u32 $0x2800, s12  }
0x5: {  	s29 =	simm.s32 $0x6010;
	s1 =	sand.u32 $0x1, s1;
	s11 =	smul.u32 $0x50, s12  }
0x6: {  	s8 =	sadd.s32 $0x26200, s0;
	s14 =	smul.u32 $0xA000, s12;
	s4 =	sshll.u32 s1, $0x4  }
0x7: {  	s10 =	ssub.s32 $0x2, s1;
	s16 =	smul.u32 $0x28000, s1;
	p0 =	sne.s32 s1, $0x0  }
0x8: {  	s1 =	simm.s32 $0x10;
	s5 =	sor.u32 s12, s4;
	s4 =	rddreg [dreg:$0x4]  }
0x9: {  	s9 =	sshrl.u32 s7, $0x3;
	s26 =	sshrl.u32 s10, $0x1;
	s2 =	sadd.s32 s2, s11  }
0xa: {  	s17 =	sadd.s32 s7, s3;
	s18 =	sadd.s32 $0x800, s7;
	s24 =	sadd.s32 $0x1000, s7  }
0xb: {  	s25 =	sadd.s32 $0x1800, s7;
	s11 =	simm.s32 $0x2810;
	s6 =	smul.u32 $0x2800, s5  }
0xc: {  	s5 =	simm.s32 $0x0;
	s19 =	sadd.s32 s16, s7;
	s20 =	sadd.s32 s16, s18  }
0xd: {  	s12 =	sadd.s32 s7, s4;
	s7 =	sadd.s32 $0x2000, s7;
	[smem:$0x7FF] =	sst s5  }
0xe: {  	s21 =	sshrl.u32 s19, $0x3;
	s22 =	sshrl.u32 s20, $0x3;
	s19 =	sadd.s32 s7, s4  }
0xf: {  	s6 =	sshrl.u32 s6, $0x3;
	_ =	strace $0x8000004D;
	[dreg:$0x8] =	wrdreg s2  }
0x10: {  	[dreg:$0x9] =	wrdreg s17;
	s23 =	sadd.s32 s8, s22;
	s2 =	sadd.s32 s16, s7  }
0x11: {  	s17 =	sadd.s32 s18, s4;
	s18 =	sadd.s32 s25, s4;
	s7 =	simm.s32 $0x8010  }
0x12: {  	s6 =	sadd.s32 s6, s0;
	s0 =	sadd.s32 s9, s0;
	s9 =	ssub.s32 s10, s26  }
0x13: {  	s10 =	sshrl.u32 s14, $0x2;
	[dreg:$0xd] =	wrdreg s23;
	s14 =	sadd.s32 s16, s25  }
0x14: {  	s2 =	sshrl.u32 s2, $0x3;
	s22 =	sshrl.u32 s17, $0x3;
	s13 =	sadd.s32 $0x1C200, s0  }
0x15: {  	s25 =	sshrl.u32 s19, $0x3;
	s15 =	sadd.s32 $0x21200, s0;
	[dreg:$0x6] =	wrdreg s13  }
0x16: {  	s0 =	sadd.s32 $0x16800, s0;
	s14 =	sshrl.u32 s14, $0x3;
	[dreg:$0x7] =	wrdreg s15  }
0x17: {  	s2 =	sadd.s32 s8, s2;
	s15 =	sadd.s32 s10, s4;
	[dreg:$0xb] =	wrdreg s0  }
0x18: {  	s0 =	sadd.s32 s8, s21;
	s13 =	sadd.s32 s16, s24;
	[dreg:$0x10] =	wrdreg s2  }
0x19: {  	s26 =	sadd.s32 s8, s14;
	s14 =	smax.u32 s9, $0x1;
	[dreg:$0xc] =	wrdreg s0  }
0x1a: {  	s2 =	simm.s32 $0x9010;
	s10 =	simm.s32 $0x7010;
	[dreg:$0xf] =	wrdreg s26  }
0x1b: {  	s9 =	simm.s32 $0x1;
	s13 =	sshrl.u32 s13, $0x3;
	[dreg:$0x13] =	wrdreg s14  }
0x1c: {  	s16 =	sadd.s32 $0x800, s15;
	s0 =	sadd.s32 s24, s4;
	s24 =	sshrl.u32 s18, $0x3  }
0x1d: {  	s20 =	sadd.s32 $0x1000, s15;
	s21 =	sadd.s32 $0x1800, s15;
	[dreg:$0xa] =	wrdreg s15  }
0x1e: {  	s26 =	sadd.s32 $0x2000, s15;
	s14 =	simm.s32 $0x2;
	[dreg:$0x14] =	wrdreg s16  }
0x1f: {  	s15 =	simm.s32 $0x4;
	s13 =	sadd.s32 s8, s13;
	[dreg:$0x15] =	wrdreg s20  }
0x20: {  	s8 =	sadd.s32 $0x2800, s6;
	s23 =	sshrl.u32 s0, $0x3;
	[dreg:$0x16] =	wrdreg s21  }
0x21: {  	[dreg:$0x17] =	wrdreg s26;
	s21 =	simm.s32 $0x80;
	s26 =	simm.s32 $0x5010  }
0x22: {  	s0 =	simm.s32 $0x6810;
	s16 =	simm.s32 $0x0;
	[dreg:$0xe] =	wrdreg s13  }
0x23: {  	[dreg:$0x11] =	wrdreg s8;
	s13 =	sadd.s32 $0xC800, s6;
	s6 =	simm.s32 $0x7810  }
0x24: {  	v0 =	vimm.f32 $0.0e+00;
	s8 =	simm.s32 $0x8810;
	[dreg:$0x12] =	wrdreg s13;
	s13 =	simm.s32 $0x3  }
.LBB2_1:
0x25: {  	s17 =	rddreg [dreg:$0x6]  }
0x26: {  	[tilespmem:s2], [sflag:$0x5] =	stream.linear.gather [hbm4b:s17+s5], $0x2800, $0x38;
	[tilespmem:$0x15A90] =	vst v63  }
0x27: {  	_ =	swait.ge [sflag:s30], $0x2800  }
0x28: {  	[sflag:s30] =	ssyncset.done $0x0  }
0x29: {  	s17 =	simm.s32 $0xB810;
	s18 =	rddreg [dreg:$0x7];
	[sflag:s30] =	ssyncadd.s32 $0xFFFFD800  }
0x2a: {  	[tilespmem:s17], [sflag:$0x5] =	stream.linear.gather [hbm4b:s18+s5], $0x2800, $0x38;
	[tilespmem:$0x15A90] =	vst v63  }
0x2b: {  	_ =	swait.ge [sflag:s30], $0x2800  }
0x2c: {  	[sflag:s30] =	ssyncset.done $0x0  }
0x2d: {  	s20 =	rddreg [dreg:$0x8];
	[sflag:s30] =	ssyncadd.s32 $0xFFFFD800  }
0x2e: {  	[tilespmem:s31], [sflag:$0x5] =	stream.linear.gather [hbm4b:s20+s5], $0x280, $0x38;
	[tilespmem:$0x15A90] =	vst v63  }
0x2f: {  	_ =	swait.ge [sflag:s30], $0x280  }
0x30: {  	[sflag:s30] =	ssyncset.done $0x0  }
0x31: {  	[sflag:s30] =	ssyncadd.s32 $0xFFFFFD80  }
0x32: {  	s19 =	rddreg [dreg:$0x2]  }
0x33: {  	[tilespmem:s5], [sflag:$0x5] =	stream.linear.gather [hbm4b:s19+s5], $0x10, $0x38;
	[tilespmem:$0x15A90] =	vst v63  }
0x34: {  	_ =	swait.ge [sflag:s30], $0x10  }
0x35: {  	v1 =	vmov s5;
	[sflag:s30] =	ssyncset.done $0x0  }
0x36: {  	[sflag:s30] =	ssyncadd.s32 $0xFFFFFFF0  }
0x37: {  	v2 =	vld [tilespmem:s2+$0x0]  }
0x38: {  	v3 =	vld [tilespmem:s17+$0x0];
	_ =	sdelay $0x1  }
0x39: {  	v1 =	vld.idx.msk [tilespmem:v1+s31+$0x0], $0xffff;
	_ =	sdelay $0x1  }
0x3a: {  	v4 =	vld [tilespmem:$0x0]  }
0x3b: {  	v2 =	vadd.f32 v3, v2;
	_ =	sdelay $0x1  }
0x3c: {  	v2 =	vmul.f32 v2, v1;
	_ =	sdelay $0x1  }
0x3d: {  	v2 =	vadd.f32 v2, v4;
	_ =	sdelay $0x1  }
0x3e: {  	v2 =	vmax.f32 v2, $0.0e+00  }
0x3f: {  	s20 =	simm.s32 $0x1;
	v3 =	vmul.f32 v2, v1  }
0x40: {  	v2 =	vmov s20  }
0x41: {  	s18 =	simm.s32 $0xE010;
	s19 =	simm.s32 $0x2;
	s20 =	simm.s32 $0x9010;
	[tilespmem:s2+$0x0] =	vst v3  }
.LBB2_2:
0x42: {  	p1 =	sne.s32 s19, $0x27F;
	[tilespmem:s18+$0x0] =	vst v1;
	s20 =	sadd.s32 $0x10, s20  }
0x43: {  	s17 =	sadd.s32 $0x10, s17;
	v3 =	vld [tilespmem:s20+$0x0]  }
0x44: {  	v4 =	vld [tilespmem:s17+$0x0]  }
0x45: {  	v1 =	vld.idx.msk [tilespmem:v2+s31+$0x0], $0xffff;
	_ =	sdelay $0x2  }
0x46: {  	v2 =	vld [tilespmem:$0x0]  }
0x47: {  	v3 =	vadd.f32 v4, v3;
	_ =	sdelay $0x1  }
0x48: {  	v3 =	vmul.f32 v3, v1;
	_ =	sdelay $0x1  }
0x49: {  	v2 =	vadd.f32 v3, v2  }
.Ltmp0:
0x4a: {  	(pc) =	sbr.rel @p1 .LBB2_2-.Ltmp0, $4  }
0x4b: {  	v2 =	vmax.f32 v2, $0.0e+00  }
0x4c: {  	v3 =	vmul.f32 v2, v1  }
0x4d: {  	v2 =	vmov s19  }
0x4e: {  	s18 =	sadd.s32 $0x10, s18;
	s19 =	sadd.s32 $0x1, s19;
	[tilespmem:s20+$0x0] =	vst v3  }
0x4f: {  	[tilespmem:s18+$0x0] =	vst v1;
	s19 =	sadd.s32 $0x10, s20  }
0x50: {  	s17 =	sadd.s32 $0x10, s17;
	v1 =	vld [tilespmem:s19+$0x0]  }
0x51: {  	v3 =	vld [tilespmem:s17+$0x0];
	_ =	sdelay $0x1  }
0x52: {  	v2 =	vld.idx.msk [tilespmem:v2+s31+$0x0], $0xffff;
	_ =	sdelay $0x1  }
0x53: {  	v4 =	vld [tilespmem:$0x0]  }
0x54: {  	v1 =	vadd.f32 v3, v1;
	_ =	sdelay $0x1  }
0x55: {  	v1 =	vmul.f32 v1, v2;
	_ =	sdelay $0x1  }
0x56: {  	v1 =	vadd.f32 v1, v4;
	_ =	sdelay $0x1  }
.Ltmp1:
0x57: {  	v1 =	vmax.f32 v1, $0.0e+00;
	(pc) =	sbr.rel @p0 .LBB2_5-.Ltmp1, $3  }
0x58: {  	v1 =	vmul.f32 v1, v2;
	_ =	sdelay $0x1  }
0x59: {  	s20 =	sadd.s32 $0x10, s18;
	[tilespmem:s19+$0x0] =	vst v1  }
0x5a: {  	[tilespmem:s20+$0x0] =	vst v2  }
0x5b: {  	s17 =	rddreg [dreg:$0xb];
	s18 =	simm.s32 $0xE010  }
0x5c: {  	[hbm4b:s17+s5] =	stream.linear.scatter [tilespmem:s18], [sflag:$0x5], $0x2800, $0x38;
	[tilespmem:$0x15A90] =	vst v63  }
0x5d: {  	_ =	swait.ge [sflag:s30], $0x2800  }
0x5e: {  	[sflag:s30] =	ssyncset.done $0x0  }
0x5f: {  	s20 =	rddreg [dreg:$0x9];
	[sflag:s30] =	ssyncadd.s32 $0xFFFFD800  }
0x60: {  	[spmem:s20] =	stream.linear.scatter [tilespmem:s2], [sflag:$0x5], $0x2800, $0x38;
	[tilespmem:$0x15A90] =	vst v63  }
0x61: {  	_ =	swait.ge [sflag:s30], $0x2800  }
0x62: {  	[sflag:s30] =	ssyncset.done $0x0  }
.Ltmp2:
0x63: {  	[sflag:s30] =	ssyncadd.s32 $0xFFFFD800;
	(pc) =	sbr.rel .LBB2_8-.Ltmp2, $4  }
0x64: {  	[spmem:s12] =	stream.linear.scatter [tilespmem:s2], [sflag:$0x5], $0x2800, $0x38;
	[tilespmem:$0x15A90] =	vst v63  }
0x65: {  	_ =	swait.ge [sflag:s30], $0x2800  }
0x66: {  	[sflag:s30] =	ssyncset.done $0x0  }
0x67: {  	[sflag:s30] =	ssyncadd.s32 $0xFFFFD800  }
.LBB2_5:
0x68: {  	s17 =	rddreg [dreg:$0x9]  }
0x69: {  	[spmem:s17] =	stream.linear.scatter [tilespmem:s2], [sflag:$0x5], $0x2800, $0x38;
	[tilespmem:$0x15A90] =	vst v63  }
0x6a: {  	_ =	swait.ge [sflag:s30], $0x2800  }
0x6b: {  	[sflag:s30] =	ssyncset.done $0x0  }
0x6c: {  	s18 =	simm.s32 $0x0;
	s17 =	simm.s32 $0x40;
	[sflag:s30] =	ssyncadd.s32 $0xFFFFD800  }
.LBB2_6:
0x6d: {  	p1 =	sne.s32 s17, $0x1FC0;
	[tilespmem:s18+$0x5010] =	vst v0;
	s18 =	smov.u32 s17;
	s17 =	sadd.s32 $0x40, s17  }
.Ltmp3:
0x6e: {  	(pc) =	sbr.rel @p1 .LBB2_6-.Ltmp3, $2  }
0x6f: {  	_ =	sdelay $0x2  }
0x70: {  	s18 =	sshra.s32 s18, $0x2  }
0x71: {  	[tilespmem:s18+$0x5010] =	vst v0;
	s17 =	rddreg [dreg:$0xa]  }
0x72: {  	[spmem:s17] =	stream.linear.scatter [tilespmem:s26], [sflag:$0x5], $0x800, $0x38;
	[tilespmem:$0x15A90] =	vst v63  }
0x73: {  	_ =	swait.ge [sflag:s30], $0x800  }
0x74: {  	[sflag:s30] =	ssyncset.done $0x0  }
0x75: {  	s20 =	rddreg [dreg:$0x14];
	[sflag:s30] =	ssyncadd.s32 $0xFFFFF800  }
0x76: {  	[spmem:s20] =	stream.linear.scatter [tilespmem:s26], [sflag:$0x5], $0x800, $0x38;
	[tilespmem:$0x15A90] =	vst v63  }
0x77: {  	_ =	swait.ge [sflag:s30], $0x800  }
0x78: {  	[sflag:s30] =	ssyncset.done $0x0  }
0x79: {  	s18 =	rddreg [dreg:$0x15];
	[sflag:s30] =	ssyncadd.s32 $0xFFFFF800  }
0x7a: {  	[spmem:s18] =	stream.linear.scatter [tilespmem:s26], [sflag:$0x5], $0x800, $0x38;
	[tilespmem:$0x15A90] =	vst v63  }
0x7b: {  	_ =	swait.ge [sflag:s30], $0x800  }
0x7c: {  	[sflag:s30] =	ssyncset.done $0x0  }
0x7d: {  	s19 =	rddreg [dreg:$0x16];
	[sflag:s30] =	ssyncadd.s32 $0xFFFFF800  }
0x7e: {  	[spmem:s19] =	stream.linear.scatter [tilespmem:s26], [sflag:$0x5], $0x800, $0x38;
	[tilespmem:$0x15A90] =	vst v63  }
0x7f: {  	_ =	swait.ge [sflag:s30], $0x800  }
0x80: {  	[sflag:s30] =	ssyncset.done $0x0  }
0x81: {  	s20 =	rddreg [dreg:$0x17];
	[sflag:s30] =	ssyncadd.s32 $0xFFFFF800  }
0x82: {  	[spmem:s20] =	stream.linear.scatter [tilespmem:s26], [sflag:$0x5], $0x800, $0x38;
	[tilespmem:$0x15A90] =	vst v63  }
0x83: {  	_ =	swait.ge [sflag:s30], $0x800  }
0x84: {  	[sflag:s30] =	ssyncset.done $0x0  }
0x85: {  	[sflag:s30] =	ssyncadd.s32 $0xFFFFF800  }
.LBB2_8:
0x86: {  	s17 =	simm.s32 $0x0;
	s18 =	rddreg [dreg:$0x11]  }
0x87: {  	[tilespmem:s1], [sflag:$0x5] =	stream.linear.gather [hbm4b:s18+s17], $0x2800, $0x38;
	[tilespmem:$0x15A90] =	vst v63  }
0x88: {  	_ =	swait.ge [sflag:s30], $0x2800  }
0x89: {  	[sflag:s30] =	ssyncset.done $0x0  }
0x8a: {  	s20 =	rddreg [dreg:$0x12];
	[sflag:s30] =	ssyncadd.s32 $0xFFFFD800  }
0x8b: {  	[tilespmem:s11], [sflag:$0x5] =	stream.linear.gather [hbm4b:s20+s17], $0x2800, $0x38;
	[tilespmem:$0x15A90] =	vst v63  }
0x8c: {  	_ =	swait.ge [sflag:s30], $0x2800  }
0x8d: {  	[sflag:s30] =	ssyncset.done $0x0  }
0x8e: {  	[sflag:s30] =	ssyncadd.s32 $0xFFFFD800  }
0x8f: {  	[bflag:$0x0] =	sbarrier.arrive $0xFFFF  }
0x90: {  	[tilespmem:s26], [sflag:$0x1] =	stream.indirect.gather [spmem:s3], $0x10, s1, s21, $0xb8;
	[tilespmem:$0x15A90] =	vst v63  }
0x91: {  	s18 =	simm.s32 $0x90  }
0x92: {  	[tilespmem:s28], [sflag:$0x1] =	stream.indirect.gather [spmem:s3], $0x10, s18, s21, $0xb8;
	[tilespmem:$0x15A90] =	vst v63  }
0x93: {  	s19 =	simm.s32 $0x110  }
0x94: {  	[tilespmem:s29], [sflag:$0x1] =	stream.indirect.gather [spmem:s3], $0x10, s19, s21, $0xb8;
	[tilespmem:$0x15A90] =	vst v63  }
0x95: {  	s20 =	simm.s32 $0x190  }
0x96: {  	[tilespmem:s0], [sflag:$0x1] =	stream.indirect.gather [spmem:s3], $0x10, s20, s21, $0xb8;
	[tilespmem:$0x15A90] =	vst v63  }
0x97: {  	s18 =	simm.s32 $0x210  }
0x98: {  	[tilespmem:s10], [sflag:$0x2] =	stream.indirect.gather [spmem:s3], $0x10, s18, s21, $0xb8;
	[tilespmem:$0x15A90] =	vst v63  }
0x99: {  	s19 =	simm.s32 $0x290  }
0x9a: {  	[tilespmem:s6], [sflag:$0x2] =	stream.indirect.gather [spmem:s3], $0x10, s19, s21, $0xb8;
	[tilespmem:$0x15A90] =	vst v63  }
0x9b: {  	s20 =	simm.s32 $0x310  }
0x9c: {  	[tilespmem:s7], [sflag:$0x2] =	stream.indirect.gather [spmem:s3], $0x10, s20, s21, $0xb8;
	[tilespmem:$0x15A90] =	vst v63  }
0x9d: {  	s18 =	simm.s32 $0x390  }
0x9e: {  	[tilespmem:s8], [sflag:$0x2] =	stream.indirect.gather [spmem:s3], $0x10, s18, s21, $0xb8;
	[tilespmem:$0x15A90] =	vst v63  }
0x9f: {  	_ =	swait.ge [sflag:s9], $0x800  }
0xa0: {  	[sflag:s9] =	ssyncset.done $0x0  }
0xa1: {  	[sflag:s9] =	ssyncadd.s32 $0xFFFFF800  }
0xa2: {  	_ =	swait.ge [sflag:s9], $0x800  }
0xa3: {  	[sflag:s9] =	ssyncset.done $0x0  }
0xa4: {  	[sflag:s9] =	ssyncadd.s32 $0xFFFFF800  }
0xa5: {  	_ =	swait.ge [sflag:s9], $0x800  }
0xa6: {  	[sflag:s9] =	ssyncset.done $0x0  }
0xa7: {  	[sflag:s9] =	ssyncadd.s32 $0xFFFFF800  }
0xa8: {  	_ =	swait.ge [sflag:s9], $0x800  }
0xa9: {  	[sflag:s9] =	ssyncset.done $0x0  }
0xaa: {  	[sflag:s9] =	ssyncadd.s32 $0xFFFFF800  }
0xab: {  	[spmem:s4] =	stream.indirect.scatter.add.f32 [tilespmem:s26], [sflag:$0x3], $0x10, s11, s21, $0xb8;
	[tilespmem:$0x15A90] =	vst v63  }
0xac: {  	s19 =	simm.s32 $0x2890  }
0xad: {  	[spmem:s4] =	stream.indirect.scatter.add.f32 [tilespmem:s28], [sflag:$0x3], $0x10, s19, s21, $0xb8;
	[tilespmem:$0x15A90] =	vst v63  }
0xae: {  	s20 =	simm.s32 $0x2910  }
0xaf: {  	[spmem:s4] =	stream.indirect.scatter.add.f32 [tilespmem:s29], [sflag:$0x3], $0x10, s20, s21, $0xb8;
	[tilespmem:$0x15A90] =	vst v63  }
0xb0: {  	s18 =	simm.s32 $0x2990  }
0xb1: {  	[spmem:s4] =	stream.indirect.scatter.add.f32 [tilespmem:s0], [sflag:$0x3], $0x10, s18, s21, $0xb8;
	[tilespmem:$0x15A90] =	vst v63  }
0xb2: {  	_ =	swait.ge [sflag:s13], $0x800  }
0xb3: {  	[sflag:s13] =	ssyncset.done $0x0  }
0xb4: {  	[sflag:s13] =	ssyncadd.s32 $0xFFFFF800  }
0xb5: {  	_ =	swait.ge [sflag:s13], $0x800  }
0xb6: {  	[sflag:s13] =	ssyncset.done $0x0  }
0xb7: {  	[sflag:s13] =	ssyncadd.s32 $0xFFFFF800  }
0xb8: {  	_ =	swait.ge [sflag:s13], $0x800  }
0xb9: {  	[sflag:s13] =	ssyncset.done $0x0  }
0xba: {  	[sflag:s13] =	ssyncadd.s32 $0xFFFFF800  }
0xbb: {  	_ =	swait.ge [sflag:s13], $0x800  }
0xbc: {  	[sflag:s13] =	ssyncset.done $0x0  }
0xbd: {  	s19 =	simm.s32 $0x410;
	[sflag:s13] =	ssyncadd.s32 $0xFFFFF800  }
0xbe: {  	[tilespmem:s26], [sflag:$0x1] =	stream.indirect.gather [spmem:s3], $0x10, s19, s21, $0xb8;
	[tilespmem:$0x15A90] =	vst v63  }
0xbf: {  	s20 =	simm.s32 $0x490  }
0xc0: {  	[tilespmem:s28], [sflag:$0x1] =	stream.indirect.gather [spmem:s3], $0x10, s20, s21, $0xb8;
	[tilespmem:$0x15A90] =	vst v63  }
0xc1: {  	s18 =	simm.s32 $0x510  }
0xc2: {  	[tilespmem:s29], [sflag:$0x1] =	stream.indirect.gather [spmem:s3], $0x10, s18, s21, $0xb8;
	[tilespmem:$0x15A90] =	vst v63  }
0xc3: {  	s19 =	simm.s32 $0x590  }
0xc4: {  	[tilespmem:s0], [sflag:$0x1] =	stream.indirect.gather [spmem:s3], $0x10, s19, s21, $0xb8;
	[tilespmem:$0x15A90] =	vst v63  }
0xc5: {  	_ =	swait.ge [sflag:s14], $0x800  }
0xc6: {  	[sflag:s14] =	ssyncset.done $0x0  }
0xc7: {  	[sflag:s14] =	ssyncadd.s32 $0xFFFFF800  }
0xc8: {  	_ =	swait.ge [sflag:s14], $0x800  }
0xc9: {  	[sflag:s14] =	ssyncset.done $0x0  }
0xca: {  	[sflag:s14] =	ssyncadd.s32 $0xFFFFF800  }
0xcb: {  	_ =	swait.ge [sflag:s14], $0x800  }
0xcc: {  	[sflag:s14] =	ssyncset.done $0x0  }
0xcd: {  	[sflag:s14] =	ssyncadd.s32 $0xFFFFF800  }
0xce: {  	_ =	swait.ge [sflag:s14], $0x800  }
0xcf: {  	[sflag:s14] =	ssyncset.done $0x0  }
0xd0: {  	s20 =	simm.s32 $0x2A10;
	[sflag:s14] =	ssyncadd.s32 $0xFFFFF800  }
0xd1: {  	[spmem:s4] =	stream.indirect.scatter.add.f32 [tilespmem:s10], [sflag:$0x4], $0x10, s20, s21, $0xb8;
	[tilespmem:$0x15A90] =	vst v63  }
0xd2: {  	s18 =	simm.s32 $0x2A90  }
0xd3: {  	[spmem:s4] =	stream.indirect.scatter.add.f32 [tilespmem:s6], [sflag:$0x4], $0x10, s18, s21, $0xb8;
	[tilespmem:$0x15A90] =	vst v63  }
0xd4: {  	s19 =	simm.s32 $0x2B10  }
0xd5: {  	[spmem:s4] =	stream.indirect.scatter.add.f32 [tilespmem:s7], [sflag:$0x4], $0x10, s19, s21, $0xb8;
	[tilespmem:$0x15A90] =	vst v63  }
0xd6: {  	s20 =	simm.s32 $0x2B90  }
0xd7: {  	[spmem:s4] =	stream.indirect.scatter.add.f32 [tilespmem:s8], [sflag:$0x4], $0x10, s20, s21, $0xb8;
	[tilespmem:$0x15A90] =	vst v63  }
0xd8: {  	_ =	swait.ge [sflag:s15], $0x800  }
0xd9: {  	[sflag:s15] =	ssyncset.done $0x0  }
0xda: {  	[sflag:s15] =	ssyncadd.s32 $0xFFFFF800  }
0xdb: {  	_ =	swait.ge [sflag:s15], $0x800  }
0xdc: {  	[sflag:s15] =	ssyncset.done $0x0  }
0xdd: {  	[sflag:s15] =	ssyncadd.s32 $0xFFFFF800  }
0xde: {  	_ =	swait.ge [sflag:s15], $0x800  }
0xdf: {  	[sflag:s15] =	ssyncset.done $0x0  }
0xe0: {  	[sflag:s15] =	ssyncadd.s32 $0xFFFFF800  }
0xe1: {  	_ =	swait.ge [sflag:s15], $0x800  }
0xe2: {  	[sflag:s15] =	ssyncset.done $0x0  }
0xe3: {  	s18 =	simm.s32 $0x610;
	[sflag:s15] =	ssyncadd.s32 $0xFFFFF800  }
0xe4: {  	[tilespmem:s10], [sflag:$0x2] =	stream.indirect.gather [spmem:s3], $0x10, s18, s21, $0xb8;
	[tilespmem:$0x15A90] =	vst v63  }
0xe5: {  	s19 =	simm.s32 $0x690  }
0xe6: {  	[tilespmem:s6], [sflag:$0x2] =	stream.indirect.gather [spmem:s3], $0x10, s19, s21, $0xb8;
	[tilespmem:$0x15A90] =	vst v63  }
0xe7: {  	s20 =	simm.s32 $0x710  }
0xe8: {  	[tilespmem:s7], [sflag:$0x2] =	stream.indirect.gather [spmem:s3], $0x10, s20, s21, $0xb8;
	[tilespmem:$0x15A90] =	vst v63  }
0xe9: {  	s18 =	simm.s32 $0x790  }
0xea: {  	[tilespmem:s8], [sflag:$0x2] =	stream.indirect.gather [spmem:s3], $0x10, s18, s21, $0xb8;
	[tilespmem:$0x15A90] =	vst v63  }
0xeb: {  	_ =	swait.ge [sflag:s9], $0x800  }
0xec: {  	[sflag:s9] =	ssyncset.done $0x0  }
0xed: {  	[sflag:s9] =	ssyncadd.s32 $0xFFFFF800  }
0xee: {  	_ =	swait.ge [sflag:s9], $0x800  }
0xef: {  	[sflag:s9] =	ssyncset.done $0x0  }
0xf0: {  	[sflag:s9] =	ssyncadd.s32 $0xFFFFF800  }
0xf1: {  	_ =	swait.ge [sflag:s9], $0x800  }
0xf2: {  	[sflag:s9] =	ssyncset.done $0x0  }
0xf3: {  	[sflag:s9] =	ssyncadd.s32 $0xFFFFF800  }
0xf4: {  	_ =	swait.ge [sflag:s9], $0x800  }
0xf5: {  	[sflag:s9] =	ssyncset.done $0x0  }
0xf6: {  	s19 =	simm.s32 $0x2C10;
	[sflag:s9] =	ssyncadd.s32 $0xFFFFF800  }
0xf7: {  	[spmem:s4] =	stream.indirect.scatter.add.f32 [tilespmem:s26], [sflag:$0x3], $0x10, s19, s21, $0xb8;
	[tilespmem:$0x15A90] =	vst v63  }
0xf8: {  	s20 =	simm.s32 $0x2C90  }
0xf9: {  	[spmem:s4] =	stream.indirect.scatter.add.f32 [tilespmem:s28], [sflag:$0x3], $0x10, s20, s21, $0xb8;
	[tilespmem:$0x15A90] =	vst v63  }
0xfa: {  	s18 =	simm.s32 $0x2D10  }
0xfb: {  	[spmem:s4] =	stream.indirect.scatter.add.f32 [tilespmem:s29], [sflag:$0x3], $0x10, s18, s21, $0xb8;
	[tilespmem:$0x15A90] =	vst v63  }
0xfc: {  	s19 =	simm.s32 $0x2D90  }
0xfd: {  	[spmem:s4] =	stream.indirect.scatter.add.f32 [tilespmem:s0], [sflag:$0x3], $0x10, s19, s21, $0xb8;
	[tilespmem:$0x15A90] =	vst v63  }
0xfe: {  	_ =	swait.ge [sflag:s13], $0x800  }
0xff: {  	[sflag:s13] =	ssyncset.done $0x0  }
0x100: {  	[sflag:s13] =	ssyncadd.s32 $0xFFFFF800  }
0x101: {  	_ =	swait.ge [sflag:s13], $0x800  }
0x102: {  	[sflag:s13] =	ssyncset.done $0x0  }
0x103: {  	[sflag:s13] =	ssyncadd.s32 $0xFFFFF800  }
0x104: {  	_ =	swait.ge [sflag:s13], $0x800  }
0x105: {  	[sflag:s13] =	ssyncset.done $0x0  }
0x106: {  	[sflag:s13] =	ssyncadd.s32 $0xFFFFF800  }
0x107: {  	_ =	swait.ge [sflag:s13], $0x800  }
0x108: {  	[sflag:s13] =	ssyncset.done $0x0  }
0x109: {  	s20 =	simm.s32 $0x810;
	[sflag:s13] =	ssyncadd.s32 $0xFFFFF800  }
0x10a: {  	[tilespmem:s26], [sflag:$0x1] =	stream.indirect.gather [spmem:s3], $0x10, s20, s21, $0xb8;
	[tilespmem:$0x15A90] =	vst v63  }
0x10b: {  	s18 =	simm.s32 $0x890  }
0x10c: {  	[tilespmem:s28], [sflag:$0x1] =	stream.indirect.gather [spmem:s3], $0x10, s18, s21, $0xb8;
	[tilespmem:$0x15A90] =	vst v63  }
0x10d: {  	s19 =	simm.s32 $0x910  }
0x10e: {  	[tilespmem:s29], [sflag:$0x1] =	stream.indirect.gather [spmem:s3], $0x10, s19, s21, $0xb8;
	[tilespmem:$0x15A90] =	vst v63  }
0x10f: {  	s20 =	simm.s32 $0x990  }
0x110: {  	[tilespmem:s0], [sflag:$0x1] =	stream.indirect.gather [spmem:s3], $0x10, s20, s21, $0xb8;
	[tilespmem:$0x15A90] =	vst v63  }
0x111: {  	_ =	swait.ge [sflag:s14], $0x800  }
0x112: {  	[sflag:s14] =	ssyncset.done $0x0  }
0x113: {  	[sflag:s14] =	ssyncadd.s32 $0xFFFFF800  }
0x114: {  	_ =	swait.ge [sflag:s14], $0x800  }
0x115: {  	[sflag:s14] =	ssyncset.done $0x0  }
0x116: {  	[sflag:s14] =	ssyncadd.s32 $0xFFFFF800  }
0x117: {  	_ =	swait.ge [sflag:s14], $0x800  }
0x118: {  	[sflag:s14] =	ssyncset.done $0x0  }
0x119: {  	[sflag:s14] =	ssyncadd.s32 $0xFFFFF800  }
0x11a: {  	_ =	swait.ge [sflag:s14], $0x800  }
0x11b: {  	[sflag:s14] =	ssyncset.done $0x0  }
0x11c: {  	s18 =	simm.s32 $0x2E10;
	[sflag:s14] =	ssyncadd.s32 $0xFFFFF800  }
0x11d: {  	[spmem:s4] =	stream.indirect.scatter.add.f32 [tilespmem:s10], [sflag:$0x4], $0x10, s18, s21, $0xb8;
	[tilespmem:$0x15A90] =	vst v63  }
0x11e: {  	s19 =	simm.s32 $0x2E90  }
0x11f: {  	[spmem:s4] =	stream.indirect.scatter.add.f32 [tilespmem:s6], [sflag:$0x4], $0x10, s19, s21, $0xb8;
	[tilespmem:$0x15A90] =	vst v63  }
0x120: {  	s17 =	simm.s32 $0x1000;
	s20 =	simm.s32 $0x2F10;
	s18 =	simm.s32 $0x2F90  }
0x121: {  	[spmem:s4] =	stream.indirect.scatter.add.f32 [tilespmem:s7], [sflag:$0x4], $0x10, s20, s21, $0xb8;
	[tilespmem:$0x15A90] =	vst v63  }
.LBB2_9:
0x122: {  	[spmem:s4] =	stream.indirect.scatter.add.f32 [tilespmem:s8], [sflag:$0x4], $0x10, s18, s21, $0xb8;
	[tilespmem:$0x15A90] =	vst v63  }
0x123: {  	s18 =	smov.u32 s17  }
0x124: {  	p1 =	sne.s32 s17, $0x7000;
	s17 =	sadd.s32 $0x1000, s17;
	_ =	swait.ge [sflag:s15], $0x800  }
0x125: {  	[sflag:s15] =	ssyncset.done $0x0  }
0x126: {  	[sflag:s15] =	ssyncadd.s32 $0xFFFFF800  }
0x127: {  	_ =	swait.ge [sflag:s15], $0x800  }
0x128: {  	[sflag:s15] =	ssyncset.done $0x0  }
0x129: {  	[sflag:s15] =	ssyncadd.s32 $0xFFFFF800  }
0x12a: {  	_ =	swait.ge [sflag:s15], $0x800  }
0x12b: {  	[sflag:s15] =	ssyncset.done $0x0  }
0x12c: {  	[sflag:s15] =	ssyncadd.s32 $0xFFFFF800  }
0x12d: {  	_ =	swait.ge [sflag:s15], $0x800  }
0x12e: {  	s18 =	sshra.s32 s18, $0x2;
	[sflag:s15] =	ssyncset.done $0x0  }
0x12f: {  	s19 =	sadd.s32 $0x610, s18;
	[sflag:s15] =	ssyncadd.s32 $0xFFFFF800  }
0x130: {  	[tilespmem:s10], [sflag:$0x2] =	stream.indirect.gather [spmem:s3], $0x10, s19, s21, $0xb8;
	[tilespmem:$0x15A90] =	vst v63  }
0x131: {  	s19 =	sadd.s32 $0x690, s18  }
0x132: {  	[tilespmem:s6], [sflag:$0x2] =	stream.indirect.gather [spmem:s3], $0x10, s19, s21, $0xb8;
	[tilespmem:$0x15A90] =	vst v63  }
0x133: {  	s19 =	sadd.s32 $0x710, s18  }
0x134: {  	[tilespmem:s7], [sflag:$0x2] =	stream.indirect.gather [spmem:s3], $0x10, s19, s21, $0xb8;
	[tilespmem:$0x15A90] =	vst v63  }
0x135: {  	s19 =	sadd.s32 $0x790, s18  }
0x136: {  	[tilespmem:s8], [sflag:$0x2] =	stream.indirect.gather [spmem:s3], $0x10, s19, s21, $0xb8;
	[tilespmem:$0x15A90] =	vst v63  }
0x137: {  	_ =	swait.ge [sflag:s9], $0x800  }
0x138: {  	[sflag:s9] =	ssyncset.done $0x0  }
0x139: {  	[sflag:s9] =	ssyncadd.s32 $0xFFFFF800  }
0x13a: {  	_ =	swait.ge [sflag:s9], $0x800  }
0x13b: {  	[sflag:s9] =	ssyncset.done $0x0  }
0x13c: {  	[sflag:s9] =	ssyncadd.s32 $0xFFFFF800  }
0x13d: {  	_ =	swait.ge [sflag:s9], $0x800  }
0x13e: {  	[sflag:s9] =	ssyncset.done $0x0  }
0x13f: {  	[sflag:s9] =	ssyncadd.s32 $0xFFFFF800  }
0x140: {  	_ =	swait.ge [sflag:s9], $0x800  }
0x141: {  	[sflag:s9] =	ssyncset.done $0x0  }
0x142: {  	s19 =	sadd.s32 $0x2C10, s18;
	[sflag:s9] =	ssyncadd.s32 $0xFFFFF800  }
0x143: {  	[spmem:s4] =	stream.indirect.scatter.add.f32 [tilespmem:s26], [sflag:$0x3], $0x10, s19, s21, $0xb8;
	[tilespmem:$0x15A90] =	vst v63  }
0x144: {  	s19 =	sadd.s32 $0x2C90, s18  }
0x145: {  	[spmem:s4] =	stream.indirect.scatter.add.f32 [tilespmem:s28], [sflag:$0x3], $0x10, s19, s21, $0xb8;
	[tilespmem:$0x15A90] =	vst v63  }
0x146: {  	s19 =	sadd.s32 $0x2D10, s18  }
0x147: {  	[spmem:s4] =	stream.indirect.scatter.add.f32 [tilespmem:s29], [sflag:$0x3], $0x10, s19, s21, $0xb8;
	[tilespmem:$0x15A90] =	vst v63  }
0x148: {  	s19 =	sadd.s32 $0x2D90, s18  }
0x149: {  	[spmem:s4] =	stream.indirect.scatter.add.f32 [tilespmem:s0], [sflag:$0x3], $0x10, s19, s21, $0xb8;
	[tilespmem:$0x15A90] =	vst v63  }
0x14a: {  	_ =	swait.ge [sflag:s13], $0x800  }
0x14b: {  	[sflag:s13] =	ssyncset.done $0x0  }
0x14c: {  	[sflag:s13] =	ssyncadd.s32 $0xFFFFF800  }
0x14d: {  	_ =	swait.ge [sflag:s13], $0x800  }
0x14e: {  	[sflag:s13] =	ssyncset.done $0x0  }
0x14f: {  	[sflag:s13] =	ssyncadd.s32 $0xFFFFF800  }
0x150: {  	_ =	swait.ge [sflag:s13], $0x800  }
0x151: {  	[sflag:s13] =	ssyncset.done $0x0  }
0x152: {  	[sflag:s13] =	ssyncadd.s32 $0xFFFFF800  }
0x153: {  	_ =	swait.ge [sflag:s13], $0x800  }
0x154: {  	[sflag:s13] =	ssyncset.done $0x0  }
0x155: {  	s19 =	sadd.s32 $0x810, s18;
	[sflag:s13] =	ssyncadd.s32 $0xFFFFF800  }
0x156: {  	[tilespmem:s26], [sflag:$0x1] =	stream.indirect.gather [spmem:s3], $0x10, s19, s21, $0xb8;
	[tilespmem:$0x15A90] =	vst v63  }
0x157: {  	s19 =	sadd.s32 $0x890, s18  }
0x158: {  	[tilespmem:s28], [sflag:$0x1] =	stream.indirect.gather [spmem:s3], $0x10, s19, s21, $0xb8;
	[tilespmem:$0x15A90] =	vst v63  }
0x159: {  	s19 =	sadd.s32 $0x910, s18  }
0x15a: {  	[tilespmem:s29], [sflag:$0x1] =	stream.indirect.gather [spmem:s3], $0x10, s19, s21, $0xb8;
	[tilespmem:$0x15A90] =	vst v63  }
0x15b: {  	s19 =	sadd.s32 $0x990, s18  }
0x15c: {  	[tilespmem:s0], [sflag:$0x1] =	stream.indirect.gather [spmem:s3], $0x10, s19, s21, $0xb8;
	[tilespmem:$0x15A90] =	vst v63  }
0x15d: {  	_ =	swait.ge [sflag:s14], $0x800  }
0x15e: {  	[sflag:s14] =	ssyncset.done $0x0  }
0x15f: {  	[sflag:s14] =	ssyncadd.s32 $0xFFFFF800  }
0x160: {  	_ =	swait.ge [sflag:s14], $0x800  }
0x161: {  	[sflag:s14] =	ssyncset.done $0x0  }
0x162: {  	[sflag:s14] =	ssyncadd.s32 $0xFFFFF800  }
0x163: {  	_ =	swait.ge [sflag:s14], $0x800  }
0x164: {  	[sflag:s14] =	ssyncset.done $0x0  }
0x165: {  	[sflag:s14] =	ssyncadd.s32 $0xFFFFF800  }
0x166: {  	_ =	swait.ge [sflag:s14], $0x800  }
0x167: {  	[sflag:s14] =	ssyncset.done $0x0  }
0x168: {  	s19 =	sadd.s32 $0x2E10, s18;
	[sflag:s14] =	ssyncadd.s32 $0xFFFFF800  }
0x169: {  	[spmem:s4] =	stream.indirect.scatter.add.f32 [tilespmem:s10], [sflag:$0x4], $0x10, s19, s21, $0xb8;
	[tilespmem:$0x15A90] =	vst v63  }
.Ltmp4:
0x16a: {  	s19 =	sadd.s32 $0x2E90, s18;
	(pc) =	sbr.rel @p1 .LBB2_9-.Ltmp4, $4  }
0x16b: {  	[spmem:s4] =	stream.indirect.scatter.add.f32 [tilespmem:s6], [sflag:$0x4], $0x10, s19, s21, $0xb8;
	[tilespmem:$0x15A90] =	vst v63  }
0x16c: {  	s19 =	sadd.s32 $0x2F10, s18  }
0x16d: {  	[spmem:s4] =	stream.indirect.scatter.add.f32 [tilespmem:s7], [sflag:$0x4], $0x10, s19, s21, $0xb8;
	[tilespmem:$0x15A90] =	vst v63  }
0x16e: {  	s18 =	sadd.s32 $0x2F90, s18  }
0x16f: {  	[spmem:s4] =	stream.indirect.scatter.add.f32 [tilespmem:s8], [sflag:$0x4], $0x10, s18, s21, $0xb8;
	[tilespmem:$0x15A90] =	vst v63  }
0x170: {  	_ =	swait.ge [sflag:s15], $0x800  }
0x171: {  	[sflag:s15] =	ssyncset.done $0x0  }
0x172: {  	[sflag:s15] =	ssyncadd.s32 $0xFFFFF800  }
0x173: {  	_ =	swait.ge [sflag:s15], $0x800  }
0x174: {  	[sflag:s15] =	ssyncset.done $0x0  }
0x175: {  	[sflag:s15] =	ssyncadd.s32 $0xFFFFF800  }
0x176: {  	_ =	swait.ge [sflag:s15], $0x800  }
0x177: {  	[sflag:s15] =	ssyncset.done $0x0  }
0x178: {  	[sflag:s15] =	ssyncadd.s32 $0xFFFFF800  }
0x179: {  	_ =	swait.ge [sflag:s15], $0x800  }
0x17a: {  	[sflag:s15] =	ssyncset.done $0x0  }
0x17b: {  	s17 =	simm.s32 $0x2610;
	[sflag:s15] =	ssyncadd.s32 $0xFFFFF800  }
0x17c: {  	[tilespmem:s10], [sflag:$0x2] =	stream.indirect.gather [spmem:s3], $0x10, s17, s21, $0xb8;
	[tilespmem:$0x15A90] =	vst v63  }
0x17d: {  	s20 =	simm.s32 $0x2690  }
0x17e: {  	[tilespmem:s6], [sflag:$0x2] =	stream.indirect.gather [spmem:s3], $0x10, s20, s21, $0xb8;
	[tilespmem:$0x15A90] =	vst v63  }
0x17f: {  	s18 =	simm.s32 $0x2710  }
0x180: {  	[tilespmem:s7], [sflag:$0x2] =	stream.indirect.gather [spmem:s3], $0x10, s18, s21, $0xb8;
	[tilespmem:$0x15A90] =	vst v63  }
0x181: {  	s19 =	simm.s32 $0x2790  }
0x182: {  	[tilespmem:s8], [sflag:$0x2] =	stream.indirect.gather [spmem:s3], $0x10, s19, s21, $0xb8;
	[tilespmem:$0x15A90] =	vst v63  }
0x183: {  	_ =	swait.ge [sflag:s9], $0x800  }
0x184: {  	[sflag:s9] =	ssyncset.done $0x0  }
0x185: {  	[sflag:s9] =	ssyncadd.s32 $0xFFFFF800  }
0x186: {  	_ =	swait.ge [sflag:s9], $0x800  }
0x187: {  	[sflag:s9] =	ssyncset.done $0x0  }
0x188: {  	[sflag:s9] =	ssyncadd.s32 $0xFFFFF800  }
0x189: {  	_ =	swait.ge [sflag:s9], $0x800  }
0x18a: {  	[sflag:s9] =	ssyncset.done $0x0  }
0x18b: {  	[sflag:s9] =	ssyncadd.s32 $0xFFFFF800  }
0x18c: {  	_ =	swait.ge [sflag:s9], $0x800  }
0x18d: {  	[sflag:s9] =	ssyncset.done $0x0  }
0x18e: {  	s20 =	simm.s32 $0x4C10;
	[sflag:s9] =	ssyncadd.s32 $0xFFFFF800  }
0x18f: {  	[spmem:s4] =	stream.indirect.scatter.add.f32 [tilespmem:s26], [sflag:$0x3], $0x10, s20, s21, $0xb8;
	[tilespmem:$0x15A90] =	vst v63  }
0x190: {  	s18 =	simm.s32 $0x4C90  }
0x191: {  	[spmem:s4] =	stream.indirect.scatter.add.f32 [tilespmem:s28], [sflag:$0x3], $0x10, s18, s21, $0xb8;
	[tilespmem:$0x15A90] =	vst v63  }
0x192: {  	s19 =	simm.s32 $0x4D10  }
0x193: {  	[spmem:s4] =	stream.indirect.scatter.add.f32 [tilespmem:s29], [sflag:$0x3], $0x10, s19, s21, $0xb8;
	[tilespmem:$0x15A90] =	vst v63  }
0x194: {  	s20 =	simm.s32 $0x4D90  }
0x195: {  	[spmem:s4] =	stream.indirect.scatter.add.f32 [tilespmem:s0], [sflag:$0x3], $0x10, s20, s21, $0xb8;
	[tilespmem:$0x15A90] =	vst v63  }
0x196: {  	_ =	swait.ge [sflag:s13], $0x800  }
0x197: {  	[sflag:s13] =	ssyncset.done $0x0  }
0x198: {  	[sflag:s13] =	ssyncadd.s32 $0xFFFFF800  }
0x199: {  	_ =	swait.ge [sflag:s13], $0x800  }
0x19a: {  	[sflag:s13] =	ssyncset.done $0x0  }
0x19b: {  	[sflag:s13] =	ssyncadd.s32 $0xFFFFF800  }
0x19c: {  	_ =	swait.ge [sflag:s13], $0x800  }
0x19d: {  	[sflag:s13] =	ssyncset.done $0x0  }
0x19e: {  	[sflag:s13] =	ssyncadd.s32 $0xFFFFF800  }
0x19f: {  	_ =	swait.ge [sflag:s13], $0x800  }
0x1a0: {  	[sflag:s13] =	ssyncset.done $0x0  }
0x1a1: {  	[sflag:s13] =	ssyncadd.s32 $0xFFFFF800  }
0x1a2: {  	_ =	swait.ge [sflag:s14], $0x800  }
0x1a3: {  	[sflag:s14] =	ssyncset.done $0x0  }
0x1a4: {  	[sflag:s14] =	ssyncadd.s32 $0xFFFFF800  }
0x1a5: {  	_ =	swait.ge [sflag:s14], $0x800  }
0x1a6: {  	[sflag:s14] =	ssyncset.done $0x0  }
0x1a7: {  	[sflag:s14] =	ssyncadd.s32 $0xFFFFF800  }
0x1a8: {  	_ =	swait.ge [sflag:s14], $0x800  }
0x1a9: {  	[sflag:s14] =	ssyncset.done $0x0  }
0x1aa: {  	[sflag:s14] =	ssyncadd.s32 $0xFFFFF800  }
0x1ab: {  	_ =	swait.ge [sflag:s14], $0x800  }
0x1ac: {  	[sflag:s14] =	ssyncset.done $0x0  }
0x1ad: {  	s18 =	simm.s32 $0x4E10;
	[sflag:s14] =	ssyncadd.s32 $0xFFFFF800  }
0x1ae: {  	[spmem:s4] =	stream.indirect.scatter.add.f32 [tilespmem:s10], [sflag:$0x4], $0x10, s18, s21, $0xb8;
	[tilespmem:$0x15A90] =	vst v63  }
0x1af: {  	s19 =	simm.s32 $0x4E90  }
0x1b0: {  	[spmem:s4] =	stream.indirect.scatter.add.f32 [tilespmem:s6], [sflag:$0x4], $0x10, s19, s21, $0xb8;
	[tilespmem:$0x15A90] =	vst v63  }
0x1b1: {  	s20 =	simm.s32 $0x4F10  }
0x1b2: {  	[spmem:s4] =	stream.indirect.scatter.add.f32 [tilespmem:s7], [sflag:$0x4], $0x10, s20, s21, $0xb8;
	[tilespmem:$0x15A90] =	vst v63  }
0x1b3: {  	s18 =	simm.s32 $0x4F90  }
0x1b4: {  	[spmem:s4] =	stream.indirect.scatter.add.f32 [tilespmem:s8], [sflag:$0x4], $0x10, s18, s21, $0xb8;
	[tilespmem:$0x15A90] =	vst v63  }
0x1b5: {  	_ =	swait.ge [sflag:s15], $0x800  }
0x1b6: {  	[sflag:s15] =	ssyncset.done $0x0  }
0x1b7: {  	[sflag:s15] =	ssyncadd.s32 $0xFFFFF800  }
0x1b8: {  	_ =	swait.ge [sflag:s15], $0x800  }
0x1b9: {  	[sflag:s15] =	ssyncset.done $0x0  }
0x1ba: {  	[sflag:s15] =	ssyncadd.s32 $0xFFFFF800  }
0x1bb: {  	_ =	swait.ge [sflag:s15], $0x800  }
0x1bc: {  	[sflag:s15] =	ssyncset.done $0x0  }
0x1bd: {  	[sflag:s15] =	ssyncadd.s32 $0xFFFFF800  }
0x1be: {  	_ =	swait.ge [sflag:s15], $0x800  }
0x1bf: {  	[sflag:s15] =	ssyncset.done $0x0  }
0x1c0: {  	s19 =	stileid.u32;
	[sflag:s15] =	ssyncadd.s32 $0xFFFFF800  }
0x1c1: {  	s17 =	sshll.u32 s19, $0x6;
	[bflag:$0x0] =	sbarrier.arrive $0xFFFF  }
0x1c2: {  	s17 =	sor.u32 $0x1C05, s17;
	s20 =	sshrl.u32 s12, $0x3;
	s19 =	rddreg [dreg:$0xc]  }
0x1c3: {  	[hbm:s19], [sflag:s17] =	dma.local [spmem:s20], $0x100  }
0x1c4: {  	_ =	swait.ge [sflag:s30], $0x100  }
0x1c5: {  	[sflag:s30] =	ssyncset.done $0x0  }
0x1c6: {  	s20 =	rddreg [dreg:$0xd];
	[sflag:s30] =	ssyncadd.s32 $0xFFFFFF00  }
0x1c7: {  	[hbm:s20], [sflag:s17] =	dma.local [spmem:s22], $0x100  }
0x1c8: {  	_ =	swait.ge [sflag:s30], $0x100  }
0x1c9: {  	[sflag:s30] =	ssyncset.done $0x0  }
0x1ca: {  	s19 =	rddreg [dreg:$0xe];
	[sflag:s30] =	ssyncadd.s32 $0xFFFFFF00  }
0x1cb: {  	[hbm:s19], [sflag:s17] =	dma.local [spmem:s23], $0x100  }
0x1cc: {  	_ =	swait.ge [sflag:s30], $0x100  }
0x1cd: {  	[sflag:s30] =	ssyncset.done $0x0  }
0x1ce: {  	s20 =	rddreg [dreg:$0xf];
	[sflag:s30] =	ssyncadd.s32 $0xFFFFFF00  }
0x1cf: {  	[hbm:s20], [sflag:s17] =	dma.local [spmem:s24], $0x100  }
0x1d0: {  	_ =	swait.ge [sflag:s30], $0x100  }
0x1d1: {  	[sflag:s30] =	ssyncset.done $0x0  }
0x1d2: {  	s19 =	rddreg [dreg:$0x10];
	[sflag:s30] =	ssyncadd.s32 $0xFFFFFF00  }
0x1d3: {  	[hbm:s19], [sflag:s17] =	dma.local [spmem:s25], $0x100  }
0x1d4: {  	_ =	swait.ge [sflag:s30], $0x100  }
0x1d5: {  	s16 =	sadd.s32 $0x1, s16;
	s20 =	rddreg [dreg:$0x13]  }
0x1d6: {  	p1 =	sne.s32 s16, s20  }
.Ltmp5:
0x1d7: {  	_ = 	snop;
	(pc) =	sbr.rel @p1 .LBB2_1-.Ltmp5, $3  }
0x1d8: {  	_ =	sdelay $0x1  }
0x1d9: {  	[sflag:s30] =	ssyncset.done $0x0  }
0x1da: {  	[sflag:s30] =	ssyncadd.s32 $0xFFFFFF00  }
0x1db: {  	_ =	sfence.sel $0x180000  }
0x1dc: {  	[bflag:$0x0] =	sbarrier.arrive $0xFFFF  }
0x1dd: {  	_ =	strace $0x9000004D  }
0x1de: {  	s0 =	stileid.u32;
	[bflag:$0x2] =	sbarrier.arrive $0xFFFF  }
0x1df: {  	p0 =	sne.s32 s0, $0x0;
	s0 =	rddreg [dreg:$0x5]  }
0x1e0: {  	s0 =	sadd.s32 @!p0 $0x100000, s0  }
0x1e1: {  	[sflag:s0] =	ssyncadd.tile.s32 @!p0 $0x1;
	_ =	shalt  }
.Lfunc_end2:
_tile_overlayer_lowered:
.L_overlay_start_2:
0x1e2: {  	(tag) =	ssettag $0x2  }
0x1e3: {  	s0 =	rddreg [dreg:$0x0];
	s2 =	stileid.u32  }
0x1e4: {  	s1 =	rddreg [dreg:$0x1];
	p0 =	sne.s32 s2, $0x0  }
0x1e5: {  	s3 =	rddreg [dreg:$0x2];
	[bflag:$0x3] =	sbarrier.arrive $0xFFFF;
	s2 =	simm.s32 @!p0 $0x1C05  }
0x1e6: {  	[timem:s3], [sflag:s2] =	dma.local @!p0 [hbm:s0], s1  }
0x1e7: {  	s0 =	simm.s32 @!p0 $0x5  }
0x1e8: {  	_ =	swait.ge @!p0 [sflag:s0], s1  }
0x1e9: {  	s1 =	ssub.s32 @!p0 $0x0, s1;
	[sflag:s0] =	ssyncset.done @!p0 $0x0  }
0x1ea: {  	[sflag:s0] =	ssyncadd.s32 @!p0 s1  }
0x1eb: {  	[bflag:$0x3] =	sbarrier.arrive $0xFFFF  }
0x1ec: {  	_ =	shalt  }

// kernel: kernel.8.cloned.1.call-start
scs
__scs_entry_jumppad:
0x0: {  	(pc) =	sbr.rel $0x88, $3  }
0x1: {  	(tag) =	ssettag $0x0;
	lr =	simm.s32 $0x1  }
0x2: {  	[smem:$0x3F9B] =	sst lr;
	_ =	strace $0xD0000000  }
0x3: {  	_ = 	snop  }
0x4: {  	_ = 	snop  }
0x5: {  	_ = 	snop  }
0x6: {  	_ = 	snop  }
0x7: {  	_ = 	snop  }
__scs_overlays_trampoline_lowered:
0x8: {  	[smem:$0x3FAA] =	sst s0  }
0x9: {  	[smem:$0x3FAB] =	sst s1  }
0xa: {  	[smem:$0x3FAC] =	sst s2  }
0xb: {  	[smem:$0x3FAD] =	sst s3  }
0xc: {  	[smem:$0x3FAE] =	sst s4  }
0xd: {  	[smem:$0x3FAF] =	sst s5  }
0xe: {  	[smem:$0x3FB0] =	sst s6  }
0xf: {  	[smem:$0x3FB1] =	sst s7  }
0x10: {  	[smem:$0x3FB2] =	sst s8  }
0x11: {  	[smem:$0x3FB3] =	sst s9;
	s0 =	simm.s32 @!p0 $0x0  }
0x12: {  	s1 =	sld [smem:$0x3F99];
	s0 =	simm.s32 @p0 $0x1  }
0x13: {  	[smem:$0x3FB4] =	sst s0;
	s0 =	simm.s32 @!p1 $0x0  }
0x14: {  	s2 =	sld [smem:$0x3F98];
	s0 =	simm.s32 @p1 $0x1  }
0x15: {  	[smem:$0x3FB5] =	sst s0;
	s0 =	simm.s32 @!p2 $0x0  }
0x16: {  	s3 =	sld [smem:$0x3FDB];
	s0 =	simm.s32 @p2 $0x1  }
0x17: {  	s4 =	simm.s32 $0x1BF5;
	[smem:$0x3FB7] =	sst s0  }
0x18: {  	s0 =	sld [smem:$0x3F9A];
	_ =	swait.ge [sflag:s4], $0x0  }
0x19: {  	s7 =	sld [smem:$0x3F9B]  }
0x1a: {  	s8 =	sadd.s32 $0xFFFFE003, lr  }
0x1b: {  	s9 =	sadd.s32 $0xFFFFFEF7, lr;
	s5 =	simm.s32 $0xFFFFFFFF;
	p2 =	slt.u32 s8, $0xFFFFF086  }
0x1c: {  	p1 =	slt.u32 s9, $0xF7A;
	s5 =	simm.s32 @!p2 $0x0  }
0x1d: {  	s5 =	simm.s32 @p1 $0x1;
	p0 =	seq.s32 s7, s2  }
0x1e: {  	s7 =	smul.u32 @!p0 $0xF7A, s2;
	p2 =	seq.s32 @!p0 s5, $0x0  }
0x1f: {  	s9 =	smul.u32 $0xF7A, s1;
	s8 =	simm.s32 @!p0 $0x1BF5;
	p2 =	por !p2, p0  }
0x20: {  	[sflag:s8] =	ssyncset.s32 @!p0 $0xFFFFF086;
	s6 =	sadd.s32 @!p0 s3, s7;
	s7 =	simm.s32 @!p0 $0x108  }
0x21: {  	s3 =	sadd.s32 s3, s9;
	s6 =	sadd.s32 @!p0 $0x88, s6;
	s7 =	simm.s32 @p2 $0x1082  }
0x22: {  	[simem:s7], [sflag:s8] =	dma.local @!p0 [hbm:s6], $0xF7A  }
0x23: {  	s9 =	sor.u32 $0xD0000000, s2;
	s6 =	simm.s32 $0x108;
	_ =	swait.ge @!p0 [sflag:s8], $0x0  }
0x24: {  	s3 =	sadd.s32 $0x88, s3;
	s6 =	simm.s32 @!p1 $0x1082;
	[sflag:s4] =	ssyncset.s32 $0xFFFFF086  }
0x25: {  	[simem:s6], [sflag:s4] =	dma.local [hbm:s3], $0xF7A  }
0x26: {  	[smem:$0x3F9B] =	sst s1;
	(tag) =	ssettag s2;
	_ =	strace s9  }
0x27: {  	s1 =	sld [smem:$0x3FAB]  }
0x28: {  	s2 =	sld [smem:$0x3FAC]  }
0x29: {  	s4 =	sld [smem:$0x3FAE]  }
0x2a: {  	p0 =	seq.s32 s5, $0x0;
	s5 =	sld [smem:$0x3FAF]  }
0x2b: {  	s6 =	sld [smem:$0x3FB0]  }
0x2c: {  	s7 =	sld [smem:$0x3FB1]  }
0x2d: {  	s3 =	simm.s32 $0x108;
	s8 =	sld [smem:$0x3FB2]  }
0x2e: {  	s3 =	simm.s32 @!p0 $0x1082;
	s9 =	sld [smem:$0x3FB3]  }
0x2f: {  	lr =	sadd.s32 s0, s3;
	s0 =	sld [smem:$0x3FAA]  }
0x30: {  	s3 =	sld [smem:$0x3FAD]  }
0x31: {  	[smem:$0x3FB6] =	sst s10  }
0x32: {  	s10 =	sld [smem:$0x3FB4];
	_ =	sdelay $0x3  }
0x33: {  	p0 =	seq.s32 s10, $0x1;
	s10 =	sld [smem:$0x3FB6];
	_ =	sdelay $0x3  }
0x34: {  	[smem:$0x3FB6] =	sst s10  }
0x35: {  	s10 =	sld [smem:$0x3FB5];
	_ =	sdelay $0x3  }
0x36: {  	p1 =	seq.s32 s10, $0x1;
	s10 =	sld [smem:$0x3FB6];
	_ =	sdelay $0x3  }
0x37: {  	[smem:$0x3FB6] =	sst s10  }
0x38: {  	s10 =	sld [smem:$0x3FB7]  }
0x39: {  	_ = 	snop;
	(pc) =	sbr.ind lr, $3  }
0x3a: {  	_ = 	snop  }
0x3b: {  	_ = 	snop  }
0x3c: {  	p2 =	seq.s32 s10, $0x1;
	s10 =	sld [smem:$0x3FB6]  }
0x3d: {  	_ =	shalt  }
0x3e: {  	_ =	shalt  }
0x3f: {  	_ =	shalt  }
0x40: {  	_ =	shalt  }
0x41: {  	_ =	shalt  }
0x42: {  	_ =	shalt  }
0x43: {  	_ =	shalt  }
0x44: {  	_ =	shalt  }
0x45: {  	_ =	shalt  }
0x46: {  	_ =	shalt  }
0x47: {  	_ =	shalt  }
0x48: {  	_ =	shalt  }
0x49: {  	_ =	shalt  }
0x4a: {  	_ =	shalt  }
0x4b: {  	_ =	shalt  }
0x4c: {  	_ =	shalt  }
0x4d: {  	_ =	shalt  }
0x4e: {  	_ =	shalt  }
0x4f: {  	_ =	shalt  }
0x50: {  	_ =	shalt  }
0x51: {  	_ =	shalt  }
0x52: {  	_ =	shalt  }
0x53: {  	_ =	shalt  }
0x54: {  	_ =	shalt  }
0x55: {  	_ =	shalt  }
0x56: {  	_ =	shalt  }
0x57: {  	_ =	shalt  }
0x58: {  	_ =	shalt  }
0x59: {  	_ =	shalt  }
0x5a: {  	_ =	shalt  }
0x5b: {  	_ =	shalt  }
0x5c: {  	_ =	shalt  }
0x5d: {  	_ =	shalt  }
0x5e: {  	_ =	shalt  }
0x5f: {  	_ =	shalt  }
0x60: {  	_ =	shalt  }
0x61: {  	_ =	shalt  }
0x62: {  	_ =	shalt  }
0x63: {  	_ =	shalt  }
0x64: {  	_ =	shalt  }
0x65: {  	_ =	shalt  }
0x66: {  	_ =	shalt  }
0x67: {  	_ =	shalt  }
0x68: {  	_ =	shalt  }
0x69: {  	_ =	shalt  }
0x6a: {  	_ =	shalt  }
0x6b: {  	_ =	shalt  }
0x6c: {  	_ =	shalt  }
0x6d: {  	_ =	shalt  }
0x6e: {  	_ =	shalt  }
0x6f: {  	_ =	shalt  }
0x70: {  	_ =	shalt  }
0x71: {  	_ =	shalt  }
0x72: {  	_ =	shalt  }
0x73: {  	_ =	shalt  }
0x74: {  	_ =	shalt  }
0x75: {  	_ =	shalt  }
0x76: {  	_ =	shalt  }
0x77: {  	_ =	shalt  }
0x78: {  	_ =	shalt  }
0x79: {  	_ =	shalt  }
0x7a: {  	_ =	shalt  }
0x7b: {  	_ =	shalt  }
0x7c: {  	_ =	shalt  }
0x7d: {  	_ =	shalt  }
0x7e: {  	_ =	shalt  }
0x7f: {  	_ =	shalt  }
0x80: {  	_ =	shalt  }
0x81: {  	_ =	shalt  }
0x82: {  	_ =	shalt  }
0x83: {  	_ =	shalt  }
0x84: {  	_ =	shalt  }
0x85: {  	_ =	shalt  }
0x86: {  	_ =	shalt  }
0x87: {  	_ =	shalt  }
.Lfunc_end0:
.L_simem_size_0:
called_computation_lowered:
.L_overlay_start_0:
0x88: {  	s2 =	sld [smem:$0x3FD9]  }
0x89: {  	s3 =	sld [smem:$0x3FFE];
	_ =	sdelay $0x1  }
0x8a: {  	s1 =	srdreg.scid  }
0x8b: {  	s0 =	sand.u32 $0x1, s1  }
0x8c: {  	s16 =	sshll.u32 s0, $0xA;
	s2 =	sadd.s32 s3, s2  }
0x8d: {  	s2 =	sadd.s32 s2, s16  }
0x8e: {  	[smem:$0x3FC2] =	sst s2  }
0x8f: {  	_ = 	snop  }
0x90: {  	(tm) =	ssettm $0x1  }
0x91: {  	s17 =	sld [smem:$0x3FFB];
	_ =	sdelay $0x3  }
0x92: {  	_ =	strace s17  }
0x93: {  	s2 =	sld [smem:$0x3FFC];
	_ =	sdelay $0x3  }
0x94: {  	_ =	strace s2  }
0x95: {  	s2 =	sld [smem:$0x3FFD];
	_ =	sdelay $0x3  }
0x96: {  	_ =	strace s2  }
0x97: {  	_ =	strace $0x8FFFFFFF  }
0x98: {  	s18 =	sld [smem:$0x3FDB];
	_ =	sdelay $0x1  }
0x99: {  	s19 =	simm.s32 $_scs_section_size  }
0x9a: {  	s4 =	simm.s32 $_size__tile_overlayer_lowered;
	s5 =	simm.s32 $_tile_overlayer_lowered  }
0x9b: {  	s22 =	simm.s32 $0x1BFF;
	s21 =	sshll.u32 s5, $0x1;
	s2 =	sadd.s32 s19, s18  }
0x9c: {  	s6 =	simm.s32 $0x0;
	s20 =	sshll.u32 s4, $0x1;
	s4 =	sadd.s32 s21, s2  }
0x9d: {  	[timem:s6], [sflag:s22] =	dma.local [hbm:s4], s20  }
0x9e: {  	_ =	swait.ge [sflag:s22], s20  }
0x9f: {  	s3 =	ssub.s32 $0x0, s20;
	[sflag:s22] =	ssyncset.done $0x0  }
0xa0: {  	[sflag:s22] =	ssyncadd.s32 s3;
	_ =	sdelay $0x1  }
0xa1: {  	s23 =	simm.s32 $0x1B8B  }
0xa2: {  	_ =	swait.ge [sflag:s23], $0x1  }
0xa3: {  	[sflag:s23] =	ssyncset.done $0x0  }
0xa4: {  	s25 =	simm.s32 $0x1B8E;
	s24 =	sld [smem:$0x3FFE];
	[sflag:s23] =	ssyncadd.s32 $0xFFFFFFFF  }
0xa5: {  	s26 =	simm.s32 $execute0_lowered;
	[smem:$0x3FD2] =	sst s25  }
0xa6: {  	s4 =	sshll.u32 s26, $0x1;
	_ =	strace $0x80000046;
	[dreg:$0x1] =	wrdreg $0xFFFFFFFF  }
0xa7: {  	s28 =	simm.s32 $_size_execute0_lowered;
	s2 =	sadd.s32 s2, s4;
	[dreg:$0x0] =	wrdreg $0x0  }
0xa8: {  	s4 =	sshll.u32 s28, $0x1;
	[dreg:$0x2] =	wrdreg s2  }
0xa9: {  	[dreg:$0x3] =	wrdreg s4  }
0xaa: {  	[dreg:$0x4] =	wrdreg $0xC0  }
0xab: {  	_ =	task [dreg:s6], $0x5FFFF  }
0xac: {  	[dreg:$0x1] =	wrdreg $0xFFFFFFFF  }
0xad: {  	[dreg:$0x0] =	wrdreg $0x60  }
0xae: {  	[dreg:$0x2] =	wrdreg s24  }
0xaf: {  	[dreg:$0x3] =	wrdreg $0x28800  }
0xb0: {  	[dreg:$0x4] =	wrdreg $0x9  }
0xb1: {  	_ =	task.clear_ibuf [dreg:s6], $0x5FFFF;
	_ =	strace $0x90000046  }
0xb2: {  	s29 =	simm.s32 $0x9;
	_ =	strace $0x80000048  }
0xb3: {  	_ =	swait.ge [sflag:s29], $0x1  }
0xb4: {  	[sflag:s29] =	ssyncadd.s32 $0xFFFFFFFF  }
0xb5: {  	_ =	strace $0x90000048  }
0xb6: {  	_ =	sfence  }
0xb7: {  	s30 =	sld [smem:$0x0];
	_ =	sdelay $0x2  }
0xb8: {  	s31 =	sshll.u32 s1, $0xD;
	s1 =	sshrl.u32 s1, $0x2  }
0xb9: {  	s3 =	sand.u32 $0x4000, s31;
	s1 =	sadd.s32 s1, s30  }
0xba: {  	s0 =	sor.u32 s3, s0;
	s1 =	sshll.u32 s1, $0x11  }
0xbb: {  	s0 =	sor.u32 s1, s0  }
0xbc: {  	s0 =	sadd.s32 $0x8F2B, s0  }
0xbd: {  	[sflag:s0] =	ssyncadd.remote.s32 $0x1  }
0xbe: {  	_ =	sfence.sel $0xFFFF  }
0xbf: {  	[dreg:$0x0] =	wrdreg $0xFFFFFFFF;
	(pc) =	sbr.abs _section_cstart, $3  }
0xc0: {  	[dreg:$0x1] =	wrdreg $0xFFFFFFFF  }
0xc1: {  	_ =	task.clear_ibuf [dreg:s6], $0x2FFFF;
	_ =	strace $0x9FFFFFFF  }
0xc2: {  	(tm) =	ssettm $0x7FFFFFFF  }
0xc3: {  	_ =	shalt  }
tec
execute0_lowered:
.L_overlay_start_1:
0x0: {  	(tag) =	ssettag $0x1  }
0x1: {  	s0 =	srdreg.scid;
	s1 =	rddreg [dreg:$0x0]  }
0x2: {  	s8 =	stileid.u32;
	s2 =	rddreg [dreg:$0x1]  }
0x3: {  	s28 =	simm.s32 $0x700;
	s29 =	simm.s32 $0x780;
	s30 =	simm.s32 $0x1  }
0x4: {  	s31 =	simm.s32 $0x0;
	s0 =	sand.u32 $0x1, s0;
	s5 =	smul.u32 $0xA00, s8  }
0x5: {  	s13 =	smul.u32 $0x280, s8;
	s15 =	sadd.s32 $0x16800, s1;
	s3 =	sshll.u32 s0, $0x4  }
0x6: {  	s6 =	ssub.s32 $0x2, s0;
	s0 =	smul.u32 $0x2800, s0;
	s4 =	sor.u32 s8, s3  }
0x7: {  	s3 =	simm.s32 $0x0;
	s7 =	sshrl.u32 s6, $0x1;
	s5 =	sshrl.u32 s5, $0x2  }
0x8: {  	s24 =	sadd.s32 $0x80, s13;
	s19 =	sadd.s32 s13, s2;
	s14 =	sadd.s32 $0x100, s13  }
0x9: {  	s17 =	sadd.s32 $0x180, s13;
	s20 =	sadd.s32 $0x200, s13;
	s4 =	smul.u32 $0x2800, s4  }
0xa: {  	[smem:$0x7FF] =	sst s3;
	s7 =	ssub.s32 s6, s7;
	s22 =	sadd.s32 s0, s13  }
0xb: {  	s12 =	sadd.s32 s0, s24;
	s16 =	sadd.s32 s0, s14;
	s18 =	sadd.s32 s0, s17  }
0xc: {  	s0 =	sadd.s32 s0, s20;
	s26 =	sadd.s32 s20, s2;
	s21 =	sshrl.u32 s19, $0x3  }
0xd: {  	s19 =	simm.s32 $0x580;
	s20 =	simm.s32 $0x600;
	_ =	strace $0x80000047  }
0xe: {  	s23 =	sshrl.u32 s22, $0x3;
	s7 =	smax.u32 s7, $0x1;
	s12 =	sshrl.u32 s12, $0x3  }
0xf: {  	s16 =	sshrl.u32 s16, $0x3;
	s25 =	sshrl.u32 s18, $0x3;
	s0 =	sshrl.u32 s0, $0x3  }
0x10: {  	s18 =	simm.s32 $0x80;
	s4 =	sshrl.u32 s4, $0x3;
	s6 =	sadd.s32 s15, s23  }
0x11: {  	s12 =	sadd.s32 s15, s12;
	s13 =	sadd.s32 s15, s16;
	s23 =	sadd.s32 s14, s2  }
0x12: {  	s14 =	sadd.s32 s15, s25;
	s15 =	sadd.s32 s15, s0;
	s16 =	simm.s32 $0x2800  }
0x13: {  	s25 =	sshrl.u32 s26, $0x3;
	s26 =	simm.s32 $0x680;
	s1 =	sadd.s32 s1, s4  }
0x14: {  	s4 =	sadd.s32 s5, s2;
	s23 =	sshrl.u32 s23, $0x3;
	s5 =	sadd.s32 $0xC800, s1  }
0x15: {  	s8 =	sadd.s32 $0x80, s4;
	s9 =	sadd.s32 $0x100, s4;
	s10 =	sadd.s32 $0x180, s4  }
0x16: {  	s11 =	sadd.s32 $0x200, s4;
	s1 =	sadd.s32 s24, s2;
	s24 =	sadd.s32 s17, s2  }
0x17: {  	v0 =	vimm.f32 $0.0e+00;
	v1 =	vimm.f32 $1.000000000e+00;
	s17 =	simm.s32 $0x2;
	s22 =	sshrl.u32 s1, $0x3;
	s24 =	sshrl.u32 s24, $0x3  }
.LBB2_1:
0x18: {  	[tilespmem:$0x2800] =	vst v0  }
0x19: {  	[tilespmem:$0x2810] =	vst v0  }
0x1a: {  	[tilespmem:$0x2820] =	vst v0  }
0x1b: {  	[tilespmem:$0x2830] =	vst v0  }
0x1c: {  	[tilespmem:$0x2840] =	vst v0  }
0x1d: {  	[tilespmem:$0x2850] =	vst v0  }
0x1e: {  	[tilespmem:$0x2860] =	vst v0  }
0x1f: {  	[tilespmem:$0x2870] =	vst v0  }
0x20: {  	[spmem:s4] =	stream.linear.scatter [tilespmem:s16], [sflag:$0x2], $0x80, $0x38;
	[tilespmem:$0x2B00] =	vst v63  }
0x21: {  	_ =	swait.ge [sflag:s17], $0x80  }
0x22: {  	[sflag:s17] =	ssyncset.done $0x0  }
0x23: {  	[sflag:s17] =	ssyncadd.s32 $0xFFFFFF80  }
0x24: {  	[spmem:s8] =	stream.linear.scatter [tilespmem:s16], [sflag:$0x2], $0x80, $0x38;
	[tilespmem:$0x2B00] =	vst v63  }
0x25: {  	_ =	swait.ge [sflag:s17], $0x80  }
0x26: {  	[sflag:s17] =	ssyncset.done $0x0  }
0x27: {  	[sflag:s17] =	ssyncadd.s32 $0xFFFFFF80  }
0x28: {  	[spmem:s9] =	stream.linear.scatter [tilespmem:s16], [sflag:$0x2], $0x80, $0x38;
	[tilespmem:$0x2B00] =	vst v63  }
0x29: {  	_ =	swait.ge [sflag:s17], $0x80  }
0x2a: {  	[sflag:s17] =	ssyncset.done $0x0  }
0x2b: {  	[sflag:s17] =	ssyncadd.s32 $0xFFFFFF80  }
0x2c: {  	[spmem:s10] =	stream.linear.scatter [tilespmem:s16], [sflag:$0x2], $0x80, $0x38;
	[tilespmem:$0x2B00] =	vst v63  }
0x2d: {  	_ =	swait.ge [sflag:s17], $0x80  }
0x2e: {  	[sflag:s17] =	ssyncset.done $0x0  }
0x2f: {  	[sflag:s17] =	ssyncadd.s32 $0xFFFFFF80  }
0x30: {  	[spmem:s11] =	stream.linear.scatter [tilespmem:s16], [sflag:$0x2], $0x80, $0x38;
	[tilespmem:$0x2B00] =	vst v63  }
0x31: {  	_ =	swait.ge [sflag:s17], $0x80  }
0x32: {  	[sflag:s17] =	ssyncset.done $0x0  }
0x33: {  	[sflag:s17] =	ssyncadd.s32 $0xFFFFFF80  }
0x34: {  	[tilespmem:s3], [sflag:$0x2] =	stream.linear.gather [hbm4b:s5+s3], $0x2800, $0x38;
	[tilespmem:$0x2B00] =	vst v63  }
0x35: {  	_ =	swait.ge [sflag:s17], $0x2800  }
0x36: {  	[sflag:s17] =	ssyncset.done $0x0  }
0x37: {  	[sflag:s17] =	ssyncadd.s32 $0xFFFFD800  }
0x38: {  	[tilespmem:$0x2800] =	vst v1  }
0x39: {  	[tilespmem:$0x2810] =	vst v1  }
0x3a: {  	[tilespmem:$0x2820] =	vst v1  }
0x3b: {  	[tilespmem:$0x2830] =	vst v1  }
0x3c: {  	[tilespmem:$0x2840] =	vst v1  }
0x3d: {  	[tilespmem:$0x2850] =	vst v1  }
0x3e: {  	[tilespmem:$0x2860] =	vst v1  }
0x3f: {  	[tilespmem:$0x2870] =	vst v1  }
0x40: {  	[bflag:$0x0] =	sbarrier.arrive $0xFFFF  }
0x41: {  	[spmem:s2] =	stream.indirect.scatter.add.f32 [tilespmem:s16], [sflag:$0x1], $0x1, s3, s18, $0xb8;
	[tilespmem:$0x2B00] =	vst v63  }
0x42: {  	_ = 	snop  }
0x43: {  	[spmem:s2] =	stream.indirect.scatter.add.f32 [tilespmem:s16], [sflag:$0x1], $0x1, s18, s18, $0xb8;
	[tilespmem:$0x2B00] =	vst v63  }
0x44: {  	s0 =	simm.s32 $0x100  }
0x45: {  	[spmem:s2] =	stream.indirect.scatter.add.f32 [tilespmem:s16], [sflag:$0x1], $0x1, s0, s18, $0xb8;
	[tilespmem:$0x2B00] =	vst v63  }
0x46: {  	s1 =	simm.s32 $0x180  }
0x47: {  	[spmem:s2] =	stream.indirect.scatter.add.f32 [tilespmem:s16], [sflag:$0x1], $0x1, s1, s18, $0xb8;
	[tilespmem:$0x2B00] =	vst v63  }
0x48: {  	s1 =	simm.s32 $0x200  }
0x49: {  	[spmem:s2] =	stream.indirect.scatter.add.f32 [tilespmem:s16], [sflag:$0x1], $0x1, s1, s18, $0xb8;
	[tilespmem:$0x2B00] =	vst v63  }
0x4a: {  	s1 =	simm.s32 $0x280  }
0x4b: {  	[spmem:s2] =	stream.indirect.scatter.add.f32 [tilespmem:s16], [sflag:$0x1], $0x1, s1, s18, $0xb8;
	[tilespmem:$0x2B00] =	vst v63  }
0x4c: {  	s1 =	simm.s32 $0x300  }
0x4d: {  	[spmem:s2] =	stream.indirect.scatter.add.f32 [tilespmem:s16], [sflag:$0x1], $0x1, s1, s18, $0xb8;
	[tilespmem:$0x2B00] =	vst v63  }
0x4e: {  	s1 =	simm.s32 $0x380  }
0x4f: {  	[spmem:s2] =	stream.indirect.scatter.add.f32 [tilespmem:s16], [sflag:$0x1], $0x1, s1, s18, $0xb8;
	[tilespmem:$0x2B00] =	vst v63  }
0x50: {  	s1 =	simm.s32 $0x400  }
0x51: {  	[spmem:s2] =	stream.indirect.scatter.add.f32 [tilespmem:s16], [sflag:$0x1], $0x1, s1, s18, $0xb8;
	[tilespmem:$0x2B00] =	vst v63  }
0x52: {  	s1 =	simm.s32 $0x480  }
0x53: {  	[spmem:s2] =	stream.indirect.scatter.add.f32 [tilespmem:s16], [sflag:$0x1], $0x1, s1, s18, $0xb8;
	[tilespmem:$0x2B00] =	vst v63  }
0x54: {  	s1 =	simm.s32 $0x500  }
0x55: {  	[spmem:s2] =	stream.indirect.scatter.add.f32 [tilespmem:s16], [sflag:$0x1], $0x1, s1, s18, $0xb8;
	[tilespmem:$0x2B00] =	vst v63  }
0x56: {  	_ = 	snop  }
0x57: {  	[spmem:s2] =	stream.indirect.scatter.add.f32 [tilespmem:s16], [sflag:$0x1], $0x1, s19, s18, $0xb8;
	[tilespmem:$0x2B00] =	vst v63  }
0x58: {  	_ = 	snop  }
0x59: {  	[spmem:s2] =	stream.indirect.scatter.add.f32 [tilespmem:s16], [sflag:$0x1], $0x1, s20, s18, $0xb8;
	[tilespmem:$0x2B00] =	vst v63  }
0x5a: {  	_ = 	snop  }
0x5b: {  	[spmem:s2] =	stream.indirect.scatter.add.f32 [tilespmem:s16], [sflag:$0x1], $0x1, s26, s18, $0xb8;
	[tilespmem:$0x2B00] =	vst v63  }
0x5c: {  	_ = 	snop  }
0x5d: {  	[spmem:s2] =	stream.indirect.scatter.add.f32 [tilespmem:s16], [sflag:$0x1], $0x1, s28, s18, $0xb8;
	[tilespmem:$0x2B00] =	vst v63  }
0x5e: {  	_ = 	snop  }
0x5f: {  	[spmem:s2] =	stream.indirect.scatter.add.f32 [tilespmem:s16], [sflag:$0x1], $0x1, s29, s18, $0xb8;
	[tilespmem:$0x2B00] =	vst v63  }
0x60: {  	s1 =	simm.s32 $0x800  }
0x61: {  	[spmem:s2] =	stream.indirect.scatter.add.f32 [tilespmem:s16], [sflag:$0x1], $0x1, s1, s18, $0xb8;
	[tilespmem:$0x2B00] =	vst v63  }
0x62: {  	s1 =	simm.s32 $0x200;
	_ =	swait.ge [sflag:s30], $0x80  }
.LBB2_2:
0x63: {  	s0 =	sshra.s32 s1, $0x2;
	[sflag:s30] =	ssyncset.done $0x0;
	p0 =	sne.s32 s1, $0x7E00  }
.Ltmp0:
0x64: {  	s0 =	sadd.s32 $0x800, s0;
	[sflag:s30] =	ssyncadd.s32 $0xFFFFFF80;
	(pc) =	sbr.rel @p0 .LBB2_2-.Ltmp0, $3  }
0x65: {  	[spmem:s2] =	stream.indirect.scatter.add.f32 [tilespmem:s16], [sflag:$0x1], $0x1, s0, s18, $0xb8;
	[tilespmem:$0x2B00] =	vst v63  }
0x66: {  	s1 =	sadd.s32 $0x200, s1;
	_ =	sdelay $0x1  }
0x67: {  	_ =	swait.ge [sflag:s30], $0x80  }
0x68: {  	[sflag:s30] =	ssyncset.done $0x0  }
0x69: {  	[sflag:s30] =	ssyncadd.s32 $0xFFFFFF80  }
0x6a: {  	_ =	swait.ge [sflag:s30], $0x80  }
0x6b: {  	[sflag:s30] =	ssyncset.done $0x0  }
0x6c: {  	[sflag:s30] =	ssyncadd.s32 $0xFFFFFF80  }
0x6d: {  	_ =	swait.ge [sflag:s30], $0x80  }
0x6e: {  	[sflag:s30] =	ssyncset.done $0x0  }
0x6f: {  	[sflag:s30] =	ssyncadd.s32 $0xFFFFFF80  }
0x70: {  	_ =	swait.ge [sflag:s30], $0x80  }
0x71: {  	[sflag:s30] =	ssyncset.done $0x0  }
0x72: {  	[sflag:s30] =	ssyncadd.s32 $0xFFFFFF80  }
0x73: {  	_ =	swait.ge [sflag:s30], $0x80  }
0x74: {  	[sflag:s30] =	ssyncset.done $0x0  }
0x75: {  	[sflag:s30] =	ssyncadd.s32 $0xFFFFFF80  }
0x76: {  	_ =	swait.ge [sflag:s30], $0x80  }
0x77: {  	[sflag:s30] =	ssyncset.done $0x0  }
0x78: {  	[sflag:s30] =	ssyncadd.s32 $0xFFFFFF80  }
0x79: {  	_ =	swait.ge [sflag:s30], $0x80  }
0x7a: {  	[sflag:s30] =	ssyncset.done $0x0  }
0x7b: {  	[sflag:s30] =	ssyncadd.s32 $0xFFFFFF80  }
0x7c: {  	_ =	swait.ge [sflag:s30], $0x80  }
0x7d: {  	[sflag:s30] =	ssyncset.done $0x0  }
0x7e: {  	[sflag:s30] =	ssyncadd.s32 $0xFFFFFF80  }
0x7f: {  	_ =	swait.ge [sflag:s30], $0x80  }
0x80: {  	[sflag:s30] =	ssyncset.done $0x0  }
0x81: {  	[sflag:s30] =	ssyncadd.s32 $0xFFFFFF80  }
0x82: {  	_ =	swait.ge [sflag:s30], $0x80  }
0x83: {  	[sflag:s30] =	ssyncset.done $0x0  }
0x84: {  	[sflag:s30] =	ssyncadd.s32 $0xFFFFFF80  }
0x85: {  	_ =	swait.ge [sflag:s30], $0x80  }
0x86: {  	[sflag:s30] =	ssyncset.done $0x0  }
0x87: {  	[sflag:s30] =	ssyncadd.s32 $0xFFFFFF80  }
0x88: {  	_ =	swait.ge [sflag:s30], $0x80  }
0x89: {  	[sflag:s30] =	ssyncset.done $0x0  }
0x8a: {  	[sflag:s30] =	ssyncadd.s32 $0xFFFFFF80  }
0x8b: {  	_ =	swait.ge [sflag:s30], $0x80  }
0x8c: {  	[sflag:s30] =	ssyncset.done $0x0  }
0x8d: {  	[sflag:s30] =	ssyncadd.s32 $0xFFFFFF80  }
0x8e: {  	_ =	swait.ge [sflag:s30], $0x80  }
0x8f: {  	[sflag:s30] =	ssyncset.done $0x0  }
0x90: {  	[sflag:s30] =	ssyncadd.s32 $0xFFFFFF80  }
0x91: {  	_ =	swait.ge [sflag:s30], $0x80  }
0x92: {  	[sflag:s30] =	ssyncset.done $0x0  }
0x93: {  	[sflag:s30] =	ssyncadd.s32 $0xFFFFFF80  }
0x94: {  	_ =	swait.ge [sflag:s30], $0x80  }
0x95: {  	[sflag:s30] =	ssyncset.done $0x0  }
0x96: {  	[sflag:s30] =	ssyncadd.s32 $0xFFFFFF80  }
0x97: {  	_ =	swait.ge [sflag:s30], $0x80  }
0x98: {  	s0 =	stileid.u32;
	[sflag:s30] =	ssyncset.done $0x0  }
0x99: {  	s0 =	sshll.u32 s0, $0x6;
	[sflag:s30] =	ssyncadd.s32 $0xFFFFFF80  }
0x9a: {  	s0 =	sor.u32 $0x1C02, s0;
	[bflag:$0x0] =	sbarrier.arrive $0xFFFF  }
0x9b: {  	[hbm:s6], [sflag:s0] =	dma.local [spmem:s21], $0x10  }
0x9c: {  	_ =	swait.ge [sflag:s17], $0x10  }
0x9d: {  	[sflag:s17] =	ssyncset.done $0x0  }
0x9e: {  	[sflag:s17] =	ssyncadd.s32 $0xFFFFFFF0  }
0x9f: {  	[hbm:s12], [sflag:s0] =	dma.local [spmem:s22], $0x10  }
0xa0: {  	_ =	swait.ge [sflag:s17], $0x10  }
0xa1: {  	[sflag:s17] =	ssyncset.done $0x0  }
0xa2: {  	[sflag:s17] =	ssyncadd.s32 $0xFFFFFFF0  }
0xa3: {  	[hbm:s13], [sflag:s0] =	dma.local [spmem:s23], $0x10  }
0xa4: {  	_ =	swait.ge [sflag:s17], $0x10  }
0xa5: {  	[sflag:s17] =	ssyncset.done $0x0  }
0xa6: {  	[sflag:s17] =	ssyncadd.s32 $0xFFFFFFF0  }
0xa7: {  	[hbm:s14], [sflag:s0] =	dma.local [spmem:s24], $0x10  }
0xa8: {  	s31 =	sadd.s32 $0x1, s31;
	_ =	swait.ge [sflag:s17], $0x10  }
0xa9: {  	p0 =	sne.s32 s31, s7;
	[sflag:s17] =	ssyncset.done $0x0  }
.Ltmp1:
0xaa: {  	[sflag:s17] =	ssyncadd.s32 $0xFFFFFFF0;
	(pc) =	sbr.rel @p0 .LBB2_1-.Ltmp1, $4  }
0xab: {  	[hbm:s15], [sflag:s0] =	dma.local [spmem:s25], $0x10  }
0xac: {  	_ =	swait.ge [sflag:s17], $0x10  }
0xad: {  	[sflag:s17] =	ssyncset.done $0x0  }
0xae: {  	[sflag:s17] =	ssyncadd.s32 $0xFFFFFFF0  }
0xaf: {  	_ =	sfence.sel $0x180000  }
0xb0: {  	[bflag:$0x0] =	sbarrier.arrive $0xFFFF  }
0xb1: {  	_ =	strace $0x90000047  }
0xb2: {  	s0 =	stileid.u32;
	[bflag:$0x2] =	sbarrier.arrive $0xFFFF  }
0xb3: {  	p0 =	sne.s32 s0, $0x0;
	s0 =	rddreg [dreg:$0x2]  }
0xb4: {  	s0 =	sadd.s32 @!p0 $0x100000, s0  }
0xb5: {  	[sflag:s0] =	ssyncadd.tile.s32 @!p0 $0x1;
	_ =	shalt  }
.Lfunc_end2:
_tile_overlayer_lowered:
.L_overlay_start_2:
0xb6: {  	(tag) =	ssettag $0x2  }
0xb7: {  	s0 =	rddreg [dreg:$0x0];
	s2 =	stileid.u32  }
0xb8: {  	s1 =	rddreg [dreg:$0x1];
	p0 =	sne.s32 s2, $0x0  }
0xb9: {  	s3 =	rddreg [dreg:$0x2];
	[bflag:$0x3] =	sbarrier.arrive $0xFFFF;
	s2 =	simm.s32 @!p0 $0x1C02  }
0xba: {  	[timem:s3], [sflag:s2] =	dma.local @!p0 [hbm:s0], s1  }
0xbb: {  	s0 =	simm.s32 @!p0 $0x2  }
0xbc: {  	_ =	swait.ge @!p0 [sflag:s0], s1  }
0xbd: {  	s1 =	ssub.s32 @!p0 $0x0, s1;
	[sflag:s0] =	ssyncset.done @!p0 $0x0  }
0xbe: {  	[sflag:s0] =	ssyncadd.s32 @!p0 s1  }
0xbf: {  	[bflag:$0x3] =	sbarrier.arrive $0xFFFF  }
0xc0: {  	_ =	shalt  }

</sc_bundles>
